<compile_context>
chip_gen: v7x
topology: tpu7x:2x2x1
jax: 0.10.2.dev20260603
libtpu: 0.0.44.dev20260713+nightly
codegen_flags: <defaults>
</compile_context>

<pallas_src>
import functools

import jax
import jax.numpy as jnp
from jax import lax
from jax.experimental import pallas as pl
from jax.experimental.pallas import tpu as pltpu
from jax.experimental.pallas import tpu_sc as plsc




def _make_deg_kernel(n, e, nc, ns):
    nw = nc * ns
    per_w = e // nw
    n_vecs = per_w // 16
    n_zero = n // 16

    mesh = plsc.VectorSubcoreMesh(core_axis_name="c", subcore_axis_name="s")

    @functools.partial(
        pl.kernel,
        mesh=mesh,
        out_type=jax.ShapeDtypeStruct((nw, n), jnp.float32),
        scratch_types=[
            pltpu.VMEM((per_w,), jnp.int32),
            pltpu.VMEM((n,), jnp.float32),
        ],
        compiler_params=pltpu.CompilerParams(needs_layout_passes=False),
    )
    def deg_kernel(dst_hbm, out_hbm, dst_v, hist_v):
        c = lax.axis_index("c")
        s = lax.axis_index("s")
        wid = s * nc + c
        pltpu.sync_copy(dst_hbm.at[wid], dst_v)

        def zero_body(i, carry):
            hist_v[pl.ds(i * 16, 16)] = jnp.zeros((16,), jnp.float32)
            return carry

        lax.fori_loop(0, n_zero, zero_body, 0)

        ones = jnp.ones((16,), jnp.float32)

        def acc_body(i, carry):
            idx = dst_v[pl.ds(i * 16, 16)]
            plsc.addupdate_scatter(hist_v, [idx], ones)
            return carry

        lax.fori_loop(0, n_vecs, acc_body, 0)

        pltpu.sync_copy(hist_v, out_hbm.at[wid])

    return deg_kernel




def _make_agg_kernel(n, n_pad, e_pad, d, nc, ns, chunk, overlap):
    nw = nc * ns
    per_w = e_pad // nw
    k = per_w // chunk
    rows_per_tile = n // ns

    mesh = plsc.VectorSubcoreMesh(core_axis_name="c", subcore_axis_name="s")

    @functools.partial(
        pl.kernel,
        mesh=mesh,
        out_type=jax.ShapeDtypeStruct((nc, n, d), jnp.float32),
        scratch_types=[
            pltpu.VMEM((k // 2, chunk), jnp.int32),
            pltpu.VMEM((k // 2, chunk), jnp.int32),
            [pltpu.VMEM((chunk, d), jnp.float32)
             for _ in range(2 if overlap else 1)],
            pltpu.SemaphoreType.DMA,
            pltpu.SemaphoreType.DMA,
            pltpu.VMEM_SHARED((n_pad, d), jnp.float32),
        ],
        compiler_params=pltpu.CompilerParams(
            needs_layout_passes=False, use_tc_tiling_on_sc=False),
    )
    def agg_kernel(g_hbm, src_hbm, dst_hbm, zeros_hbm, out_hbm,
                   src_v, dst_v, bufs, gsem, ssem, acc_sh):
        c = lax.axis_index("c")
        s = lax.axis_index("s")
        wid = s * nc + c
        r0 = s * rows_per_tile

        @pl.when(c == 0)
        def _():
            pltpu.sync_copy(g_hbm.at[pl.ds(r0, rows_per_tile)],
                            acc_sh.at[pl.ds(r0, rows_per_tile)])

        @pl.when(c != 0)
        def _():
            pltpu.sync_copy(zeros_hbm, acc_sh.at[pl.ds(r0, rows_per_tile)])

        plsc.subcore_barrier()

        def gather(c, buf):
            pltpu.async_copy(g_hbm.at[src_v.at[c]], buf, gsem).wait()

        def scatter_start(c, buf):
            return pltpu.async_copy(
                buf, acc_sh.at[dst_v.at[c]], ssem, add=True)

        assert k % 4 == 0
        k2 = k // 2
        for h in range(2):
            pltpu.sync_copy(src_hbm.at[wid, pl.ds(h * k2, k2)], src_v)
            pltpu.sync_copy(dst_hbm.at[wid, pl.ds(h * k2, k2)], dst_v)

            if overlap:
                blk = next(bb for bb in (20, 16, 8, 4, 2)
                           if k2 % bb == 0)
                assert k2 % blk == 0

                def body(p, carry):
                    c0 = p * blk
                    hnd = None
                    for j in range(blk):
                        buf = bufs[j % 2]
                        gather(c0 + j, buf)
                        if hnd is not None:
                            hnd.wait()
                        hnd = scatter_start(c0 + j, buf)
                    hnd.wait()
                    return carry

                lax.fori_loop(0, k2 // blk, body, 0)
            else:

                def body(c, carry):
                    gather(c, bufs[0])
                    scatter_start(c, bufs[0]).wait()
                    return carry

                lax.fori_loop(0, k2, body, 0)

        plsc.subcore_barrier()

        pltpu.sync_copy(acc_sh.at[pl.ds(r0, rows_per_tile)],
                        out_hbm.at[c, pl.ds(r0, rows_per_tile)])

    return agg_kernel




def _tc_pre(deg_parts_t, x, w1, n_pad):
    n, d_in = x.shape
    d_hid = w1.shape[1]

    def body(deg_ref, x_ref, w_ref, g_ref, dinv_ref):
        deg = 1.0 + jnp.sum(deg_ref[...], axis=1, keepdims=True)
        dinv = lax.rsqrt(deg)
        h = jnp.dot(x_ref[...], w_ref[...], preferred_element_type=jnp.float32)
        g_ref[0:n, :] = h * dinv
        g_ref[n:n_pad, :] = jnp.zeros((n_pad - n, d_hid), jnp.float32)
        dinv_ref[...] = dinv

    return pl.pallas_call(
        body,
        out_shape=(
            jax.ShapeDtypeStruct((n_pad, d_hid), jnp.float32),
            jax.ShapeDtypeStruct((n, 1), jnp.float32),
        ),
    )(deg_parts_t, x, w1)


def _tc_mid(p, dinv, b1, w2, n_pad):
    _, n, d_hid = p.shape
    d_in = w2.shape[1]

    def body(p_ref, dinv_ref, b_ref, w_ref, g2_ref):
        dinv = dinv_ref[...]
        z = jnp.maximum((p_ref[0] + p_ref[1]) * dinv + b_ref[...], 0.0)
        h = jnp.dot(z, w_ref[...], preferred_element_type=jnp.float32)
        g2_ref[0:n, :] = h * dinv
        g2_ref[n:n_pad, :] = jnp.zeros((n_pad - n, d_in), jnp.float32)

    return pl.pallas_call(
        body,
        out_shape=jax.ShapeDtypeStruct((n_pad, d_in), jnp.float32),
    )(p, dinv, b1, w2)


def _tc_post(p, dinv, b2):
    _, n, d = p.shape

    def body(p_ref, dinv_ref, b_ref, out_ref):
        out_ref[...] = jnp.maximum(
            (p_ref[0] + p_ref[1]) * dinv_ref[...] + b_ref[...], 0.0)

    return pl.pallas_call(
        body,
        out_shape=jax.ShapeDtypeStruct((n, d), jnp.float32),
    )(p, dinv, b2)




def kernel(x, edge_index, W1, b1, W2, b2):
    n, d_in = x.shape
    d_hid = W1.shape[1]
    e = edge_index.shape[1]

    info = plsc.get_sparse_core_info()
    nc, ns = info.num_cores, info.num_subcores
    nw = nc * ns
    per_w = e // nw
    assert per_w * nw == e

    chunk = 128
    per_w_pad = -(-per_w // (4 * chunk)) * (4 * chunk)
    e_pad = per_w_pad * nw
    n_pad = n + 128

    ei = edge_index.astype(jnp.int32)
    pad = n + (jnp.arange(e_pad - e, dtype=jnp.int32) % 128)
    src_r = jnp.concatenate([ei[0], pad]).reshape(nw, per_w_pad // chunk,
                                                  chunk)
    dst_r = jnp.concatenate([ei[1], pad]).reshape(nw, per_w_pad // chunk,
                                                  chunk)
    dst_flat = ei[1].reshape(nw, per_w)

    deg_parts = _make_deg_kernel(n, e, nc, ns)(dst_flat)
    g1, dinv = _tc_pre(deg_parts.T, x, W1, n_pad)

    zeros1 = jnp.zeros((n // ns, d_hid), jnp.float32)
    p1 = _make_agg_kernel(n, n_pad, e_pad, d_hid, nc, ns, chunk, True)(
        g1, src_r, dst_r, zeros1)

    g2 = _tc_mid(p1, dinv, b1.reshape(1, d_hid), W2, n_pad)

    zeros2 = jnp.zeros((n // ns, d_in), jnp.float32)
    p2 = _make_agg_kernel(n, n_pad, e_pad, d_in, nc, ns, chunk, True)(
        g2, src_r, dst_r, zeros2)

    return _tc_post(p2, dinv, b2.reshape(1, d_in))

# --- scband reference (transcript-rebuilt; emitter-appended) ---
"""Pipeline reference for scband-gcnmodel-19997367730292 (READ-ONLY COPY).

The authoritative reference and input builder live on the scoring server;
editing this copy changes nothing except your own understanding.
"""

import jax, jax.numpy as jnp
import numpy as np

N = 10000
E = 320000
D_IN = 128
D_HID = 64


def setup_inputs(seed: int = 0) -> dict:
    key = jax.random.key(seed)
    k1, k2, k3, k4, k5, k6 = jax.random.split(key, 6)
    x = jax.random.normal(k1, (N, D_IN), dtype=jnp.float32)
    edge_index = jax.random.randint(k2, (2, E), 0, N, dtype=jnp.int64)
    W1 = jax.random.normal(k3, (D_IN, D_HID), dtype=jnp.float32) / np.sqrt(D_IN)
    b1 = jnp.zeros((D_HID,), dtype=jnp.float32)
    W2 = jax.random.normal(k4, (D_HID, D_IN), dtype=jnp.float32) / np.sqrt(D_HID)
    b2 = jnp.zeros((D_IN,), dtype=jnp.float32)
    return {"x": x, "edge_index": edge_index, "W1": W1, "b1": b1, "W2": W2, "b2": b2}


def _gcn_conv(x, edge_index, W, b):
    # torch_geometric-style GCNConv: x' = D^{-1/2} (A + I) D^{-1/2} (X W) + b
    n = x.shape[0]
    src = edge_index[0]
    dst = edge_index[1]
    loop = jnp.arange(n, dtype=src.dtype)
    src = jnp.concatenate([src, loop])
    dst = jnp.concatenate([dst, loop])
    ew = jnp.ones(src.shape[0], dtype=x.dtype)
    deg = jnp.zeros((n,), dtype=x.dtype).at[dst].add(ew)
    dinv = jnp.where(deg > 0, jax.lax.rsqrt(deg), 0.0)
    norm = dinv[src] * ew * dinv[dst]
    h = x @ W
    msg = jnp.take(h, src, axis=0) * norm[:, None]
    out = jnp.zeros((n, h.shape[1]), dtype=x.dtype).at[dst].add(msg)
    return out + b


def reference(x, edge_index, W1, b1, W2, b2):
    # Block 1: GCNConv(128 -> 64) + ReLU (dropout is identity at eval).
    # Note: the original GCNBlock residual x + z is shape-inconsistent
    # (in_channels != out_channels in both blocks), so it is omitted.
    z1 = jax.nn.relu(_gcn_conv(x, edge_index, W1, b1))
    # Block 2: GCNConv(64 -> 128) + ReLU
    z2 = jax.nn.relu(_gcn_conv(z1, edge_index, W2, b2))
    return z2

if __name__ == "__main__":
    import jax
    _d = setup_inputs()
    print(jax.jit(kernel)(*tuple(_d.values())))

</pallas_src>

<mosaic_0001>
#map = affine_map<(d0, d1) -> (0, 0)>
#map1 = affine_map<(d0, d1) -> (0, 0, 0)>
module attributes {stable_mosaic.version = 14 : i64} {
  func.func @agg_kernel(%arg0: i32, %arg1: i32, %arg2: memref<10128x64xf32, #tpu.memory_space<hbm>>, %arg3: memref<32x80x128xi32, #tpu.memory_space<hbm>>, %arg4: memref<32x80x128xi32, #tpu.memory_space<hbm>>, %arg5: memref<625x64xf32, #tpu.memory_space<hbm>>, %arg6: memref<2x10000x64xf32, #tpu.memory_space<hbm>>, %arg7: memref<40x128xi32, #tpu.memory_space<vmem>>, %arg8: memref<40x128xi32, #tpu.memory_space<vmem>>, %arg9: memref<128x64xf32, #tpu.memory_space<vmem>>, %arg10: memref<128x64xf32, #tpu.memory_space<vmem>>, %arg11: memref<!tpu.dma_semaphore, #tpu.memory_space<semaphore_mem>>, %arg12: memref<!tpu.dma_semaphore, #tpu.memory_space<semaphore_mem>>, %arg13: memref<10128x64xf32, #tpu.memory_space<vmem_shared>>) attributes {dimension_semantics = [#tpu.dimension_semantics<core_parallel>, #tpu.dimension_semantics<subcore_parallel>], iteration_bounds = array<i64: 2, 16>, scalar_prefetch = 0 : i64, scratch_operands = 7 : i64, tpu.core_type = #tpu.core_type<sc_vector_subcore>, window_params = [{transform_indices = #map}, {transform_indices = #map1}, {transform_indices = #map1}, {transform_indices = #map}, {transform_indices = #map1}]} {
    %mul3A = arith.constant 2 : i32
    %mul3A_0 = arith.muli %arg1, %mul3A : i32
    %add3A = arith.addi %mul3A_0, %arg0 : i32
    %mul3A_1 = arith.constant 625 : i32
    %mul3A_2 = arith.muli %arg1, %mul3A_1 : i32
    %eq3A = arith.constant 0 : i32
    %eq3A_3 = arith.cmpi eq, %arg0, %eq3A : i32
    %convert_element_type3A = arith.extui %eq3A_3 : i1 to i32
    %cond3A = arith.constant 0 : i32
    %cond3A_4 = arith.cmpi ne, %convert_element_type3A, %cond3A : i32
    scf.if %cond3A_4 {
      "tpu.region"() ({
        %run_scoped3A = tpu.sem_alloc : memref<!tpu.dma_semaphore, #tpu.memory_space<semaphore_mem>>
        %dma_start3A = arith.constant 0 : i32
        %dma_start3A_21 = tpu.memref_slice %arg13[%mul3A_2, %dma_start3A] : memref<10128x64xf32, #tpu.memory_space<vmem_shared>> -> memref<625x64xf32, #tpu.memory_space<vmem_shared>>
        %dma_start3A_22 = arith.constant 0 : i32
        %dma_start3A_23 = tpu.memref_slice %arg2[%mul3A_2, %dma_start3A_22] : memref<10128x64xf32, #tpu.memory_space<hbm>> -> memref<625x64xf32, #tpu.memory_space<hbm>>
        tpu.enqueue_dma source(%dma_start3A_23 : memref<625x64xf32, #tpu.memory_space<hbm>>) target(%dma_start3A_21 : memref<625x64xf32, #tpu.memory_space<vmem_shared>>) target_semaphore(%run_scoped3A : memref<!tpu.dma_semaphore, #tpu.memory_space<semaphore_mem>>)
        %dma_wait3A = arith.constant 0 : i32
        %dma_wait3A_24 = tpu.memref_slice %arg13[%mul3A_2, %dma_wait3A] : memref<10128x64xf32, #tpu.memory_space<vmem_shared>> -> memref<625x64xf32, #tpu.memory_space<vmem_shared>>
        %dma_wait3A_25 = arith.constant 0 : i32
        %dma_wait3A_26 = tpu.memref_slice %arg2[%mul3A_2, %dma_wait3A_25] : memref<10128x64xf32, #tpu.memory_space<hbm>> -> memref<625x64xf32, #tpu.memory_space<hbm>>
        tpu.wait_dma2 semaphore(%run_scoped3A : memref<!tpu.dma_semaphore, #tpu.memory_space<semaphore_mem>>) src(%dma_wait3A_26 : memref<625x64xf32, #tpu.memory_space<hbm>>) dst(%dma_wait3A_24 : memref<625x64xf32, #tpu.memory_space<vmem_shared>>)
        tpu.yield
      }) : () -> ()
    } else {
    }
    %ne3A = arith.constant 0 : i32
    %ne3A_5 = arith.cmpi ne, %arg0, %ne3A : i32
    %convert_element_type3A_6 = arith.extui %ne3A_5 : i1 to i32
    %cond3A_7 = arith.constant 0 : i32
    %cond3A_8 = arith.cmpi ne, %convert_element_type3A_6, %cond3A_7 : i32
    scf.if %cond3A_8 {
      "tpu.region"() ({
        %run_scoped3A = tpu.sem_alloc : memref<!tpu.dma_semaphore, #tpu.memory_space<semaphore_mem>>
        %dma_start3A = arith.constant 0 : i32
        %dma_start3A_21 = tpu.memref_slice %arg13[%mul3A_2, %dma_start3A] : memref<10128x64xf32, #tpu.memory_space<vmem_shared>> -> memref<625x64xf32, #tpu.memory_space<vmem_shared>>
        tpu.enqueue_dma source(%arg5 : memref<625x64xf32, #tpu.memory_space<hbm>>) target(%dma_start3A_21 : memref<625x64xf32, #tpu.memory_space<vmem_shared>>) target_semaphore(%run_scoped3A : memref<!tpu.dma_semaphore, #tpu.memory_space<semaphore_mem>>)
        %dma_wait3A = arith.constant 0 : i32
        %dma_wait3A_22 = tpu.memref_slice %arg13[%mul3A_2, %dma_wait3A] : memref<10128x64xf32, #tpu.memory_space<vmem_shared>> -> memref<625x64xf32, #tpu.memory_space<vmem_shared>>
        tpu.wait_dma2 semaphore(%run_scoped3A : memref<!tpu.dma_semaphore, #tpu.memory_space<semaphore_mem>>) src(%arg5 : memref<625x64xf32, #tpu.memory_space<hbm>>) dst(%dma_wait3A_22 : memref<625x64xf32, #tpu.memory_space<vmem_shared>>)
        tpu.yield
      }) : () -> ()
    } else {
    }
    %barrier3A = arith.constant 0 : index
    tpu.barrier barrier_id(%barrier3A)
    "tpu.region"() ({
      %run_scoped3A = tpu.sem_alloc : memref<!tpu.dma_semaphore, #tpu.memory_space<semaphore_mem>>
      %dma_start3A = arith.constant 0 : i32
      %dma_start3A_21 = arith.constant 0 : i32
      %dma_start3A_22 = tpu.memref_slice %arg3[%add3A, %dma_start3A, %dma_start3A_21] : memref<32x80x128xi32, #tpu.memory_space<hbm>> -> memref<1x40x128xi32, #tpu.memory_space<hbm>>
      %dma_start3A_23 = tpu.memref_squeeze %dma_start3A_22 : memref<1x40x128xi32, #tpu.memory_space<hbm>> -> memref<40x128xi32, #tpu.memory_space<hbm>>
      %dma_start3A_24 = arith.constant 0 : i32
      %dma_start3A_25 = arith.constant 0 : i32
      %dma_start3A_26 = tpu.memref_slice %arg3[%add3A, %dma_start3A_24, %dma_start3A_25] : memref<32x80x128xi32, #tpu.memory_space<hbm>> -> memref<1x40x128xi32, #tpu.memory_space<hbm>>
      %dma_start3A_27 = tpu.memref_squeeze %dma_start3A_26 : memref<1x40x128xi32, #tpu.memory_space<hbm>> -> memref<40x128xi32, #tpu.memory_space<hbm>>
      tpu.enqueue_dma source(%dma_start3A_27 : memref<40x128xi32, #tpu.memory_space<hbm>>) target(%arg7 : memref<40x128xi32, #tpu.memory_space<vmem>>) target_semaphore(%run_scoped3A : memref<!tpu.dma_semaphore, #tpu.memory_space<semaphore_mem>>)
      %dma_wait3A = arith.constant 0 : i32
      %dma_wait3A_28 = arith.constant 0 : i32
      %dma_wait3A_29 = tpu.memref_slice %arg3[%add3A, %dma_wait3A, %dma_wait3A_28] : memref<32x80x128xi32, #tpu.memory_space<hbm>> -> memref<1x40x128xi32, #tpu.memory_space<hbm>>
      %dma_wait3A_30 = tpu.memref_squeeze %dma_wait3A_29 : memref<1x40x128xi32, #tpu.memory_space<hbm>> -> memref<40x128xi32, #tpu.memory_space<hbm>>
      %dma_wait3A_31 = arith.constant 0 : i32
      %dma_wait3A_32 = arith.constant 0 : i32
      %dma_wait3A_33 = tpu.memref_slice %arg3[%add3A, %dma_wait3A_31, %dma_wait3A_32] : memref<32x80x128xi32, #tpu.memory_space<hbm>> -> memref<1x40x128xi32, #tpu.memory_space<hbm>>
      %dma_wait3A_34 = tpu.memref_squeeze %dma_wait3A_33 : memref<1x40x128xi32, #tpu.memory_space<hbm>> -> memref<40x128xi32, #tpu.memory_space<hbm>>
      tpu.wait_dma2 semaphore(%run_scoped3A : memref<!tpu.dma_semaphore, #tpu.memory_space<semaphore_mem>>) src(%dma_wait3A_34 : memref<40x128xi32, #tpu.memory_space<hbm>>) dst(%arg7 : memref<40x128xi32, #tpu.memory_space<vmem>>)
      tpu.yield
    }) : () -> ()
    "tpu.region"() ({
      %run_scoped3A = tpu.sem_alloc : memref<!tpu.dma_semaphore, #tpu.memory_space<semaphore_mem>>
      %dma_start3A = arith.constant 0 : i32
      %dma_start3A_21 = arith.constant 0 : i32
      %dma_start3A_22 = tpu.memref_slice %arg4[%add3A, %dma_start3A, %dma_start3A_21] : memref<32x80x128xi32, #tpu.memory_space<hbm>> -> memref<1x40x128xi32, #tpu.memory_space<hbm>>
      %dma_start3A_23 = tpu.memref_squeeze %dma_start3A_22 : memref<1x40x128xi32, #tpu.memory_space<hbm>> -> memref<40x128xi32, #tpu.memory_space<hbm>>
      %dma_start3A_24 = arith.constant 0 : i32
      %dma_start3A_25 = arith.constant 0 : i32
      %dma_start3A_26 = tpu.memref_slice %arg4[%add3A, %dma_start3A_24, %dma_start3A_25] : memref<32x80x128xi32, #tpu.memory_space<hbm>> -> memref<1x40x128xi32, #tpu.memory_space<hbm>>
      %dma_start3A_27 = tpu.memref_squeeze %dma_start3A_26 : memref<1x40x128xi32, #tpu.memory_space<hbm>> -> memref<40x128xi32, #tpu.memory_space<hbm>>
      tpu.enqueue_dma source(%dma_start3A_27 : memref<40x128xi32, #tpu.memory_space<hbm>>) target(%arg8 : memref<40x128xi32, #tpu.memory_space<vmem>>) target_semaphore(%run_scoped3A : memref<!tpu.dma_semaphore, #tpu.memory_space<semaphore_mem>>)
      %dma_wait3A = arith.constant 0 : i32
      %dma_wait3A_28 = arith.constant 0 : i32
      %dma_wait3A_29 = tpu.memref_slice %arg4[%add3A, %dma_wait3A, %dma_wait3A_28] : memref<32x80x128xi32, #tpu.memory_space<hbm>> -> memref<1x40x128xi32, #tpu.memory_space<hbm>>
      %dma_wait3A_30 = tpu.memref_squeeze %dma_wait3A_29 : memref<1x40x128xi32, #tpu.memory_space<hbm>> -> memref<40x128xi32, #tpu.memory_space<hbm>>
      %dma_wait3A_31 = arith.constant 0 : i32
      %dma_wait3A_32 = arith.constant 0 : i32
      %dma_wait3A_33 = tpu.memref_slice %arg4[%add3A, %dma_wait3A_31, %dma_wait3A_32] : memref<32x80x128xi32, #tpu.memory_space<hbm>> -> memref<1x40x128xi32, #tpu.memory_space<hbm>>
      %dma_wait3A_34 = tpu.memref_squeeze %dma_wait3A_33 : memref<1x40x128xi32, #tpu.memory_space<hbm>> -> memref<40x128xi32, #tpu.memory_space<hbm>>
      tpu.wait_dma2 semaphore(%run_scoped3A : memref<!tpu.dma_semaphore, #tpu.memory_space<semaphore_mem>>) src(%dma_wait3A_34 : memref<40x128xi32, #tpu.memory_space<hbm>>) dst(%arg8 : memref<40x128xi32, #tpu.memory_space<vmem>>)
      tpu.yield
    }) : () -> ()
    %scan3A = arith.constant 0 : i32
    %scan3A_9 = arith.constant 0 : i32
    %scan3A_10 = arith.constant 2 : i32
    %scan3A_11 = arith.addi %scan3A_9, %scan3A_10 : i32
    %scan3A_12 = arith.constant 1 : i32
    scf.for %scan3A_21 = %scan3A_9 to %scan3A_11 step %scan3A_12  : i32 {
      %mul3A_22 = arith.constant 20 : i32
      %mul3A_23 = arith.muli %scan3A_21, %mul3A_22 : i32
      %add3A_24 = arith.constant 0 : i32
      %add3A_25 = arith.addi %mul3A_23, %add3A_24 : i32
      %dma_start3A = arith.constant 0 : i32
      %dma_start3A_26 = tpu.memref_slice %arg7[%add3A_25, %dma_start3A] : memref<40x128xi32, #tpu.memory_space<vmem>> -> memref<1x128xi32, #tpu.memory_space<vmem>>
      %dma_start3A_27 = tpu.memref_squeeze %dma_start3A_26 : memref<1x128xi32, #tpu.memory_space<vmem>> -> memref<128xi32, #tpu.memory_space<vmem>>
      %dma_start3A_28 = arith.constant 0 : i32
      %dma_start3A_29 = arith.constant 0 : i32
      %dma_start3A_30 = tpu.memref_slice %arg2[%dma_start3A_28, %dma_start3A_29] : memref<10128x64xf32, #tpu.memory_space<hbm>> -> memref<10128x64xf32, #tpu.memory_space<hbm>>
      tpu.enqueue_indirect_dma source(%dma_start3A_30 : memref<10128x64xf32, #tpu.memory_space<hbm>>) target(%arg9 : memref<128x64xf32, #tpu.memory_space<vmem>>) offsets(%dma_start3A_27 : memref<128xi32, #tpu.memory_space<vmem>>) semaphore(%arg11 : memref<!tpu.dma_semaphore, #tpu.memory_space<semaphore_mem>>)
      %dma_wait3A = arith.constant 0 : i32
      %dma_wait3A_31 = tpu.memref_slice %arg7[%add3A_25, %dma_wait3A] : memref<40x128xi32, #tpu.memory_space<vmem>> -> memref<1x128xi32, #tpu.memory_space<vmem>>
      %dma_wait3A_32 = tpu.memref_squeeze %dma_wait3A_31 : memref<1x128xi32, #tpu.memory_space<vmem>> -> memref<128xi32, #tpu.memory_space<vmem>>
      %dma_wait3A_33 = arith.constant 0 : i32
      %dma_wait3A_34 = arith.constant 0 : i32
      %dma_wait3A_35 = tpu.memref_slice %arg2[%dma_wait3A_33, %dma_wait3A_34] : memref<10128x64xf32, #tpu.memory_space<hbm>> -> memref<10128x64xf32, #tpu.memory_space<hbm>>
      tpu.wait_indirect_dma semaphore(%arg11 : memref<!tpu.dma_semaphore, #tpu.memory_space<semaphore_mem>>) src(%dma_wait3A_35 : memref<10128x64xf32, #tpu.memory_space<hbm>>) dst(%arg9 : memref<128x64xf32, #tpu.memory_space<vmem>>)
      %add3A_36 = arith.constant 0 : i32
      %add3A_37 = arith.addi %mul3A_23, %add3A_36 : i32
      %dma_start3A_38 = arith.constant 0 : i32
      %dma_start3A_39 = tpu.memref_slice %arg8[%add3A_37, %dma_start3A_38] : memref<40x128xi32, #tpu.memory_space<vmem>> -> memref<1x128xi32, #tpu.memory_space<vmem>>
      %dma_start3A_40 = tpu.memref_squeeze %dma_start3A_39 : memref<1x128xi32, #tpu.memory_space<vmem>> -> memref<128xi32, #tpu.memory_space<vmem>>
      %dma_start3A_41 = arith.constant 0 : i32
      %dma_start3A_42 = arith.constant 0 : i32
      %dma_start3A_43 = tpu.memref_slice %arg13[%dma_start3A_41, %dma_start3A_42] : memref<10128x64xf32, #tpu.memory_space<vmem_shared>> -> memref<10128x64xf32, #tpu.memory_space<vmem_shared>>
      tpu.enqueue_indirect_dma source(%arg9 : memref<128x64xf32, #tpu.memory_space<vmem>>) target(%dma_start3A_43 : memref<10128x64xf32, #tpu.memory_space<vmem_shared>>) offsets(%dma_start3A_40 : memref<128xi32, #tpu.memory_space<vmem>>) semaphore(%arg12 : memref<!tpu.dma_semaphore, #tpu.memory_space<semaphore_mem>>) {add = true}
      %add3A_44 = arith.constant 1 : i32
      %add3A_45 = arith.addi %mul3A_23, %add3A_44 : i32
      %dma_start3A_46 = arith.constant 0 : i32
      %dma_start3A_47 = tpu.memref_slice %arg7[%add3A_45, %dma_start3A_46] : memref<40x128xi32, #tpu.memory_space<vmem>> -> memref<1x128xi32, #tpu.memory_space<vmem>>
      %dma_start3A_48 = tpu.memref_squeeze %dma_start3A_47 : memref<1x128xi32, #tpu.memory_space<vmem>> -> memref<128xi32, #tpu.memory_space<vmem>>
      %dma_start3A_49 = arith.constant 0 : i32
      %dma_start3A_50 = arith.constant 0 : i32
      %dma_start3A_51 = tpu.memref_slice %arg2[%dma_start3A_49, %dma_start3A_50] : memref<10128x64xf32, #tpu.memory_space<hbm>> -> memref<10128x64xf32, #tpu.memory_space<hbm>>
      tpu.enqueue_indirect_dma source(%dma_start3A_51 : memref<10128x64xf32, #tpu.memory_space<hbm>>) target(%arg10 : memref<128x64xf32, #tpu.memory_space<vmem>>) offsets(%dma_start3A_48 : memref<128xi32, #tpu.memory_space<vmem>>) semaphore(%arg11 : memref<!tpu.dma_semaphore, #tpu.memory_space<semaphore_mem>>)
      %dma_wait3A_52 = arith.constant 0 : i32
      %dma_wait3A_53 = tpu.memref_slice %arg7[%add3A_45, %dma_wait3A_52] : memref<40x128xi32, #tpu.memory_space<vmem>> -> memref<1x128xi32, #tpu.memory_space<vmem>>
      %dma_wait3A_54 = tpu.memref_squeeze %dma_wait3A_53 : memref<1x128xi32, #tpu.memory_space<vmem>> -> memref<128xi32, #tpu.memory_space<vmem>>
      %dma_wait3A_55 = arith.constant 0 : i32
      %dma_wait3A_56 = arith.constant 0 : i32
      %dma_wait3A_57 = tpu.memref_slice %arg2[%dma_wait3A_55, %dma_wait3A_56] : memref<10128x64xf32, #tpu.memory_space<hbm>> -> memref<10128x64xf32, #tpu.memory_space<hbm>>
      tpu.wait_indirect_dma semaphore(%arg11 : memref<!tpu.dma_semaphore, #tpu.memory_space<semaphore_mem>>) src(%dma_wait3A_57 : memref<10128x64xf32, #tpu.memory_space<hbm>>) dst(%arg10 : memref<128x64xf32, #tpu.memory_space<vmem>>)
      %dma_wait3A_58 = arith.constant 0 : i32
      %dma_wait3A_59 = tpu.memref_slice %arg8[%add3A_37, %dma_wait3A_58] : memref<40x128xi32, #tpu.memory_space<vmem>> -> memref<1x128xi32, #tpu.memory_space<vmem>>
      %dma_wait3A_60 = tpu.memref_squeeze %dma_wait3A_59 : memref<1x128xi32, #tpu.memory_space<vmem>> -> memref<128xi32, #tpu.memory_space<vmem>>
      %dma_wait3A_61 = arith.constant 0 : i32
      %dma_wait3A_62 = arith.constant 0 : i32
      %dma_wait3A_63 = tpu.memref_slice %arg13[%dma_wait3A_61, %dma_wait3A_62] : memref<10128x64xf32, #tpu.memory_space<vmem_shared>> -> memref<10128x64xf32, #tpu.memory_space<vmem_shared>>
      tpu.wait_indirect_dma semaphore(%arg12 : memref<!tpu.dma_semaphore, #tpu.memory_space<semaphore_mem>>) src(%arg9 : memref<128x64xf32, #tpu.memory_space<vmem>>) dst(%dma_wait3A_63 : memref<10128x64xf32, #tpu.memory_space<vmem_shared>>)
      %add3A_64 = arith.constant 1 : i32
      %add3A_65 = arith.addi %mul3A_23, %add3A_64 : i32
      %dma_start3A_66 = arith.constant 0 : i32
      %dma_start3A_67 = tpu.memref_slice %arg8[%add3A_65, %dma_start3A_66] : memref<40x128xi32, #tpu.memory_space<vmem>> -> memref<1x128xi32, #tpu.memory_space<vmem>>
      %dma_start3A_68 = tpu.memref_squeeze %dma_start3A_67 : memref<1x128xi32, #tpu.memory_space<vmem>> -> memref<128xi32, #tpu.memory_space<vmem>>
      %dma_start3A_69 = arith.constant 0 : i32
      %dma_start3A_70 = arith.constant 0 : i32
      %dma_start3A_71 = tpu.memref_slice %arg13[%dma_start3A_69, %dma_start3A_70] : memref<10128x64xf32, #tpu.memory_space<vmem_shared>> -> memref<10128x64xf32, #tpu.memory_space<vmem_shared>>
      tpu.enqueue_indirect_dma source(%arg10 : memref<128x64xf32, #tpu.memory_space<vmem>>) target(%dma_start3A_71 : memref<10128x64xf32, #tpu.memory_space<vmem_shared>>) offsets(%dma_start3A_68 : memref<128xi32, #tpu.memory_space<vmem>>) semaphore(%arg12 : memref<!tpu.dma_semaphore, #tpu.memory_space<semaphore_mem>>) {add = true}
      %add3A_72 = arith.constant 2 : i32
      %add3A_73 = arith.addi %mul3A_23, %add3A_72 : i32
      %dma_start3A_74 = arith.constant 0 : i32
      %dma_start3A_75 = tpu.memref_slice %arg7[%add3A_73, %dma_start3A_74] : memref<40x128xi32, #tpu.memory_space<vmem>> -> memref<1x128xi32, #tpu.memory_space<vmem>>
      %dma_start3A_76 = tpu.memref_squeeze %dma_start3A_75 : memref<1x128xi32, #tpu.memory_space<vmem>> -> memref<128xi32, #tpu.memory_space<vmem>>
      %dma_start3A_77 = arith.constant 0 : i32
      %dma_start3A_78 = arith.constant 0 : i32
      %dma_start3A_79 = tpu.memref_slice %arg2[%dma_start3A_77, %dma_start3A_78] : memref<10128x64xf32, #tpu.memory_space<hbm>> -> memref<10128x64xf32, #tpu.memory_space<hbm>>
      tpu.enqueue_indirect_dma source(%dma_start3A_79 : memref<10128x64xf32, #tpu.memory_space<hbm>>) target(%arg9 : memref<128x64xf32, #tpu.memory_space<vmem>>) offsets(%dma_start3A_76 : memref<128xi32, #tpu.memory_space<vmem>>) semaphore(%arg11 : memref<!tpu.dma_semaphore, #tpu.memory_space<semaphore_mem>>)
      %dma_wait3A_80 = arith.constant 0 : i32
      %dma_wait3A_81 = tpu.memref_slice %arg7[%add3A_73, %dma_wait3A_80] : memref<40x128xi32, #tpu.memory_space<vmem>> -> memref<1x128xi32, #tpu.memory_space<vmem>>
      %dma_wait3A_82 = tpu.memref_squeeze %dma_wait3A_81 : memref<1x128xi32, #tpu.memory_space<vmem>> -> memref<128xi32, #tpu.memory_space<vmem>>
      %dma_wait3A_83 = arith.constant 0 : i32
      %dma_wait3A_84 = arith.constant 0 : i32
      %dma_wait3A_85 = tpu.memref_slice %arg2[%dma_wait3A_83, %dma_wait3A_84] : memref<10128x64xf32, #tpu.memory_space<hbm>> -> memref<10128x64xf32, #tpu.memory_space<hbm>>
      tpu.wait_indirect_dma semaphore(%arg11 : memref<!tpu.dma_semaphore, #tpu.memory_space<semaphore_mem>>) src(%dma_wait3A_85 : memref<10128x64xf32, #tpu.memory_space<hbm>>) dst(%arg9 : memref<128x64xf32, #tpu.memory_space<vmem>>)
      %dma_wait3A_86 = arith.constant 0 : i32
      %dma_wait3A_87 = tpu.memref_slice %arg8[%add3A_65, %dma_wait3A_86] : memref<40x128xi32, #tpu.memory_space<vmem>> -> memref<1x128xi32, #tpu.memory_space<vmem>>
      %dma_wait3A_88 = tpu.memref_squeeze %dma_wait3A_87 : memref<1x128xi32, #tpu.memory_space<vmem>> -> memref<128xi32, #tpu.memory_space<vmem>>
      %dma_wait3A_89 = arith.constant 0 : i32
      %dma_wait3A_90 = arith.constant 0 : i32
      %dma_wait3A_91 = tpu.memref_slice %arg13[%dma_wait3A_89, %dma_wait3A_90] : memref<10128x64xf32, #tpu.memory_space<vmem_shared>> -> memref<10128x64xf32, #tpu.memory_space<vmem_shared>>
      tpu.wait_indirect_dma semaphore(%arg12 : memref<!tpu.dma_semaphore, #tpu.memory_space<semaphore_mem>>) src(%arg10 : memref<128x64xf32, #tpu.memory_space<vmem>>) dst(%dma_wait3A_91 : memref<10128x64xf32, #tpu.memory_space<vmem_shared>>)
      %add3A_92 = arith.constant 2 : i32
      %add3A_93 = arith.addi %mul3A_23, %add3A_92 : i32
      %dma_start3A_94 = arith.constant 0 : i32
      %dma_start3A_95 = tpu.memref_slice %arg8[%add3A_93, %dma_start3A_94] : memref<40x128xi32, #tpu.memory_space<vmem>> -> memref<1x128xi32, #tpu.memory_space<vmem>>
      %dma_start3A_96 = tpu.memref_squeeze %dma_start3A_95 : memref<1x128xi32, #tpu.memory_space<vmem>> -> memref<128xi32, #tpu.memory_space<vmem>>
      %dma_start3A_97 = arith.constant 0 : i32
      %dma_start3A_98 = arith.constant 0 : i32
      %dma_start3A_99 = tpu.memref_slice %arg13[%dma_start3A_97, %dma_start3A_98] : memref<10128x64xf32, #tpu.memory_space<vmem_shared>> -> memref<10128x64xf32, #tpu.memory_space<vmem_shared>>
      tpu.enqueue_indirect_dma source(%arg9 : memref<128x64xf32, #tpu.memory_space<vmem>>) target(%dma_start3A_99 : memref<10128x64xf32, #tpu.memory_space<vmem_shared>>) offsets(%dma_start3A_96 : memref<128xi32, #tpu.memory_space<vmem>>) semaphore(%arg12 : memref<!tpu.dma_semaphore, #tpu.memory_space<semaphore_mem>>) {add = true}
      %add3A_100 = arith.constant 3 : i32
      %add3A_101 = arith.addi %mul3A_23, %add3A_100 : i32
      %dma_start3A_102 = arith.constant 0 : i32
      %dma_start3A_103 = tpu.memref_slice %arg7[%add3A_101, %dma_start3A_102] : memref<40x128xi32, #tpu.memory_space<vmem>> -> memref<1x128xi32, #tpu.memory_space<vmem>>
      %dma_start3A_104 = tpu.memref_squeeze %dma_start3A_103 : memref<1x128xi32, #tpu.memory_space<vmem>> -> memref<128xi32, #tpu.memory_space<vmem>>
      %dma_start3A_105 = arith.constant 0 : i32
      %dma_start3A_106 = arith.constant 0 : i32
      %dma_start3A_107 = tpu.memref_slice %arg2[%dma_start3A_105, %dma_start3A_106] : memref<10128x64xf32, #tpu.memory_space<hbm>> -> memref<10128x64xf32, #tpu.memory_space<hbm>>
      tpu.enqueue_indirect_dma source(%dma_start3A_107 : memref<10128x64xf32, #tpu.memory_space<hbm>>) target(%arg10 : memref<128x64xf32, #tpu.memory_space<vmem>>) offsets(%dma_start3A_104 : memref<128xi32, #tpu.memory_space<vmem>>) semaphore(%arg11 : memref<!tpu.dma_semaphore, #tpu.memory_space<semaphore_mem>>)
      %dma_wait3A_108 = arith.constant 0 : i32
      %dma_wait3A_109 = tpu.memref_slice %arg7[%add3A_101, %dma_wait3A_108] : memref<40x128xi32, #tpu.memory_space<vmem>> -> memref<1x128xi32, #tpu.memory_space<vmem>>
      %dma_wait3A_110 = tpu.memref_squeeze %dma_wait3A_109 : memref<1x128xi32, #tpu.memory_space<vmem>> -> memref<128xi32, #tpu.memory_space<vmem>>
      %dma_wait3A_111 = arith.constant 0 : i32
      %dma_wait3A_112 = arith.constant 0 : i32
      %dma_wait3A_113 = tpu.memref_slice %arg2[%dma_wait3A_111, %dma_wait3A_112] : memref<10128x64xf32, #tpu.memory_space<hbm>> -> memref<10128x64xf32, #tpu.memory_space<hbm>>
      tpu.wait_indirect_dma semaphore(%arg11 : memref<!tpu.dma_semaphore, #tpu.memory_space<semaphore_mem>>) src(%dma_wait3A_113 : memref<10128x64xf32, #tpu.memory_space<hbm>>) dst(%arg10 : memref<128x64xf32, #tpu.memory_space<vmem>>)
      %dma_wait3A_114 = arith.constant 0 : i32
      %dma_wait3A_115 = tpu.memref_slice %arg8[%add3A_93, %dma_wait3A_114] : memref<40x128xi32, #tpu.memory_space<vmem>> -> memref<1x128xi32, #tpu.memory_space<vmem>>
      %dma_wait3A_116 = tpu.memref_squeeze %dma_wait3A_115 : memref<1x128xi32, #tpu.memory_space<vmem>> -> memref<128xi32, #tpu.memory_space<vmem>>
      %dma_wait3A_117 = arith.constant 0 : i32
      %dma_wait3A_118 = arith.constant 0 : i32
      %dma_wait3A_119 = tpu.memref_slice %arg13[%dma_wait3A_117, %dma_wait3A_118] : memref<10128x64xf32, #tpu.memory_space<vmem_shared>> -> memref<10128x64xf32, #tpu.memory_space<vmem_shared>>
      tpu.wait_indirect_dma semaphore(%arg12 : memref<!tpu.dma_semaphore, #tpu.memory_space<semaphore_mem>>) src(%arg9 : memref<128x64xf32, #tpu.memory_space<vmem>>) dst(%dma_wait3A_119 : memref<10128x64xf32, #tpu.memory_space<vmem_shared>>)
      %add3A_120 = arith.constant 3 : i32
      %add3A_121 = arith.addi %mul3A_23, %add3A_120 : i32
      %dma_start3A_122 = arith.constant 0 : i32
      %dma_start3A_123 = tpu.memref_slice %arg8[%add3A_121, %dma_start3A_122] : memref<40x128xi32, #tpu.memory_space<vmem>> -> memref<1x128xi32, #tpu.memory_space<vmem>>
      %dma_start3A_124 = tpu.memref_squeeze %dma_start3A_123 : memref<1x128xi32, #tpu.memory_space<vmem>> -> memref<128xi32, #tpu.memory_space<vmem>>
      %dma_start3A_125 = arith.constant 0 : i32
      %dma_start3A_126 = arith.constant 0 : i32
      %dma_start3A_127 = tpu.memref_slice %arg13[%dma_start3A_125, %dma_start3A_126] : memref<10128x64xf32, #tpu.memory_space<vmem_shared>> -> memref<10128x64xf32, #tpu.memory_space<vmem_shared>>
      tpu.enqueue_indirect_dma source(%arg10 : memref<128x64xf32, #tpu.memory_space<vmem>>) target(%dma_start3A_127 : memref<10128x64xf32, #tpu.memory_space<vmem_shared>>) offsets(%dma_start3A_124 : memref<128xi32, #tpu.memory_space<vmem>>) semaphore(%arg12 : memref<!tpu.dma_semaphore, #tpu.memory_space<semaphore_mem>>) {add = true}
      %add3A_128 = arith.constant 4 : i32
      %add3A_129 = arith.addi %mul3A_23, %add3A_128 : i32
      %dma_start3A_130 = arith.constant 0 : i32
      %dma_start3A_131 = tpu.memref_slice %arg7[%add3A_129, %dma_start3A_130] : memref<40x128xi32, #tpu.memory_space<vmem>> -> memref<1x128xi32, #tpu.memory_space<vmem>>
      %dma_start3A_132 = tpu.memref_squeeze %dma_start3A_131 : memref<1x128xi32, #tpu.memory_space<vmem>> -> memref<128xi32, #tpu.memory_space<vmem>>
      %dma_start3A_133 = arith.constant 0 : i32
      %dma_start3A_134 = arith.constant 0 : i32
      %dma_start3A_135 = tpu.memref_slice %arg2[%dma_start3A_133, %dma_start3A_134] : memref<10128x64xf32, #tpu.memory_space<hbm>> -> memref<10128x64xf32, #tpu.memory_space<hbm>>
      tpu.enqueue_indirect_dma source(%dma_start3A_135 : memref<10128x64xf32, #tpu.memory_space<hbm>>) target(%arg9 : memref<128x64xf32, #tpu.memory_space<vmem>>) offsets(%dma_start3A_132 : memref<128xi32, #tpu.memory_space<vmem>>) semaphore(%arg11 : memref<!tpu.dma_semaphore, #tpu.memory_space<semaphore_mem>>)
      %dma_wait3A_136 = arith.constant 0 : i32
      %dma_wait3A_137 = tpu.memref_slice %arg7[%add3A_129, %dma_wait3A_136] : memref<40x128xi32, #tpu.memory_space<vmem>> -> memref<1x128xi32, #tpu.memory_space<vmem>>
      %dma_wait3A_138 = tpu.memref_squeeze %dma_wait3A_137 : memref<1x128xi32, #tpu.memory_space<vmem>> -> memref<128xi32, #tpu.memory_space<vmem>>
      %dma_wait3A_139 = arith.constant 0 : i32
      %dma_wait3A_140 = arith.constant 0 : i32
      %dma_wait3A_141 = tpu.memref_slice %arg2[%dma_wait3A_139, %dma_wait3A_140] : memref<10128x64xf32, #tpu.memory_space<hbm>> -> memref<10128x64xf32, #tpu.memory_space<hbm>>
      tpu.wait_indirect_dma semaphore(%arg11 : memref<!tpu.dma_semaphore, #tpu.memory_space<semaphore_mem>>) src(%dma_wait3A_141 : memref<10128x64xf32, #tpu.memory_space<hbm>>) dst(%arg9 : memref<128x64xf32, #tpu.memory_space<vmem>>)
      %dma_wait3A_142 = arith.constant 0 : i32
      %dma_wait3A_143 = tpu.memref_slice %arg8[%add3A_121, %dma_wait3A_142] : memref<40x128xi32, #tpu.memory_space<vmem>> -> memref<1x128xi32, #tpu.memory_space<vmem>>
      %dma_wait3A_144 = tpu.memref_squeeze %dma_wait3A_143 : memref<1x128xi32, #tpu.memory_space<vmem>> -> memref<128xi32, #tpu.memory_space<vmem>>
      %dma_wait3A_145 = arith.constant 0 : i32
      %dma_wait3A_146 = arith.constant 0 : i32
      %dma_wait3A_147 = tpu.memref_slice %arg13[%dma_wait3A_145, %dma_wait3A_146] : memref<10128x64xf32, #tpu.memory_space<vmem_shared>> -> memref<10128x64xf32, #tpu.memory_space<vmem_shared>>
      tpu.wait_indirect_dma semaphore(%arg12 : memref<!tpu.dma_semaphore, #tpu.memory_space<semaphore_mem>>) src(%arg10 : memref<128x64xf32, #tpu.memory_space<vmem>>) dst(%dma_wait3A_147 : memref<10128x64xf32, #tpu.memory_space<vmem_shared>>)
      %add3A_148 = arith.constant 4 : i32
      %add3A_149 = arith.addi %mul3A_23, %add3A_148 : i32
      %dma_start3A_150 = arith.constant 0 : i32
      %dma_start3A_151 = tpu.memref_slice %arg8[%add3A_149, %dma_start3A_150] : memref<40x128xi32, #tpu.memory_space<vmem>> -> memref<1x128xi32, #tpu.memory_space<vmem>>
      %dma_start3A_152 = tpu.memref_squeeze %dma_start3A_151 : memref<1x128xi32, #tpu.memory_space<vmem>> -> memref<128xi32, #tpu.memory_space<vmem>>
      %dma_start3A_153 = arith.constant 0 : i32
      %dma_start3A_154 = arith.constant 0 : i32
      %dma_start3A_155 = tpu.memref_slice %arg13[%dma_start3A_153, %dma_start3A_154] : memref<10128x64xf32, #tpu.memory_space<vmem_shared>> -> memref<10128x64xf32, #tpu.memory_space<vmem_shared>>
      tpu.enqueue_indirect_dma source(%arg9 : memref<128x64xf32, #tpu.memory_space<vmem>>) target(%dma_start3A_155 : memref<10128x64xf32, #tpu.memory_space<vmem_shared>>) offsets(%dma_start3A_152 : memref<128xi32, #tpu.memory_space<vmem>>) semaphore(%arg12 : memref<!tpu.dma_semaphore, #tpu.memory_space<semaphore_mem>>) {add = true}
      %add3A_156 = arith.constant 5 : i32
      %add3A_157 = arith.addi %mul3A_23, %add3A_156 : i32
      %dma_start3A_158 = arith.constant 0 : i32
      %dma_start3A_159 = tpu.memref_slice %arg7[%add3A_157, %dma_start3A_158] : memref<40x128xi32, #tpu.memory_space<vmem>> -> memref<1x128xi32, #tpu.memory_space<vmem>>
      %dma_start3A_160 = tpu.memref_squeeze %dma_start3A_159 : memref<1x128xi32, #tpu.memory_space<vmem>> -> memref<128xi32, #tpu.memory_space<vmem>>
      %dma_start3A_161 = arith.constant 0 : i32
      %dma_start3A_162 = arith.constant 0 : i32
      %dma_start3A_163 = tpu.memref_slice %arg2[%dma_start3A_161, %dma_start3A_162] : memref<10128x64xf32, #tpu.memory_space<hbm>> -> memref<10128x64xf32, #tpu.memory_space<hbm>>
      tpu.enqueue_indirect_dma source(%dma_start3A_163 : memref<10128x64xf32, #tpu.memory_space<hbm>>) target(%arg10 : memref<128x64xf32, #tpu.memory_space<vmem>>) offsets(%dma_start3A_160 : memref<128xi32, #tpu.memory_space<vmem>>) semaphore(%arg11 : memref<!tpu.dma_semaphore, #tpu.memory_space<semaphore_mem>>)
      %dma_wait3A_164 = arith.constant 0 : i32
      %dma_wait3A_165 = tpu.memref_slice %arg7[%add3A_157, %dma_wait3A_164] : memref<40x128xi32, #tpu.memory_space<vmem>> -> memref<1x128xi32, #tpu.memory_space<vmem>>
      %dma_wait3A_166 = tpu.memref_squeeze %dma_wait3A_165 : memref<1x128xi32, #tpu.memory_space<vmem>> -> memref<128xi32, #tpu.memory_space<vmem>>
      %dma_wait3A_167 = arith.constant 0 : i32
      %dma_wait3A_168 = arith.constant 0 : i32
      %dma_wait3A_169 = tpu.memref_slice %arg2[%dma_wait3A_167, %dma_wait3A_168] : memref<10128x64xf32, #tpu.memory_space<hbm>> -> memref<10128x64xf32, #tpu.memory_space<hbm>>
      tpu.wait_indirect_dma semaphore(%arg11 : memref<!tpu.dma_semaphore, #tpu.memory_space<semaphore_mem>>) src(%dma_wait3A_169 : memref<10128x64xf32, #tpu.memory_space<hbm>>) dst(%arg10 : memref<128x64xf32, #tpu.memory_space<vmem>>)
      %dma_wait3A_170 = arith.constant 0 : i32
      %dma_wait3A_171 = tpu.memref_slice %arg8[%add3A_149, %dma_wait3A_170] : memref<40x128xi32, #tpu.memory_space<vmem>> -> memref<1x128xi32, #tpu.memory_space<vmem>>
      %dma_wait3A_172 = tpu.memref_squeeze %dma_wait3A_171 : memref<1x128xi32, #tpu.memory_space<vmem>> -> memref<128xi32, #tpu.memory_space<vmem>>
      %dma_wait3A_173 = arith.constant 0 : i32
      %dma_wait3A_174 = arith.constant 0 : i32
      %dma_wait3A_175 = tpu.memref_slice %arg13[%dma_wait3A_173, %dma_wait3A_174] : memref<10128x64xf32, #tpu.memory_space<vmem_shared>> -> memref<10128x64xf32, #tpu.memory_space<vmem_shared>>
      tpu.wait_indirect_dma semaphore(%arg12 : memref<!tpu.dma_semaphore, #tpu.memory_space<semaphore_mem>>) src(%arg9 : memref<128x64xf32, #tpu.memory_space<vmem>>) dst(%dma_wait3A_175 : memref<10128x64xf32, #tpu.memory_space<vmem_shared>>)
      %add3A_176 = arith.constant 5 : i32
      %add3A_177 = arith.addi %mul3A_23, %add3A_176 : i32
      %dma_start3A_178 = arith.constant 0 : i32
      %dma_start3A_179 = tpu.memref_slice %arg8[%add3A_177, %dma_start3A_178] : memref<40x128xi32, #tpu.memory_space<vmem>> -> memref<1x128xi32, #tpu.memory_space<vmem>>
      %dma_start3A_180 = tpu.memref_squeeze %dma_start3A_179 : memref<1x128xi32, #tpu.memory_space<vmem>> -> memref<128xi32, #tpu.memory_space<vmem>>
      %dma_start3A_181 = arith.constant 0 : i32
      %dma_start3A_182 = arith.constant 0 : i32
      %dma_start3A_183 = tpu.memref_slice %arg13[%dma_start3A_181, %dma_start3A_182] : memref<10128x64xf32, #tpu.memory_space<vmem_shared>> -> memref<10128x64xf32, #tpu.memory_space<vmem_shared>>
      tpu.enqueue_indirect_dma source(%arg10 : memref<128x64xf32, #tpu.memory_space<vmem>>) target(%dma_start3A_183 : memref<10128x64xf32, #tpu.memory_space<vmem_shared>>) offsets(%dma_start3A_180 : memref<128xi32, #tpu.memory_space<vmem>>) semaphore(%arg12 : memref<!tpu.dma_semaphore, #tpu.memory_space<semaphore_mem>>) {add = true}
      %add3A_184 = arith.constant 6 : i32
      %add3A_185 = arith.addi %mul3A_23, %add3A_184 : i32
      %dma_start3A_186 = arith.constant 0 : i32
      %dma_start3A_187 = tpu.memref_slice %arg7[%add3A_185, %dma_start3A_186] : memref<40x128xi32, #tpu.memory_space<vmem>> -> memref<1x128xi32, #tpu.memory_space<vmem>>
      %dma_start3A_188 = tpu.memref_squeeze %dma_start3A_187 : memref<1x128xi32, #tpu.memory_space<vmem>> -> memref<128xi32, #tpu.memory_space<vmem>>
      %dma_start3A_189 = arith.constant 0 : i32
      %dma_start3A_190 = arith.constant 0 : i32
      %dma_start3A_191 = tpu.memref_slice %arg2[%dma_start3A_189, %dma_start3A_190] : memref<10128x64xf32, #tpu.memory_space<hbm>> -> memref<10128x64xf32, #tpu.memory_space<hbm>>
      tpu.enqueue_indirect_dma source(%dma_start3A_191 : memref<10128x64xf32, #tpu.memory_space<hbm>>) target(%arg9 : memref<128x64xf32, #tpu.memory_space<vmem>>) offsets(%dma_start3A_188 : memref<128xi32, #tpu.memory_space<vmem>>) semaphore(%arg11 : memref<!tpu.dma_semaphore, #tpu.memory_space<semaphore_mem>>)
      %dma_wait3A_192 = arith.constant 0 : i32
      %dma_wait3A_193 = tpu.memref_slice %arg7[%add3A_185, %dma_wait3A_192] : memref<40x128xi32, #tpu.memory_space<vmem>> -> memref<1x128xi32, #tpu.memory_space<vmem>>
      %dma_wait3A_194 = tpu.memref_squeeze %dma_wait3A_193 : memref<1x128xi32, #tpu.memory_space<vmem>> -> memref<128xi32, #tpu.memory_space<vmem>>
      %dma_wait3A_195 = arith.constant 0 : i32
      %dma_wait3A_196 = arith.constant 0 : i32
      %dma_wait3A_197 = tpu.memref_slice %arg2[%dma_wait3A_195, %dma_wait3A_196] : memref<10128x64xf32, #tpu.memory_space<hbm>> -> memref<10128x64xf32, #tpu.memory_space<hbm>>
      tpu.wait_indirect_dma semaphore(%arg11 : memref<!tpu.dma_semaphore, #tpu.memory_space<semaphore_mem>>) src(%dma_wait3A_197 : memref<10128x64xf32, #tpu.memory_space<hbm>>) dst(%arg9 : memref<128x64xf32, #tpu.memory_space<vmem>>)
      %dma_wait3A_198 = arith.constant 0 : i32
      %dma_wait3A_199 = tpu.memref_slice %arg8[%add3A_177, %dma_wait3A_198] : memref<40x128xi32, #tpu.memory_space<vmem>> -> memref<1x128xi32, #tpu.memory_space<vmem>>
      %dma_wait3A_200 = tpu.memref_squeeze %dma_wait3A_199 : memref<1x128xi32, #tpu.memory_space<vmem>> -> memref<128xi32, #tpu.memory_space<vmem>>
      %dma_wait3A_201 = arith.constant 0 : i32
      %dma_wait3A_202 = arith.constant 0 : i32
      %dma_wait3A_203 = tpu.memref_slice %arg13[%dma_wait3A_201, %dma_wait3A_202] : memref<10128x64xf32, #tpu.memory_space<vmem_shared>> -> memref<10128x64xf32, #tpu.memory_space<vmem_shared>>
      tpu.wait_indirect_dma semaphore(%arg12 : memref<!tpu.dma_semaphore, #tpu.memory_space<semaphore_mem>>) src(%arg10 : memref<128x64xf32, #tpu.memory_space<vmem>>) dst(%dma_wait3A_203 : memref<10128x64xf32, #tpu.memory_space<vmem_shared>>)
      %add3A_204 = arith.constant 6 : i32
      %add3A_205 = arith.addi %mul3A_23, %add3A_204 : i32
      %dma_start3A_206 = arith.constant 0 : i32
      %dma_start3A_207 = tpu.memref_slice %arg8[%add3A_205, %dma_start3A_206] : memref<40x128xi32, #tpu.memory_space<vmem>> -> memref<1x128xi32, #tpu.memory_space<vmem>>
      %dma_start3A_208 = tpu.memref_squeeze %dma_start3A_207 : memref<1x128xi32, #tpu.memory_space<vmem>> -> memref<128xi32, #tpu.memory_space<vmem>>
      %dma_start3A_209 = arith.constant 0 : i32
      %dma_start3A_210 = arith.constant 0 : i32
      %dma_start3A_211 = tpu.memref_slice %arg13[%dma_start3A_209, %dma_start3A_210] : memref<10128x64xf32, #tpu.memory_space<vmem_shared>> -> memref<10128x64xf32, #tpu.memory_space<vmem_shared>>
      tpu.enqueue_indirect_dma source(%arg9 : memref<128x64xf32, #tpu.memory_space<vmem>>) target(%dma_start3A_211 : memref<10128x64xf32, #tpu.memory_space<vmem_shared>>) offsets(%dma_start3A_208 : memref<128xi32, #tpu.memory_space<vmem>>) semaphore(%arg12 : memref<!tpu.dma_semaphore, #tpu.memory_space<semaphore_mem>>) {add = true}
      %add3A_212 = arith.constant 7 : i32
      %add3A_213 = arith.addi %mul3A_23, %add3A_212 : i32
      %dma_start3A_214 = arith.constant 0 : i32
      %dma_start3A_215 = tpu.memref_slice %arg7[%add3A_213, %dma_start3A_214] : memref<40x128xi32, #tpu.memory_space<vmem>> -> memref<1x128xi32, #tpu.memory_space<vmem>>
      %dma_start3A_216 = tpu.memref_squeeze %dma_start3A_215 : memref<1x128xi32, #tpu.memory_space<vmem>> -> memref<128xi32, #tpu.memory_space<vmem>>
      %dma_start3A_217 = arith.constant 0 : i32
      %dma_start3A_218 = arith.constant 0 : i32
      %dma_start3A_219 = tpu.memref_slice %arg2[%dma_start3A_217, %dma_start3A_218] : memref<10128x64xf32, #tpu.memory_space<hbm>> -> memref<10128x64xf32, #tpu.memory_space<hbm>>
      tpu.enqueue_indirect_dma source(%dma_start3A_219 : memref<10128x64xf32, #tpu.memory_space<hbm>>) target(%arg10 : memref<128x64xf32, #tpu.memory_space<vmem>>) offsets(%dma_start3A_216 : memref<128xi32, #tpu.memory_space<vmem>>) semaphore(%arg11 : memref<!tpu.dma_semaphore, #tpu.memory_space<semaphore_mem>>)
      %dma_wait3A_220 = arith.constant 0 : i32
      %dma_wait3A_221 = tpu.memref_slice %arg7[%add3A_213, %dma_wait3A_220] : memref<40x128xi32, #tpu.memory_space<vmem>> -> memref<1x128xi32, #tpu.memory_space<vmem>>
      %dma_wait3A_222 = tpu.memref_squeeze %dma_wait3A_221 : memref<1x128xi32, #tpu.memory_space<vmem>> -> memref<128xi32, #tpu.memory_space<vmem>>
      %dma_wait3A_223 = arith.constant 0 : i32
      %dma_wait3A_224 = arith.constant 0 : i32
      %dma_wait3A_225 = tpu.memref_slice %arg2[%dma_wait3A_223, %dma_wait3A_224] : memref<10128x64xf32, #tpu.memory_space<hbm>> -> memref<10128x64xf32, #tpu.memory_space<hbm>>
      tpu.wait_indirect_dma semaphore(%arg11 : memref<!tpu.dma_semaphore, #tpu.memory_space<semaphore_mem>>) src(%dma_wait3A_225 : memref<10128x64xf32, #tpu.memory_space<hbm>>) dst(%arg10 : memref<128x64xf32, #tpu.memory_space<vmem>>)
      %dma_wait3A_226 = arith.constant 0 : i32
      %dma_wait3A_227 = tpu.memref_slice %arg8[%add3A_205, %dma_wait3A_226] : memref<40x128xi32, #tpu.memory_space<vmem>> -> memref<1x128xi32, #tpu.memory_space<vmem>>
      %dma_wait3A_228 = tpu.memref_squeeze %dma_wait3A_227 : memref<1x128xi32, #tpu.memory_space<vmem>> -> memref<128xi32, #tpu.memory_space<vmem>>
      %dma_wait3A_229 = arith.constant 0 : i32
      %dma_wait3A_230 = arith.constant 0 : i32
      %dma_wait3A_231 = tpu.memref_slice %arg13[%dma_wait3A_229, %dma_wait3A_230] : memref<10128x64xf32, #tpu.memory_space<vmem_shared>> -> memref<10128x64xf32, #tpu.memory_space<vmem_shared>>
      tpu.wait_indirect_dma semaphore(%arg12 : memref<!tpu.dma_semaphore, #tpu.memory_space<semaphore_mem>>) src(%arg9 : memref<128x64xf32, #tpu.memory_space<vmem>>) dst(%dma_wait3A_231 : memref<10128x64xf32, #tpu.memory_space<vmem_shared>>)
      %add3A_232 = arith.constant 7 : i32
      %add3A_233 = arith.addi %mul3A_23, %add3A_232 : i32
      %dma_start3A_234 = arith.constant 0 : i32
      %dma_start3A_235 = tpu.memref_slice %arg8[%add3A_233, %dma_start3A_234] : memref<40x128xi32, #tpu.memory_space<vmem>> -> memref<1x128xi32, #tpu.memory_space<vmem>>
      %dma_start3A_236 = tpu.memref_squeeze %dma_start3A_235 : memref<1x128xi32, #tpu.memory_space<vmem>> -> memref<128xi32, #tpu.memory_space<vmem>>
      %dma_start3A_237 = arith.constant 0 : i32
      %dma_start3A_238 = arith.constant 0 : i32
      %dma_start3A_239 = tpu.memref_slice %arg13[%dma_start3A_237, %dma_start3A_238] : memref<10128x64xf32, #tpu.memory_space<vmem_shared>> -> memref<10128x64xf32, #tpu.memory_space<vmem_shared>>
      tpu.enqueue_indirect_dma source(%arg10 : memref<128x64xf32, #tpu.memory_space<vmem>>) target(%dma_start3A_239 : memref<10128x64xf32, #tpu.memory_space<vmem_shared>>) offsets(%dma_start3A_236 : memref<128xi32, #tpu.memory_space<vmem>>) semaphore(%arg12 : memref<!tpu.dma_semaphore, #tpu.memory_space<semaphore_mem>>) {add = true}
      %add3A_240 = arith.constant 8 : i32
      %add3A_241 = arith.addi %mul3A_23, %add3A_240 : i32
      %dma_start3A_242 = arith.constant 0 : i32
      %dma_start3A_243 = tpu.memref_slice %arg7[%add3A_241, %dma_start3A_242] : memref<40x128xi32, #tpu.memory_space<vmem>> -> memref<1x128xi32, #tpu.memory_space<vmem>>
      %dma_start3A_244 = tpu.memref_squeeze %dma_start3A_243 : memref<1x128xi32, #tpu.memory_space<vmem>> -> memref<128xi32, #tpu.memory_space<vmem>>
      %dma_start3A_245 = arith.constant 0 : i32
      %dma_start3A_246 = arith.constant 0 : i32
      %dma_start3A_247 = tpu.memref_slice %arg2[%dma_start3A_245, %dma_start3A_246] : memref<10128x64xf32, #tpu.memory_space<hbm>> -> memref<10128x64xf32, #tpu.memory_space<hbm>>
      tpu.enqueue_indirect_dma source(%dma_start3A_247 : memref<10128x64xf32, #tpu.memory_space<hbm>>) target(%arg9 : memref<128x64xf32, #tpu.memory_space<vmem>>) offsets(%dma_start3A_244 : memref<128xi32, #tpu.memory_space<vmem>>) semaphore(%arg11 : memref<!tpu.dma_semaphore, #tpu.memory_space<semaphore_mem>>)
      %dma_wait3A_248 = arith.constant 0 : i32
      %dma_wait3A_249 = tpu.memref_slice %arg7[%add3A_241, %dma_wait3A_248] : memref<40x128xi32, #tpu.memory_space<vmem>> -> memref<1x128xi32, #tpu.memory_space<vmem>>
      %dma_wait3A_250 = tpu.memref_squeeze %dma_wait3A_249 : memref<1x128xi32, #tpu.memory_space<vmem>> -> memref<128xi32, #tpu.memory_space<vmem>>
      %dma_wait3A_251 = arith.constant 0 : i32
      %dma_wait3A_252 = arith.constant 0 : i32
      %dma_wait3A_253 = tpu.memref_slice %arg2[%dma_wait3A_251, %dma_wait3A_252] : memref<10128x64xf32, #tpu.memory_space<hbm>> -> memref<10128x64xf32, #tpu.memory_space<hbm>>
      tpu.wait_indirect_dma semaphore(%arg11 : memref<!tpu.dma_semaphore, #tpu.memory_space<semaphore_mem>>) src(%dma_wait3A_253 : memref<10128x64xf32, #tpu.memory_space<hbm>>) dst(%arg9 : memref<128x64xf32, #tpu.memory_space<vmem>>)
      %dma_wait3A_254 = arith.constant 0 : i32
      %dma_wait3A_255 = tpu.memref_slice %arg8[%add3A_233, %dma_wait3A_254] : memref<40x128xi32, #tpu.memory_space<vmem>> -> memref<1x128xi32, #tpu.memory_space<vmem>>
      %dma_wait3A_256 = tpu.memref_squeeze %dma_wait3A_255 : memref<1x128xi32, #tpu.memory_space<vmem>> -> memref<128xi32, #tpu.memory_space<vmem>>
      %dma_wait3A_257 = arith.constant 0 : i32
      %dma_wait3A_258 = arith.constant 0 : i32
      %dma_wait3A_259 = tpu.memref_slice %arg13[%dma_wait3A_257, %dma_wait3A_258] : memref<10128x64xf32, #tpu.memory_space<vmem_shared>> -> memref<10128x64xf32, #tpu.memory_space<vmem_shared>>
      tpu.wait_indirect_dma semaphore(%arg12 : memref<!tpu.dma_semaphore, #tpu.memory_space<semaphore_mem>>) src(%arg10 : memref<128x64xf32, #tpu.memory_space<vmem>>) dst(%dma_wait3A_259 : memref<10128x64xf32, #tpu.memory_space<vmem_shared>>)
      %add3A_260 = arith.constant 8 : i32
      %add3A_261 = arith.addi %mul3A_23, %add3A_260 : i32
      %dma_start3A_262 = arith.constant 0 : i32
      %dma_start3A_263 = tpu.memref_slice %arg8[%add3A_261, %dma_start3A_262] : memref<40x128xi32, #tpu.memory_space<vmem>> -> memref<1x128xi32, #tpu.memory_space<vmem>>
      %dma_start3A_264 = tpu.memref_squeeze %dma_start3A_263 : memref<1x128xi32, #tpu.memory_space<vmem>> -> memref<128xi32, #tpu.memory_space<vmem>>
      %dma_start3A_265 = arith.constant 0 : i32
      %dma_start3A_266 = arith.constant 0 : i32
      %dma_start3A_267 = tpu.memref_slice %arg13[%dma_start3A_265, %dma_start3A_266] : memref<10128x64xf32, #tpu.memory_space<vmem_shared>> -> memref<10128x64xf32, #tpu.memory_space<vmem_shared>>
      tpu.enqueue_indirect_dma source(%arg9 : memref<128x64xf32, #tpu.memory_space<vmem>>) target(%dma_start3A_267 : memref<10128x64xf32, #tpu.memory_space<vmem_shared>>) offsets(%dma_start3A_264 : memref<128xi32, #tpu.memory_space<vmem>>) semaphore(%arg12 : memref<!tpu.dma_semaphore, #tpu.memory_space<semaphore_mem>>) {add = true}
      %add3A_268 = arith.constant 9 : i32
      %add3A_269 = arith.addi %mul3A_23, %add3A_268 : i32
      %dma_start3A_270 = arith.constant 0 : i32
      %dma_start3A_271 = tpu.memref_slice %arg7[%add3A_269, %dma_start3A_270] : memref<40x128xi32, #tpu.memory_space<vmem>> -> memref<1x128xi32, #tpu.memory_space<vmem>>
      %dma_start3A_272 = tpu.memref_squeeze %dma_start3A_271 : memref<1x128xi32, #tpu.memory_space<vmem>> -> memref<128xi32, #tpu.memory_space<vmem>>
      %dma_start3A_273 = arith.constant 0 : i32
      %dma_start3A_274 = arith.constant 0 : i32
      %dma_start3A_275 = tpu.memref_slice %arg2[%dma_start3A_273, %dma_start3A_274] : memref<10128x64xf32, #tpu.memory_space<hbm>> -> memref<10128x64xf32, #tpu.memory_space<hbm>>
      tpu.enqueue_indirect_dma source(%dma_start3A_275 : memref<10128x64xf32, #tpu.memory_space<hbm>>) target(%arg10 : memref<128x64xf32, #tpu.memory_space<vmem>>) offsets(%dma_start3A_272 : memref<128xi32, #tpu.memory_space<vmem>>) semaphore(%arg11 : memref<!tpu.dma_semaphore, #tpu.memory_space<semaphore_mem>>)
      %dma_wait3A_276 = arith.constant 0 : i32
      %dma_wait3A_277 = tpu.memref_slice %arg7[%add3A_269, %dma_wait3A_276] : memref<40x128xi32, #tpu.memory_space<vmem>> -> memref<1x128xi32, #tpu.memory_space<vmem>>
      %dma_wait3A_278 = tpu.memref_squeeze %dma_wait3A_277 : memref<1x128xi32, #tpu.memory_space<vmem>> -> memref<128xi32, #tpu.memory_space<vmem>>
      %dma_wait3A_279 = arith.constant 0 : i32
      %dma_wait3A_280 = arith.constant 0 : i32
      %dma_wait3A_281 = tpu.memref_slice %arg2[%dma_wait3A_279, %dma_wait3A_280] : memref<10128x64xf32, #tpu.memory_space<hbm>> -> memref<10128x64xf32, #tpu.memory_space<hbm>>
      tpu.wait_indirect_dma semaphore(%arg11 : memref<!tpu.dma_semaphore, #tpu.memory_space<semaphore_mem>>) src(%dma_wait3A_281 : memref<10128x64xf32, #tpu.memory_space<hbm>>) dst(%arg10 : memref<128x64xf32, #tpu.memory_space<vmem>>)
      %dma_wait3A_282 = arith.constant 0 : i32
      %dma_wait3A_283 = tpu.memref_slice %arg8[%add3A_261, %dma_wait3A_282] : memref<40x128xi32, #tpu.memory_space<vmem>> -> memref<1x128xi32, #tpu.memory_space<vmem>>
      %dma_wait3A_284 = tpu.memref_squeeze %dma_wait3A_283 : memref<1x128xi32, #tpu.memory_space<vmem>> -> memref<128xi32, #tpu.memory_space<vmem>>
      %dma_wait3A_285 = arith.constant 0 : i32
      %dma_wait3A_286 = arith.constant 0 : i32
      %dma_wait3A_287 = tpu.memref_slice %arg13[%dma_wait3A_285, %dma_wait3A_286] : memref<10128x64xf32, #tpu.memory_space<vmem_shared>> -> memref<10128x64xf32, #tpu.memory_space<vmem_shared>>
      tpu.wait_indirect_dma semaphore(%arg12 : memref<!tpu.dma_semaphore, #tpu.memory_space<semaphore_mem>>) src(%arg9 : memref<128x64xf32, #tpu.memory_space<vmem>>) dst(%dma_wait3A_287 : memref<10128x64xf32, #tpu.memory_space<vmem_shared>>)
      %add3A_288 = arith.constant 9 : i32
      %add3A_289 = arith.addi %mul3A_23, %add3A_288 : i32
      %dma_start3A_290 = arith.constant 0 : i32
      %dma_start3A_291 = tpu.memref_slice %arg8[%add3A_289, %dma_start3A_290] : memref<40x128xi32, #tpu.memory_space<vmem>> -> memref<1x128xi32, #tpu.memory_space<vmem>>
      %dma_start3A_292 = tpu.memref_squeeze %dma_start3A_291 : memref<1x128xi32, #tpu.memory_space<vmem>> -> memref<128xi32, #tpu.memory_space<vmem>>
      %dma_start3A_293 = arith.constant 0 : i32
      %dma_start3A_294 = arith.constant 0 : i32
      %dma_start3A_295 = tpu.memref_slice %arg13[%dma_start3A_293, %dma_start3A_294] : memref<10128x64xf32, #tpu.memory_space<vmem_shared>> -> memref<10128x64xf32, #tpu.memory_space<vmem_shared>>
      tpu.enqueue_indirect_dma source(%arg10 : memref<128x64xf32, #tpu.memory_space<vmem>>) target(%dma_start3A_295 : memref<10128x64xf32, #tpu.memory_space<vmem_shared>>) offsets(%dma_start3A_292 : memref<128xi32, #tpu.memory_space<vmem>>) semaphore(%arg12 : memref<!tpu.dma_semaphore, #tpu.memory_space<semaphore_mem>>) {add = true}
      %add3A_296 = arith.constant 10 : i32
      %add3A_297 = arith.addi %mul3A_23, %add3A_296 : i32
      %dma_start3A_298 = arith.constant 0 : i32
      %dma_start3A_299 = tpu.memref_slice %arg7[%add3A_297, %dma_start3A_298] : memref<40x128xi32, #tpu.memory_space<vmem>> -> memref<1x128xi32, #tpu.memory_space<vmem>>
      %dma_start3A_300 = tpu.memref_squeeze %dma_start3A_299 : memref<1x128xi32, #tpu.memory_space<vmem>> -> memref<128xi32, #tpu.memory_space<vmem>>
      %dma_start3A_301 = arith.constant 0 : i32
      %dma_start3A_302 = arith.constant 0 : i32
      %dma_start3A_303 = tpu.memref_slice %arg2[%dma_start3A_301, %dma_start3A_302] : memref<10128x64xf32, #tpu.memory_space<hbm>> -> memref<10128x64xf32, #tpu.memory_space<hbm>>
      tpu.enqueue_indirect_dma source(%dma_start3A_303 : memref<10128x64xf32, #tpu.memory_space<hbm>>) target(%arg9 : memref<128x64xf32, #tpu.memory_space<vmem>>) offsets(%dma_start3A_300 : memref<128xi32, #tpu.memory_space<vmem>>) semaphore(%arg11 : memref<!tpu.dma_semaphore, #tpu.memory_space<semaphore_mem>>)
      %dma_wait3A_304 = arith.constant 0 : i32
      %dma_wait3A_305 = tpu.memref_slice %arg7[%add3A_297, %dma_wait3A_304] : memref<40x128xi32, #tpu.memory_space<vmem>> -> memref<1x128xi32, #tpu.memory_space<vmem>>
      %dma_wait3A_306 = tpu.memref_squeeze %dma_wait3A_305 : memref<1x128xi32, #tpu.memory_space<vmem>> -> memref<128xi32, #tpu.memory_space<vmem>>
      %dma_wait3A_307 = arith.constant 0 : i32
      %dma_wait3A_308 = arith.constant 0 : i32
      %dma_wait3A_309 = tpu.memref_slice %arg2[%dma_wait3A_307, %dma_wait3A_308] : memref<10128x64xf32, #tpu.memory_space<hbm>> -> memref<10128x64xf32, #tpu.memory_space<hbm>>
      tpu.wait_indirect_dma semaphore(%arg11 : memref<!tpu.dma_semaphore, #tpu.memory_space<semaphore_mem>>) src(%dma_wait3A_309 : memref<10128x64xf32, #tpu.memory_space<hbm>>) dst(%arg9 : memref<128x64xf32, #tpu.memory_space<vmem>>)
      %dma_wait3A_310 = arith.constant 0 : i32
      %dma_wait3A_311 = tpu.memref_slice %arg8[%add3A_289, %dma_wait3A_310] : memref<40x128xi32, #tpu.memory_space<vmem>> -> memref<1x128xi32, #tpu.memory_space<vmem>>
      %dma_wait3A_312 = tpu.memref_squeeze %dma_wait3A_311 : memref<1x128xi32, #tpu.memory_space<vmem>> -> memref<128xi32, #tpu.memory_space<vmem>>
      %dma_wait3A_313 = arith.constant 0 : i32
      %dma_wait3A_314 = arith.constant 0 : i32
      %dma_wait3A_315 = tpu.memref_slice %arg13[%dma_wait3A_313, %dma_wait3A_314] : memref<10128x64xf32, #tpu.memory_space<vmem_shared>> -> memref<10128x64xf32, #tpu.memory_space<vmem_shared>>
      tpu.wait_indirect_dma semaphore(%arg12 : memref<!tpu.dma_semaphore, #tpu.memory_space<semaphore_mem>>) src(%arg10 : memref<128x64xf32, #tpu.memory_space<vmem>>) dst(%dma_wait3A_315 : memref<10128x64xf32, #tpu.memory_space<vmem_shared>>)
      %add3A_316 = arith.constant 10 : i32
      %add3A_317 = arith.addi %mul3A_23, %add3A_316 : i32
      %dma_start3A_318 = arith.constant 0 : i32
      %dma_start3A_319 = tpu.memref_slice %arg8[%add3A_317, %dma_start3A_318] : memref<40x128xi32, #tpu.memory_space<vmem>> -> memref<1x128xi32, #tpu.memory_space<vmem>>
      %dma_start3A_320 = tpu.memref_squeeze %dma_start3A_319 : memref<1x128xi32, #tpu.memory_space<vmem>> -> memref<128xi32, #tpu.memory_space<vmem>>
      %dma_start3A_321 = arith.constant 0 : i32
      %dma_start3A_322 = arith.constant 0 : i32
      %dma_start3A_323 = tpu.memref_slice %arg13[%dma_start3A_321, %dma_start3A_322] : memref<10128x64xf32, #tpu.memory_space<vmem_shared>> -> memref<10128x64xf32, #tpu.memory_space<vmem_shared>>
      tpu.enqueue_indirect_dma source(%arg9 : memref<128x64xf32, #tpu.memory_space<vmem>>) target(%dma_start3A_323 : memref<10128x64xf32, #tpu.memory_space<vmem_shared>>) offsets(%dma_start3A_320 : memref<128xi32, #tpu.memory_space<vmem>>) semaphore(%arg12 : memref<!tpu.dma_semaphore, #tpu.memory_space<semaphore_mem>>) {add = true}
      %add3A_324 = arith.constant 11 : i32
      %add3A_325 = arith.addi %mul3A_23, %add3A_324 : i32
      %dma_start3A_326 = arith.constant 0 : i32
      %dma_start3A_327 = tpu.memref_slice %arg7[%add3A_325, %dma_start3A_326] : memref<40x128xi32, #tpu.memory_space<vmem>> -> memref<1x128xi32, #tpu.memory_space<vmem>>
      %dma_start3A_328 = tpu.memref_squeeze %dma_start3A_327 : memref<1x128xi32, #tpu.memory_space<vmem>> -> memref<128xi32, #tpu.memory_space<vmem>>
      %dma_start3A_329 = arith.constant 0 : i32
      %dma_start3A_330 = arith.constant 0 : i32
      %dma_start3A_331 = tpu.memref_slice %arg2[%dma_start3A_329, %dma_start3A_330] : memref<10128x64xf32, #tpu.memory_space<hbm>> -> memref<10128x64xf32, #tpu.memory_space<hbm>>
      tpu.enqueue_indirect_dma source(%dma_start3A_331 : memref<10128x64xf32, #tpu.memory_space<hbm>>) target(%arg10 : memref<128x64xf32, #tpu.memory_space<vmem>>) offsets(%dma_start3A_328 : memref<128xi32, #tpu.memory_space<vmem>>) semaphore(%arg11 : memref<!tpu.dma_semaphore, #tpu.memory_space<semaphore_mem>>)
      %dma_wait3A_332 = arith.constant 0 : i32
      %dma_wait3A_333 = tpu.memref_slice %arg7[%add3A_325, %dma_wait3A_332] : memref<40x128xi32, #tpu.memory_space<vmem>> -> memref<1x128xi32, #tpu.memory_space<vmem>>
      %dma_wait3A_334 = tpu.memref_squeeze %dma_wait3A_333 : memref<1x128xi32, #tpu.memory_space<vmem>> -> memref<128xi32, #tpu.memory_space<vmem>>
      %dma_wait3A_335 = arith.constant 0 : i32
      %dma_wait3A_336 = arith.constant 0 : i32
      %dma_wait3A_337 = tpu.memref_slice %arg2[%dma_wait3A_335, %dma_wait3A_336] : memref<10128x64xf32, #tpu.memory_space<hbm>> -> memref<10128x64xf32, #tpu.memory_space<hbm>>
      tpu.wait_indirect_dma semaphore(%arg11 : memref<!tpu.dma_semaphore, #tpu.memory_space<semaphore_mem>>) src(%dma_wait3A_337 : memref<10128x64xf32, #tpu.memory_space<hbm>>) dst(%arg10 : memref<128x64xf32, #tpu.memory_space<vmem>>)
      %dma_wait3A_338 = arith.constant 0 : i32
      %dma_wait3A_339 = tpu.memref_slice %arg8[%add3A_317, %dma_wait3A_338] : memref<40x128xi32, #tpu.memory_space<vmem>> -> memref<1x128xi32, #tpu.memory_space<vmem>>
      %dma_wait3A_340 = tpu.memref_squeeze %dma_wait3A_339 : memref<1x128xi32, #tpu.memory_space<vmem>> -> memref<128xi32, #tpu.memory_space<vmem>>
      %dma_wait3A_341 = arith.constant 0 : i32
      %dma_wait3A_342 = arith.constant 0 : i32
      %dma_wait3A_343 = tpu.memref_slice %arg13[%dma_wait3A_341, %dma_wait3A_342] : memref<10128x64xf32, #tpu.memory_space<vmem_shared>> -> memref<10128x64xf32, #tpu.memory_space<vmem_shared>>
      tpu.wait_indirect_dma semaphore(%arg12 : memref<!tpu.dma_semaphore, #tpu.memory_space<semaphore_mem>>) src(%arg9 : memref<128x64xf32, #tpu.memory_space<vmem>>) dst(%dma_wait3A_343 : memref<10128x64xf32, #tpu.memory_space<vmem_shared>>)
      %add3A_344 = arith.constant 11 : i32
      %add3A_345 = arith.addi %mul3A_23, %add3A_344 : i32
      %dma_start3A_346 = arith.constant 0 : i32
      %dma_start3A_347 = tpu.memref_slice %arg8[%add3A_345, %dma_start3A_346] : memref<40x128xi32, #tpu.memory_space<vmem>> -> memref<1x128xi32, #tpu.memory_space<vmem>>
      %dma_start3A_348 = tpu.memref_squeeze %dma_start3A_347 : memref<1x128xi32, #tpu.memory_space<vmem>> -> memref<128xi32, #tpu.memory_space<vmem>>
      %dma_start3A_349 = arith.constant 0 : i32
      %dma_start3A_350 = arith.constant 0 : i32
      %dma_start3A_351 = tpu.memref_slice %arg13[%dma_start3A_349, %dma_start3A_350] : memref<10128x64xf32, #tpu.memory_space<vmem_shared>> -> memref<10128x64xf32, #tpu.memory_space<vmem_shared>>
      tpu.enqueue_indirect_dma source(%arg10 : memref<128x64xf32, #tpu.memory_space<vmem>>) target(%dma_start3A_351 : memref<10128x64xf32, #tpu.memory_space<vmem_shared>>) offsets(%dma_start3A_348 : memref<128xi32, #tpu.memory_space<vmem>>) semaphore(%arg12 : memref<!tpu.dma_semaphore, #tpu.memory_space<semaphore_mem>>) {add = true}
      %add3A_352 = arith.constant 12 : i32
      %add3A_353 = arith.addi %mul3A_23, %add3A_352 : i32
      %dma_start3A_354 = arith.constant 0 : i32
      %dma_start3A_355 = tpu.memref_slice %arg7[%add3A_353, %dma_start3A_354] : memref<40x128xi32, #tpu.memory_space<vmem>> -> memref<1x128xi32, #tpu.memory_space<vmem>>
      %dma_start3A_356 = tpu.memref_squeeze %dma_start3A_355 : memref<1x128xi32, #tpu.memory_space<vmem>> -> memref<128xi32, #tpu.memory_space<vmem>>
      %dma_start3A_357 = arith.constant 0 : i32
      %dma_start3A_358 = arith.constant 0 : i32
      %dma_start3A_359 = tpu.memref_slice %arg2[%dma_start3A_357, %dma_start3A_358] : memref<10128x64xf32, #tpu.memory_space<hbm>> -> memref<10128x64xf32, #tpu.memory_space<hbm>>
      tpu.enqueue_indirect_dma source(%dma_start3A_359 : memref<10128x64xf32, #tpu.memory_space<hbm>>) target(%arg9 : memref<128x64xf32, #tpu.memory_space<vmem>>) offsets(%dma_start3A_356 : memref<128xi32, #tpu.memory_space<vmem>>) semaphore(%arg11 : memref<!tpu.dma_semaphore, #tpu.memory_space<semaphore_mem>>)
      %dma_wait3A_360 = arith.constant 0 : i32
      %dma_wait3A_361 = tpu.memref_slice %arg7[%add3A_353, %dma_wait3A_360] : memref<40x128xi32, #tpu.memory_space<vmem>> -> memref<1x128xi32, #tpu.memory_space<vmem>>
      %dma_wait3A_362 = tpu.memref_squeeze %dma_wait3A_361 : memref<1x128xi32, #tpu.memory_space<vmem>> -> memref<128xi32, #tpu.memory_space<vmem>>
      %dma_wait3A_363 = arith.constant 0 : i32
      %dma_wait3A_364 = arith.constant 0 : i32
      %dma_wait3A_365 = tpu.memref_slice %arg2[%dma_wait3A_363, %dma_wait3A_364] : memref<10128x64xf32, #tpu.memory_space<hbm>> -> memref<10128x64xf32, #tpu.memory_space<hbm>>
      tpu.wait_indirect_dma semaphore(%arg11 : memref<!tpu.dma_semaphore, #tpu.memory_space<semaphore_mem>>) src(%dma_wait3A_365 : memref<10128x64xf32, #tpu.memory_space<hbm>>) dst(%arg9 : memref<128x64xf32, #tpu.memory_space<vmem>>)
      %dma_wait3A_366 = arith.constant 0 : i32
      %dma_wait3A_367 = tpu.memref_slice %arg8[%add3A_345, %dma_wait3A_366] : memref<40x128xi32, #tpu.memory_space<vmem>> -> memref<1x128xi32, #tpu.memory_space<vmem>>
      %dma_wait3A_368 = tpu.memref_squeeze %dma_wait3A_367 : memref<1x128xi32, #tpu.memory_space<vmem>> -> memref<128xi32, #tpu.memory_space<vmem>>
      %dma_wait3A_369 = arith.constant 0 : i32
      %dma_wait3A_370 = arith.constant 0 : i32
      %dma_wait3A_371 = tpu.memref_slice %arg13[%dma_wait3A_369, %dma_wait3A_370] : memref<10128x64xf32, #tpu.memory_space<vmem_shared>> -> memref<10128x64xf32, #tpu.memory_space<vmem_shared>>
      tpu.wait_indirect_dma semaphore(%arg12 : memref<!tpu.dma_semaphore, #tpu.memory_space<semaphore_mem>>) src(%arg10 : memref<128x64xf32, #tpu.memory_space<vmem>>) dst(%dma_wait3A_371 : memref<10128x64xf32, #tpu.memory_space<vmem_shared>>)
      %add3A_372 = arith.constant 12 : i32
      %add3A_373 = arith.addi %mul3A_23, %add3A_372 : i32
      %dma_start3A_374 = arith.constant 0 : i32
      %dma_start3A_375 = tpu.memref_slice %arg8[%add3A_373, %dma_start3A_374] : memref<40x128xi32, #tpu.memory_space<vmem>> -> memref<1x128xi32, #tpu.memory_space<vmem>>
      %dma_start3A_376 = tpu.memref_squeeze %dma_start3A_375 : memref<1x128xi32, #tpu.memory_space<vmem>> -> memref<128xi32, #tpu.memory_space<vmem>>
      %dma_start3A_377 = arith.constant 0 : i32
      %dma_start3A_378 = arith.constant 0 : i32
      %dma_start3A_379 = tpu.memref_slice %arg13[%dma_start3A_377, %dma_start3A_378] : memref<10128x64xf32, #tpu.memory_space<vmem_shared>> -> memref<10128x64xf32, #tpu.memory_space<vmem_shared>>
      tpu.enqueue_indirect_dma source(%arg9 : memref<128x64xf32, #tpu.memory_space<vmem>>) target(%dma_start3A_379 : memref<10128x64xf32, #tpu.memory_space<vmem_shared>>) offsets(%dma_start3A_376 : memref<128xi32, #tpu.memory_space<vmem>>) semaphore(%arg12 : memref<!tpu.dma_semaphore, #tpu.memory_space<semaphore_mem>>) {add = true}
      %add3A_380 = arith.constant 13 : i32
      %add3A_381 = arith.addi %mul3A_23, %add3A_380 : i32
      %dma_start3A_382 = arith.constant 0 : i32
      %dma_start3A_383 = tpu.memref_slice %arg7[%add3A_381, %dma_start3A_382] : memref<40x128xi32, #tpu.memory_space<vmem>> -> memref<1x128xi32, #tpu.memory_space<vmem>>
      %dma_start3A_384 = tpu.memref_squeeze %dma_start3A_383 : memref<1x128xi32, #tpu.memory_space<vmem>> -> memref<128xi32, #tpu.memory_space<vmem>>
      %dma_start3A_385 = arith.constant 0 : i32
      %dma_start3A_386 = arith.constant 0 : i32
      %dma_start3A_387 = tpu.memref_slice %arg2[%dma_start3A_385, %dma_start3A_386] : memref<10128x64xf32, #tpu.memory_space<hbm>> -> memref<10128x64xf32, #tpu.memory_space<hbm>>
      tpu.enqueue_indirect_dma source(%dma_start3A_387 : memref<10128x64xf32, #tpu.memory_space<hbm>>) target(%arg10 : memref<128x64xf32, #tpu.memory_space<vmem>>) offsets(%dma_start3A_384 : memref<128xi32, #tpu.memory_space<vmem>>) semaphore(%arg11 : memref<!tpu.dma_semaphore, #tpu.memory_space<semaphore_mem>>)
      %dma_wait3A_388 = arith.constant 0 : i32
      %dma_wait3A_389 = tpu.memref_slice %arg7[%add3A_381, %dma_wait3A_388] : memref<40x128xi32, #tpu.memory_space<vmem>> -> memref<1x128xi32, #tpu.memory_space<vmem>>
      %dma_wait3A_390 = tpu.memref_squeeze %dma_wait3A_389 : memref<1x128xi32, #tpu.memory_space<vmem>> -> memref<128xi32, #tpu.memory_space<vmem>>
      %dma_wait3A_391 = arith.constant 0 : i32
      %dma_wait3A_392 = arith.constant 0 : i32
      %dma_wait3A_393 = tpu.memref_slice %arg2[%dma_wait3A_391, %dma_wait3A_392] : memref<10128x64xf32, #tpu.memory_space<hbm>> -> memref<10128x64xf32, #tpu.memory_space<hbm>>
      tpu.wait_indirect_dma semaphore(%arg11 : memref<!tpu.dma_semaphore, #tpu.memory_space<semaphore_mem>>) src(%dma_wait3A_393 : memref<10128x64xf32, #tpu.memory_space<hbm>>) dst(%arg10 : memref<128x64xf32, #tpu.memory_space<vmem>>)
      %dma_wait3A_394 = arith.constant 0 : i32
      %dma_wait3A_395 = tpu.memref_slice %arg8[%add3A_373, %dma_wait3A_394] : memref<40x128xi32, #tpu.memory_space<vmem>> -> memref<1x128xi32, #tpu.memory_space<vmem>>
      %dma_wait3A_396 = tpu.memref_squeeze %dma_wait3A_395 : memref<1x128xi32, #tpu.memory_space<vmem>> -> memref<128xi32, #tpu.memory_space<vmem>>
      %dma_wait3A_397 = arith.constant 0 : i32
      %dma_wait3A_398 = arith.constant 0 : i32
      %dma_wait3A_399 = tpu.memref_slice %arg13[%dma_wait3A_397, %dma_wait3A_398] : memref<10128x64xf32, #tpu.memory_space<vmem_shared>> -> memref<10128x64xf32, #tpu.memory_space<vmem_shared>>
      tpu.wait_indirect_dma semaphore(%arg12 : memref<!tpu.dma_semaphore, #tpu.memory_space<semaphore_mem>>) src(%arg9 : memref<128x64xf32, #tpu.memory_space<vmem>>) dst(%dma_wait3A_399 : memref<10128x64xf32, #tpu.memory_space<vmem_shared>>)
      %add3A_400 = arith.constant 13 : i32
      %add3A_401 = arith.addi %mul3A_23, %add3A_400 : i32
      %dma_start3A_402 = arith.constant 0 : i32
      %dma_start3A_403 = tpu.memref_slice %arg8[%add3A_401, %dma_start3A_402] : memref<40x128xi32, #tpu.memory_space<vmem>> -> memref<1x128xi32, #tpu.memory_space<vmem>>
      %dma_start3A_404 = tpu.memref_squeeze %dma_start3A_403 : memref<1x128xi32, #tpu.memory_space<vmem>> -> memref<128xi32, #tpu.memory_space<vmem>>
      %dma_start3A_405 = arith.constant 0 : i32
      %dma_start3A_406 = arith.constant 0 : i32
      %dma_start3A_407 = tpu.memref_slice %arg13[%dma_start3A_405, %dma_start3A_406] : memref<10128x64xf32, #tpu.memory_space<vmem_shared>> -> memref<10128x64xf32, #tpu.memory_space<vmem_shared>>
      tpu.enqueue_indirect_dma source(%arg10 : memref<128x64xf32, #tpu.memory_space<vmem>>) target(%dma_start3A_407 : memref<10128x64xf32, #tpu.memory_space<vmem_shared>>) offsets(%dma_start3A_404 : memref<128xi32, #tpu.memory_space<vmem>>) semaphore(%arg12 : memref<!tpu.dma_semaphore, #tpu.memory_space<semaphore_mem>>) {add = true}
      %add3A_408 = arith.constant 14 : i32
      %add3A_409 = arith.addi %mul3A_23, %add3A_408 : i32
      %dma_start3A_410 = arith.constant 0 : i32
      %dma_start3A_411 = tpu.memref_slice %arg7[%add3A_409, %dma_start3A_410] : memref<40x128xi32, #tpu.memory_space<vmem>> -> memref<1x128xi32, #tpu.memory_space<vmem>>
      %dma_start3A_412 = tpu.memref_squeeze %dma_start3A_411 : memref<1x128xi32, #tpu.memory_space<vmem>> -> memref<128xi32, #tpu.memory_space<vmem>>
      %dma_start3A_413 = arith.constant 0 : i32
      %dma_start3A_414 = arith.constant 0 : i32
      %dma_start3A_415 = tpu.memref_slice %arg2[%dma_start3A_413, %dma_start3A_414] : memref<10128x64xf32, #tpu.memory_space<hbm>> -> memref<10128x64xf32, #tpu.memory_space<hbm>>
      tpu.enqueue_indirect_dma source(%dma_start3A_415 : memref<10128x64xf32, #tpu.memory_space<hbm>>) target(%arg9 : memref<128x64xf32, #tpu.memory_space<vmem>>) offsets(%dma_start3A_412 : memref<128xi32, #tpu.memory_space<vmem>>) semaphore(%arg11 : memref<!tpu.dma_semaphore, #tpu.memory_space<semaphore_mem>>)
      %dma_wait3A_416 = arith.constant 0 : i32
      %dma_wait3A_417 = tpu.memref_slice %arg7[%add3A_409, %dma_wait3A_416] : memref<40x128xi32, #tpu.memory_space<vmem>> -> memref<1x128xi32, #tpu.memory_space<vmem>>
      %dma_wait3A_418 = tpu.memref_squeeze %dma_wait3A_417 : memref<1x128xi32, #tpu.memory_space<vmem>> -> memref<128xi32, #tpu.memory_space<vmem>>
      %dma_wait3A_419 = arith.constant 0 : i32
      %dma_wait3A_420 = arith.constant 0 : i32
      %dma_wait3A_421 = tpu.memref_slice %arg2[%dma_wait3A_419, %dma_wait3A_420] : memref<10128x64xf32, #tpu.memory_space<hbm>> -> memref<10128x64xf32, #tpu.memory_space<hbm>>
      tpu.wait_indirect_dma semaphore(%arg11 : memref<!tpu.dma_semaphore, #tpu.memory_space<semaphore_mem>>) src(%dma_wait3A_421 : memref<10128x64xf32, #tpu.memory_space<hbm>>) dst(%arg9 : memref<128x64xf32, #tpu.memory_space<vmem>>)
      %dma_wait3A_422 = arith.constant 0 : i32
      %dma_wait3A_423 = tpu.memref_slice %arg8[%add3A_401, %dma_wait3A_422] : memref<40x128xi32, #tpu.memory_space<vmem>> -> memref<1x128xi32, #tpu.memory_space<vmem>>
      %dma_wait3A_424 = tpu.memref_squeeze %dma_wait3A_423 : memref<1x128xi32, #tpu.memory_space<vmem>> -> memref<128xi32, #tpu.memory_space<vmem>>
      %dma_wait3A_425 = arith.constant 0 : i32
      %dma_wait3A_426 = arith.constant 0 : i32
      %dma_wait3A_427 = tpu.memref_slice %arg13[%dma_wait3A_425, %dma_wait3A_426] : memref<10128x64xf32, #tpu.memory_space<vmem_shared>> -> memref<10128x64xf32, #tpu.memory_space<vmem_shared>>
      tpu.wait_indirect_dma semaphore(%arg12 : memref<!tpu.dma_semaphore, #tpu.memory_space<semaphore_mem>>) src(%arg10 : memref<128x64xf32, #tpu.memory_space<vmem>>) dst(%dma_wait3A_427 : memref<10128x64xf32, #tpu.memory_space<vmem_shared>>)
      %add3A_428 = arith.constant 14 : i32
      %add3A_429 = arith.addi %mul3A_23, %add3A_428 : i32
      %dma_start3A_430 = arith.constant 0 : i32
      %dma_start3A_431 = tpu.memref_slice %arg8[%add3A_429, %dma_start3A_430] : memref<40x128xi32, #tpu.memory_space<vmem>> -> memref<1x128xi32, #tpu.memory_space<vmem>>
      %dma_start3A_432 = tpu.memref_squeeze %dma_start3A_431 : memref<1x128xi32, #tpu.memory_space<vmem>> -> memref<128xi32, #tpu.memory_space<vmem>>
      %dma_start3A_433 = arith.constant 0 : i32
      %dma_start3A_434 = arith.constant 0 : i32
      %dma_start3A_435 = tpu.memref_slice %arg13[%dma_start3A_433, %dma_start3A_434] : memref<10128x64xf32, #tpu.memory_space<vmem_shared>> -> memref<10128x64xf32, #tpu.memory_space<vmem_shared>>
      tpu.enqueue_indirect_dma source(%arg9 : memref<128x64xf32, #tpu.memory_space<vmem>>) target(%dma_start3A_435 : memref<10128x64xf32, #tpu.memory_space<vmem_shared>>) offsets(%dma_start3A_432 : memref<128xi32, #tpu.memory_space<vmem>>) semaphore(%arg12 : memref<!tpu.dma_semaphore, #tpu.memory_space<semaphore_mem>>) {add = true}
      %add3A_436 = arith.constant 15 : i32
      %add3A_437 = arith.addi %mul3A_23, %add3A_436 : i32
      %dma_start3A_438 = arith.constant 0 : i32
      %dma_start3A_439 = tpu.memref_slice %arg7[%add3A_437, %dma_start3A_438] : memref<40x128xi32, #tpu.memory_space<vmem>> -> memref<1x128xi32, #tpu.memory_space<vmem>>
      %dma_start3A_440 = tpu.memref_squeeze %dma_start3A_439 : memref<1x128xi32, #tpu.memory_space<vmem>> -> memref<128xi32, #tpu.memory_space<vmem>>
      %dma_start3A_441 = arith.constant 0 : i32
      %dma_start3A_442 = arith.constant 0 : i32
      %dma_start3A_443 = tpu.memref_slice %arg2[%dma_start3A_441, %dma_start3A_442] : memref<10128x64xf32, #tpu.memory_space<hbm>> -> memref<10128x64xf32, #tpu.memory_space<hbm>>
      tpu.enqueue_indirect_dma source(%dma_start3A_443 : memref<10128x64xf32, #tpu.memory_space<hbm>>) target(%arg10 : memref<128x64xf32, #tpu.memory_space<vmem>>) offsets(%dma_start3A_440 : memref<128xi32, #tpu.memory_space<vmem>>) semaphore(%arg11 : memref<!tpu.dma_semaphore, #tpu.memory_space<semaphore_mem>>)
      %dma_wait3A_444 = arith.constant 0 : i32
      %dma_wait3A_445 = tpu.memref_slice %arg7[%add3A_437, %dma_wait3A_444] : memref<40x128xi32, #tpu.memory_space<vmem>> -> memref<1x128xi32, #tpu.memory_space<vmem>>
      %dma_wait3A_446 = tpu.memref_squeeze %dma_wait3A_445 : memref<1x128xi32, #tpu.memory_space<vmem>> -> memref<128xi32, #tpu.memory_space<vmem>>
      %dma_wait3A_447 = arith.constant 0 : i32
      %dma_wait3A_448 = arith.constant 0 : i32
      %dma_wait3A_449 = tpu.memref_slice %arg2[%dma_wait3A_447, %dma_wait3A_448] : memref<10128x64xf32, #tpu.memory_space<hbm>> -> memref<10128x64xf32, #tpu.memory_space<hbm>>
      tpu.wait_indirect_dma semaphore(%arg11 : memref<!tpu.dma_semaphore, #tpu.memory_space<semaphore_mem>>) src(%dma_wait3A_449 : memref<10128x64xf32, #tpu.memory_space<hbm>>) dst(%arg10 : memref<128x64xf32, #tpu.memory_space<vmem>>)
      %dma_wait3A_450 = arith.constant 0 : i32
      %dma_wait3A_451 = tpu.memref_slice %arg8[%add3A_429, %dma_wait3A_450] : memref<40x128xi32, #tpu.memory_space<vmem>> -> memref<1x128xi32, #tpu.memory_space<vmem>>
      %dma_wait3A_452 = tpu.memref_squeeze %dma_wait3A_451 : memref<1x128xi32, #tpu.memory_space<vmem>> -> memref<128xi32, #tpu.memory_space<vmem>>
      %dma_wait3A_453 = arith.constant 0 : i32
      %dma_wait3A_454 = arith.constant 0 : i32
      %dma_wait3A_455 = tpu.memref_slice %arg13[%dma_wait3A_453, %dma_wait3A_454] : memref<10128x64xf32, #tpu.memory_space<vmem_shared>> -> memref<10128x64xf32, #tpu.memory_space<vmem_shared>>
      tpu.wait_indirect_dma semaphore(%arg12 : memref<!tpu.dma_semaphore, #tpu.memory_space<semaphore_mem>>) src(%arg9 : memref<128x64xf32, #tpu.memory_space<vmem>>) dst(%dma_wait3A_455 : memref<10128x64xf32, #tpu.memory_space<vmem_shared>>)
      %add3A_456 = arith.constant 15 : i32
      %add3A_457 = arith.addi %mul3A_23, %add3A_456 : i32
      %dma_start3A_458 = arith.constant 0 : i32
      %dma_start3A_459 = tpu.memref_slice %arg8[%add3A_457, %dma_start3A_458] : memref<40x128xi32, #tpu.memory_space<vmem>> -> memref<1x128xi32, #tpu.memory_space<vmem>>
      %dma_start3A_460 = tpu.memref_squeeze %dma_start3A_459 : memref<1x128xi32, #tpu.memory_space<vmem>> -> memref<128xi32, #tpu.memory_space<vmem>>
      %dma_start3A_461 = arith.constant 0 : i32
      %dma_start3A_462 = arith.constant 0 : i32
      %dma_start3A_463 = tpu.memref_slice %arg13[%dma_start3A_461, %dma_start3A_462] : memref<10128x64xf32, #tpu.memory_space<vmem_shared>> -> memref<10128x64xf32, #tpu.memory_space<vmem_shared>>
      tpu.enqueue_indirect_dma source(%arg10 : memref<128x64xf32, #tpu.memory_space<vmem>>) target(%dma_start3A_463 : memref<10128x64xf32, #tpu.memory_space<vmem_shared>>) offsets(%dma_start3A_460 : memref<128xi32, #tpu.memory_space<vmem>>) semaphore(%arg12 : memref<!tpu.dma_semaphore, #tpu.memory_space<semaphore_mem>>) {add = true}
      %add3A_464 = arith.constant 16 : i32
      %add3A_465 = arith.addi %mul3A_23, %add3A_464 : i32
      %dma_start3A_466 = arith.constant 0 : i32
      %dma_start3A_467 = tpu.memref_slice %arg7[%add3A_465, %dma_start3A_466] : memref<40x128xi32, #tpu.memory_space<vmem>> -> memref<1x128xi32, #tpu.memory_space<vmem>>
      %dma_start3A_468 = tpu.memref_squeeze %dma_start3A_467 : memref<1x128xi32, #tpu.memory_space<vmem>> -> memref<128xi32, #tpu.memory_space<vmem>>
      %dma_start3A_469 = arith.constant 0 : i32
      %dma_start3A_470 = arith.constant 0 : i32
      %dma_start3A_471 = tpu.memref_slice %arg2[%dma_start3A_469, %dma_start3A_470] : memref<10128x64xf32, #tpu.memory_space<hbm>> -> memref<10128x64xf32, #tpu.memory_space<hbm>>
      tpu.enqueue_indirect_dma source(%dma_start3A_471 : memref<10128x64xf32, #tpu.memory_space<hbm>>) target(%arg9 : memref<128x64xf32, #tpu.memory_space<vmem>>) offsets(%dma_start3A_468 : memref<128xi32, #tpu.memory_space<vmem>>) semaphore(%arg11 : memref<!tpu.dma_semaphore, #tpu.memory_space<semaphore_mem>>)
      %dma_wait3A_472 = arith.constant 0 : i32
      %dma_wait3A_473 = tpu.memref_slice %arg7[%add3A_465, %dma_wait3A_472] : memref<40x128xi32, #tpu.memory_space<vmem>> -> memref<1x128xi32, #tpu.memory_space<vmem>>
      %dma_wait3A_474 = tpu.memref_squeeze %dma_wait3A_473 : memref<1x128xi32, #tpu.memory_space<vmem>> -> memref<128xi32, #tpu.memory_space<vmem>>
      %dma_wait3A_475 = arith.constant 0 : i32
      %dma_wait3A_476 = arith.constant 0 : i32
      %dma_wait3A_477 = tpu.memref_slice %arg2[%dma_wait3A_475, %dma_wait3A_476] : memref<10128x64xf32, #tpu.memory_space<hbm>> -> memref<10128x64xf32, #tpu.memory_space<hbm>>
      tpu.wait_indirect_dma semaphore(%arg11 : memref<!tpu.dma_semaphore, #tpu.memory_space<semaphore_mem>>) src(%dma_wait3A_477 : memref<10128x64xf32, #tpu.memory_space<hbm>>) dst(%arg9 : memref<128x64xf32, #tpu.memory_space<vmem>>)
      %dma_wait3A_478 = arith.constant 0 : i32
      %dma_wait3A_479 = tpu.memref_slice %arg8[%add3A_457, %dma_wait3A_478] : memref<40x128xi32, #tpu.memory_space<vmem>> -> memref<1x128xi32, #tpu.memory_space<vmem>>
      %dma_wait3A_480 = tpu.memref_squeeze %dma_wait3A_479 : memref<1x128xi32, #tpu.memory_space<vmem>> -> memref<128xi32, #tpu.memory_space<vmem>>
      %dma_wait3A_481 = arith.constant 0 : i32
      %dma_wait3A_482 = arith.constant 0 : i32
      %dma_wait3A_483 = tpu.memref_slice %arg13[%dma_wait3A_481, %dma_wait3A_482] : memref<10128x64xf32, #tpu.memory_space<vmem_shared>> -> memref<10128x64xf32, #tpu.memory_space<vmem_shared>>
      tpu.wait_indirect_dma semaphore(%arg12 : memref<!tpu.dma_semaphore, #tpu.memory_space<semaphore_mem>>) src(%arg10 : memref<128x64xf32, #tpu.memory_space<vmem>>) dst(%dma_wait3A_483 : memref<10128x64xf32, #tpu.memory_space<vmem_shared>>)
      %add3A_484 = arith.constant 16 : i32
      %add3A_485 = arith.addi %mul3A_23, %add3A_484 : i32
      %dma_start3A_486 = arith.constant 0 : i32
      %dma_start3A_487 = tpu.memref_slice %arg8[%add3A_485, %dma_start3A_486] : memref<40x128xi32, #tpu.memory_space<vmem>> -> memref<1x128xi32, #tpu.memory_space<vmem>>
      %dma_start3A_488 = tpu.memref_squeeze %dma_start3A_487 : memref<1x128xi32, #tpu.memory_space<vmem>> -> memref<128xi32, #tpu.memory_space<vmem>>
      %dma_start3A_489 = arith.constant 0 : i32
      %dma_start3A_490 = arith.constant 0 : i32
      %dma_start3A_491 = tpu.memref_slice %arg13[%dma_start3A_489, %dma_start3A_490] : memref<10128x64xf32, #tpu.memory_space<vmem_shared>> -> memref<10128x64xf32, #tpu.memory_space<vmem_shared>>
      tpu.enqueue_indirect_dma source(%arg9 : memref<128x64xf32, #tpu.memory_space<vmem>>) target(%dma_start3A_491 : memref<10128x64xf32, #tpu.memory_space<vmem_shared>>) offsets(%dma_start3A_488 : memref<128xi32, #tpu.memory_space<vmem>>) semaphore(%arg12 : memref<!tpu.dma_semaphore, #tpu.memory_space<semaphore_mem>>) {add = true}
      %add3A_492 = arith.constant 17 : i32
      %add3A_493 = arith.addi %mul3A_23, %add3A_492 : i32
      %dma_start3A_494 = arith.constant 0 : i32
      %dma_start3A_495 = tpu.memref_slice %arg7[%add3A_493, %dma_start3A_494] : memref<40x128xi32, #tpu.memory_space<vmem>> -> memref<1x128xi32, #tpu.memory_space<vmem>>
      %dma_start3A_496 = tpu.memref_squeeze %dma_start3A_495 : memref<1x128xi32, #tpu.memory_space<vmem>> -> memref<128xi32, #tpu.memory_space<vmem>>
      %dma_start3A_497 = arith.constant 0 : i32
      %dma_start3A_498 = arith.constant 0 : i32
      %dma_start3A_499 = tpu.memref_slice %arg2[%dma_start3A_497, %dma_start3A_498] : memref<10128x64xf32, #tpu.memory_space<hbm>> -> memref<10128x64xf32, #tpu.memory_space<hbm>>
      tpu.enqueue_indirect_dma source(%dma_start3A_499 : memref<10128x64xf32, #tpu.memory_space<hbm>>) target(%arg10 : memref<128x64xf32, #tpu.memory_space<vmem>>) offsets(%dma_start3A_496 : memref<128xi32, #tpu.memory_space<vmem>>) semaphore(%arg11 : memref<!tpu.dma_semaphore, #tpu.memory_space<semaphore_mem>>)
      %dma_wait3A_500 = arith.constant 0 : i32
      %dma_wait3A_501 = tpu.memref_slice %arg7[%add3A_493, %dma_wait3A_500] : memref<40x128xi32, #tpu.memory_space<vmem>> -> memref<1x128xi32, #tpu.memory_space<vmem>>
      %dma_wait3A_502 = tpu.memref_squeeze %dma_wait3A_501 : memref<1x128xi32, #tpu.memory_space<vmem>> -> memref<128xi32, #tpu.memory_space<vmem>>
      %dma_wait3A_503 = arith.constant 0 : i32
      %dma_wait3A_504 = arith.constant 0 : i32
      %dma_wait3A_505 = tpu.memref_slice %arg2[%dma_wait3A_503, %dma_wait3A_504] : memref<10128x64xf32, #tpu.memory_space<hbm>> -> memref<10128x64xf32, #tpu.memory_space<hbm>>
      tpu.wait_indirect_dma semaphore(%arg11 : memref<!tpu.dma_semaphore, #tpu.memory_space<semaphore_mem>>) src(%dma_wait3A_505 : memref<10128x64xf32, #tpu.memory_space<hbm>>) dst(%arg10 : memref<128x64xf32, #tpu.memory_space<vmem>>)
      %dma_wait3A_506 = arith.constant 0 : i32
      %dma_wait3A_507 = tpu.memref_slice %arg8[%add3A_485, %dma_wait3A_506] : memref<40x128xi32, #tpu.memory_space<vmem>> -> memref<1x128xi32, #tpu.memory_space<vmem>>
      %dma_wait3A_508 = tpu.memref_squeeze %dma_wait3A_507 : memref<1x128xi32, #tpu.memory_space<vmem>> -> memref<128xi32, #tpu.memory_space<vmem>>
      %dma_wait3A_509 = arith.constant 0 : i32
      %dma_wait3A_510 = arith.constant 0 : i32
      %dma_wait3A_511 = tpu.memref_slice %arg13[%dma_wait3A_509, %dma_wait3A_510] : memref<10128x64xf32, #tpu.memory_space<vmem_shared>> -> memref<10128x64xf32, #tpu.memory_space<vmem_shared>>
      tpu.wait_indirect_dma semaphore(%arg12 : memref<!tpu.dma_semaphore, #tpu.memory_space<semaphore_mem>>) src(%arg9 : memref<128x64xf32, #tpu.memory_space<vmem>>) dst(%dma_wait3A_511 : memref<10128x64xf32, #tpu.memory_space<vmem_shared>>)
      %add3A_512 = arith.constant 17 : i32
      %add3A_513 = arith.addi %mul3A_23, %add3A_512 : i32
      %dma_start3A_514 = arith.constant 0 : i32
      %dma_start3A_515 = tpu.memref_slice %arg8[%add3A_513, %dma_start3A_514] : memref<40x128xi32, #tpu.memory_space<vmem>> -> memref<1x128xi32, #tpu.memory_space<vmem>>
      %dma_start3A_516 = tpu.memref_squeeze %dma_start3A_515 : memref<1x128xi32, #tpu.memory_space<vmem>> -> memref<128xi32, #tpu.memory_space<vmem>>
      %dma_start3A_517 = arith.constant 0 : i32
      %dma_start3A_518 = arith.constant 0 : i32
      %dma_start3A_519 = tpu.memref_slice %arg13[%dma_start3A_517, %dma_start3A_518] : memref<10128x64xf32, #tpu.memory_space<vmem_shared>> -> memref<10128x64xf32, #tpu.memory_space<vmem_shared>>
      tpu.enqueue_indirect_dma source(%arg10 : memref<128x64xf32, #tpu.memory_space<vmem>>) target(%dma_start3A_519 : memref<10128x64xf32, #tpu.memory_space<vmem_shared>>) offsets(%dma_start3A_516 : memref<128xi32, #tpu.memory_space<vmem>>) semaphore(%arg12 : memref<!tpu.dma_semaphore, #tpu.memory_space<semaphore_mem>>) {add = true}
      %add3A_520 = arith.constant 18 : i32
      %add3A_521 = arith.addi %mul3A_23, %add3A_520 : i32
      %dma_start3A_522 = arith.constant 0 : i32
      %dma_start3A_523 = tpu.memref_slice %arg7[%add3A_521, %dma_start3A_522] : memref<40x128xi32, #tpu.memory_space<vmem>> -> memref<1x128xi32, #tpu.memory_space<vmem>>
      %dma_start3A_524 = tpu.memref_squeeze %dma_start3A_523 : memref<1x128xi32, #tpu.memory_space<vmem>> -> memref<128xi32, #tpu.memory_space<vmem>>
      %dma_start3A_525 = arith.constant 0 : i32
      %dma_start3A_526 = arith.constant 0 : i32
      %dma_start3A_527 = tpu.memref_slice %arg2[%dma_start3A_525, %dma_start3A_526] : memref<10128x64xf32, #tpu.memory_space<hbm>> -> memref<10128x64xf32, #tpu.memory_space<hbm>>
      tpu.enqueue_indirect_dma source(%dma_start3A_527 : memref<10128x64xf32, #tpu.memory_space<hbm>>) target(%arg9 : memref<128x64xf32, #tpu.memory_space<vmem>>) offsets(%dma_start3A_524 : memref<128xi32, #tpu.memory_space<vmem>>) semaphore(%arg11 : memref<!tpu.dma_semaphore, #tpu.memory_space<semaphore_mem>>)
      %dma_wait3A_528 = arith.constant 0 : i32
      %dma_wait3A_529 = tpu.memref_slice %arg7[%add3A_521, %dma_wait3A_528] : memref<40x128xi32, #tpu.memory_space<vmem>> -> memref<1x128xi32, #tpu.memory_space<vmem>>
      %dma_wait3A_530 = tpu.memref_squeeze %dma_wait3A_529 : memref<1x128xi32, #tpu.memory_space<vmem>> -> memref<128xi32, #tpu.memory_space<vmem>>
      %dma_wait3A_531 = arith.constant 0 : i32
      %dma_wait3A_532 = arith.constant 0 : i32
      %dma_wait3A_533 = tpu.memref_slice %arg2[%dma_wait3A_531, %dma_wait3A_532] : memref<10128x64xf32, #tpu.memory_space<hbm>> -> memref<10128x64xf32, #tpu.memory_space<hbm>>
      tpu.wait_indirect_dma semaphore(%arg11 : memref<!tpu.dma_semaphore, #tpu.memory_space<semaphore_mem>>) src(%dma_wait3A_533 : memref<10128x64xf32, #tpu.memory_space<hbm>>) dst(%arg9 : memref<128x64xf32, #tpu.memory_space<vmem>>)
      %dma_wait3A_534 = arith.constant 0 : i32
      %dma_wait3A_535 = tpu.memref_slice %arg8[%add3A_513, %dma_wait3A_534] : memref<40x128xi32, #tpu.memory_space<vmem>> -> memref<1x128xi32, #tpu.memory_space<vmem>>
      %dma_wait3A_536 = tpu.memref_squeeze %dma_wait3A_535 : memref<1x128xi32, #tpu.memory_space<vmem>> -> memref<128xi32, #tpu.memory_space<vmem>>
      %dma_wait3A_537 = arith.constant 0 : i32
      %dma_wait3A_538 = arith.constant 0 : i32
      %dma_wait3A_539 = tpu.memref_slice %arg13[%dma_wait3A_537, %dma_wait3A_538] : memref<10128x64xf32, #tpu.memory_space<vmem_shared>> -> memref<10128x64xf32, #tpu.memory_space<vmem_shared>>
      tpu.wait_indirect_dma semaphore(%arg12 : memref<!tpu.dma_semaphore, #tpu.memory_space<semaphore_mem>>) src(%arg10 : memref<128x64xf32, #tpu.memory_space<vmem>>) dst(%dma_wait3A_539 : memref<10128x64xf32, #tpu.memory_space<vmem_shared>>)
      %add3A_540 = arith.constant 18 : i32
      %add3A_541 = arith.addi %mul3A_23, %add3A_540 : i32
      %dma_start3A_542 = arith.constant 0 : i32
      %dma_start3A_543 = tpu.memref_slice %arg8[%add3A_541, %dma_start3A_542] : memref<40x128xi32, #tpu.memory_space<vmem>> -> memref<1x128xi32, #tpu.memory_space<vmem>>
      %dma_start3A_544 = tpu.memref_squeeze %dma_start3A_543 : memref<1x128xi32, #tpu.memory_space<vmem>> -> memref<128xi32, #tpu.memory_space<vmem>>
      %dma_start3A_545 = arith.constant 0 : i32
      %dma_start3A_546 = arith.constant 0 : i32
      %dma_start3A_547 = tpu.memref_slice %arg13[%dma_start3A_545, %dma_start3A_546] : memref<10128x64xf32, #tpu.memory_space<vmem_shared>> -> memref<10128x64xf32, #tpu.memory_space<vmem_shared>>
      tpu.enqueue_indirect_dma source(%arg9 : memref<128x64xf32, #tpu.memory_space<vmem>>) target(%dma_start3A_547 : memref<10128x64xf32, #tpu.memory_space<vmem_shared>>) offsets(%dma_start3A_544 : memref<128xi32, #tpu.memory_space<vmem>>) semaphore(%arg12 : memref<!tpu.dma_semaphore, #tpu.memory_space<semaphore_mem>>) {add = true}
      %add3A_548 = arith.constant 19 : i32
      %add3A_549 = arith.addi %mul3A_23, %add3A_548 : i32
      %dma_start3A_550 = arith.constant 0 : i32
      %dma_start3A_551 = tpu.memref_slice %arg7[%add3A_549, %dma_start3A_550] : memref<40x128xi32, #tpu.memory_space<vmem>> -> memref<1x128xi32, #tpu.memory_space<vmem>>
      %dma_start3A_552 = tpu.memref_squeeze %dma_start3A_551 : memref<1x128xi32, #tpu.memory_space<vmem>> -> memref<128xi32, #tpu.memory_space<vmem>>
      %dma_start3A_553 = arith.constant 0 : i32
      %dma_start3A_554 = arith.constant 0 : i32
      %dma_start3A_555 = tpu.memref_slice %arg2[%dma_start3A_553, %dma_start3A_554] : memref<10128x64xf32, #tpu.memory_space<hbm>> -> memref<10128x64xf32, #tpu.memory_space<hbm>>
      tpu.enqueue_indirect_dma source(%dma_start3A_555 : memref<10128x64xf32, #tpu.memory_space<hbm>>) target(%arg10 : memref<128x64xf32, #tpu.memory_space<vmem>>) offsets(%dma_start3A_552 : memref<128xi32, #tpu.memory_space<vmem>>) semaphore(%arg11 : memref<!tpu.dma_semaphore, #tpu.memory_space<semaphore_mem>>)
      %dma_wait3A_556 = arith.constant 0 : i32
      %dma_wait3A_557 = tpu.memref_slice %arg7[%add3A_549, %dma_wait3A_556] : memref<40x128xi32, #tpu.memory_space<vmem>> -> memref<1x128xi32, #tpu.memory_space<vmem>>
      %dma_wait3A_558 = tpu.memref_squeeze %dma_wait3A_557 : memref<1x128xi32, #tpu.memory_space<vmem>> -> memref<128xi32, #tpu.memory_space<vmem>>
      %dma_wait3A_559 = arith.constant 0 : i32
      %dma_wait3A_560 = arith.constant 0 : i32
      %dma_wait3A_561 = tpu.memref_slice %arg2[%dma_wait3A_559, %dma_wait3A_560] : memref<10128x64xf32, #tpu.memory_space<hbm>> -> memref<10128x64xf32, #tpu.memory_space<hbm>>
      tpu.wait_indirect_dma semaphore(%arg11 : memref<!tpu.dma_semaphore, #tpu.memory_space<semaphore_mem>>) src(%dma_wait3A_561 : memref<10128x64xf32, #tpu.memory_space<hbm>>) dst(%arg10 : memref<128x64xf32, #tpu.memory_space<vmem>>)
      %dma_wait3A_562 = arith.constant 0 : i32
      %dma_wait3A_563 = tpu.memref_slice %arg8[%add3A_541, %dma_wait3A_562] : memref<40x128xi32, #tpu.memory_space<vmem>> -> memref<1x128xi32, #tpu.memory_space<vmem>>
      %dma_wait3A_564 = tpu.memref_squeeze %dma_wait3A_563 : memref<1x128xi32, #tpu.memory_space<vmem>> -> memref<128xi32, #tpu.memory_space<vmem>>
      %dma_wait3A_565 = arith.constant 0 : i32
      %dma_wait3A_566 = arith.constant 0 : i32
      %dma_wait3A_567 = tpu.memref_slice %arg13[%dma_wait3A_565, %dma_wait3A_566] : memref<10128x64xf32, #tpu.memory_space<vmem_shared>> -> memref<10128x64xf32, #tpu.memory_space<vmem_shared>>
      tpu.wait_indirect_dma semaphore(%arg12 : memref<!tpu.dma_semaphore, #tpu.memory_space<semaphore_mem>>) src(%arg9 : memref<128x64xf32, #tpu.memory_space<vmem>>) dst(%dma_wait3A_567 : memref<10128x64xf32, #tpu.memory_space<vmem_shared>>)
      %add3A_568 = arith.constant 19 : i32
      %add3A_569 = arith.addi %mul3A_23, %add3A_568 : i32
      %dma_start3A_570 = arith.constant 0 : i32
      %dma_start3A_571 = tpu.memref_slice %arg8[%add3A_569, %dma_start3A_570] : memref<40x128xi32, #tpu.memory_space<vmem>> -> memref<1x128xi32, #tpu.memory_space<vmem>>
      %dma_start3A_572 = tpu.memref_squeeze %dma_start3A_571 : memref<1x128xi32, #tpu.memory_space<vmem>> -> memref<128xi32, #tpu.memory_space<vmem>>
      %dma_start3A_573 = arith.constant 0 : i32
      %dma_start3A_574 = arith.constant 0 : i32
      %dma_start3A_575 = tpu.memref_slice %arg13[%dma_start3A_573, %dma_start3A_574] : memref<10128x64xf32, #tpu.memory_space<vmem_shared>> -> memref<10128x64xf32, #tpu.memory_space<vmem_shared>>
      tpu.enqueue_indirect_dma source(%arg10 : memref<128x64xf32, #tpu.memory_space<vmem>>) target(%dma_start3A_575 : memref<10128x64xf32, #tpu.memory_space<vmem_shared>>) offsets(%dma_start3A_572 : memref<128xi32, #tpu.memory_space<vmem>>) semaphore(%arg12 : memref<!tpu.dma_semaphore, #tpu.memory_space<semaphore_mem>>) {add = true}
      %dma_wait3A_576 = arith.constant 0 : i32
      %dma_wait3A_577 = tpu.memref_slice %arg8[%add3A_569, %dma_wait3A_576] : memref<40x128xi32, #tpu.memory_space<vmem>> -> memref<1x128xi32, #tpu.memory_space<vmem>>
      %dma_wait3A_578 = tpu.memref_squeeze %dma_wait3A_577 : memref<1x128xi32, #tpu.memory_space<vmem>> -> memref<128xi32, #tpu.memory_space<vmem>>
      %dma_wait3A_579 = arith.constant 0 : i32
      %dma_wait3A_580 = arith.constant 0 : i32
      %dma_wait3A_581 = tpu.memref_slice %arg13[%dma_wait3A_579, %dma_wait3A_580] : memref<10128x64xf32, #tpu.memory_space<vmem_shared>> -> memref<10128x64xf32, #tpu.memory_space<vmem_shared>>
      tpu.wait_indirect_dma semaphore(%arg12 : memref<!tpu.dma_semaphore, #tpu.memory_space<semaphore_mem>>) src(%arg10 : memref<128x64xf32, #tpu.memory_space<vmem>>) dst(%dma_wait3A_581 : memref<10128x64xf32, #tpu.memory_space<vmem_shared>>)
    }
    %scan3A_13 = arith.constant 2 : i32
    "tpu.region"() ({
      %run_scoped3A = tpu.sem_alloc : memref<!tpu.dma_semaphore, #tpu.memory_space<semaphore_mem>>
      %dma_start3A = arith.constant 40 : i32
      %dma_start3A_21 = arith.constant 0 : i32
      %dma_start3A_22 = tpu.memref_slice %arg3[%add3A, %dma_start3A, %dma_start3A_21] : memref<32x80x128xi32, #tpu.memory_space<hbm>> -> memref<1x40x128xi32, #tpu.memory_space<hbm>>
      %dma_start3A_23 = tpu.memref_squeeze %dma_start3A_22 : memref<1x40x128xi32, #tpu.memory_space<hbm>> -> memref<40x128xi32, #tpu.memory_space<hbm>>
      %dma_start3A_24 = arith.constant 40 : i32
      %dma_start3A_25 = arith.constant 0 : i32
      %dma_start3A_26 = tpu.memref_slice %arg3[%add3A, %dma_start3A_24, %dma_start3A_25] : memref<32x80x128xi32, #tpu.memory_space<hbm>> -> memref<1x40x128xi32, #tpu.memory_space<hbm>>
      %dma_start3A_27 = tpu.memref_squeeze %dma_start3A_26 : memref<1x40x128xi32, #tpu.memory_space<hbm>> -> memref<40x128xi32, #tpu.memory_space<hbm>>
      tpu.enqueue_dma source(%dma_start3A_27 : memref<40x128xi32, #tpu.memory_space<hbm>>) target(%arg7 : memref<40x128xi32, #tpu.memory_space<vmem>>) target_semaphore(%run_scoped3A : memref<!tpu.dma_semaphore, #tpu.memory_space<semaphore_mem>>)
      %dma_wait3A = arith.constant 40 : i32
      %dma_wait3A_28 = arith.constant 0 : i32
      %dma_wait3A_29 = tpu.memref_slice %arg3[%add3A, %dma_wait3A, %dma_wait3A_28] : memref<32x80x128xi32, #tpu.memory_space<hbm>> -> memref<1x40x128xi32, #tpu.memory_space<hbm>>
      %dma_wait3A_30 = tpu.memref_squeeze %dma_wait3A_29 : memref<1x40x128xi32, #tpu.memory_space<hbm>> -> memref<40x128xi32, #tpu.memory_space<hbm>>
      %dma_wait3A_31 = arith.constant 40 : i32
      %dma_wait3A_32 = arith.constant 0 : i32
      %dma_wait3A_33 = tpu.memref_slice %arg3[%add3A, %dma_wait3A_31, %dma_wait3A_32] : memref<32x80x128xi32, #tpu.memory_space<hbm>> -> memref<1x40x128xi32, #tpu.memory_space<hbm>>
      %dma_wait3A_34 = tpu.memref_squeeze %dma_wait3A_33 : memref<1x40x128xi32, #tpu.memory_space<hbm>> -> memref<40x128xi32, #tpu.memory_space<hbm>>
      tpu.wait_dma2 semaphore(%run_scoped3A : memref<!tpu.dma_semaphore, #tpu.memory_space<semaphore_mem>>) src(%dma_wait3A_34 : memref<40x128xi32, #tpu.memory_space<hbm>>) dst(%arg7 : memref<40x128xi32, #tpu.memory_space<vmem>>)
      tpu.yield
    }) : () -> ()
    "tpu.region"() ({
      %run_scoped3A = tpu.sem_alloc : memref<!tpu.dma_semaphore, #tpu.memory_space<semaphore_mem>>
      %dma_start3A = arith.constant 40 : i32
      %dma_start3A_21 = arith.constant 0 : i32
      %dma_start3A_22 = tpu.memref_slice %arg4[%add3A, %dma_start3A, %dma_start3A_21] : memref<32x80x128xi32, #tpu.memory_space<hbm>> -> memref<1x40x128xi32, #tpu.memory_space<hbm>>
      %dma_start3A_23 = tpu.memref_squeeze %dma_start3A_22 : memref<1x40x128xi32, #tpu.memory_space<hbm>> -> memref<40x128xi32, #tpu.memory_space<hbm>>
      %dma_start3A_24 = arith.constant 40 : i32
      %dma_start3A_25 = arith.constant 0 : i32
      %dma_start3A_26 = tpu.memref_slice %arg4[%add3A, %dma_start3A_24, %dma_start3A_25] : memref<32x80x128xi32, #tpu.memory_space<hbm>> -> memref<1x40x128xi32, #tpu.memory_space<hbm>>
      %dma_start3A_27 = tpu.memref_squeeze %dma_start3A_26 : memref<1x40x128xi32, #tpu.memory_space<hbm>> -> memref<40x128xi32, #tpu.memory_space<hbm>>
      tpu.enqueue_dma source(%dma_start3A_27 : memref<40x128xi32, #tpu.memory_space<hbm>>) target(%arg8 : memref<40x128xi32, #tpu.memory_space<vmem>>) target_semaphore(%run_scoped3A : memref<!tpu.dma_semaphore, #tpu.memory_space<semaphore_mem>>)
      %dma_wait3A = arith.constant 40 : i32
      %dma_wait3A_28 = arith.constant 0 : i32
      %dma_wait3A_29 = tpu.memref_slice %arg4[%add3A, %dma_wait3A, %dma_wait3A_28] : memref<32x80x128xi32, #tpu.memory_space<hbm>> -> memref<1x40x128xi32, #tpu.memory_space<hbm>>
      %dma_wait3A_30 = tpu.memref_squeeze %dma_wait3A_29 : memref<1x40x128xi32, #tpu.memory_space<hbm>> -> memref<40x128xi32, #tpu.memory_space<hbm>>
      %dma_wait3A_31 = arith.constant 40 : i32
      %dma_wait3A_32 = arith.constant 0 : i32
      %dma_wait3A_33 = tpu.memref_slice %arg4[%add3A, %dma_wait3A_31, %dma_wait3A_32] : memref<32x80x128xi32, #tpu.memory_space<hbm>> -> memref<1x40x128xi32, #tpu.memory_space<hbm>>
      %dma_wait3A_34 = tpu.memref_squeeze %dma_wait3A_33 : memref<1x40x128xi32, #tpu.memory_space<hbm>> -> memref<40x128xi32, #tpu.memory_space<hbm>>
      tpu.wait_dma2 semaphore(%run_scoped3A : memref<!tpu.dma_semaphore, #tpu.memory_space<semaphore_mem>>) src(%dma_wait3A_34 : memref<40x128xi32, #tpu.memory_space<hbm>>) dst(%arg8 : memref<40x128xi32, #tpu.memory_space<vmem>>)
      tpu.yield
    }) : () -> ()
    %scan3A_14 = arith.constant 0 : i32
    %scan3A_15 = arith.constant 0 : i32
    %scan3A_16 = arith.constant 2 : i32
    %scan3A_17 = arith.addi %scan3A_15, %scan3A_16 : i32
    %scan3A_18 = arith.constant 1 : i32
    scf.for %scan3A_21 = %scan3A_15 to %scan3A_17 step %scan3A_18  : i32 {
      %mul3A_22 = arith.constant 20 : i32
      %mul3A_23 = arith.muli %scan3A_21, %mul3A_22 : i32
      %add3A_24 = arith.constant 0 : i32
      %add3A_25 = arith.addi %mul3A_23, %add3A_24 : i32
      %dma_start3A = arith.constant 0 : i32
      %dma_start3A_26 = tpu.memref_slice %arg7[%add3A_25, %dma_start3A] : memref<40x128xi32, #tpu.memory_space<vmem>> -> memref<1x128xi32, #tpu.memory_space<vmem>>
      %dma_start3A_27 = tpu.memref_squeeze %dma_start3A_26 : memref<1x128xi32, #tpu.memory_space<vmem>> -> memref<128xi32, #tpu.memory_space<vmem>>
      %dma_start3A_28 = arith.constant 0 : i32
      %dma_start3A_29 = arith.constant 0 : i32
      %dma_start3A_30 = tpu.memref_slice %arg2[%dma_start3A_28, %dma_start3A_29] : memref<10128x64xf32, #tpu.memory_space<hbm>> -> memref<10128x64xf32, #tpu.memory_space<hbm>>
      tpu.enqueue_indirect_dma source(%dma_start3A_30 : memref<10128x64xf32, #tpu.memory_space<hbm>>) target(%arg9 : memref<128x64xf32, #tpu.memory_space<vmem>>) offsets(%dma_start3A_27 : memref<128xi32, #tpu.memory_space<vmem>>) semaphore(%arg11 : memref<!tpu.dma_semaphore, #tpu.memory_space<semaphore_mem>>)
      %dma_wait3A = arith.constant 0 : i32
      %dma_wait3A_31 = tpu.memref_slice %arg7[%add3A_25, %dma_wait3A] : memref<40x128xi32, #tpu.memory_space<vmem>> -> memref<1x128xi32, #tpu.memory_space<vmem>>
      %dma_wait3A_32 = tpu.memref_squeeze %dma_wait3A_31 : memref<1x128xi32, #tpu.memory_space<vmem>> -> memref<128xi32, #tpu.memory_space<vmem>>
      %dma_wait3A_33 = arith.constant 0 : i32
      %dma_wait3A_34 = arith.constant 0 : i32
      %dma_wait3A_35 = tpu.memref_slice %arg2[%dma_wait3A_33, %dma_wait3A_34] : memref<10128x64xf32, #tpu.memory_space<hbm>> -> memref<10128x64xf32, #tpu.memory_space<hbm>>
      tpu.wait_indirect_dma semaphore(%arg11 : memref<!tpu.dma_semaphore, #tpu.memory_space<semaphore_mem>>) src(%dma_wait3A_35 : memref<10128x64xf32, #tpu.memory_space<hbm>>) dst(%arg9 : memref<128x64xf32, #tpu.memory_space<vmem>>)
      %add3A_36 = arith.constant 0 : i32
      %add3A_37 = arith.addi %mul3A_23, %add3A_36 : i32
      %dma_start3A_38 = arith.constant 0 : i32
      %dma_start3A_39 = tpu.memref_slice %arg8[%add3A_37, %dma_start3A_38] : memref<40x128xi32, #tpu.memory_space<vmem>> -> memref<1x128xi32, #tpu.memory_space<vmem>>
      %dma_start3A_40 = tpu.memref_squeeze %dma_start3A_39 : memref<1x128xi32, #tpu.memory_space<vmem>> -> memref<128xi32, #tpu.memory_space<vmem>>
      %dma_start3A_41 = arith.constant 0 : i32
      %dma_start3A_42 = arith.constant 0 : i32
      %dma_start3A_43 = tpu.memref_slice %arg13[%dma_start3A_41, %dma_start3A_42] : memref<10128x64xf32, #tpu.memory_space<vmem_shared>> -> memref<10128x64xf32, #tpu.memory_space<vmem_shared>>
      tpu.enqueue_indirect_dma source(%arg9 : memref<128x64xf32, #tpu.memory_space<vmem>>) target(%dma_start3A_43 : memref<10128x64xf32, #tpu.memory_space<vmem_shared>>) offsets(%dma_start3A_40 : memref<128xi32, #tpu.memory_space<vmem>>) semaphore(%arg12 : memref<!tpu.dma_semaphore, #tpu.memory_space<semaphore_mem>>) {add = true}
      %add3A_44 = arith.constant 1 : i32
      %add3A_45 = arith.addi %mul3A_23, %add3A_44 : i32
      %dma_start3A_46 = arith.constant 0 : i32
      %dma_start3A_47 = tpu.memref_slice %arg7[%add3A_45, %dma_start3A_46] : memref<40x128xi32, #tpu.memory_space<vmem>> -> memref<1x128xi32, #tpu.memory_space<vmem>>
      %dma_start3A_48 = tpu.memref_squeeze %dma_start3A_47 : memref<1x128xi32, #tpu.memory_space<vmem>> -> memref<128xi32, #tpu.memory_space<vmem>>
      %dma_start3A_49 = arith.constant 0 : i32
      %dma_start3A_50 = arith.constant 0 : i32
      %dma_start3A_51 = tpu.memref_slice %arg2[%dma_start3A_49, %dma_start3A_50] : memref<10128x64xf32, #tpu.memory_space<hbm>> -> memref<10128x64xf32, #tpu.memory_space<hbm>>
      tpu.enqueue_indirect_dma source(%dma_start3A_51 : memref<10128x64xf32, #tpu.memory_space<hbm>>) target(%arg10 : memref<128x64xf32, #tpu.memory_space<vmem>>) offsets(%dma_start3A_48 : memref<128xi32, #tpu.memory_space<vmem>>) semaphore(%arg11 : memref<!tpu.dma_semaphore, #tpu.memory_space<semaphore_mem>>)
      %dma_wait3A_52 = arith.constant 0 : i32
      %dma_wait3A_53 = tpu.memref_slice %arg7[%add3A_45, %dma_wait3A_52] : memref<40x128xi32, #tpu.memory_space<vmem>> -> memref<1x128xi32, #tpu.memory_space<vmem>>
      %dma_wait3A_54 = tpu.memref_squeeze %dma_wait3A_53 : memref<1x128xi32, #tpu.memory_space<vmem>> -> memref<128xi32, #tpu.memory_space<vmem>>
      %dma_wait3A_55 = arith.constant 0 : i32
      %dma_wait3A_56 = arith.constant 0 : i32
      %dma_wait3A_57 = tpu.memref_slice %arg2[%dma_wait3A_55, %dma_wait3A_56] : memref<10128x64xf32, #tpu.memory_space<hbm>> -> memref<10128x64xf32, #tpu.memory_space<hbm>>
      tpu.wait_indirect_dma semaphore(%arg11 : memref<!tpu.dma_semaphore, #tpu.memory_space<semaphore_mem>>) src(%dma_wait3A_57 : memref<10128x64xf32, #tpu.memory_space<hbm>>) dst(%arg10 : memref<128x64xf32, #tpu.memory_space<vmem>>)
      %dma_wait3A_58 = arith.constant 0 : i32
      %dma_wait3A_59 = tpu.memref_slice %arg8[%add3A_37, %dma_wait3A_58] : memref<40x128xi32, #tpu.memory_space<vmem>> -> memref<1x128xi32, #tpu.memory_space<vmem>>
      %dma_wait3A_60 = tpu.memref_squeeze %dma_wait3A_59 : memref<1x128xi32, #tpu.memory_space<vmem>> -> memref<128xi32, #tpu.memory_space<vmem>>
      %dma_wait3A_61 = arith.constant 0 : i32
      %dma_wait3A_62 = arith.constant 0 : i32
      %dma_wait3A_63 = tpu.memref_slice %arg13[%dma_wait3A_61, %dma_wait3A_62] : memref<10128x64xf32, #tpu.memory_space<vmem_shared>> -> memref<10128x64xf32, #tpu.memory_space<vmem_shared>>
      tpu.wait_indirect_dma semaphore(%arg12 : memref<!tpu.dma_semaphore, #tpu.memory_space<semaphore_mem>>) src(%arg9 : memref<128x64xf32, #tpu.memory_space<vmem>>) dst(%dma_wait3A_63 : memref<10128x64xf32, #tpu.memory_space<vmem_shared>>)
      %add3A_64 = arith.constant 1 : i32
      %add3A_65 = arith.addi %mul3A_23, %add3A_64 : i32
      %dma_start3A_66 = arith.constant 0 : i32
      %dma_start3A_67 = tpu.memref_slice %arg8[%add3A_65, %dma_start3A_66] : memref<40x128xi32, #tpu.memory_space<vmem>> -> memref<1x128xi32, #tpu.memory_space<vmem>>
      %dma_start3A_68 = tpu.memref_squeeze %dma_start3A_67 : memref<1x128xi32, #tpu.memory_space<vmem>> -> memref<128xi32, #tpu.memory_space<vmem>>
      %dma_start3A_69 = arith.constant 0 : i32
      %dma_start3A_70 = arith.constant 0 : i32
      %dma_start3A_71 = tpu.memref_slice %arg13[%dma_start3A_69, %dma_start3A_70] : memref<10128x64xf32, #tpu.memory_space<vmem_shared>> -> memref<10128x64xf32, #tpu.memory_space<vmem_shared>>
      tpu.enqueue_indirect_dma source(%arg10 : memref<128x64xf32, #tpu.memory_space<vmem>>) target(%dma_start3A_71 : memref<10128x64xf32, #tpu.memory_space<vmem_shared>>) offsets(%dma_start3A_68 : memref<128xi32, #tpu.memory_space<vmem>>) semaphore(%arg12 : memref<!tpu.dma_semaphore, #tpu.memory_space<semaphore_mem>>) {add = true}
      %add3A_72 = arith.constant 2 : i32
      %add3A_73 = arith.addi %mul3A_23, %add3A_72 : i32
      %dma_start3A_74 = arith.constant 0 : i32
      %dma_start3A_75 = tpu.memref_slice %arg7[%add3A_73, %dma_start3A_74] : memref<40x128xi32, #tpu.memory_space<vmem>> -> memref<1x128xi32, #tpu.memory_space<vmem>>
      %dma_start3A_76 = tpu.memref_squeeze %dma_start3A_75 : memref<1x128xi32, #tpu.memory_space<vmem>> -> memref<128xi32, #tpu.memory_space<vmem>>
      %dma_start3A_77 = arith.constant 0 : i32
      %dma_start3A_78 = arith.constant 0 : i32
      %dma_start3A_79 = tpu.memref_slice %arg2[%dma_start3A_77, %dma_start3A_78] : memref<10128x64xf32, #tpu.memory_space<hbm>> -> memref<10128x64xf32, #tpu.memory_space<hbm>>
      tpu.enqueue_indirect_dma source(%dma_start3A_79 : memref<10128x64xf32, #tpu.memory_space<hbm>>) target(%arg9 : memref<128x64xf32, #tpu.memory_space<vmem>>) offsets(%dma_start3A_76 : memref<128xi32, #tpu.memory_space<vmem>>) semaphore(%arg11 : memref<!tpu.dma_semaphore, #tpu.memory_space<semaphore_mem>>)
      %dma_wait3A_80 = arith.constant 0 : i32
      %dma_wait3A_81 = tpu.memref_slice %arg7[%add3A_73, %dma_wait3A_80] : memref<40x128xi32, #tpu.memory_space<vmem>> -> memref<1x128xi32, #tpu.memory_space<vmem>>
      %dma_wait3A_82 = tpu.memref_squeeze %dma_wait3A_81 : memref<1x128xi32, #tpu.memory_space<vmem>> -> memref<128xi32, #tpu.memory_space<vmem>>
      %dma_wait3A_83 = arith.constant 0 : i32
      %dma_wait3A_84 = arith.constant 0 : i32
      %dma_wait3A_85 = tpu.memref_slice %arg2[%dma_wait3A_83, %dma_wait3A_84] : memref<10128x64xf32, #tpu.memory_space<hbm>> -> memref<10128x64xf32, #tpu.memory_space<hbm>>
      tpu.wait_indirect_dma semaphore(%arg11 : memref<!tpu.dma_semaphore, #tpu.memory_space<semaphore_mem>>) src(%dma_wait3A_85 : memref<10128x64xf32, #tpu.memory_space<hbm>>) dst(%arg9 : memref<128x64xf32, #tpu.memory_space<vmem>>)
      %dma_wait3A_86 = arith.constant 0 : i32
      %dma_wait3A_87 = tpu.memref_slice %arg8[%add3A_65, %dma_wait3A_86] : memref<40x128xi32, #tpu.memory_space<vmem>> -> memref<1x128xi32, #tpu.memory_space<vmem>>
      %dma_wait3A_88 = tpu.memref_squeeze %dma_wait3A_87 : memref<1x128xi32, #tpu.memory_space<vmem>> -> memref<128xi32, #tpu.memory_space<vmem>>
      %dma_wait3A_89 = arith.constant 0 : i32
      %dma_wait3A_90 = arith.constant 0 : i32
      %dma_wait3A_91 = tpu.memref_slice %arg13[%dma_wait3A_89, %dma_wait3A_90] : memref<10128x64xf32, #tpu.memory_space<vmem_shared>> -> memref<10128x64xf32, #tpu.memory_space<vmem_shared>>
      tpu.wait_indirect_dma semaphore(%arg12 : memref<!tpu.dma_semaphore, #tpu.memory_space<semaphore_mem>>) src(%arg10 : memref<128x64xf32, #tpu.memory_space<vmem>>) dst(%dma_wait3A_91 : memref<10128x64xf32, #tpu.memory_space<vmem_shared>>)
      %add3A_92 = arith.constant 2 : i32
      %add3A_93 = arith.addi %mul3A_23, %add3A_92 : i32
      %dma_start3A_94 = arith.constant 0 : i32
      %dma_start3A_95 = tpu.memref_slice %arg8[%add3A_93, %dma_start3A_94] : memref<40x128xi32, #tpu.memory_space<vmem>> -> memref<1x128xi32, #tpu.memory_space<vmem>>
      %dma_start3A_96 = tpu.memref_squeeze %dma_start3A_95 : memref<1x128xi32, #tpu.memory_space<vmem>> -> memref<128xi32, #tpu.memory_space<vmem>>
      %dma_start3A_97 = arith.constant 0 : i32
      %dma_start3A_98 = arith.constant 0 : i32
      %dma_start3A_99 = tpu.memref_slice %arg13[%dma_start3A_97, %dma_start3A_98] : memref<10128x64xf32, #tpu.memory_space<vmem_shared>> -> memref<10128x64xf32, #tpu.memory_space<vmem_shared>>
      tpu.enqueue_indirect_dma source(%arg9 : memref<128x64xf32, #tpu.memory_space<vmem>>) target(%dma_start3A_99 : memref<10128x64xf32, #tpu.memory_space<vmem_shared>>) offsets(%dma_start3A_96 : memref<128xi32, #tpu.memory_space<vmem>>) semaphore(%arg12 : memref<!tpu.dma_semaphore, #tpu.memory_space<semaphore_mem>>) {add = true}
      %add3A_100 = arith.constant 3 : i32
      %add3A_101 = arith.addi %mul3A_23, %add3A_100 : i32
      %dma_start3A_102 = arith.constant 0 : i32
      %dma_start3A_103 = tpu.memref_slice %arg7[%add3A_101, %dma_start3A_102] : memref<40x128xi32, #tpu.memory_space<vmem>> -> memref<1x128xi32, #tpu.memory_space<vmem>>
      %dma_start3A_104 = tpu.memref_squeeze %dma_start3A_103 : memref<1x128xi32, #tpu.memory_space<vmem>> -> memref<128xi32, #tpu.memory_space<vmem>>
      %dma_start3A_105 = arith.constant 0 : i32
      %dma_start3A_106 = arith.constant 0 : i32
      %dma_start3A_107 = tpu.memref_slice %arg2[%dma_start3A_105, %dma_start3A_106] : memref<10128x64xf32, #tpu.memory_space<hbm>> -> memref<10128x64xf32, #tpu.memory_space<hbm>>
      tpu.enqueue_indirect_dma source(%dma_start3A_107 : memref<10128x64xf32, #tpu.memory_space<hbm>>) target(%arg10 : memref<128x64xf32, #tpu.memory_space<vmem>>) offsets(%dma_start3A_104 : memref<128xi32, #tpu.memory_space<vmem>>) semaphore(%arg11 : memref<!tpu.dma_semaphore, #tpu.memory_space<semaphore_mem>>)
      %dma_wait3A_108 = arith.constant 0 : i32
      %dma_wait3A_109 = tpu.memref_slice %arg7[%add3A_101, %dma_wait3A_108] : memref<40x128xi32, #tpu.memory_space<vmem>> -> memref<1x128xi32, #tpu.memory_space<vmem>>
      %dma_wait3A_110 = tpu.memref_squeeze %dma_wait3A_109 : memref<1x128xi32, #tpu.memory_space<vmem>> -> memref<128xi32, #tpu.memory_space<vmem>>
      %dma_wait3A_111 = arith.constant 0 : i32
      %dma_wait3A_112 = arith.constant 0 : i32
      %dma_wait3A_113 = tpu.memref_slice %arg2[%dma_wait3A_111, %dma_wait3A_112] : memref<10128x64xf32, #tpu.memory_space<hbm>> -> memref<10128x64xf32, #tpu.memory_space<hbm>>
      tpu.wait_indirect_dma semaphore(%arg11 : memref<!tpu.dma_semaphore, #tpu.memory_space<semaphore_mem>>) src(%dma_wait3A_113 : memref<10128x64xf32, #tpu.memory_space<hbm>>) dst(%arg10 : memref<128x64xf32, #tpu.memory_space<vmem>>)
      %dma_wait3A_114 = arith.constant 0 : i32
      %dma_wait3A_115 = tpu.memref_slice %arg8[%add3A_93, %dma_wait3A_114] : memref<40x128xi32, #tpu.memory_space<vmem>> -> memref<1x128xi32, #tpu.memory_space<vmem>>
      %dma_wait3A_116 = tpu.memref_squeeze %dma_wait3A_115 : memref<1x128xi32, #tpu.memory_space<vmem>> -> memref<128xi32, #tpu.memory_space<vmem>>
      %dma_wait3A_117 = arith.constant 0 : i32
      %dma_wait3A_118 = arith.constant 0 : i32
      %dma_wait3A_119 = tpu.memref_slice %arg13[%dma_wait3A_117, %dma_wait3A_118] : memref<10128x64xf32, #tpu.memory_space<vmem_shared>> -> memref<10128x64xf32, #tpu.memory_space<vmem_shared>>
      tpu.wait_indirect_dma semaphore(%arg12 : memref<!tpu.dma_semaphore, #tpu.memory_space<semaphore_mem>>) src(%arg9 : memref<128x64xf32, #tpu.memory_space<vmem>>) dst(%dma_wait3A_119 : memref<10128x64xf32, #tpu.memory_space<vmem_shared>>)
      %add3A_120 = arith.constant 3 : i32
      %add3A_121 = arith.addi %mul3A_23, %add3A_120 : i32
      %dma_start3A_122 = arith.constant 0 : i32
      %dma_start3A_123 = tpu.memref_slice %arg8[%add3A_121, %dma_start3A_122] : memref<40x128xi32, #tpu.memory_space<vmem>> -> memref<1x128xi32, #tpu.memory_space<vmem>>
      %dma_start3A_124 = tpu.memref_squeeze %dma_start3A_123 : memref<1x128xi32, #tpu.memory_space<vmem>> -> memref<128xi32, #tpu.memory_space<vmem>>
      %dma_start3A_125 = arith.constant 0 : i32
      %dma_start3A_126 = arith.constant 0 : i32
      %dma_start3A_127 = tpu.memref_slice %arg13[%dma_start3A_125, %dma_start3A_126] : memref<10128x64xf32, #tpu.memory_space<vmem_shared>> -> memref<10128x64xf32, #tpu.memory_space<vmem_shared>>
      tpu.enqueue_indirect_dma source(%arg10 : memref<128x64xf32, #tpu.memory_space<vmem>>) target(%dma_start3A_127 : memref<10128x64xf32, #tpu.memory_space<vmem_shared>>) offsets(%dma_start3A_124 : memref<128xi32, #tpu.memory_space<vmem>>) semaphore(%arg12 : memref<!tpu.dma_semaphore, #tpu.memory_space<semaphore_mem>>) {add = true}
      %add3A_128 = arith.constant 4 : i32
      %add3A_129 = arith.addi %mul3A_23, %add3A_128 : i32
      %dma_start3A_130 = arith.constant 0 : i32
      %dma_start3A_131 = tpu.memref_slice %arg7[%add3A_129, %dma_start3A_130] : memref<40x128xi32, #tpu.memory_space<vmem>> -> memref<1x128xi32, #tpu.memory_space<vmem>>
      %dma_start3A_132 = tpu.memref_squeeze %dma_start3A_131 : memref<1x128xi32, #tpu.memory_space<vmem>> -> memref<128xi32, #tpu.memory_space<vmem>>
      %dma_start3A_133 = arith.constant 0 : i32
      %dma_start3A_134 = arith.constant 0 : i32
      %dma_start3A_135 = tpu.memref_slice %arg2[%dma_start3A_133, %dma_start3A_134] : memref<10128x64xf32, #tpu.memory_space<hbm>> -> memref<10128x64xf32, #tpu.memory_space<hbm>>
      tpu.enqueue_indirect_dma source(%dma_start3A_135 : memref<10128x64xf32, #tpu.memory_space<hbm>>) target(%arg9 : memref<128x64xf32, #tpu.memory_space<vmem>>) offsets(%dma_start3A_132 : memref<128xi32, #tpu.memory_space<vmem>>) semaphore(%arg11 : memref<!tpu.dma_semaphore, #tpu.memory_space<semaphore_mem>>)
      %dma_wait3A_136 = arith.constant 0 : i32
      %dma_wait3A_137 = tpu.memref_slice %arg7[%add3A_129, %dma_wait3A_136] : memref<40x128xi32, #tpu.memory_space<vmem>> -> memref<1x128xi32, #tpu.memory_space<vmem>>
      %dma_wait3A_138 = tpu.memref_squeeze %dma_wait3A_137 : memref<1x128xi32, #tpu.memory_space<vmem>> -> memref<128xi32, #tpu.memory_space<vmem>>
      %dma_wait3A_139 = arith.constant 0 : i32
      %dma_wait3A_140 = arith.constant 0 : i32
      %dma_wait3A_141 = tpu.memref_slice %arg2[%dma_wait3A_139, %dma_wait3A_140] : memref<10128x64xf32, #tpu.memory_space<hbm>> -> memref<10128x64xf32, #tpu.memory_space<hbm>>
      tpu.wait_indirect_dma semaphore(%arg11 : memref<!tpu.dma_semaphore, #tpu.memory_space<semaphore_mem>>) src(%dma_wait3A_141 : memref<10128x64xf32, #tpu.memory_space<hbm>>) dst(%arg9 : memref<128x64xf32, #tpu.memory_space<vmem>>)
      %dma_wait3A_142 = arith.constant 0 : i32
      %dma_wait3A_143 = tpu.memref_slice %arg8[%add3A_121, %dma_wait3A_142] : memref<40x128xi32, #tpu.memory_space<vmem>> -> memref<1x128xi32, #tpu.memory_space<vmem>>
      %dma_wait3A_144 = tpu.memref_squeeze %dma_wait3A_143 : memref<1x128xi32, #tpu.memory_space<vmem>> -> memref<128xi32, #tpu.memory_space<vmem>>
      %dma_wait3A_145 = arith.constant 0 : i32
      %dma_wait3A_146 = arith.constant 0 : i32
      %dma_wait3A_147 = tpu.memref_slice %arg13[%dma_wait3A_145, %dma_wait3A_146] : memref<10128x64xf32, #tpu.memory_space<vmem_shared>> -> memref<10128x64xf32, #tpu.memory_space<vmem_shared>>
      tpu.wait_indirect_dma semaphore(%arg12 : memref<!tpu.dma_semaphore, #tpu.memory_space<semaphore_mem>>) src(%arg10 : memref<128x64xf32, #tpu.memory_space<vmem>>) dst(%dma_wait3A_147 : memref<10128x64xf32, #tpu.memory_space<vmem_shared>>)
      %add3A_148 = arith.constant 4 : i32
      %add3A_149 = arith.addi %mul3A_23, %add3A_148 : i32
      %dma_start3A_150 = arith.constant 0 : i32
      %dma_start3A_151 = tpu.memref_slice %arg8[%add3A_149, %dma_start3A_150] : memref<40x128xi32, #tpu.memory_space<vmem>> -> memref<1x128xi32, #tpu.memory_space<vmem>>
      %dma_start3A_152 = tpu.memref_squeeze %dma_start3A_151 : memref<1x128xi32, #tpu.memory_space<vmem>> -> memref<128xi32, #tpu.memory_space<vmem>>
      %dma_start3A_153 = arith.constant 0 : i32
      %dma_start3A_154 = arith.constant 0 : i32
      %dma_start3A_155 = tpu.memref_slice %arg13[%dma_start3A_153, %dma_start3A_154] : memref<10128x64xf32, #tpu.memory_space<vmem_shared>> -> memref<10128x64xf32, #tpu.memory_space<vmem_shared>>
      tpu.enqueue_indirect_dma source(%arg9 : memref<128x64xf32, #tpu.memory_space<vmem>>) target(%dma_start3A_155 : memref<10128x64xf32, #tpu.memory_space<vmem_shared>>) offsets(%dma_start3A_152 : memref<128xi32, #tpu.memory_space<vmem>>) semaphore(%arg12 : memref<!tpu.dma_semaphore, #tpu.memory_space<semaphore_mem>>) {add = true}
      %add3A_156 = arith.constant 5 : i32
      %add3A_157 = arith.addi %mul3A_23, %add3A_156 : i32
      %dma_start3A_158 = arith.constant 0 : i32
      %dma_start3A_159 = tpu.memref_slice %arg7[%add3A_157, %dma_start3A_158] : memref<40x128xi32, #tpu.memory_space<vmem>> -> memref<1x128xi32, #tpu.memory_space<vmem>>
      %dma_start3A_160 = tpu.memref_squeeze %dma_start3A_159 : memref<1x128xi32, #tpu.memory_space<vmem>> -> memref<128xi32, #tpu.memory_space<vmem>>
      %dma_start3A_161 = arith.constant 0 : i32
      %dma_start3A_162 = arith.constant 0 : i32
      %dma_start3A_163 = tpu.memref_slice %arg2[%dma_start3A_161, %dma_start3A_162] : memref<10128x64xf32, #tpu.memory_space<hbm>> -> memref<10128x64xf32, #tpu.memory_space<hbm>>
      tpu.enqueue_indirect_dma source(%dma_start3A_163 : memref<10128x64xf32, #tpu.memory_space<hbm>>) target(%arg10 : memref<128x64xf32, #tpu.memory_space<vmem>>) offsets(%dma_start3A_160 : memref<128xi32, #tpu.memory_space<vmem>>) semaphore(%arg11 : memref<!tpu.dma_semaphore, #tpu.memory_space<semaphore_mem>>)
      %dma_wait3A_164 = arith.constant 0 : i32
      %dma_wait3A_165 = tpu.memref_slice %arg7[%add3A_157, %dma_wait3A_164] : memref<40x128xi32, #tpu.memory_space<vmem>> -> memref<1x128xi32, #tpu.memory_space<vmem>>
      %dma_wait3A_166 = tpu.memref_squeeze %dma_wait3A_165 : memref<1x128xi32, #tpu.memory_space<vmem>> -> memref<128xi32, #tpu.memory_space<vmem>>
      %dma_wait3A_167 = arith.constant 0 : i32
      %dma_wait3A_168 = arith.constant 0 : i32
      %dma_wait3A_169 = tpu.memref_slice %arg2[%dma_wait3A_167, %dma_wait3A_168] : memref<10128x64xf32, #tpu.memory_space<hbm>> -> memref<10128x64xf32, #tpu.memory_space<hbm>>
      tpu.wait_indirect_dma semaphore(%arg11 : memref<!tpu.dma_semaphore, #tpu.memory_space<semaphore_mem>>) src(%dma_wait3A_169 : memref<10128x64xf32, #tpu.memory_space<hbm>>) dst(%arg10 : memref<128x64xf32, #tpu.memory_space<vmem>>)
      %dma_wait3A_170 = arith.constant 0 : i32
      %dma_wait3A_171 = tpu.memref_slice %arg8[%add3A_149, %dma_wait3A_170] : memref<40x128xi32, #tpu.memory_space<vmem>> -> memref<1x128xi32, #tpu.memory_space<vmem>>
      %dma_wait3A_172 = tpu.memref_squeeze %dma_wait3A_171 : memref<1x128xi32, #tpu.memory_space<vmem>> -> memref<128xi32, #tpu.memory_space<vmem>>
      %dma_wait3A_173 = arith.constant 0 : i32
      %dma_wait3A_174 = arith.constant 0 : i32
      %dma_wait3A_175 = tpu.memref_slice %arg13[%dma_wait3A_173, %dma_wait3A_174] : memref<10128x64xf32, #tpu.memory_space<vmem_shared>> -> memref<10128x64xf32, #tpu.memory_space<vmem_shared>>
      tpu.wait_indirect_dma semaphore(%arg12 : memref<!tpu.dma_semaphore, #tpu.memory_space<semaphore_mem>>) src(%arg9 : memref<128x64xf32, #tpu.memory_space<vmem>>) dst(%dma_wait3A_175 : memref<10128x64xf32, #tpu.memory_space<vmem_shared>>)
      %add3A_176 = arith.constant 5 : i32
      %add3A_177 = arith.addi %mul3A_23, %add3A_176 : i32
      %dma_start3A_178 = arith.constant 0 : i32
      %dma_start3A_179 = tpu.memref_slice %arg8[%add3A_177, %dma_start3A_178] : memref<40x128xi32, #tpu.memory_space<vmem>> -> memref<1x128xi32, #tpu.memory_space<vmem>>
      %dma_start3A_180 = tpu.memref_squeeze %dma_start3A_179 : memref<1x128xi32, #tpu.memory_space<vmem>> -> memref<128xi32, #tpu.memory_space<vmem>>
      %dma_start3A_181 = arith.constant 0 : i32
      %dma_start3A_182 = arith.constant 0 : i32
      %dma_start3A_183 = tpu.memref_slice %arg13[%dma_start3A_181, %dma_start3A_182] : memref<10128x64xf32, #tpu.memory_space<vmem_shared>> -> memref<10128x64xf32, #tpu.memory_space<vmem_shared>>
      tpu.enqueue_indirect_dma source(%arg10 : memref<128x64xf32, #tpu.memory_space<vmem>>) target(%dma_start3A_183 : memref<10128x64xf32, #tpu.memory_space<vmem_shared>>) offsets(%dma_start3A_180 : memref<128xi32, #tpu.memory_space<vmem>>) semaphore(%arg12 : memref<!tpu.dma_semaphore, #tpu.memory_space<semaphore_mem>>) {add = true}
      %add3A_184 = arith.constant 6 : i32
      %add3A_185 = arith.addi %mul3A_23, %add3A_184 : i32
      %dma_start3A_186 = arith.constant 0 : i32
      %dma_start3A_187 = tpu.memref_slice %arg7[%add3A_185, %dma_start3A_186] : memref<40x128xi32, #tpu.memory_space<vmem>> -> memref<1x128xi32, #tpu.memory_space<vmem>>
      %dma_start3A_188 = tpu.memref_squeeze %dma_start3A_187 : memref<1x128xi32, #tpu.memory_space<vmem>> -> memref<128xi32, #tpu.memory_space<vmem>>
      %dma_start3A_189 = arith.constant 0 : i32
      %dma_start3A_190 = arith.constant 0 : i32
      %dma_start3A_191 = tpu.memref_slice %arg2[%dma_start3A_189, %dma_start3A_190] : memref<10128x64xf32, #tpu.memory_space<hbm>> -> memref<10128x64xf32, #tpu.memory_space<hbm>>
      tpu.enqueue_indirect_dma source(%dma_start3A_191 : memref<10128x64xf32, #tpu.memory_space<hbm>>) target(%arg9 : memref<128x64xf32, #tpu.memory_space<vmem>>) offsets(%dma_start3A_188 : memref<128xi32, #tpu.memory_space<vmem>>) semaphore(%arg11 : memref<!tpu.dma_semaphore, #tpu.memory_space<semaphore_mem>>)
      %dma_wait3A_192 = arith.constant 0 : i32
      %dma_wait3A_193 = tpu.memref_slice %arg7[%add3A_185, %dma_wait3A_192] : memref<40x128xi32, #tpu.memory_space<vmem>> -> memref<1x128xi32, #tpu.memory_space<vmem>>
      %dma_wait3A_194 = tpu.memref_squeeze %dma_wait3A_193 : memref<1x128xi32, #tpu.memory_space<vmem>> -> memref<128xi32, #tpu.memory_space<vmem>>
      %dma_wait3A_195 = arith.constant 0 : i32
      %dma_wait3A_196 = arith.constant 0 : i32
      %dma_wait3A_197 = tpu.memref_slice %arg2[%dma_wait3A_195, %dma_wait3A_196] : memref<10128x64xf32, #tpu.memory_space<hbm>> -> memref<10128x64xf32, #tpu.memory_space<hbm>>
      tpu.wait_indirect_dma semaphore(%arg11 : memref<!tpu.dma_semaphore, #tpu.memory_space<semaphore_mem>>) src(%dma_wait3A_197 : memref<10128x64xf32, #tpu.memory_space<hbm>>) dst(%arg9 : memref<128x64xf32, #tpu.memory_space<vmem>>)
      %dma_wait3A_198 = arith.constant 0 : i32
      %dma_wait3A_199 = tpu.memref_slice %arg8[%add3A_177, %dma_wait3A_198] : memref<40x128xi32, #tpu.memory_space<vmem>> -> memref<1x128xi32, #tpu.memory_space<vmem>>
      %dma_wait3A_200 = tpu.memref_squeeze %dma_wait3A_199 : memref<1x128xi32, #tpu.memory_space<vmem>> -> memref<128xi32, #tpu.memory_space<vmem>>
      %dma_wait3A_201 = arith.constant 0 : i32
      %dma_wait3A_202 = arith.constant 0 : i32
      %dma_wait3A_203 = tpu.memref_slice %arg13[%dma_wait3A_201, %dma_wait3A_202] : memref<10128x64xf32, #tpu.memory_space<vmem_shared>> -> memref<10128x64xf32, #tpu.memory_space<vmem_shared>>
      tpu.wait_indirect_dma semaphore(%arg12 : memref<!tpu.dma_semaphore, #tpu.memory_space<semaphore_mem>>) src(%arg10 : memref<128x64xf32, #tpu.memory_space<vmem>>) dst(%dma_wait3A_203 : memref<10128x64xf32, #tpu.memory_space<vmem_shared>>)
      %add3A_204 = arith.constant 6 : i32
      %add3A_205 = arith.addi %mul3A_23, %add3A_204 : i32
      %dma_start3A_206 = arith.constant 0 : i32
      %dma_start3A_207 = tpu.memref_slice %arg8[%add3A_205, %dma_start3A_206] : memref<40x128xi32, #tpu.memory_space<vmem>> -> memref<1x128xi32, #tpu.memory_space<vmem>>
      %dma_start3A_208 = tpu.memref_squeeze %dma_start3A_207 : memref<1x128xi32, #tpu.memory_space<vmem>> -> memref<128xi32, #tpu.memory_space<vmem>>
      %dma_start3A_209 = arith.constant 0 : i32
      %dma_start3A_210 = arith.constant 0 : i32
      %dma_start3A_211 = tpu.memref_slice %arg13[%dma_start3A_209, %dma_start3A_210] : memref<10128x64xf32, #tpu.memory_space<vmem_shared>> -> memref<10128x64xf32, #tpu.memory_space<vmem_shared>>
      tpu.enqueue_indirect_dma source(%arg9 : memref<128x64xf32, #tpu.memory_space<vmem>>) target(%dma_start3A_211 : memref<10128x64xf32, #tpu.memory_space<vmem_shared>>) offsets(%dma_start3A_208 : memref<128xi32, #tpu.memory_space<vmem>>) semaphore(%arg12 : memref<!tpu.dma_semaphore, #tpu.memory_space<semaphore_mem>>) {add = true}
      %add3A_212 = arith.constant 7 : i32
      %add3A_213 = arith.addi %mul3A_23, %add3A_212 : i32
      %dma_start3A_214 = arith.constant 0 : i32
      %dma_start3A_215 = tpu.memref_slice %arg7[%add3A_213, %dma_start3A_214] : memref<40x128xi32, #tpu.memory_space<vmem>> -> memref<1x128xi32, #tpu.memory_space<vmem>>
      %dma_start3A_216 = tpu.memref_squeeze %dma_start3A_215 : memref<1x128xi32, #tpu.memory_space<vmem>> -> memref<128xi32, #tpu.memory_space<vmem>>
      %dma_start3A_217 = arith.constant 0 : i32
      %dma_start3A_218 = arith.constant 0 : i32
      %dma_start3A_219 = tpu.memref_slice %arg2[%dma_start3A_217, %dma_start3A_218] : memref<10128x64xf32, #tpu.memory_space<hbm>> -> memref<10128x64xf32, #tpu.memory_space<hbm>>
      tpu.enqueue_indirect_dma source(%dma_start3A_219 : memref<10128x64xf32, #tpu.memory_space<hbm>>) target(%arg10 : memref<128x64xf32, #tpu.memory_space<vmem>>) offsets(%dma_start3A_216 : memref<128xi32, #tpu.memory_space<vmem>>) semaphore(%arg11 : memref<!tpu.dma_semaphore, #tpu.memory_space<semaphore_mem>>)
      %dma_wait3A_220 = arith.constant 0 : i32
      %dma_wait3A_221 = tpu.memref_slice %arg7[%add3A_213, %dma_wait3A_220] : memref<40x128xi32, #tpu.memory_space<vmem>> -> memref<1x128xi32, #tpu.memory_space<vmem>>
      %dma_wait3A_222 = tpu.memref_squeeze %dma_wait3A_221 : memref<1x128xi32, #tpu.memory_space<vmem>> -> memref<128xi32, #tpu.memory_space<vmem>>
      %dma_wait3A_223 = arith.constant 0 : i32
      %dma_wait3A_224 = arith.constant 0 : i32
      %dma_wait3A_225 = tpu.memref_slice %arg2[%dma_wait3A_223, %dma_wait3A_224] : memref<10128x64xf32, #tpu.memory_space<hbm>> -> memref<10128x64xf32, #tpu.memory_space<hbm>>
      tpu.wait_indirect_dma semaphore(%arg11 : memref<!tpu.dma_semaphore, #tpu.memory_space<semaphore_mem>>) src(%dma_wait3A_225 : memref<10128x64xf32, #tpu.memory_space<hbm>>) dst(%arg10 : memref<128x64xf32, #tpu.memory_space<vmem>>)
      %dma_wait3A_226 = arith.constant 0 : i32
      %dma_wait3A_227 = tpu.memref_slice %arg8[%add3A_205, %dma_wait3A_226] : memref<40x128xi32, #tpu.memory_space<vmem>> -> memref<1x128xi32, #tpu.memory_space<vmem>>
      %dma_wait3A_228 = tpu.memref_squeeze %dma_wait3A_227 : memref<1x128xi32, #tpu.memory_space<vmem>> -> memref<128xi32, #tpu.memory_space<vmem>>
      %dma_wait3A_229 = arith.constant 0 : i32
      %dma_wait3A_230 = arith.constant 0 : i32
      %dma_wait3A_231 = tpu.memref_slice %arg13[%dma_wait3A_229, %dma_wait3A_230] : memref<10128x64xf32, #tpu.memory_space<vmem_shared>> -> memref<10128x64xf32, #tpu.memory_space<vmem_shared>>
      tpu.wait_indirect_dma semaphore(%arg12 : memref<!tpu.dma_semaphore, #tpu.memory_space<semaphore_mem>>) src(%arg9 : memref<128x64xf32, #tpu.memory_space<vmem>>) dst(%dma_wait3A_231 : memref<10128x64xf32, #tpu.memory_space<vmem_shared>>)
      %add3A_232 = arith.constant 7 : i32
      %add3A_233 = arith.addi %mul3A_23, %add3A_232 : i32
      %dma_start3A_234 = arith.constant 0 : i32
      %dma_start3A_235 = tpu.memref_slice %arg8[%add3A_233, %dma_start3A_234] : memref<40x128xi32, #tpu.memory_space<vmem>> -> memref<1x128xi32, #tpu.memory_space<vmem>>
      %dma_start3A_236 = tpu.memref_squeeze %dma_start3A_235 : memref<1x128xi32, #tpu.memory_space<vmem>> -> memref<128xi32, #tpu.memory_space<vmem>>
      %dma_start3A_237 = arith.constant 0 : i32
      %dma_start3A_238 = arith.constant 0 : i32
      %dma_start3A_239 = tpu.memref_slice %arg13[%dma_start3A_237, %dma_start3A_238] : memref<10128x64xf32, #tpu.memory_space<vmem_shared>> -> memref<10128x64xf32, #tpu.memory_space<vmem_shared>>
      tpu.enqueue_indirect_dma source(%arg10 : memref<128x64xf32, #tpu.memory_space<vmem>>) target(%dma_start3A_239 : memref<10128x64xf32, #tpu.memory_space<vmem_shared>>) offsets(%dma_start3A_236 : memref<128xi32, #tpu.memory_space<vmem>>) semaphore(%arg12 : memref<!tpu.dma_semaphore, #tpu.memory_space<semaphore_mem>>) {add = true}
      %add3A_240 = arith.constant 8 : i32
      %add3A_241 = arith.addi %mul3A_23, %add3A_240 : i32
      %dma_start3A_242 = arith.constant 0 : i32
      %dma_start3A_243 = tpu.memref_slice %arg7[%add3A_241, %dma_start3A_242] : memref<40x128xi32, #tpu.memory_space<vmem>> -> memref<1x128xi32, #tpu.memory_space<vmem>>
      %dma_start3A_244 = tpu.memref_squeeze %dma_start3A_243 : memref<1x128xi32, #tpu.memory_space<vmem>> -> memref<128xi32, #tpu.memory_space<vmem>>
      %dma_start3A_245 = arith.constant 0 : i32
      %dma_start3A_246 = arith.constant 0 : i32
      %dma_start3A_247 = tpu.memref_slice %arg2[%dma_start3A_245, %dma_start3A_246] : memref<10128x64xf32, #tpu.memory_space<hbm>> -> memref<10128x64xf32, #tpu.memory_space<hbm>>
      tpu.enqueue_indirect_dma source(%dma_start3A_247 : memref<10128x64xf32, #tpu.memory_space<hbm>>) target(%arg9 : memref<128x64xf32, #tpu.memory_space<vmem>>) offsets(%dma_start3A_244 : memref<128xi32, #tpu.memory_space<vmem>>) semaphore(%arg11 : memref<!tpu.dma_semaphore, #tpu.memory_space<semaphore_mem>>)
      %dma_wait3A_248 = arith.constant 0 : i32
      %dma_wait3A_249 = tpu.memref_slice %arg7[%add3A_241, %dma_wait3A_248] : memref<40x128xi32, #tpu.memory_space<vmem>> -> memref<1x128xi32, #tpu.memory_space<vmem>>
      %dma_wait3A_250 = tpu.memref_squeeze %dma_wait3A_249 : memref<1x128xi32, #tpu.memory_space<vmem>> -> memref<128xi32, #tpu.memory_space<vmem>>
      %dma_wait3A_251 = arith.constant 0 : i32
      %dma_wait3A_252 = arith.constant 0 : i32
      %dma_wait3A_253 = tpu.memref_slice %arg2[%dma_wait3A_251, %dma_wait3A_252] : memref<10128x64xf32, #tpu.memory_space<hbm>> -> memref<10128x64xf32, #tpu.memory_space<hbm>>
      tpu.wait_indirect_dma semaphore(%arg11 : memref<!tpu.dma_semaphore, #tpu.memory_space<semaphore_mem>>) src(%dma_wait3A_253 : memref<10128x64xf32, #tpu.memory_space<hbm>>) dst(%arg9 : memref<128x64xf32, #tpu.memory_space<vmem>>)
      %dma_wait3A_254 = arith.constant 0 : i32
      %dma_wait3A_255 = tpu.memref_slice %arg8[%add3A_233, %dma_wait3A_254] : memref<40x128xi32, #tpu.memory_space<vmem>> -> memref<1x128xi32, #tpu.memory_space<vmem>>
      %dma_wait3A_256 = tpu.memref_squeeze %dma_wait3A_255 : memref<1x128xi32, #tpu.memory_space<vmem>> -> memref<128xi32, #tpu.memory_space<vmem>>
      %dma_wait3A_257 = arith.constant 0 : i32
      %dma_wait3A_258 = arith.constant 0 : i32
      %dma_wait3A_259 = tpu.memref_slice %arg13[%dma_wait3A_257, %dma_wait3A_258] : memref<10128x64xf32, #tpu.memory_space<vmem_shared>> -> memref<10128x64xf32, #tpu.memory_space<vmem_shared>>
      tpu.wait_indirect_dma semaphore(%arg12 : memref<!tpu.dma_semaphore, #tpu.memory_space<semaphore_mem>>) src(%arg10 : memref<128x64xf32, #tpu.memory_space<vmem>>) dst(%dma_wait3A_259 : memref<10128x64xf32, #tpu.memory_space<vmem_shared>>)
      %add3A_260 = arith.constant 8 : i32
      %add3A_261 = arith.addi %mul3A_23, %add3A_260 : i32
      %dma_start3A_262 = arith.constant 0 : i32
      %dma_start3A_263 = tpu.memref_slice %arg8[%add3A_261, %dma_start3A_262] : memref<40x128xi32, #tpu.memory_space<vmem>> -> memref<1x128xi32, #tpu.memory_space<vmem>>
      %dma_start3A_264 = tpu.memref_squeeze %dma_start3A_263 : memref<1x128xi32, #tpu.memory_space<vmem>> -> memref<128xi32, #tpu.memory_space<vmem>>
      %dma_start3A_265 = arith.constant 0 : i32
      %dma_start3A_266 = arith.constant 0 : i32
      %dma_start3A_267 = tpu.memref_slice %arg13[%dma_start3A_265, %dma_start3A_266] : memref<10128x64xf32, #tpu.memory_space<vmem_shared>> -> memref<10128x64xf32, #tpu.memory_space<vmem_shared>>
      tpu.enqueue_indirect_dma source(%arg9 : memref<128x64xf32, #tpu.memory_space<vmem>>) target(%dma_start3A_267 : memref<10128x64xf32, #tpu.memory_space<vmem_shared>>) offsets(%dma_start3A_264 : memref<128xi32, #tpu.memory_space<vmem>>) semaphore(%arg12 : memref<!tpu.dma_semaphore, #tpu.memory_space<semaphore_mem>>) {add = true}
      %add3A_268 = arith.constant 9 : i32
      %add3A_269 = arith.addi %mul3A_23, %add3A_268 : i32
      %dma_start3A_270 = arith.constant 0 : i32
      %dma_start3A_271 = tpu.memref_slice %arg7[%add3A_269, %dma_start3A_270] : memref<40x128xi32, #tpu.memory_space<vmem>> -> memref<1x128xi32, #tpu.memory_space<vmem>>
      %dma_start3A_272 = tpu.memref_squeeze %dma_start3A_271 : memref<1x128xi32, #tpu.memory_space<vmem>> -> memref<128xi32, #tpu.memory_space<vmem>>
      %dma_start3A_273 = arith.constant 0 : i32
      %dma_start3A_274 = arith.constant 0 : i32
      %dma_start3A_275 = tpu.memref_slice %arg2[%dma_start3A_273, %dma_start3A_274] : memref<10128x64xf32, #tpu.memory_space<hbm>> -> memref<10128x64xf32, #tpu.memory_space<hbm>>
      tpu.enqueue_indirect_dma source(%dma_start3A_275 : memref<10128x64xf32, #tpu.memory_space<hbm>>) target(%arg10 : memref<128x64xf32, #tpu.memory_space<vmem>>) offsets(%dma_start3A_272 : memref<128xi32, #tpu.memory_space<vmem>>) semaphore(%arg11 : memref<!tpu.dma_semaphore, #tpu.memory_space<semaphore_mem>>)
      %dma_wait3A_276 = arith.constant 0 : i32
      %dma_wait3A_277 = tpu.memref_slice %arg7[%add3A_269, %dma_wait3A_276] : memref<40x128xi32, #tpu.memory_space<vmem>> -> memref<1x128xi32, #tpu.memory_space<vmem>>
      %dma_wait3A_278 = tpu.memref_squeeze %dma_wait3A_277 : memref<1x128xi32, #tpu.memory_space<vmem>> -> memref<128xi32, #tpu.memory_space<vmem>>
      %dma_wait3A_279 = arith.constant 0 : i32
      %dma_wait3A_280 = arith.constant 0 : i32
      %dma_wait3A_281 = tpu.memref_slice %arg2[%dma_wait3A_279, %dma_wait3A_280] : memref<10128x64xf32, #tpu.memory_space<hbm>> -> memref<10128x64xf32, #tpu.memory_space<hbm>>
      tpu.wait_indirect_dma semaphore(%arg11 : memref<!tpu.dma_semaphore, #tpu.memory_space<semaphore_mem>>) src(%dma_wait3A_281 : memref<10128x64xf32, #tpu.memory_space<hbm>>) dst(%arg10 : memref<128x64xf32, #tpu.memory_space<vmem>>)
      %dma_wait3A_282 = arith.constant 0 : i32
      %dma_wait3A_283 = tpu.memref_slice %arg8[%add3A_261, %dma_wait3A_282] : memref<40x128xi32, #tpu.memory_space<vmem>> -> memref<1x128xi32, #tpu.memory_space<vmem>>
      %dma_wait3A_284 = tpu.memref_squeeze %dma_wait3A_283 : memref<1x128xi32, #tpu.memory_space<vmem>> -> memref<128xi32, #tpu.memory_space<vmem>>
      %dma_wait3A_285 = arith.constant 0 : i32
      %dma_wait3A_286 = arith.constant 0 : i32
      %dma_wait3A_287 = tpu.memref_slice %arg13[%dma_wait3A_285, %dma_wait3A_286] : memref<10128x64xf32, #tpu.memory_space<vmem_shared>> -> memref<10128x64xf32, #tpu.memory_space<vmem_shared>>
      tpu.wait_indirect_dma semaphore(%arg12 : memref<!tpu.dma_semaphore, #tpu.memory_space<semaphore_mem>>) src(%arg9 : memref<128x64xf32, #tpu.memory_space<vmem>>) dst(%dma_wait3A_287 : memref<10128x64xf32, #tpu.memory_space<vmem_shared>>)
      %add3A_288 = arith.constant 9 : i32
      %add3A_289 = arith.addi %mul3A_23, %add3A_288 : i32
      %dma_start3A_290 = arith.constant 0 : i32
      %dma_start3A_291 = tpu.memref_slice %arg8[%add3A_289, %dma_start3A_290] : memref<40x128xi32, #tpu.memory_space<vmem>> -> memref<1x128xi32, #tpu.memory_space<vmem>>
      %dma_start3A_292 = tpu.memref_squeeze %dma_start3A_291 : memref<1x128xi32, #tpu.memory_space<vmem>> -> memref<128xi32, #tpu.memory_space<vmem>>
      %dma_start3A_293 = arith.constant 0 : i32
      %dma_start3A_294 = arith.constant 0 : i32
      %dma_start3A_295 = tpu.memref_slice %arg13[%dma_start3A_293, %dma_start3A_294] : memref<10128x64xf32, #tpu.memory_space<vmem_shared>> -> memref<10128x64xf32, #tpu.memory_space<vmem_shared>>
      tpu.enqueue_indirect_dma source(%arg10 : memref<128x64xf32, #tpu.memory_space<vmem>>) target(%dma_start3A_295 : memref<10128x64xf32, #tpu.memory_space<vmem_shared>>) offsets(%dma_start3A_292 : memref<128xi32, #tpu.memory_space<vmem>>) semaphore(%arg12 : memref<!tpu.dma_semaphore, #tpu.memory_space<semaphore_mem>>) {add = true}
      %add3A_296 = arith.constant 10 : i32
      %add3A_297 = arith.addi %mul3A_23, %add3A_296 : i32
      %dma_start3A_298 = arith.constant 0 : i32
      %dma_start3A_299 = tpu.memref_slice %arg7[%add3A_297, %dma_start3A_298] : memref<40x128xi32, #tpu.memory_space<vmem>> -> memref<1x128xi32, #tpu.memory_space<vmem>>
      %dma_start3A_300 = tpu.memref_squeeze %dma_start3A_299 : memref<1x128xi32, #tpu.memory_space<vmem>> -> memref<128xi32, #tpu.memory_space<vmem>>
      %dma_start3A_301 = arith.constant 0 : i32
      %dma_start3A_302 = arith.constant 0 : i32
      %dma_start3A_303 = tpu.memref_slice %arg2[%dma_start3A_301, %dma_start3A_302] : memref<10128x64xf32, #tpu.memory_space<hbm>> -> memref<10128x64xf32, #tpu.memory_space<hbm>>
      tpu.enqueue_indirect_dma source(%dma_start3A_303 : memref<10128x64xf32, #tpu.memory_space<hbm>>) target(%arg9 : memref<128x64xf32, #tpu.memory_space<vmem>>) offsets(%dma_start3A_300 : memref<128xi32, #tpu.memory_space<vmem>>) semaphore(%arg11 : memref<!tpu.dma_semaphore, #tpu.memory_space<semaphore_mem>>)
      %dma_wait3A_304 = arith.constant 0 : i32
      %dma_wait3A_305 = tpu.memref_slice %arg7[%add3A_297, %dma_wait3A_304] : memref<40x128xi32, #tpu.memory_space<vmem>> -> memref<1x128xi32, #tpu.memory_space<vmem>>
      %dma_wait3A_306 = tpu.memref_squeeze %dma_wait3A_305 : memref<1x128xi32, #tpu.memory_space<vmem>> -> memref<128xi32, #tpu.memory_space<vmem>>
      %dma_wait3A_307 = arith.constant 0 : i32
      %dma_wait3A_308 = arith.constant 0 : i32
      %dma_wait3A_309 = tpu.memref_slice %arg2[%dma_wait3A_307, %dma_wait3A_308] : memref<10128x64xf32, #tpu.memory_space<hbm>> -> memref<10128x64xf32, #tpu.memory_space<hbm>>
      tpu.wait_indirect_dma semaphore(%arg11 : memref<!tpu.dma_semaphore, #tpu.memory_space<semaphore_mem>>) src(%dma_wait3A_309 : memref<10128x64xf32, #tpu.memory_space<hbm>>) dst(%arg9 : memref<128x64xf32, #tpu.memory_space<vmem>>)
      %dma_wait3A_310 = arith.constant 0 : i32
      %dma_wait3A_311 = tpu.memref_slice %arg8[%add3A_289, %dma_wait3A_310] : memref<40x128xi32, #tpu.memory_space<vmem>> -> memref<1x128xi32, #tpu.memory_space<vmem>>
      %dma_wait3A_312 = tpu.memref_squeeze %dma_wait3A_311 : memref<1x128xi32, #tpu.memory_space<vmem>> -> memref<128xi32, #tpu.memory_space<vmem>>
      %dma_wait3A_313 = arith.constant 0 : i32
      %dma_wait3A_314 = arith.constant 0 : i32
      %dma_wait3A_315 = tpu.memref_slice %arg13[%dma_wait3A_313, %dma_wait3A_314] : memref<10128x64xf32, #tpu.memory_space<vmem_shared>> -> memref<10128x64xf32, #tpu.memory_space<vmem_shared>>
      tpu.wait_indirect_dma semaphore(%arg12 : memref<!tpu.dma_semaphore, #tpu.memory_space<semaphore_mem>>) src(%arg10 : memref<128x64xf32, #tpu.memory_space<vmem>>) dst(%dma_wait3A_315 : memref<10128x64xf32, #tpu.memory_space<vmem_shared>>)
      %add3A_316 = arith.constant 10 : i32
      %add3A_317 = arith.addi %mul3A_23, %add3A_316 : i32
      %dma_start3A_318 = arith.constant 0 : i32
      %dma_start3A_319 = tpu.memref_slice %arg8[%add3A_317, %dma_start3A_318] : memref<40x128xi32, #tpu.memory_space<vmem>> -> memref<1x128xi32, #tpu.memory_space<vmem>>
      %dma_start3A_320 = tpu.memref_squeeze %dma_start3A_319 : memref<1x128xi32, #tpu.memory_space<vmem>> -> memref<128xi32, #tpu.memory_space<vmem>>
      %dma_start3A_321 = arith.constant 0 : i32
      %dma_start3A_322 = arith.constant 0 : i32
      %dma_start3A_323 = tpu.memref_slice %arg13[%dma_start3A_321, %dma_start3A_322] : memref<10128x64xf32, #tpu.memory_space<vmem_shared>> -> memref<10128x64xf32, #tpu.memory_space<vmem_shared>>
      tpu.enqueue_indirect_dma source(%arg9 : memref<128x64xf32, #tpu.memory_space<vmem>>) target(%dma_start3A_323 : memref<10128x64xf32, #tpu.memory_space<vmem_shared>>) offsets(%dma_start3A_320 : memref<128xi32, #tpu.memory_space<vmem>>) semaphore(%arg12 : memref<!tpu.dma_semaphore, #tpu.memory_space<semaphore_mem>>) {add = true}
      %add3A_324 = arith.constant 11 : i32
      %add3A_325 = arith.addi %mul3A_23, %add3A_324 : i32
      %dma_start3A_326 = arith.constant 0 : i32
      %dma_start3A_327 = tpu.memref_slice %arg7[%add3A_325, %dma_start3A_326] : memref<40x128xi32, #tpu.memory_space<vmem>> -> memref<1x128xi32, #tpu.memory_space<vmem>>
      %dma_start3A_328 = tpu.memref_squeeze %dma_start3A_327 : memref<1x128xi32, #tpu.memory_space<vmem>> -> memref<128xi32, #tpu.memory_space<vmem>>
      %dma_start3A_329 = arith.constant 0 : i32
      %dma_start3A_330 = arith.constant 0 : i32
      %dma_start3A_331 = tpu.memref_slice %arg2[%dma_start3A_329, %dma_start3A_330] : memref<10128x64xf32, #tpu.memory_space<hbm>> -> memref<10128x64xf32, #tpu.memory_space<hbm>>
      tpu.enqueue_indirect_dma source(%dma_start3A_331 : memref<10128x64xf32, #tpu.memory_space<hbm>>) target(%arg10 : memref<128x64xf32, #tpu.memory_space<vmem>>) offsets(%dma_start3A_328 : memref<128xi32, #tpu.memory_space<vmem>>) semaphore(%arg11 : memref<!tpu.dma_semaphore, #tpu.memory_space<semaphore_mem>>)
      %dma_wait3A_332 = arith.constant 0 : i32
      %dma_wait3A_333 = tpu.memref_slice %arg7[%add3A_325, %dma_wait3A_332] : memref<40x128xi32, #tpu.memory_space<vmem>> -> memref<1x128xi32, #tpu.memory_space<vmem>>
      %dma_wait3A_334 = tpu.memref_squeeze %dma_wait3A_333 : memref<1x128xi32, #tpu.memory_space<vmem>> -> memref<128xi32, #tpu.memory_space<vmem>>
      %dma_wait3A_335 = arith.constant 0 : i32
      %dma_wait3A_336 = arith.constant 0 : i32
      %dma_wait3A_337 = tpu.memref_slice %arg2[%dma_wait3A_335, %dma_wait3A_336] : memref<10128x64xf32, #tpu.memory_space<hbm>> -> memref<10128x64xf32, #tpu.memory_space<hbm>>
      tpu.wait_indirect_dma semaphore(%arg11 : memref<!tpu.dma_semaphore, #tpu.memory_space<semaphore_mem>>) src(%dma_wait3A_337 : memref<10128x64xf32, #tpu.memory_space<hbm>>) dst(%arg10 : memref<128x64xf32, #tpu.memory_space<vmem>>)
      %dma_wait3A_338 = arith.constant 0 : i32
      %dma_wait3A_339 = tpu.memref_slice %arg8[%add3A_317, %dma_wait3A_338] : memref<40x128xi32, #tpu.memory_space<vmem>> -> memref<1x128xi32, #tpu.memory_space<vmem>>
      %dma_wait3A_340 = tpu.memref_squeeze %dma_wait3A_339 : memref<1x128xi32, #tpu.memory_space<vmem>> -> memref<128xi32, #tpu.memory_space<vmem>>
      %dma_wait3A_341 = arith.constant 0 : i32
      %dma_wait3A_342 = arith.constant 0 : i32
      %dma_wait3A_343 = tpu.memref_slice %arg13[%dma_wait3A_341, %dma_wait3A_342] : memref<10128x64xf32, #tpu.memory_space<vmem_shared>> -> memref<10128x64xf32, #tpu.memory_space<vmem_shared>>
      tpu.wait_indirect_dma semaphore(%arg12 : memref<!tpu.dma_semaphore, #tpu.memory_space<semaphore_mem>>) src(%arg9 : memref<128x64xf32, #tpu.memory_space<vmem>>) dst(%dma_wait3A_343 : memref<10128x64xf32, #tpu.memory_space<vmem_shared>>)
      %add3A_344 = arith.constant 11 : i32
      %add3A_345 = arith.addi %mul3A_23, %add3A_344 : i32
      %dma_start3A_346 = arith.constant 0 : i32
      %dma_start3A_347 = tpu.memref_slice %arg8[%add3A_345, %dma_start3A_346] : memref<40x128xi32, #tpu.memory_space<vmem>> -> memref<1x128xi32, #tpu.memory_space<vmem>>
      %dma_start3A_348 = tpu.memref_squeeze %dma_start3A_347 : memref<1x128xi32, #tpu.memory_space<vmem>> -> memref<128xi32, #tpu.memory_space<vmem>>
      %dma_start3A_349 = arith.constant 0 : i32
      %dma_start3A_350 = arith.constant 0 : i32
      %dma_start3A_351 = tpu.memref_slice %arg13[%dma_start3A_349, %dma_start3A_350] : memref<10128x64xf32, #tpu.memory_space<vmem_shared>> -> memref<10128x64xf32, #tpu.memory_space<vmem_shared>>
      tpu.enqueue_indirect_dma source(%arg10 : memref<128x64xf32, #tpu.memory_space<vmem>>) target(%dma_start3A_351 : memref<10128x64xf32, #tpu.memory_space<vmem_shared>>) offsets(%dma_start3A_348 : memref<128xi32, #tpu.memory_space<vmem>>) semaphore(%arg12 : memref<!tpu.dma_semaphore, #tpu.memory_space<semaphore_mem>>) {add = true}
      %add3A_352 = arith.constant 12 : i32
      %add3A_353 = arith.addi %mul3A_23, %add3A_352 : i32
      %dma_start3A_354 = arith.constant 0 : i32
      %dma_start3A_355 = tpu.memref_slice %arg7[%add3A_353, %dma_start3A_354] : memref<40x128xi32, #tpu.memory_space<vmem>> -> memref<1x128xi32, #tpu.memory_space<vmem>>
      %dma_start3A_356 = tpu.memref_squeeze %dma_start3A_355 : memref<1x128xi32, #tpu.memory_space<vmem>> -> memref<128xi32, #tpu.memory_space<vmem>>
      %dma_start3A_357 = arith.constant 0 : i32
      %dma_start3A_358 = arith.constant 0 : i32
      %dma_start3A_359 = tpu.memref_slice %arg2[%dma_start3A_357, %dma_start3A_358] : memref<10128x64xf32, #tpu.memory_space<hbm>> -> memref<10128x64xf32, #tpu.memory_space<hbm>>
      tpu.enqueue_indirect_dma source(%dma_start3A_359 : memref<10128x64xf32, #tpu.memory_space<hbm>>) target(%arg9 : memref<128x64xf32, #tpu.memory_space<vmem>>) offsets(%dma_start3A_356 : memref<128xi32, #tpu.memory_space<vmem>>) semaphore(%arg11 : memref<!tpu.dma_semaphore, #tpu.memory_space<semaphore_mem>>)
      %dma_wait3A_360 = arith.constant 0 : i32
      %dma_wait3A_361 = tpu.memref_slice %arg7[%add3A_353, %dma_wait3A_360] : memref<40x128xi32, #tpu.memory_space<vmem>> -> memref<1x128xi32, #tpu.memory_space<vmem>>
      %dma_wait3A_362 = tpu.memref_squeeze %dma_wait3A_361 : memref<1x128xi32, #tpu.memory_space<vmem>> -> memref<128xi32, #tpu.memory_space<vmem>>
      %dma_wait3A_363 = arith.constant 0 : i32
      %dma_wait3A_364 = arith.constant 0 : i32
      %dma_wait3A_365 = tpu.memref_slice %arg2[%dma_wait3A_363, %dma_wait3A_364] : memref<10128x64xf32, #tpu.memory_space<hbm>> -> memref<10128x64xf32, #tpu.memory_space<hbm>>
      tpu.wait_indirect_dma semaphore(%arg11 : memref<!tpu.dma_semaphore, #tpu.memory_space<semaphore_mem>>) src(%dma_wait3A_365 : memref<10128x64xf32, #tpu.memory_space<hbm>>) dst(%arg9 : memref<128x64xf32, #tpu.memory_space<vmem>>)
      %dma_wait3A_366 = arith.constant 0 : i32
      %dma_wait3A_367 = tpu.memref_slice %arg8[%add3A_345, %dma_wait3A_366] : memref<40x128xi32, #tpu.memory_space<vmem>> -> memref<1x128xi32, #tpu.memory_space<vmem>>
      %dma_wait3A_368 = tpu.memref_squeeze %dma_wait3A_367 : memref<1x128xi32, #tpu.memory_space<vmem>> -> memref<128xi32, #tpu.memory_space<vmem>>
      %dma_wait3A_369 = arith.constant 0 : i32
      %dma_wait3A_370 = arith.constant 0 : i32
      %dma_wait3A_371 = tpu.memref_slice %arg13[%dma_wait3A_369, %dma_wait3A_370] : memref<10128x64xf32, #tpu.memory_space<vmem_shared>> -> memref<10128x64xf32, #tpu.memory_space<vmem_shared>>
      tpu.wait_indirect_dma semaphore(%arg12 : memref<!tpu.dma_semaphore, #tpu.memory_space<semaphore_mem>>) src(%arg10 : memref<128x64xf32, #tpu.memory_space<vmem>>) dst(%dma_wait3A_371 : memref<10128x64xf32, #tpu.memory_space<vmem_shared>>)
      %add3A_372 = arith.constant 12 : i32
      %add3A_373 = arith.addi %mul3A_23, %add3A_372 : i32
      %dma_start3A_374 = arith.constant 0 : i32
      %dma_start3A_375 = tpu.memref_slice %arg8[%add3A_373, %dma_start3A_374] : memref<40x128xi32, #tpu.memory_space<vmem>> -> memref<1x128xi32, #tpu.memory_space<vmem>>
      %dma_start3A_376 = tpu.memref_squeeze %dma_start3A_375 : memref<1x128xi32, #tpu.memory_space<vmem>> -> memref<128xi32, #tpu.memory_space<vmem>>
      %dma_start3A_377 = arith.constant 0 : i32
      %dma_start3A_378 = arith.constant 0 : i32
      %dma_start3A_379 = tpu.memref_slice %arg13[%dma_start3A_377, %dma_start3A_378] : memref<10128x64xf32, #tpu.memory_space<vmem_shared>> -> memref<10128x64xf32, #tpu.memory_space<vmem_shared>>
      tpu.enqueue_indirect_dma source(%arg9 : memref<128x64xf32, #tpu.memory_space<vmem>>) target(%dma_start3A_379 : memref<10128x64xf32, #tpu.memory_space<vmem_shared>>) offsets(%dma_start3A_376 : memref<128xi32, #tpu.memory_space<vmem>>) semaphore(%arg12 : memref<!tpu.dma_semaphore, #tpu.memory_space<semaphore_mem>>) {add = true}
      %add3A_380 = arith.constant 13 : i32
      %add3A_381 = arith.addi %mul3A_23, %add3A_380 : i32
      %dma_start3A_382 = arith.constant 0 : i32
      %dma_start3A_383 = tpu.memref_slice %arg7[%add3A_381, %dma_start3A_382] : memref<40x128xi32, #tpu.memory_space<vmem>> -> memref<1x128xi32, #tpu.memory_space<vmem>>
      %dma_start3A_384 = tpu.memref_squeeze %dma_start3A_383 : memref<1x128xi32, #tpu.memory_space<vmem>> -> memref<128xi32, #tpu.memory_space<vmem>>
      %dma_start3A_385 = arith.constant 0 : i32
      %dma_start3A_386 = arith.constant 0 : i32
      %dma_start3A_387 = tpu.memref_slice %arg2[%dma_start3A_385, %dma_start3A_386] : memref<10128x64xf32, #tpu.memory_space<hbm>> -> memref<10128x64xf32, #tpu.memory_space<hbm>>
      tpu.enqueue_indirect_dma source(%dma_start3A_387 : memref<10128x64xf32, #tpu.memory_space<hbm>>) target(%arg10 : memref<128x64xf32, #tpu.memory_space<vmem>>) offsets(%dma_start3A_384 : memref<128xi32, #tpu.memory_space<vmem>>) semaphore(%arg11 : memref<!tpu.dma_semaphore, #tpu.memory_space<semaphore_mem>>)
      %dma_wait3A_388 = arith.constant 0 : i32
      %dma_wait3A_389 = tpu.memref_slice %arg7[%add3A_381, %dma_wait3A_388] : memref<40x128xi32, #tpu.memory_space<vmem>> -> memref<1x128xi32, #tpu.memory_space<vmem>>
      %dma_wait3A_390 = tpu.memref_squeeze %dma_wait3A_389 : memref<1x128xi32, #tpu.memory_space<vmem>> -> memref<128xi32, #tpu.memory_space<vmem>>
      %dma_wait3A_391 = arith.constant 0 : i32
      %dma_wait3A_392 = arith.constant 0 : i32
      %dma_wait3A_393 = tpu.memref_slice %arg2[%dma_wait3A_391, %dma_wait3A_392] : memref<10128x64xf32, #tpu.memory_space<hbm>> -> memref<10128x64xf32, #tpu.memory_space<hbm>>
      tpu.wait_indirect_dma semaphore(%arg11 : memref<!tpu.dma_semaphore, #tpu.memory_space<semaphore_mem>>) src(%dma_wait3A_393 : memref<10128x64xf32, #tpu.memory_space<hbm>>) dst(%arg10 : memref<128x64xf32, #tpu.memory_space<vmem>>)
      %dma_wait3A_394 = arith.constant 0 : i32
      %dma_wait3A_395 = tpu.memref_slice %arg8[%add3A_373, %dma_wait3A_394] : memref<40x128xi32, #tpu.memory_space<vmem>> -> memref<1x128xi32, #tpu.memory_space<vmem>>
      %dma_wait3A_396 = tpu.memref_squeeze %dma_wait3A_395 : memref<1x128xi32, #tpu.memory_space<vmem>> -> memref<128xi32, #tpu.memory_space<vmem>>
      %dma_wait3A_397 = arith.constant 0 : i32
      %dma_wait3A_398 = arith.constant 0 : i32
      %dma_wait3A_399 = tpu.memref_slice %arg13[%dma_wait3A_397, %dma_wait3A_398] : memref<10128x64xf32, #tpu.memory_space<vmem_shared>> -> memref<10128x64xf32, #tpu.memory_space<vmem_shared>>
      tpu.wait_indirect_dma semaphore(%arg12 : memref<!tpu.dma_semaphore, #tpu.memory_space<semaphore_mem>>) src(%arg9 : memref<128x64xf32, #tpu.memory_space<vmem>>) dst(%dma_wait3A_399 : memref<10128x64xf32, #tpu.memory_space<vmem_shared>>)
      %add3A_400 = arith.constant 13 : i32
      %add3A_401 = arith.addi %mul3A_23, %add3A_400 : i32
      %dma_start3A_402 = arith.constant 0 : i32
      %dma_start3A_403 = tpu.memref_slice %arg8[%add3A_401, %dma_start3A_402] : memref<40x128xi32, #tpu.memory_space<vmem>> -> memref<1x128xi32, #tpu.memory_space<vmem>>
      %dma_start3A_404 = tpu.memref_squeeze %dma_start3A_403 : memref<1x128xi32, #tpu.memory_space<vmem>> -> memref<128xi32, #tpu.memory_space<vmem>>
      %dma_start3A_405 = arith.constant 0 : i32
      %dma_start3A_406 = arith.constant 0 : i32
      %dma_start3A_407 = tpu.memref_slice %arg13[%dma_start3A_405, %dma_start3A_406] : memref<10128x64xf32, #tpu.memory_space<vmem_shared>> -> memref<10128x64xf32, #tpu.memory_space<vmem_shared>>
      tpu.enqueue_indirect_dma source(%arg10 : memref<128x64xf32, #tpu.memory_space<vmem>>) target(%dma_start3A_407 : memref<10128x64xf32, #tpu.memory_space<vmem_shared>>) offsets(%dma_start3A_404 : memref<128xi32, #tpu.memory_space<vmem>>) semaphore(%arg12 : memref<!tpu.dma_semaphore, #tpu.memory_space<semaphore_mem>>) {add = true}
      %add3A_408 = arith.constant 14 : i32
      %add3A_409 = arith.addi %mul3A_23, %add3A_408 : i32
      %dma_start3A_410 = arith.constant 0 : i32
      %dma_start3A_411 = tpu.memref_slice %arg7[%add3A_409, %dma_start3A_410] : memref<40x128xi32, #tpu.memory_space<vmem>> -> memref<1x128xi32, #tpu.memory_space<vmem>>
      %dma_start3A_412 = tpu.memref_squeeze %dma_start3A_411 : memref<1x128xi32, #tpu.memory_space<vmem>> -> memref<128xi32, #tpu.memory_space<vmem>>
      %dma_start3A_413 = arith.constant 0 : i32
      %dma_start3A_414 = arith.constant 0 : i32
      %dma_start3A_415 = tpu.memref_slice %arg2[%dma_start3A_413, %dma_start3A_414] : memref<10128x64xf32, #tpu.memory_space<hbm>> -> memref<10128x64xf32, #tpu.memory_space<hbm>>
      tpu.enqueue_indirect_dma source(%dma_start3A_415 : memref<10128x64xf32, #tpu.memory_space<hbm>>) target(%arg9 : memref<128x64xf32, #tpu.memory_space<vmem>>) offsets(%dma_start3A_412 : memref<128xi32, #tpu.memory_space<vmem>>) semaphore(%arg11 : memref<!tpu.dma_semaphore, #tpu.memory_space<semaphore_mem>>)
      %dma_wait3A_416 = arith.constant 0 : i32
      %dma_wait3A_417 = tpu.memref_slice %arg7[%add3A_409, %dma_wait3A_416] : memref<40x128xi32, #tpu.memory_space<vmem>> -> memref<1x128xi32, #tpu.memory_space<vmem>>
      %dma_wait3A_418 = tpu.memref_squeeze %dma_wait3A_417 : memref<1x128xi32, #tpu.memory_space<vmem>> -> memref<128xi32, #tpu.memory_space<vmem>>
      %dma_wait3A_419 = arith.constant 0 : i32
      %dma_wait3A_420 = arith.constant 0 : i32
      %dma_wait3A_421 = tpu.memref_slice %arg2[%dma_wait3A_419, %dma_wait3A_420] : memref<10128x64xf32, #tpu.memory_space<hbm>> -> memref<10128x64xf32, #tpu.memory_space<hbm>>
      tpu.wait_indirect_dma semaphore(%arg11 : memref<!tpu.dma_semaphore, #tpu.memory_space<semaphore_mem>>) src(%dma_wait3A_421 : memref<10128x64xf32, #tpu.memory_space<hbm>>) dst(%arg9 : memref<128x64xf32, #tpu.memory_space<vmem>>)
      %dma_wait3A_422 = arith.constant 0 : i32
      %dma_wait3A_423 = tpu.memref_slice %arg8[%add3A_401, %dma_wait3A_422] : memref<40x128xi32, #tpu.memory_space<vmem>> -> memref<1x128xi32, #tpu.memory_space<vmem>>
      %dma_wait3A_424 = tpu.memref_squeeze %dma_wait3A_423 : memref<1x128xi32, #tpu.memory_space<vmem>> -> memref<128xi32, #tpu.memory_space<vmem>>
      %dma_wait3A_425 = arith.constant 0 : i32
      %dma_wait3A_426 = arith.constant 0 : i32
      %dma_wait3A_427 = tpu.memref_slice %arg13[%dma_wait3A_425, %dma_wait3A_426] : memref<10128x64xf32, #tpu.memory_space<vmem_shared>> -> memref<10128x64xf32, #tpu.memory_space<vmem_shared>>
      tpu.wait_indirect_dma semaphore(%arg12 : memref<!tpu.dma_semaphore, #tpu.memory_space<semaphore_mem>>) src(%arg10 : memref<128x64xf32, #tpu.memory_space<vmem>>) dst(%dma_wait3A_427 : memref<10128x64xf32, #tpu.memory_space<vmem_shared>>)
      %add3A_428 = arith.constant 14 : i32
      %add3A_429 = arith.addi %mul3A_23, %add3A_428 : i32
      %dma_start3A_430 = arith.constant 0 : i32
      %dma_start3A_431 = tpu.memref_slice %arg8[%add3A_429, %dma_start3A_430] : memref<40x128xi32, #tpu.memory_space<vmem>> -> memref<1x128xi32, #tpu.memory_space<vmem>>
      %dma_start3A_432 = tpu.memref_squeeze %dma_start3A_431 : memref<1x128xi32, #tpu.memory_space<vmem>> -> memref<128xi32, #tpu.memory_space<vmem>>
      %dma_start3A_433 = arith.constant 0 : i32
      %dma_start3A_434 = arith.constant 0 : i32
      %dma_start3A_435 = tpu.memref_slice %arg13[%dma_start3A_433, %dma_start3A_434] : memref<10128x64xf32, #tpu.memory_space<vmem_shared>> -> memref<10128x64xf32, #tpu.memory_space<vmem_shared>>
      tpu.enqueue_indirect_dma source(%arg9 : memref<128x64xf32, #tpu.memory_space<vmem>>) target(%dma_start3A_435 : memref<10128x64xf32, #tpu.memory_space<vmem_shared>>) offsets(%dma_start3A_432 : memref<128xi32, #tpu.memory_space<vmem>>) semaphore(%arg12 : memref<!tpu.dma_semaphore, #tpu.memory_space<semaphore_mem>>) {add = true}
      %add3A_436 = arith.constant 15 : i32
      %add3A_437 = arith.addi %mul3A_23, %add3A_436 : i32
      %dma_start3A_438 = arith.constant 0 : i32
      %dma_start3A_439 = tpu.memref_slice %arg7[%add3A_437, %dma_start3A_438] : memref<40x128xi32, #tpu.memory_space<vmem>> -> memref<1x128xi32, #tpu.memory_space<vmem>>
      %dma_start3A_440 = tpu.memref_squeeze %dma_start3A_439 : memref<1x128xi32, #tpu.memory_space<vmem>> -> memref<128xi32, #tpu.memory_space<vmem>>
      %dma_start3A_441 = arith.constant 0 : i32
      %dma_start3A_442 = arith.constant 0 : i32
      %dma_start3A_443 = tpu.memref_slice %arg2[%dma_start3A_441, %dma_start3A_442] : memref<10128x64xf32, #tpu.memory_space<hbm>> -> memref<10128x64xf32, #tpu.memory_space<hbm>>
      tpu.enqueue_indirect_dma source(%dma_start3A_443 : memref<10128x64xf32, #tpu.memory_space<hbm>>) target(%arg10 : memref<128x64xf32, #tpu.memory_space<vmem>>) offsets(%dma_start3A_440 : memref<128xi32, #tpu.memory_space<vmem>>) semaphore(%arg11 : memref<!tpu.dma_semaphore, #tpu.memory_space<semaphore_mem>>)
      %dma_wait3A_444 = arith.constant 0 : i32
      %dma_wait3A_445 = tpu.memref_slice %arg7[%add3A_437, %dma_wait3A_444] : memref<40x128xi32, #tpu.memory_space<vmem>> -> memref<1x128xi32, #tpu.memory_space<vmem>>
      %dma_wait3A_446 = tpu.memref_squeeze %dma_wait3A_445 : memref<1x128xi32, #tpu.memory_space<vmem>> -> memref<128xi32, #tpu.memory_space<vmem>>
      %dma_wait3A_447 = arith.constant 0 : i32
      %dma_wait3A_448 = arith.constant 0 : i32
      %dma_wait3A_449 = tpu.memref_slice %arg2[%dma_wait3A_447, %dma_wait3A_448] : memref<10128x64xf32, #tpu.memory_space<hbm>> -> memref<10128x64xf32, #tpu.memory_space<hbm>>
      tpu.wait_indirect_dma semaphore(%arg11 : memref<!tpu.dma_semaphore, #tpu.memory_space<semaphore_mem>>) src(%dma_wait3A_449 : memref<10128x64xf32, #tpu.memory_space<hbm>>) dst(%arg10 : memref<128x64xf32, #tpu.memory_space<vmem>>)
      %dma_wait3A_450 = arith.constant 0 : i32
      %dma_wait3A_451 = tpu.memref_slice %arg8[%add3A_429, %dma_wait3A_450] : memref<40x128xi32, #tpu.memory_space<vmem>> -> memref<1x128xi32, #tpu.memory_space<vmem>>
      %dma_wait3A_452 = tpu.memref_squeeze %dma_wait3A_451 : memref<1x128xi32, #tpu.memory_space<vmem>> -> memref<128xi32, #tpu.memory_space<vmem>>
      %dma_wait3A_453 = arith.constant 0 : i32
      %dma_wait3A_454 = arith.constant 0 : i32
      %dma_wait3A_455 = tpu.memref_slice %arg13[%dma_wait3A_453, %dma_wait3A_454] : memref<10128x64xf32, #tpu.memory_space<vmem_shared>> -> memref<10128x64xf32, #tpu.memory_space<vmem_shared>>
      tpu.wait_indirect_dma semaphore(%arg12 : memref<!tpu.dma_semaphore, #tpu.memory_space<semaphore_mem>>) src(%arg9 : memref<128x64xf32, #tpu.memory_space<vmem>>) dst(%dma_wait3A_455 : memref<10128x64xf32, #tpu.memory_space<vmem_shared>>)
      %add3A_456 = arith.constant 15 : i32
      %add3A_457 = arith.addi %mul3A_23, %add3A_456 : i32
      %dma_start3A_458 = arith.constant 0 : i32
      %dma_start3A_459 = tpu.memref_slice %arg8[%add3A_457, %dma_start3A_458] : memref<40x128xi32, #tpu.memory_space<vmem>> -> memref<1x128xi32, #tpu.memory_space<vmem>>
      %dma_start3A_460 = tpu.memref_squeeze %dma_start3A_459 : memref<1x128xi32, #tpu.memory_space<vmem>> -> memref<128xi32, #tpu.memory_space<vmem>>
      %dma_start3A_461 = arith.constant 0 : i32
      %dma_start3A_462 = arith.constant 0 : i32
      %dma_start3A_463 = tpu.memref_slice %arg13[%dma_start3A_461, %dma_start3A_462] : memref<10128x64xf32, #tpu.memory_space<vmem_shared>> -> memref<10128x64xf32, #tpu.memory_space<vmem_shared>>
      tpu.enqueue_indirect_dma source(%arg10 : memref<128x64xf32, #tpu.memory_space<vmem>>) target(%dma_start3A_463 : memref<10128x64xf32, #tpu.memory_space<vmem_shared>>) offsets(%dma_start3A_460 : memref<128xi32, #tpu.memory_space<vmem>>) semaphore(%arg12 : memref<!tpu.dma_semaphore, #tpu.memory_space<semaphore_mem>>) {add = true}
      %add3A_464 = arith.constant 16 : i32
      %add3A_465 = arith.addi %mul3A_23, %add3A_464 : i32
      %dma_start3A_466 = arith.constant 0 : i32
      %dma_start3A_467 = tpu.memref_slice %arg7[%add3A_465, %dma_start3A_466] : memref<40x128xi32, #tpu.memory_space<vmem>> -> memref<1x128xi32, #tpu.memory_space<vmem>>
      %dma_start3A_468 = tpu.memref_squeeze %dma_start3A_467 : memref<1x128xi32, #tpu.memory_space<vmem>> -> memref<128xi32, #tpu.memory_space<vmem>>
      %dma_start3A_469 = arith.constant 0 : i32
      %dma_start3A_470 = arith.constant 0 : i32
      %dma_start3A_471 = tpu.memref_slice %arg2[%dma_start3A_469, %dma_start3A_470] : memref<10128x64xf32, #tpu.memory_space<hbm>> -> memref<10128x64xf32, #tpu.memory_space<hbm>>
      tpu.enqueue_indirect_dma source(%dma_start3A_471 : memref<10128x64xf32, #tpu.memory_space<hbm>>) target(%arg9 : memref<128x64xf32, #tpu.memory_space<vmem>>) offsets(%dma_start3A_468 : memref<128xi32, #tpu.memory_space<vmem>>) semaphore(%arg11 : memref<!tpu.dma_semaphore, #tpu.memory_space<semaphore_mem>>)
      %dma_wait3A_472 = arith.constant 0 : i32
      %dma_wait3A_473 = tpu.memref_slice %arg7[%add3A_465, %dma_wait3A_472] : memref<40x128xi32, #tpu.memory_space<vmem>> -> memref<1x128xi32, #tpu.memory_space<vmem>>
      %dma_wait3A_474 = tpu.memref_squeeze %dma_wait3A_473 : memref<1x128xi32, #tpu.memory_space<vmem>> -> memref<128xi32, #tpu.memory_space<vmem>>
      %dma_wait3A_475 = arith.constant 0 : i32
      %dma_wait3A_476 = arith.constant 0 : i32
      %dma_wait3A_477 = tpu.memref_slice %arg2[%dma_wait3A_475, %dma_wait3A_476] : memref<10128x64xf32, #tpu.memory_space<hbm>> -> memref<10128x64xf32, #tpu.memory_space<hbm>>
      tpu.wait_indirect_dma semaphore(%arg11 : memref<!tpu.dma_semaphore, #tpu.memory_space<semaphore_mem>>) src(%dma_wait3A_477 : memref<10128x64xf32, #tpu.memory_space<hbm>>) dst(%arg9 : memref<128x64xf32, #tpu.memory_space<vmem>>)
      %dma_wait3A_478 = arith.constant 0 : i32
      %dma_wait3A_479 = tpu.memref_slice %arg8[%add3A_457, %dma_wait3A_478] : memref<40x128xi32, #tpu.memory_space<vmem>> -> memref<1x128xi32, #tpu.memory_space<vmem>>
      %dma_wait3A_480 = tpu.memref_squeeze %dma_wait3A_479 : memref<1x128xi32, #tpu.memory_space<vmem>> -> memref<128xi32, #tpu.memory_space<vmem>>
      %dma_wait3A_481 = arith.constant 0 : i32
      %dma_wait3A_482 = arith.constant 0 : i32
      %dma_wait3A_483 = tpu.memref_slice %arg13[%dma_wait3A_481, %dma_wait3A_482] : memref<10128x64xf32, #tpu.memory_space<vmem_shared>> -> memref<10128x64xf32, #tpu.memory_space<vmem_shared>>
      tpu.wait_indirect_dma semaphore(%arg12 : memref<!tpu.dma_semaphore, #tpu.memory_space<semaphore_mem>>) src(%arg10 : memref<128x64xf32, #tpu.memory_space<vmem>>) dst(%dma_wait3A_483 : memref<10128x64xf32, #tpu.memory_space<vmem_shared>>)
      %add3A_484 = arith.constant 16 : i32
      %add3A_485 = arith.addi %mul3A_23, %add3A_484 : i32
      %dma_start3A_486 = arith.constant 0 : i32
      %dma_start3A_487 = tpu.memref_slice %arg8[%add3A_485, %dma_start3A_486] : memref<40x128xi32, #tpu.memory_space<vmem>> -> memref<1x128xi32, #tpu.memory_space<vmem>>
      %dma_start3A_488 = tpu.memref_squeeze %dma_start3A_487 : memref<1x128xi32, #tpu.memory_space<vmem>> -> memref<128xi32, #tpu.memory_space<vmem>>
      %dma_start3A_489 = arith.constant 0 : i32
      %dma_start3A_490 = arith.constant 0 : i32
      %dma_start3A_491 = tpu.memref_slice %arg13[%dma_start3A_489, %dma_start3A_490] : memref<10128x64xf32, #tpu.memory_space<vmem_shared>> -> memref<10128x64xf32, #tpu.memory_space<vmem_shared>>
      tpu.enqueue_indirect_dma source(%arg9 : memref<128x64xf32, #tpu.memory_space<vmem>>) target(%dma_start3A_491 : memref<10128x64xf32, #tpu.memory_space<vmem_shared>>) offsets(%dma_start3A_488 : memref<128xi32, #tpu.memory_space<vmem>>) semaphore(%arg12 : memref<!tpu.dma_semaphore, #tpu.memory_space<semaphore_mem>>) {add = true}
      %add3A_492 = arith.constant 17 : i32
      %add3A_493 = arith.addi %mul3A_23, %add3A_492 : i32
      %dma_start3A_494 = arith.constant 0 : i32
      %dma_start3A_495 = tpu.memref_slice %arg7[%add3A_493, %dma_start3A_494] : memref<40x128xi32, #tpu.memory_space<vmem>> -> memref<1x128xi32, #tpu.memory_space<vmem>>
      %dma_start3A_496 = tpu.memref_squeeze %dma_start3A_495 : memref<1x128xi32, #tpu.memory_space<vmem>> -> memref<128xi32, #tpu.memory_space<vmem>>
      %dma_start3A_497 = arith.constant 0 : i32
      %dma_start3A_498 = arith.constant 0 : i32
      %dma_start3A_499 = tpu.memref_slice %arg2[%dma_start3A_497, %dma_start3A_498] : memref<10128x64xf32, #tpu.memory_space<hbm>> -> memref<10128x64xf32, #tpu.memory_space<hbm>>
      tpu.enqueue_indirect_dma source(%dma_start3A_499 : memref<10128x64xf32, #tpu.memory_space<hbm>>) target(%arg10 : memref<128x64xf32, #tpu.memory_space<vmem>>) offsets(%dma_start3A_496 : memref<128xi32, #tpu.memory_space<vmem>>) semaphore(%arg11 : memref<!tpu.dma_semaphore, #tpu.memory_space<semaphore_mem>>)
      %dma_wait3A_500 = arith.constant 0 : i32
      %dma_wait3A_501 = tpu.memref_slice %arg7[%add3A_493, %dma_wait3A_500] : memref<40x128xi32, #tpu.memory_space<vmem>> -> memref<1x128xi32, #tpu.memory_space<vmem>>
      %dma_wait3A_502 = tpu.memref_squeeze %dma_wait3A_501 : memref<1x128xi32, #tpu.memory_space<vmem>> -> memref<128xi32, #tpu.memory_space<vmem>>
      %dma_wait3A_503 = arith.constant 0 : i32
      %dma_wait3A_504 = arith.constant 0 : i32
      %dma_wait3A_505 = tpu.memref_slice %arg2[%dma_wait3A_503, %dma_wait3A_504] : memref<10128x64xf32, #tpu.memory_space<hbm>> -> memref<10128x64xf32, #tpu.memory_space<hbm>>
      tpu.wait_indirect_dma semaphore(%arg11 : memref<!tpu.dma_semaphore, #tpu.memory_space<semaphore_mem>>) src(%dma_wait3A_505 : memref<10128x64xf32, #tpu.memory_space<hbm>>) dst(%arg10 : memref<128x64xf32, #tpu.memory_space<vmem>>)
      %dma_wait3A_506 = arith.constant 0 : i32
      %dma_wait3A_507 = tpu.memref_slice %arg8[%add3A_485, %dma_wait3A_506] : memref<40x128xi32, #tpu.memory_space<vmem>> -> memref<1x128xi32, #tpu.memory_space<vmem>>
      %dma_wait3A_508 = tpu.memref_squeeze %dma_wait3A_507 : memref<1x128xi32, #tpu.memory_space<vmem>> -> memref<128xi32, #tpu.memory_space<vmem>>
      %dma_wait3A_509 = arith.constant 0 : i32
      %dma_wait3A_510 = arith.constant 0 : i32
      %dma_wait3A_511 = tpu.memref_slice %arg13[%dma_wait3A_509, %dma_wait3A_510] : memref<10128x64xf32, #tpu.memory_space<vmem_shared>> -> memref<10128x64xf32, #tpu.memory_space<vmem_shared>>
      tpu.wait_indirect_dma semaphore(%arg12 : memref<!tpu.dma_semaphore, #tpu.memory_space<semaphore_mem>>) src(%arg9 : memref<128x64xf32, #tpu.memory_space<vmem>>) dst(%dma_wait3A_511 : memref<10128x64xf32, #tpu.memory_space<vmem_shared>>)
      %add3A_512 = arith.constant 17 : i32
      %add3A_513 = arith.addi %mul3A_23, %add3A_512 : i32
      %dma_start3A_514 = arith.constant 0 : i32
      %dma_start3A_515 = tpu.memref_slice %arg8[%add3A_513, %dma_start3A_514] : memref<40x128xi32, #tpu.memory_space<vmem>> -> memref<1x128xi32, #tpu.memory_space<vmem>>
      %dma_start3A_516 = tpu.memref_squeeze %dma_start3A_515 : memref<1x128xi32, #tpu.memory_space<vmem>> -> memref<128xi32, #tpu.memory_space<vmem>>
      %dma_start3A_517 = arith.constant 0 : i32
      %dma_start3A_518 = arith.constant 0 : i32
      %dma_start3A_519 = tpu.memref_slice %arg13[%dma_start3A_517, %dma_start3A_518] : memref<10128x64xf32, #tpu.memory_space<vmem_shared>> -> memref<10128x64xf32, #tpu.memory_space<vmem_shared>>
      tpu.enqueue_indirect_dma source(%arg10 : memref<128x64xf32, #tpu.memory_space<vmem>>) target(%dma_start3A_519 : memref<10128x64xf32, #tpu.memory_space<vmem_shared>>) offsets(%dma_start3A_516 : memref<128xi32, #tpu.memory_space<vmem>>) semaphore(%arg12 : memref<!tpu.dma_semaphore, #tpu.memory_space<semaphore_mem>>) {add = true}
      %add3A_520 = arith.constant 18 : i32
      %add3A_521 = arith.addi %mul3A_23, %add3A_520 : i32
      %dma_start3A_522 = arith.constant 0 : i32
      %dma_start3A_523 = tpu.memref_slice %arg7[%add3A_521, %dma_start3A_522] : memref<40x128xi32, #tpu.memory_space<vmem>> -> memref<1x128xi32, #tpu.memory_space<vmem>>
      %dma_start3A_524 = tpu.memref_squeeze %dma_start3A_523 : memref<1x128xi32, #tpu.memory_space<vmem>> -> memref<128xi32, #tpu.memory_space<vmem>>
      %dma_start3A_525 = arith.constant 0 : i32
      %dma_start3A_526 = arith.constant 0 : i32
      %dma_start3A_527 = tpu.memref_slice %arg2[%dma_start3A_525, %dma_start3A_526] : memref<10128x64xf32, #tpu.memory_space<hbm>> -> memref<10128x64xf32, #tpu.memory_space<hbm>>
      tpu.enqueue_indirect_dma source(%dma_start3A_527 : memref<10128x64xf32, #tpu.memory_space<hbm>>) target(%arg9 : memref<128x64xf32, #tpu.memory_space<vmem>>) offsets(%dma_start3A_524 : memref<128xi32, #tpu.memory_space<vmem>>) semaphore(%arg11 : memref<!tpu.dma_semaphore, #tpu.memory_space<semaphore_mem>>)
      %dma_wait3A_528 = arith.constant 0 : i32
      %dma_wait3A_529 = tpu.memref_slice %arg7[%add3A_521, %dma_wait3A_528] : memref<40x128xi32, #tpu.memory_space<vmem>> -> memref<1x128xi32, #tpu.memory_space<vmem>>
      %dma_wait3A_530 = tpu.memref_squeeze %dma_wait3A_529 : memref<1x128xi32, #tpu.memory_space<vmem>> -> memref<128xi32, #tpu.memory_space<vmem>>
      %dma_wait3A_531 = arith.constant 0 : i32
      %dma_wait3A_532 = arith.constant 0 : i32
      %dma_wait3A_533 = tpu.memref_slice %arg2[%dma_wait3A_531, %dma_wait3A_532] : memref<10128x64xf32, #tpu.memory_space<hbm>> -> memref<10128x64xf32, #tpu.memory_space<hbm>>
      tpu.wait_indirect_dma semaphore(%arg11 : memref<!tpu.dma_semaphore, #tpu.memory_space<semaphore_mem>>) src(%dma_wait3A_533 : memref<10128x64xf32, #tpu.memory_space<hbm>>) dst(%arg9 : memref<128x64xf32, #tpu.memory_space<vmem>>)
      %dma_wait3A_534 = arith.constant 0 : i32
      %dma_wait3A_535 = tpu.memref_slice %arg8[%add3A_513, %dma_wait3A_534] : memref<40x128xi32, #tpu.memory_space<vmem>> -> memref<1x128xi32, #tpu.memory_space<vmem>>
      %dma_wait3A_536 = tpu.memref_squeeze %dma_wait3A_535 : memref<1x128xi32, #tpu.memory_space<vmem>> -> memref<128xi32, #tpu.memory_space<vmem>>
      %dma_wait3A_537 = arith.constant 0 : i32
      %dma_wait3A_538 = arith.constant 0 : i32
      %dma_wait3A_539 = tpu.memref_slice %arg13[%dma_wait3A_537, %dma_wait3A_538] : memref<10128x64xf32, #tpu.memory_space<vmem_shared>> -> memref<10128x64xf32, #tpu.memory_space<vmem_shared>>
      tpu.wait_indirect_dma semaphore(%arg12 : memref<!tpu.dma_semaphore, #tpu.memory_space<semaphore_mem>>) src(%arg10 : memref<128x64xf32, #tpu.memory_space<vmem>>) dst(%dma_wait3A_539 : memref<10128x64xf32, #tpu.memory_space<vmem_shared>>)
      %add3A_540 = arith.constant 18 : i32
      %add3A_541 = arith.addi %mul3A_23, %add3A_540 : i32
      %dma_start3A_542 = arith.constant 0 : i32
      %dma_start3A_543 = tpu.memref_slice %arg8[%add3A_541, %dma_start3A_542] : memref<40x128xi32, #tpu.memory_space<vmem>> -> memref<1x128xi32, #tpu.memory_space<vmem>>
      %dma_start3A_544 = tpu.memref_squeeze %dma_start3A_543 : memref<1x128xi32, #tpu.memory_space<vmem>> -> memref<128xi32, #tpu.memory_space<vmem>>
      %dma_start3A_545 = arith.constant 0 : i32
      %dma_start3A_546 = arith.constant 0 : i32
      %dma_start3A_547 = tpu.memref_slice %arg13[%dma_start3A_545, %dma_start3A_546] : memref<10128x64xf32, #tpu.memory_space<vmem_shared>> -> memref<10128x64xf32, #tpu.memory_space<vmem_shared>>
      tpu.enqueue_indirect_dma source(%arg9 : memref<128x64xf32, #tpu.memory_space<vmem>>) target(%dma_start3A_547 : memref<10128x64xf32, #tpu.memory_space<vmem_shared>>) offsets(%dma_start3A_544 : memref<128xi32, #tpu.memory_space<vmem>>) semaphore(%arg12 : memref<!tpu.dma_semaphore, #tpu.memory_space<semaphore_mem>>) {add = true}
      %add3A_548 = arith.constant 19 : i32
      %add3A_549 = arith.addi %mul3A_23, %add3A_548 : i32
      %dma_start3A_550 = arith.constant 0 : i32
      %dma_start3A_551 = tpu.memref_slice %arg7[%add3A_549, %dma_start3A_550] : memref<40x128xi32, #tpu.memory_space<vmem>> -> memref<1x128xi32, #tpu.memory_space<vmem>>
      %dma_start3A_552 = tpu.memref_squeeze %dma_start3A_551 : memref<1x128xi32, #tpu.memory_space<vmem>> -> memref<128xi32, #tpu.memory_space<vmem>>
      %dma_start3A_553 = arith.constant 0 : i32
      %dma_start3A_554 = arith.constant 0 : i32
      %dma_start3A_555 = tpu.memref_slice %arg2[%dma_start3A_553, %dma_start3A_554] : memref<10128x64xf32, #tpu.memory_space<hbm>> -> memref<10128x64xf32, #tpu.memory_space<hbm>>
      tpu.enqueue_indirect_dma source(%dma_start3A_555 : memref<10128x64xf32, #tpu.memory_space<hbm>>) target(%arg10 : memref<128x64xf32, #tpu.memory_space<vmem>>) offsets(%dma_start3A_552 : memref<128xi32, #tpu.memory_space<vmem>>) semaphore(%arg11 : memref<!tpu.dma_semaphore, #tpu.memory_space<semaphore_mem>>)
      %dma_wait3A_556 = arith.constant 0 : i32
      %dma_wait3A_557 = tpu.memref_slice %arg7[%add3A_549, %dma_wait3A_556] : memref<40x128xi32, #tpu.memory_space<vmem>> -> memref<1x128xi32, #tpu.memory_space<vmem>>
      %dma_wait3A_558 = tpu.memref_squeeze %dma_wait3A_557 : memref<1x128xi32, #tpu.memory_space<vmem>> -> memref<128xi32, #tpu.memory_space<vmem>>
      %dma_wait3A_559 = arith.constant 0 : i32
      %dma_wait3A_560 = arith.constant 0 : i32
      %dma_wait3A_561 = tpu.memref_slice %arg2[%dma_wait3A_559, %dma_wait3A_560] : memref<10128x64xf32, #tpu.memory_space<hbm>> -> memref<10128x64xf32, #tpu.memory_space<hbm>>
      tpu.wait_indirect_dma semaphore(%arg11 : memref<!tpu.dma_semaphore, #tpu.memory_space<semaphore_mem>>) src(%dma_wait3A_561 : memref<10128x64xf32, #tpu.memory_space<hbm>>) dst(%arg10 : memref<128x64xf32, #tpu.memory_space<vmem>>)
      %dma_wait3A_562 = arith.constant 0 : i32
      %dma_wait3A_563 = tpu.memref_slice %arg8[%add3A_541, %dma_wait3A_562] : memref<40x128xi32, #tpu.memory_space<vmem>> -> memref<1x128xi32, #tpu.memory_space<vmem>>
      %dma_wait3A_564 = tpu.memref_squeeze %dma_wait3A_563 : memref<1x128xi32, #tpu.memory_space<vmem>> -> memref<128xi32, #tpu.memory_space<vmem>>
      %dma_wait3A_565 = arith.constant 0 : i32
      %dma_wait3A_566 = arith.constant 0 : i32
      %dma_wait3A_567 = tpu.memref_slice %arg13[%dma_wait3A_565, %dma_wait3A_566] : memref<10128x64xf32, #tpu.memory_space<vmem_shared>> -> memref<10128x64xf32, #tpu.memory_space<vmem_shared>>
      tpu.wait_indirect_dma semaphore(%arg12 : memref<!tpu.dma_semaphore, #tpu.memory_space<semaphore_mem>>) src(%arg9 : memref<128x64xf32, #tpu.memory_space<vmem>>) dst(%dma_wait3A_567 : memref<10128x64xf32, #tpu.memory_space<vmem_shared>>)
      %add3A_568 = arith.constant 19 : i32
      %add3A_569 = arith.addi %mul3A_23, %add3A_568 : i32
      %dma_start3A_570 = arith.constant 0 : i32
      %dma_start3A_571 = tpu.memref_slice %arg8[%add3A_569, %dma_start3A_570] : memref<40x128xi32, #tpu.memory_space<vmem>> -> memref<1x128xi32, #tpu.memory_space<vmem>>
      %dma_start3A_572 = tpu.memref_squeeze %dma_start3A_571 : memref<1x128xi32, #tpu.memory_space<vmem>> -> memref<128xi32, #tpu.memory_space<vmem>>
      %dma_start3A_573 = arith.constant 0 : i32
      %dma_start3A_574 = arith.constant 0 : i32
      %dma_start3A_575 = tpu.memref_slice %arg13[%dma_start3A_573, %dma_start3A_574] : memref<10128x64xf32, #tpu.memory_space<vmem_shared>> -> memref<10128x64xf32, #tpu.memory_space<vmem_shared>>
      tpu.enqueue_indirect_dma source(%arg10 : memref<128x64xf32, #tpu.memory_space<vmem>>) target(%dma_start3A_575 : memref<10128x64xf32, #tpu.memory_space<vmem_shared>>) offsets(%dma_start3A_572 : memref<128xi32, #tpu.memory_space<vmem>>) semaphore(%arg12 : memref<!tpu.dma_semaphore, #tpu.memory_space<semaphore_mem>>) {add = true}
      %dma_wait3A_576 = arith.constant 0 : i32
      %dma_wait3A_577 = tpu.memref_slice %arg8[%add3A_569, %dma_wait3A_576] : memref<40x128xi32, #tpu.memory_space<vmem>> -> memref<1x128xi32, #tpu.memory_space<vmem>>
      %dma_wait3A_578 = tpu.memref_squeeze %dma_wait3A_577 : memref<1x128xi32, #tpu.memory_space<vmem>> -> memref<128xi32, #tpu.memory_space<vmem>>
      %dma_wait3A_579 = arith.constant 0 : i32
      %dma_wait3A_580 = arith.constant 0 : i32
      %dma_wait3A_581 = tpu.memref_slice %arg13[%dma_wait3A_579, %dma_wait3A_580] : memref<10128x64xf32, #tpu.memory_space<vmem_shared>> -> memref<10128x64xf32, #tpu.memory_space<vmem_shared>>
      tpu.wait_indirect_dma semaphore(%arg12 : memref<!tpu.dma_semaphore, #tpu.memory_space<semaphore_mem>>) src(%arg10 : memref<128x64xf32, #tpu.memory_space<vmem>>) dst(%dma_wait3A_581 : memref<10128x64xf32, #tpu.memory_space<vmem_shared>>)
    }
    %scan3A_19 = arith.constant 2 : i32
    %barrier3A_20 = arith.constant 0 : index
    tpu.barrier barrier_id(%barrier3A_20)
    "tpu.region"() ({
      %run_scoped3A = tpu.sem_alloc : memref<!tpu.dma_semaphore, #tpu.memory_space<semaphore_mem>>
      %dma_start3A = arith.constant 0 : i32
      %dma_start3A_21 = tpu.memref_slice %arg6[%arg0, %mul3A_2, %dma_start3A] : memref<2x10000x64xf32, #tpu.memory_space<hbm>> -> memref<1x625x64xf32, #tpu.memory_space<hbm>>
      %dma_start3A_22 = tpu.memref_squeeze %dma_start3A_21 : memref<1x625x64xf32, #tpu.memory_space<hbm>> -> memref<625x64xf32, #tpu.memory_space<hbm>>
      %dma_start3A_23 = arith.constant 0 : i32
      %dma_start3A_24 = tpu.memref_slice %arg13[%mul3A_2, %dma_start3A_23] : memref<10128x64xf32, #tpu.memory_space<vmem_shared>> -> memref<625x64xf32, #tpu.memory_space<vmem_shared>>
      tpu.enqueue_dma source(%dma_start3A_24 : memref<625x64xf32, #tpu.memory_space<vmem_shared>>) target(%dma_start3A_22 : memref<625x64xf32, #tpu.memory_space<hbm>>) target_semaphore(%run_scoped3A : memref<!tpu.dma_semaphore, #tpu.memory_space<semaphore_mem>>)
      %dma_wait3A = arith.constant 0 : i32
      %dma_wait3A_25 = tpu.memref_slice %arg6[%arg0, %mul3A_2, %dma_wait3A] : memref<2x10000x64xf32, #tpu.memory_space<hbm>> -> memref<1x625x64xf32, #tpu.memory_space<hbm>>
      %dma_wait3A_26 = tpu.memref_squeeze %dma_wait3A_25 : memref<1x625x64xf32, #tpu.memory_space<hbm>> -> memref<625x64xf32, #tpu.memory_space<hbm>>
      %dma_wait3A_27 = arith.constant 0 : i32
      %dma_wait3A_28 = tpu.memref_slice %arg13[%mul3A_2, %dma_wait3A_27] : memref<10128x64xf32, #tpu.memory_space<vmem_shared>> -> memref<625x64xf32, #tpu.memory_space<vmem_shared>>
      tpu.wait_dma2 semaphore(%run_scoped3A : memref<!tpu.dma_semaphore, #tpu.memory_space<semaphore_mem>>) src(%dma_wait3A_28 : memref<625x64xf32, #tpu.memory_space<vmem_shared>>) dst(%dma_wait3A_26 : memref<625x64xf32, #tpu.memory_space<hbm>>)
      tpu.yield
    }) : () -> ()
    return
  }
}

#map = affine_map<(d0, d1) -> (0, 0)>
module attributes {stable_mosaic.version = 14 : i64} {
  func.func @deg_kernel(%arg0: i32, %arg1: i32, %arg2: memref<32x10000xi32, #tpu.memory_space<hbm>>, %arg3: memref<32x10000xf32, #tpu.memory_space<hbm>>, %arg4: memref<10000xi32, #tpu.memory_space<vmem>>, %arg5: memref<10000xf32, #tpu.memory_space<vmem>>) attributes {dimension_semantics = [#tpu.dimension_semantics<core_parallel>, #tpu.dimension_semantics<subcore_parallel>], iteration_bounds = array<i64: 2, 16>, scalar_prefetch = 0 : i64, scratch_operands = 2 : i64, tpu.core_type = #tpu.core_type<sc_vector_subcore>, window_params = [{transform_indices = #map}, {transform_indices = #map}]} {
    %mul3A = arith.constant 2 : i32
    %mul3A_0 = arith.muli %arg1, %mul3A : i32
    %add3A = arith.addi %mul3A_0, %arg0 : i32
    "tpu.region"() ({
      %run_scoped3A = tpu.sem_alloc : memref<!tpu.dma_semaphore, #tpu.memory_space<semaphore_mem>>
      %dma_start3A = arith.constant 0 : i32
      %dma_start3A_13 = tpu.memref_slice %arg2[%add3A, %dma_start3A] : memref<32x10000xi32, #tpu.memory_space<hbm>> -> memref<1x10000xi32, #tpu.memory_space<hbm>>
      %dma_start3A_14 = tpu.memref_squeeze %dma_start3A_13 : memref<1x10000xi32, #tpu.memory_space<hbm>> -> memref<10000xi32, #tpu.memory_space<hbm>>
      %dma_start3A_15 = arith.constant 0 : i32
      %dma_start3A_16 = tpu.memref_slice %arg2[%add3A, %dma_start3A_15] : memref<32x10000xi32, #tpu.memory_space<hbm>> -> memref<1x10000xi32, #tpu.memory_space<hbm>>
      %dma_start3A_17 = tpu.memref_squeeze %dma_start3A_16 : memref<1x10000xi32, #tpu.memory_space<hbm>> -> memref<10000xi32, #tpu.memory_space<hbm>>
      tpu.enqueue_dma source(%dma_start3A_17 : memref<10000xi32, #tpu.memory_space<hbm>>) target(%arg4 : memref<10000xi32, #tpu.memory_space<vmem>>) target_semaphore(%run_scoped3A : memref<!tpu.dma_semaphore, #tpu.memory_space<semaphore_mem>>)
      %dma_wait3A = arith.constant 0 : i32
      %dma_wait3A_18 = tpu.memref_slice %arg2[%add3A, %dma_wait3A] : memref<32x10000xi32, #tpu.memory_space<hbm>> -> memref<1x10000xi32, #tpu.memory_space<hbm>>
      %dma_wait3A_19 = tpu.memref_squeeze %dma_wait3A_18 : memref<1x10000xi32, #tpu.memory_space<hbm>> -> memref<10000xi32, #tpu.memory_space<hbm>>
      %dma_wait3A_20 = arith.constant 0 : i32
      %dma_wait3A_21 = tpu.memref_slice %arg2[%add3A, %dma_wait3A_20] : memref<32x10000xi32, #tpu.memory_space<hbm>> -> memref<1x10000xi32, #tpu.memory_space<hbm>>
      %dma_wait3A_22 = tpu.memref_squeeze %dma_wait3A_21 : memref<1x10000xi32, #tpu.memory_space<hbm>> -> memref<10000xi32, #tpu.memory_space<hbm>>
      tpu.wait_dma2 semaphore(%run_scoped3A : memref<!tpu.dma_semaphore, #tpu.memory_space<semaphore_mem>>) src(%dma_wait3A_22 : memref<10000xi32, #tpu.memory_space<hbm>>) dst(%arg4 : memref<10000xi32, #tpu.memory_space<vmem>>)
      tpu.yield
    }) : () -> ()
    %scan3A = arith.constant 0 : i32
    %scan3A_1 = arith.constant 0 : i32
    %scan3A_2 = arith.constant 625 : i32
    %scan3A_3 = arith.addi %scan3A_1, %scan3A_2 : i32
    %scan3A_4 = arith.constant 1 : i32
    scf.for %scan3A_13 = %scan3A_1 to %scan3A_3 step %scan3A_4  : i32 {
      %broadcast_in_dim3A_14 = arith.constant 0.000000e+00 : f32
      %broadcast_in_dim3A_15 = vector.broadcast %broadcast_in_dim3A_14 : f32 to vector<16xf32>
      %mul3A_16 = arith.constant 16 : i32
      %mul3A_17 = arith.muli %scan3A_13, %mul3A_16 : i32
      %swap3A = arith.index_cast %mul3A_17 : i32 to index
      %swap3A_18 = tpu.vector_load %arg5[%swap3A] {strides = array<i32>} : memref<10000xf32, #tpu.memory_space<vmem>>, vector<16xf32>,
      tpu.vector_store %arg5[%swap3A], %broadcast_in_dim3A_15 {strides = array<i32>} : memref<10000xf32, #tpu.memory_space<vmem>>, vector<16xf32>,
    }
    %scan3A_5 = arith.constant 625 : i32
    %broadcast_in_dim3A = arith.constant 1.000000e+00 : f32
    %broadcast_in_dim3A_6 = vector.broadcast %broadcast_in_dim3A : f32 to vector<16xf32>
    %scan3A_7 = arith.constant 0 : i32
    %scan3A_8 = arith.constant 0 : i32
    %scan3A_9 = arith.constant 625 : i32
    %scan3A_10 = arith.addi %scan3A_8, %scan3A_9 : i32
    %scan3A_11 = arith.constant 1 : i32
    scf.for %scan3A_13 = %scan3A_8 to %scan3A_10 step %scan3A_11  : i32 {
      %mul3A_14 = arith.constant 16 : i32
      %mul3A_15 = arith.muli %scan3A_13, %mul3A_14 : i32
      %get3A = arith.index_cast %mul3A_15 : i32 to index
      %get3A_16 = tpu.vector_load %arg4[%get3A] {strides = array<i32>} : memref<10000xi32, #tpu.memory_space<vmem>>, vector<16xi32>,
      tpu.vector_store_idx %arg5[%get3A_16], %broadcast_in_dim3A_6 {add = true} : memref<10000xf32, #tpu.memory_space<vmem>>[vector<16xi32>], vector<16xf32>,
    }
    %scan3A_12 = arith.constant 625 : i32
    "tpu.region"() ({
      %run_scoped3A = tpu.sem_alloc : memref<!tpu.dma_semaphore, #tpu.memory_space<semaphore_mem>>
      %dma_start3A = arith.constant 0 : i32
      %dma_start3A_13 = tpu.memref_slice %arg3[%add3A, %dma_start3A] : memref<32x10000xf32, #tpu.memory_space<hbm>> -> memref<1x10000xf32, #tpu.memory_space<hbm>>
      %dma_start3A_14 = tpu.memref_squeeze %dma_start3A_13 : memref<1x10000xf32, #tpu.memory_space<hbm>> -> memref<10000xf32, #tpu.memory_space<hbm>>
      %dma_start3A_15 = arith.constant 0 : i32
      %dma_start3A_16 = tpu.memref_slice %arg3[%add3A, %dma_start3A_15] : memref<32x10000xf32, #tpu.memory_space<hbm>> -> memref<1x10000xf32, #tpu.memory_space<hbm>>
      %dma_start3A_17 = tpu.memref_squeeze %dma_start3A_16 : memref<1x10000xf32, #tpu.memory_space<hbm>> -> memref<10000xf32, #tpu.memory_space<hbm>>
      tpu.enqueue_dma source(%arg5 : memref<10000xf32, #tpu.memory_space<vmem>>) target(%dma_start3A_17 : memref<10000xf32, #tpu.memory_space<hbm>>) target_semaphore(%run_scoped3A : memref<!tpu.dma_semaphore, #tpu.memory_space<semaphore_mem>>)
      %dma_wait3A = arith.constant 0 : i32
      %dma_wait3A_18 = tpu.memref_slice %arg3[%add3A, %dma_wait3A] : memref<32x10000xf32, #tpu.memory_space<hbm>> -> memref<1x10000xf32, #tpu.memory_space<hbm>>
      %dma_wait3A_19 = tpu.memref_squeeze %dma_wait3A_18 : memref<1x10000xf32, #tpu.memory_space<hbm>> -> memref<10000xf32, #tpu.memory_space<hbm>>
      %dma_wait3A_20 = arith.constant 0 : i32
      %dma_wait3A_21 = tpu.memref_slice %arg3[%add3A, %dma_wait3A_20] : memref<32x10000xf32, #tpu.memory_space<hbm>> -> memref<1x10000xf32, #tpu.memory_space<hbm>>
      %dma_wait3A_22 = tpu.memref_squeeze %dma_wait3A_21 : memref<1x10000xf32, #tpu.memory_space<hbm>> -> memref<10000xf32, #tpu.memory_space<hbm>>
      tpu.wait_dma2 semaphore(%run_scoped3A : memref<!tpu.dma_semaphore, #tpu.memory_space<semaphore_mem>>) src(%arg5 : memref<10000xf32, #tpu.memory_space<vmem>>) dst(%dma_wait3A_22 : memref<10000xf32, #tpu.memory_space<hbm>>)
      tpu.yield
    }) : () -> ()
    return
  }
}

#map = affine_map<(d0, d1) -> (0, 0)>
#map1 = affine_map<(d0, d1) -> (0, 0, 0)>
module attributes {stable_mosaic.version = 14 : i64} {
  func.func @agg_kernel(%arg0: i32, %arg1: i32, %arg2: memref<10128x128xf32, #tpu.memory_space<hbm>>, %arg3: memref<32x80x128xi32, #tpu.memory_space<hbm>>, %arg4: memref<32x80x128xi32, #tpu.memory_space<hbm>>, %arg5: memref<625x128xf32, #tpu.memory_space<hbm>>, %arg6: memref<2x10000x128xf32, #tpu.memory_space<hbm>>, %arg7: memref<40x128xi32, #tpu.memory_space<vmem>>, %arg8: memref<40x128xi32, #tpu.memory_space<vmem>>, %arg9: memref<128x128xf32, #tpu.memory_space<vmem>>, %arg10: memref<128x128xf32, #tpu.memory_space<vmem>>, %arg11: memref<!tpu.dma_semaphore, #tpu.memory_space<semaphore_mem>>, %arg12: memref<!tpu.dma_semaphore, #tpu.memory_space<semaphore_mem>>, %arg13: memref<10128x128xf32, #tpu.memory_space<vmem_shared>>) attributes {dimension_semantics = [#tpu.dimension_semantics<core_parallel>, #tpu.dimension_semantics<subcore_parallel>], iteration_bounds = array<i64: 2, 16>, scalar_prefetch = 0 : i64, scratch_operands = 7 : i64, tpu.core_type = #tpu.core_type<sc_vector_subcore>, window_params = [{transform_indices = #map}, {transform_indices = #map1}, {transform_indices = #map1}, {transform_indices = #map}, {transform_indices = #map1}]} {
    %mul3A = arith.constant 2 : i32
    %mul3A_0 = arith.muli %arg1, %mul3A : i32
    %add3A = arith.addi %mul3A_0, %arg0 : i32
    %mul3A_1 = arith.constant 625 : i32
    %mul3A_2 = arith.muli %arg1, %mul3A_1 : i32
    %eq3A = arith.constant 0 : i32
    %eq3A_3 = arith.cmpi eq, %arg0, %eq3A : i32
    %convert_element_type3A = arith.extui %eq3A_3 : i1 to i32
    %cond3A = arith.constant 0 : i32
    %cond3A_4 = arith.cmpi ne, %convert_element_type3A, %cond3A : i32
    scf.if %cond3A_4 {
      "tpu.region"() ({
        %run_scoped3A = tpu.sem_alloc : memref<!tpu.dma_semaphore, #tpu.memory_space<semaphore_mem>>
        %dma_start3A = arith.constant 0 : i32
        %dma_start3A_21 = tpu.memref_slice %arg13[%mul3A_2, %dma_start3A] : memref<10128x128xf32, #tpu.memory_space<vmem_shared>> -> memref<625x128xf32, #tpu.memory_space<vmem_shared>>
        %dma_start3A_22 = arith.constant 0 : i32
        %dma_start3A_23 = tpu.memref_slice %arg2[%mul3A_2, %dma_start3A_22] : memref<10128x128xf32, #tpu.memory_space<hbm>> -> memref<625x128xf32, #tpu.memory_space<hbm>>
        tpu.enqueue_dma source(%dma_start3A_23 : memref<625x128xf32, #tpu.memory_space<hbm>>) target(%dma_start3A_21 : memref<625x128xf32, #tpu.memory_space<vmem_shared>>) target_semaphore(%run_scoped3A : memref<!tpu.dma_semaphore, #tpu.memory_space<semaphore_mem>>)
        %dma_wait3A = arith.constant 0 : i32
        %dma_wait3A_24 = tpu.memref_slice %arg13[%mul3A_2, %dma_wait3A] : memref<10128x128xf32, #tpu.memory_space<vmem_shared>> -> memref<625x128xf32, #tpu.memory_space<vmem_shared>>
        %dma_wait3A_25 = arith.constant 0 : i32
        %dma_wait3A_26 = tpu.memref_slice %arg2[%mul3A_2, %dma_wait3A_25] : memref<10128x128xf32, #tpu.memory_space<hbm>> -> memref<625x128xf32, #tpu.memory_space<hbm>>
        tpu.wait_dma2 semaphore(%run_scoped3A : memref<!tpu.dma_semaphore, #tpu.memory_space<semaphore_mem>>) src(%dma_wait3A_26 : memref<625x128xf32, #tpu.memory_space<hbm>>) dst(%dma_wait3A_24 : memref<625x128xf32, #tpu.memory_space<vmem_shared>>)
        tpu.yield
      }) : () -> ()
    } else {
    }
    %ne3A = arith.constant 0 : i32
    %ne3A_5 = arith.cmpi ne, %arg0, %ne3A : i32
    %convert_element_type3A_6 = arith.extui %ne3A_5 : i1 to i32
    %cond3A_7 = arith.constant 0 : i32
    %cond3A_8 = arith.cmpi ne, %convert_element_type3A_6, %cond3A_7 : i32
    scf.if %cond3A_8 {
      "tpu.region"() ({
        %run_scoped3A = tpu.sem_alloc : memref<!tpu.dma_semaphore, #tpu.memory_space<semaphore_mem>>
        %dma_start3A = arith.constant 0 : i32
        %dma_start3A_21 = tpu.memref_slice %arg13[%mul3A_2, %dma_start3A] : memref<10128x128xf32, #tpu.memory_space<vmem_shared>> -> memref<625x128xf32, #tpu.memory_space<vmem_shared>>
        tpu.enqueue_dma source(%arg5 : memref<625x128xf32, #tpu.memory_space<hbm>>) target(%dma_start3A_21 : memref<625x128xf32, #tpu.memory_space<vmem_shared>>) target_semaphore(%run_scoped3A : memref<!tpu.dma_semaphore, #tpu.memory_space<semaphore_mem>>)
        %dma_wait3A = arith.constant 0 : i32
        %dma_wait3A_22 = tpu.memref_slice %arg13[%mul3A_2, %dma_wait3A] : memref<10128x128xf32, #tpu.memory_space<vmem_shared>> -> memref<625x128xf32, #tpu.memory_space<vmem_shared>>
        tpu.wait_dma2 semaphore(%run_scoped3A : memref<!tpu.dma_semaphore, #tpu.memory_space<semaphore_mem>>) src(%arg5 : memref<625x128xf32, #tpu.memory_space<hbm>>) dst(%dma_wait3A_22 : memref<625x128xf32, #tpu.memory_space<vmem_shared>>)
        tpu.yield
      }) : () -> ()
    } else {
    }
    %barrier3A = arith.constant 0 : index
    tpu.barrier barrier_id(%barrier3A)
    "tpu.region"() ({
      %run_scoped3A = tpu.sem_alloc : memref<!tpu.dma_semaphore, #tpu.memory_space<semaphore_mem>>
      %dma_start3A = arith.constant 0 : i32
      %dma_start3A_21 = arith.constant 0 : i32
      %dma_start3A_22 = tpu.memref_slice %arg3[%add3A, %dma_start3A, %dma_start3A_21] : memref<32x80x128xi32, #tpu.memory_space<hbm>> -> memref<1x40x128xi32, #tpu.memory_space<hbm>>
      %dma_start3A_23 = tpu.memref_squeeze %dma_start3A_22 : memref<1x40x128xi32, #tpu.memory_space<hbm>> -> memref<40x128xi32, #tpu.memory_space<hbm>>
      %dma_start3A_24 = arith.constant 0 : i32
      %dma_start3A_25 = arith.constant 0 : i32
      %dma_start3A_26 = tpu.memref_slice %arg3[%add3A, %dma_start3A_24, %dma_start3A_25] : memref<32x80x128xi32, #tpu.memory_space<hbm>> -> memref<1x40x128xi32, #tpu.memory_space<hbm>>
      %dma_start3A_27 = tpu.memref_squeeze %dma_start3A_26 : memref<1x40x128xi32, #tpu.memory_space<hbm>> -> memref<40x128xi32, #tpu.memory_space<hbm>>
      tpu.enqueue_dma source(%dma_start3A_27 : memref<40x128xi32, #tpu.memory_space<hbm>>) target(%arg7 : memref<40x128xi32, #tpu.memory_space<vmem>>) target_semaphore(%run_scoped3A : memref<!tpu.dma_semaphore, #tpu.memory_space<semaphore_mem>>)
      %dma_wait3A = arith.constant 0 : i32
      %dma_wait3A_28 = arith.constant 0 : i32
      %dma_wait3A_29 = tpu.memref_slice %arg3[%add3A, %dma_wait3A, %dma_wait3A_28] : memref<32x80x128xi32, #tpu.memory_space<hbm>> -> memref<1x40x128xi32, #tpu.memory_space<hbm>>
      %dma_wait3A_30 = tpu.memref_squeeze %dma_wait3A_29 : memref<1x40x128xi32, #tpu.memory_space<hbm>> -> memref<40x128xi32, #tpu.memory_space<hbm>>
      %dma_wait3A_31 = arith.constant 0 : i32
      %dma_wait3A_32 = arith.constant 0 : i32
      %dma_wait3A_33 = tpu.memref_slice %arg3[%add3A, %dma_wait3A_31, %dma_wait3A_32] : memref<32x80x128xi32, #tpu.memory_space<hbm>> -> memref<1x40x128xi32, #tpu.memory_space<hbm>>
      %dma_wait3A_34 = tpu.memref_squeeze %dma_wait3A_33 : memref<1x40x128xi32, #tpu.memory_space<hbm>> -> memref<40x128xi32, #tpu.memory_space<hbm>>
      tpu.wait_dma2 semaphore(%run_scoped3A : memref<!tpu.dma_semaphore, #tpu.memory_space<semaphore_mem>>) src(%dma_wait3A_34 : memref<40x128xi32, #tpu.memory_space<hbm>>) dst(%arg7 : memref<40x128xi32, #tpu.memory_space<vmem>>)
      tpu.yield
    }) : () -> ()
    "tpu.region"() ({
      %run_scoped3A = tpu.sem_alloc : memref<!tpu.dma_semaphore, #tpu.memory_space<semaphore_mem>>
      %dma_start3A = arith.constant 0 : i32
      %dma_start3A_21 = arith.constant 0 : i32
      %dma_start3A_22 = tpu.memref_slice %arg4[%add3A, %dma_start3A, %dma_start3A_21] : memref<32x80x128xi32, #tpu.memory_space<hbm>> -> memref<1x40x128xi32, #tpu.memory_space<hbm>>
      %dma_start3A_23 = tpu.memref_squeeze %dma_start3A_22 : memref<1x40x128xi32, #tpu.memory_space<hbm>> -> memref<40x128xi32, #tpu.memory_space<hbm>>
      %dma_start3A_24 = arith.constant 0 : i32
      %dma_start3A_25 = arith.constant 0 : i32
      %dma_start3A_26 = tpu.memref_slice %arg4[%add3A, %dma_start3A_24, %dma_start3A_25] : memref<32x80x128xi32, #tpu.memory_space<hbm>> -> memref<1x40x128xi32, #tpu.memory_space<hbm>>
      %dma_start3A_27 = tpu.memref_squeeze %dma_start3A_26 : memref<1x40x128xi32, #tpu.memory_space<hbm>> -> memref<40x128xi32, #tpu.memory_space<hbm>>
      tpu.enqueue_dma source(%dma_start3A_27 : memref<40x128xi32, #tpu.memory_space<hbm>>) target(%arg8 : memref<40x128xi32, #tpu.memory_space<vmem>>) target_semaphore(%run_scoped3A : memref<!tpu.dma_semaphore, #tpu.memory_space<semaphore_mem>>)
      %dma_wait3A = arith.constant 0 : i32
      %dma_wait3A_28 = arith.constant 0 : i32
      %dma_wait3A_29 = tpu.memref_slice %arg4[%add3A, %dma_wait3A, %dma_wait3A_28] : memref<32x80x128xi32, #tpu.memory_space<hbm>> -> memref<1x40x128xi32, #tpu.memory_space<hbm>>
      %dma_wait3A_30 = tpu.memref_squeeze %dma_wait3A_29 : memref<1x40x128xi32, #tpu.memory_space<hbm>> -> memref<40x128xi32, #tpu.memory_space<hbm>>
      %dma_wait3A_31 = arith.constant 0 : i32
      %dma_wait3A_32 = arith.constant 0 : i32
      %dma_wait3A_33 = tpu.memref_slice %arg4[%add3A, %dma_wait3A_31, %dma_wait3A_32] : memref<32x80x128xi32, #tpu.memory_space<hbm>> -> memref<1x40x128xi32, #tpu.memory_space<hbm>>
      %dma_wait3A_34 = tpu.memref_squeeze %dma_wait3A_33 : memref<1x40x128xi32, #tpu.memory_space<hbm>> -> memref<40x128xi32, #tpu.memory_space<hbm>>
      tpu.wait_dma2 semaphore(%run_scoped3A : memref<!tpu.dma_semaphore, #tpu.memory_space<semaphore_mem>>) src(%dma_wait3A_34 : memref<40x128xi32, #tpu.memory_space<hbm>>) dst(%arg8 : memref<40x128xi32, #tpu.memory_space<vmem>>)
      tpu.yield
    }) : () -> ()
    %scan3A = arith.constant 0 : i32
    %scan3A_9 = arith.constant 0 : i32
    %scan3A_10 = arith.constant 2 : i32
    %scan3A_11 = arith.addi %scan3A_9, %scan3A_10 : i32
    %scan3A_12 = arith.constant 1 : i32
    scf.for %scan3A_21 = %scan3A_9 to %scan3A_11 step %scan3A_12  : i32 {
      %mul3A_22 = arith.constant 20 : i32
      %mul3A_23 = arith.muli %scan3A_21, %mul3A_22 : i32
      %add3A_24 = arith.constant 0 : i32
      %add3A_25 = arith.addi %mul3A_23, %add3A_24 : i32
      %dma_start3A = arith.constant 0 : i32
      %dma_start3A_26 = tpu.memref_slice %arg7[%add3A_25, %dma_start3A] : memref<40x128xi32, #tpu.memory_space<vmem>> -> memref<1x128xi32, #tpu.memory_space<vmem>>
      %dma_start3A_27 = tpu.memref_squeeze %dma_start3A_26 : memref<1x128xi32, #tpu.memory_space<vmem>> -> memref<128xi32, #tpu.memory_space<vmem>>
      %dma_start3A_28 = arith.constant 0 : i32
      %dma_start3A_29 = arith.constant 0 : i32
      %dma_start3A_30 = tpu.memref_slice %arg2[%dma_start3A_28, %dma_start3A_29] : memref<10128x128xf32, #tpu.memory_space<hbm>> -> memref<10128x128xf32, #tpu.memory_space<hbm>>
      tpu.enqueue_indirect_dma source(%dma_start3A_30 : memref<10128x128xf32, #tpu.memory_space<hbm>>) target(%arg9 : memref<128x128xf32, #tpu.memory_space<vmem>>) offsets(%dma_start3A_27 : memref<128xi32, #tpu.memory_space<vmem>>) semaphore(%arg11 : memref<!tpu.dma_semaphore, #tpu.memory_space<semaphore_mem>>)
      %dma_wait3A = arith.constant 0 : i32
      %dma_wait3A_31 = tpu.memref_slice %arg7[%add3A_25, %dma_wait3A] : memref<40x128xi32, #tpu.memory_space<vmem>> -> memref<1x128xi32, #tpu.memory_space<vmem>>
      %dma_wait3A_32 = tpu.memref_squeeze %dma_wait3A_31 : memref<1x128xi32, #tpu.memory_space<vmem>> -> memref<128xi32, #tpu.memory_space<vmem>>
      %dma_wait3A_33 = arith.constant 0 : i32
      %dma_wait3A_34 = arith.constant 0 : i32
      %dma_wait3A_35 = tpu.memref_slice %arg2[%dma_wait3A_33, %dma_wait3A_34] : memref<10128x128xf32, #tpu.memory_space<hbm>> -> memref<10128x128xf32, #tpu.memory_space<hbm>>
      tpu.wait_indirect_dma semaphore(%arg11 : memref<!tpu.dma_semaphore, #tpu.memory_space<semaphore_mem>>) src(%dma_wait3A_35 : memref<10128x128xf32, #tpu.memory_space<hbm>>) dst(%arg9 : memref<128x128xf32, #tpu.memory_space<vmem>>)
      %add3A_36 = arith.constant 0 : i32
      %add3A_37 = arith.addi %mul3A_23, %add3A_36 : i32
      %dma_start3A_38 = arith.constant 0 : i32
      %dma_start3A_39 = tpu.memref_slice %arg8[%add3A_37, %dma_start3A_38] : memref<40x128xi32, #tpu.memory_space<vmem>> -> memref<1x128xi32, #tpu.memory_space<vmem>>
      %dma_start3A_40 = tpu.memref_squeeze %dma_start3A_39 : memref<1x128xi32, #tpu.memory_space<vmem>> -> memref<128xi32, #tpu.memory_space<vmem>>
      %dma_start3A_41 = arith.constant 0 : i32
      %dma_start3A_42 = arith.constant 0 : i32
      %dma_start3A_43 = tpu.memref_slice %arg13[%dma_start3A_41, %dma_start3A_42] : memref<10128x128xf32, #tpu.memory_space<vmem_shared>> -> memref<10128x128xf32, #tpu.memory_space<vmem_shared>>
      tpu.enqueue_indirect_dma source(%arg9 : memref<128x128xf32, #tpu.memory_space<vmem>>) target(%dma_start3A_43 : memref<10128x128xf32, #tpu.memory_space<vmem_shared>>) offsets(%dma_start3A_40 : memref<128xi32, #tpu.memory_space<vmem>>) semaphore(%arg12 : memref<!tpu.dma_semaphore, #tpu.memory_space<semaphore_mem>>) {add = true}
      %add3A_44 = arith.constant 1 : i32
      %add3A_45 = arith.addi %mul3A_23, %add3A_44 : i32
      %dma_start3A_46 = arith.constant 0 : i32
      %dma_start3A_47 = tpu.memref_slice %arg7[%add3A_45, %dma_start3A_46] : memref<40x128xi32, #tpu.memory_space<vmem>> -> memref<1x128xi32, #tpu.memory_space<vmem>>
      %dma_start3A_48 = tpu.memref_squeeze %dma_start3A_47 : memref<1x128xi32, #tpu.memory_space<vmem>> -> memref<128xi32, #tpu.memory_space<vmem>>
      %dma_start3A_49 = arith.constant 0 : i32
      %dma_start3A_50 = arith.constant 0 : i32
      %dma_start3A_51 = tpu.memref_slice %arg2[%dma_start3A_49, %dma_start3A_50] : memref<10128x128xf32, #tpu.memory_space<hbm>> -> memref<10128x128xf32, #tpu.memory_space<hbm>>
      tpu.enqueue_indirect_dma source(%dma_start3A_51 : memref<10128x128xf32, #tpu.memory_space<hbm>>) target(%arg10 : memref<128x128xf32, #tpu.memory_space<vmem>>) offsets(%dma_start3A_48 : memref<128xi32, #tpu.memory_space<vmem>>) semaphore(%arg11 : memref<!tpu.dma_semaphore, #tpu.memory_space<semaphore_mem>>)
      %dma_wait3A_52 = arith.constant 0 : i32
      %dma_wait3A_53 = tpu.memref_slice %arg7[%add3A_45, %dma_wait3A_52] : memref<40x128xi32, #tpu.memory_space<vmem>> -> memref<1x128xi32, #tpu.memory_space<vmem>>
      %dma_wait3A_54 = tpu.memref_squeeze %dma_wait3A_53 : memref<1x128xi32, #tpu.memory_space<vmem>> -> memref<128xi32, #tpu.memory_space<vmem>>
      %dma_wait3A_55 = arith.constant 0 : i32
      %dma_wait3A_56 = arith.constant 0 : i32
      %dma_wait3A_57 = tpu.memref_slice %arg2[%dma_wait3A_55, %dma_wait3A_56] : memref<10128x128xf32, #tpu.memory_space<hbm>> -> memref<10128x128xf32, #tpu.memory_space<hbm>>
      tpu.wait_indirect_dma semaphore(%arg11 : memref<!tpu.dma_semaphore, #tpu.memory_space<semaphore_mem>>) src(%dma_wait3A_57 : memref<10128x128xf32, #tpu.memory_space<hbm>>) dst(%arg10 : memref<128x128xf32, #tpu.memory_space<vmem>>)
      %dma_wait3A_58 = arith.constant 0 : i32
      %dma_wait3A_59 = tpu.memref_slice %arg8[%add3A_37, %dma_wait3A_58] : memref<40x128xi32, #tpu.memory_space<vmem>> -> memref<1x128xi32, #tpu.memory_space<vmem>>
      %dma_wait3A_60 = tpu.memref_squeeze %dma_wait3A_59 : memref<1x128xi32, #tpu.memory_space<vmem>> -> memref<128xi32, #tpu.memory_space<vmem>>
      %dma_wait3A_61 = arith.constant 0 : i32
      %dma_wait3A_62 = arith.constant 0 : i32
      %dma_wait3A_63 = tpu.memref_slice %arg13[%dma_wait3A_61, %dma_wait3A_62] : memref<10128x128xf32, #tpu.memory_space<vmem_shared>> -> memref<10128x128xf32, #tpu.memory_space<vmem_shared>>
      tpu.wait_indirect_dma semaphore(%arg12 : memref<!tpu.dma_semaphore, #tpu.memory_space<semaphore_mem>>) src(%arg9 : memref<128x128xf32, #tpu.memory_space<vmem>>) dst(%dma_wait3A_63 : memref<10128x128xf32, #tpu.memory_space<vmem_shared>>)
      %add3A_64 = arith.constant 1 : i32
      %add3A_65 = arith.addi %mul3A_23, %add3A_64 : i32
      %dma_start3A_66 = arith.constant 0 : i32
      %dma_start3A_67 = tpu.memref_slice %arg8[%add3A_65, %dma_start3A_66] : memref<40x128xi32, #tpu.memory_space<vmem>> -> memref<1x128xi32, #tpu.memory_space<vmem>>
      %dma_start3A_68 = tpu.memref_squeeze %dma_start3A_67 : memref<1x128xi32, #tpu.memory_space<vmem>> -> memref<128xi32, #tpu.memory_space<vmem>>
      %dma_start3A_69 = arith.constant 0 : i32
      %dma_start3A_70 = arith.constant 0 : i32
      %dma_start3A_71 = tpu.memref_slice %arg13[%dma_start3A_69, %dma_start3A_70] : memref<10128x128xf32, #tpu.memory_space<vmem_shared>> -> memref<10128x128xf32, #tpu.memory_space<vmem_shared>>
      tpu.enqueue_indirect_dma source(%arg10 : memref<128x128xf32, #tpu.memory_space<vmem>>) target(%dma_start3A_71 : memref<10128x128xf32, #tpu.memory_space<vmem_shared>>) offsets(%dma_start3A_68 : memref<128xi32, #tpu.memory_space<vmem>>) semaphore(%arg12 : memref<!tpu.dma_semaphore, #tpu.memory_space<semaphore_mem>>) {add = true}
      %add3A_72 = arith.constant 2 : i32
      %add3A_73 = arith.addi %mul3A_23, %add3A_72 : i32
      %dma_start3A_74 = arith.constant 0 : i32
      %dma_start3A_75 = tpu.memref_slice %arg7[%add3A_73, %dma_start3A_74] : memref<40x128xi32, #tpu.memory_space<vmem>> -> memref<1x128xi32, #tpu.memory_space<vmem>>
      %dma_start3A_76 = tpu.memref_squeeze %dma_start3A_75 : memref<1x128xi32, #tpu.memory_space<vmem>> -> memref<128xi32, #tpu.memory_space<vmem>>
      %dma_start3A_77 = arith.constant 0 : i32
      %dma_start3A_78 = arith.constant 0 : i32
      %dma_start3A_79 = tpu.memref_slice %arg2[%dma_start3A_77, %dma_start3A_78] : memref<10128x128xf32, #tpu.memory_space<hbm>> -> memref<10128x128xf32, #tpu.memory_space<hbm>>
      tpu.enqueue_indirect_dma source(%dma_start3A_79 : memref<10128x128xf32, #tpu.memory_space<hbm>>) target(%arg9 : memref<128x128xf32, #tpu.memory_space<vmem>>) offsets(%dma_start3A_76 : memref<128xi32, #tpu.memory_space<vmem>>) semaphore(%arg11 : memref<!tpu.dma_semaphore, #tpu.memory_space<semaphore_mem>>)
      %dma_wait3A_80 = arith.constant 0 : i32
      %dma_wait3A_81 = tpu.memref_slice %arg7[%add3A_73, %dma_wait3A_80] : memref<40x128xi32, #tpu.memory_space<vmem>> -> memref<1x128xi32, #tpu.memory_space<vmem>>
      %dma_wait3A_82 = tpu.memref_squeeze %dma_wait3A_81 : memref<1x128xi32, #tpu.memory_space<vmem>> -> memref<128xi32, #tpu.memory_space<vmem>>
      %dma_wait3A_83 = arith.constant 0 : i32
      %dma_wait3A_84 = arith.constant 0 : i32
      %dma_wait3A_85 = tpu.memref_slice %arg2[%dma_wait3A_83, %dma_wait3A_84] : memref<10128x128xf32, #tpu.memory_space<hbm>> -> memref<10128x128xf32, #tpu.memory_space<hbm>>
      tpu.wait_indirect_dma semaphore(%arg11 : memref<!tpu.dma_semaphore, #tpu.memory_space<semaphore_mem>>) src(%dma_wait3A_85 : memref<10128x128xf32, #tpu.memory_space<hbm>>) dst(%arg9 : memref<128x128xf32, #tpu.memory_space<vmem>>)
      %dma_wait3A_86 = arith.constant 0 : i32
      %dma_wait3A_87 = tpu.memref_slice %arg8[%add3A_65, %dma_wait3A_86] : memref<40x128xi32, #tpu.memory_space<vmem>> -> memref<1x128xi32, #tpu.memory_space<vmem>>
      %dma_wait3A_88 = tpu.memref_squeeze %dma_wait3A_87 : memref<1x128xi32, #tpu.memory_space<vmem>> -> memref<128xi32, #tpu.memory_space<vmem>>
      %dma_wait3A_89 = arith.constant 0 : i32
      %dma_wait3A_90 = arith.constant 0 : i32
      %dma_wait3A_91 = tpu.memref_slice %arg13[%dma_wait3A_89, %dma_wait3A_90] : memref<10128x128xf32, #tpu.memory_space<vmem_shared>> -> memref<10128x128xf32, #tpu.memory_space<vmem_shared>>
      tpu.wait_indirect_dma semaphore(%arg12 : memref<!tpu.dma_semaphore, #tpu.memory_space<semaphore_mem>>) src(%arg10 : memref<128x128xf32, #tpu.memory_space<vmem>>) dst(%dma_wait3A_91 : memref<10128x128xf32, #tpu.memory_space<vmem_shared>>)
      %add3A_92 = arith.constant 2 : i32
      %add3A_93 = arith.addi %mul3A_23, %add3A_92 : i32
      %dma_start3A_94 = arith.constant 0 : i32
      %dma_start3A_95 = tpu.memref_slice %arg8[%add3A_93, %dma_start3A_94] : memref<40x128xi32, #tpu.memory_space<vmem>> -> memref<1x128xi32, #tpu.memory_space<vmem>>
      %dma_start3A_96 = tpu.memref_squeeze %dma_start3A_95 : memref<1x128xi32, #tpu.memory_space<vmem>> -> memref<128xi32, #tpu.memory_space<vmem>>
      %dma_start3A_97 = arith.constant 0 : i32
      %dma_start3A_98 = arith.constant 0 : i32
      %dma_start3A_99 = tpu.memref_slice %arg13[%dma_start3A_97, %dma_start3A_98] : memref<10128x128xf32, #tpu.memory_space<vmem_shared>> -> memref<10128x128xf32, #tpu.memory_space<vmem_shared>>
      tpu.enqueue_indirect_dma source(%arg9 : memref<128x128xf32, #tpu.memory_space<vmem>>) target(%dma_start3A_99 : memref<10128x128xf32, #tpu.memory_space<vmem_shared>>) offsets(%dma_start3A_96 : memref<128xi32, #tpu.memory_space<vmem>>) semaphore(%arg12 : memref<!tpu.dma_semaphore, #tpu.memory_space<semaphore_mem>>) {add = true}
      %add3A_100 = arith.constant 3 : i32
      %add3A_101 = arith.addi %mul3A_23, %add3A_100 : i32
      %dma_start3A_102 = arith.constant 0 : i32
      %dma_start3A_103 = tpu.memref_slice %arg7[%add3A_101, %dma_start3A_102] : memref<40x128xi32, #tpu.memory_space<vmem>> -> memref<1x128xi32, #tpu.memory_space<vmem>>
      %dma_start3A_104 = tpu.memref_squeeze %dma_start3A_103 : memref<1x128xi32, #tpu.memory_space<vmem>> -> memref<128xi32, #tpu.memory_space<vmem>>
      %dma_start3A_105 = arith.constant 0 : i32
      %dma_start3A_106 = arith.constant 0 : i32
      %dma_start3A_107 = tpu.memref_slice %arg2[%dma_start3A_105, %dma_start3A_106] : memref<10128x128xf32, #tpu.memory_space<hbm>> -> memref<10128x128xf32, #tpu.memory_space<hbm>>
      tpu.enqueue_indirect_dma source(%dma_start3A_107 : memref<10128x128xf32, #tpu.memory_space<hbm>>) target(%arg10 : memref<128x128xf32, #tpu.memory_space<vmem>>) offsets(%dma_start3A_104 : memref<128xi32, #tpu.memory_space<vmem>>) semaphore(%arg11 : memref<!tpu.dma_semaphore, #tpu.memory_space<semaphore_mem>>)
      %dma_wait3A_108 = arith.constant 0 : i32
      %dma_wait3A_109 = tpu.memref_slice %arg7[%add3A_101, %dma_wait3A_108] : memref<40x128xi32, #tpu.memory_space<vmem>> -> memref<1x128xi32, #tpu.memory_space<vmem>>
      %dma_wait3A_110 = tpu.memref_squeeze %dma_wait3A_109 : memref<1x128xi32, #tpu.memory_space<vmem>> -> memref<128xi32, #tpu.memory_space<vmem>>
      %dma_wait3A_111 = arith.constant 0 : i32
      %dma_wait3A_112 = arith.constant 0 : i32
      %dma_wait3A_113 = tpu.memref_slice %arg2[%dma_wait3A_111, %dma_wait3A_112] : memref<10128x128xf32, #tpu.memory_space<hbm>> -> memref<10128x128xf32, #tpu.memory_space<hbm>>
      tpu.wait_indirect_dma semaphore(%arg11 : memref<!tpu.dma_semaphore, #tpu.memory_space<semaphore_mem>>) src(%dma_wait3A_113 : memref<10128x128xf32, #tpu.memory_space<hbm>>) dst(%arg10 : memref<128x128xf32, #tpu.memory_space<vmem>>)
      %dma_wait3A_114 = arith.constant 0 : i32
      %dma_wait3A_115 = tpu.memref_slice %arg8[%add3A_93, %dma_wait3A_114] : memref<40x128xi32, #tpu.memory_space<vmem>> -> memref<1x128xi32, #tpu.memory_space<vmem>>
      %dma_wait3A_116 = tpu.memref_squeeze %dma_wait3A_115 : memref<1x128xi32, #tpu.memory_space<vmem>> -> memref<128xi32, #tpu.memory_space<vmem>>
      %dma_wait3A_117 = arith.constant 0 : i32
      %dma_wait3A_118 = arith.constant 0 : i32
      %dma_wait3A_119 = tpu.memref_slice %arg13[%dma_wait3A_117, %dma_wait3A_118] : memref<10128x128xf32, #tpu.memory_space<vmem_shared>> -> memref<10128x128xf32, #tpu.memory_space<vmem_shared>>
      tpu.wait_indirect_dma semaphore(%arg12 : memref<!tpu.dma_semaphore, #tpu.memory_space<semaphore_mem>>) src(%arg9 : memref<128x128xf32, #tpu.memory_space<vmem>>) dst(%dma_wait3A_119 : memref<10128x128xf32, #tpu.memory_space<vmem_shared>>)
      %add3A_120 = arith.constant 3 : i32
      %add3A_121 = arith.addi %mul3A_23, %add3A_120 : i32
      %dma_start3A_122 = arith.constant 0 : i32
      %dma_start3A_123 = tpu.memref_slice %arg8[%add3A_121, %dma_start3A_122] : memref<40x128xi32, #tpu.memory_space<vmem>> -> memref<1x128xi32, #tpu.memory_space<vmem>>
      %dma_start3A_124 = tpu.memref_squeeze %dma_start3A_123 : memref<1x128xi32, #tpu.memory_space<vmem>> -> memref<128xi32, #tpu.memory_space<vmem>>
      %dma_start3A_125 = arith.constant 0 : i32
      %dma_start3A_126 = arith.constant 0 : i32
      %dma_start3A_127 = tpu.memref_slice %arg13[%dma_start3A_125, %dma_start3A_126] : memref<10128x128xf32, #tpu.memory_space<vmem_shared>> -> memref<10128x128xf32, #tpu.memory_space<vmem_shared>>
      tpu.enqueue_indirect_dma source(%arg10 : memref<128x128xf32, #tpu.memory_space<vmem>>) target(%dma_start3A_127 : memref<10128x128xf32, #tpu.memory_space<vmem_shared>>) offsets(%dma_start3A_124 : memref<128xi32, #tpu.memory_space<vmem>>) semaphore(%arg12 : memref<!tpu.dma_semaphore, #tpu.memory_space<semaphore_mem>>) {add = true}
      %add3A_128 = arith.constant 4 : i32
      %add3A_129 = arith.addi %mul3A_23, %add3A_128 : i32
      %dma_start3A_130 = arith.constant 0 : i32
      %dma_start3A_131 = tpu.memref_slice %arg7[%add3A_129, %dma_start3A_130] : memref<40x128xi32, #tpu.memory_space<vmem>> -> memref<1x128xi32, #tpu.memory_space<vmem>>
      %dma_start3A_132 = tpu.memref_squeeze %dma_start3A_131 : memref<1x128xi32, #tpu.memory_space<vmem>> -> memref<128xi32, #tpu.memory_space<vmem>>
      %dma_start3A_133 = arith.constant 0 : i32
      %dma_start3A_134 = arith.constant 0 : i32
      %dma_start3A_135 = tpu.memref_slice %arg2[%dma_start3A_133, %dma_start3A_134] : memref<10128x128xf32, #tpu.memory_space<hbm>> -> memref<10128x128xf32, #tpu.memory_space<hbm>>
      tpu.enqueue_indirect_dma source(%dma_start3A_135 : memref<10128x128xf32, #tpu.memory_space<hbm>>) target(%arg9 : memref<128x128xf32, #tpu.memory_space<vmem>>) offsets(%dma_start3A_132 : memref<128xi32, #tpu.memory_space<vmem>>) semaphore(%arg11 : memref<!tpu.dma_semaphore, #tpu.memory_space<semaphore_mem>>)
      %dma_wait3A_136 = arith.constant 0 : i32
      %dma_wait3A_137 = tpu.memref_slice %arg7[%add3A_129, %dma_wait3A_136] : memref<40x128xi32, #tpu.memory_space<vmem>> -> memref<1x128xi32, #tpu.memory_space<vmem>>
      %dma_wait3A_138 = tpu.memref_squeeze %dma_wait3A_137 : memref<1x128xi32, #tpu.memory_space<vmem>> -> memref<128xi32, #tpu.memory_space<vmem>>
      %dma_wait3A_139 = arith.constant 0 : i32
      %dma_wait3A_140 = arith.constant 0 : i32
      %dma_wait3A_141 = tpu.memref_slice %arg2[%dma_wait3A_139, %dma_wait3A_140] : memref<10128x128xf32, #tpu.memory_space<hbm>> -> memref<10128x128xf32, #tpu.memory_space<hbm>>
      tpu.wait_indirect_dma semaphore(%arg11 : memref<!tpu.dma_semaphore, #tpu.memory_space<semaphore_mem>>) src(%dma_wait3A_141 : memref<10128x128xf32, #tpu.memory_space<hbm>>) dst(%arg9 : memref<128x128xf32, #tpu.memory_space<vmem>>)
      %dma_wait3A_142 = arith.constant 0 : i32
      %dma_wait3A_143 = tpu.memref_slice %arg8[%add3A_121, %dma_wait3A_142] : memref<40x128xi32, #tpu.memory_space<vmem>> -> memref<1x128xi32, #tpu.memory_space<vmem>>
      %dma_wait3A_144 = tpu.memref_squeeze %dma_wait3A_143 : memref<1x128xi32, #tpu.memory_space<vmem>> -> memref<128xi32, #tpu.memory_space<vmem>>
      %dma_wait3A_145 = arith.constant 0 : i32
      %dma_wait3A_146 = arith.constant 0 : i32
      %dma_wait3A_147 = tpu.memref_slice %arg13[%dma_wait3A_145, %dma_wait3A_146] : memref<10128x128xf32, #tpu.memory_space<vmem_shared>> -> memref<10128x128xf32, #tpu.memory_space<vmem_shared>>
      tpu.wait_indirect_dma semaphore(%arg12 : memref<!tpu.dma_semaphore, #tpu.memory_space<semaphore_mem>>) src(%arg10 : memref<128x128xf32, #tpu.memory_space<vmem>>) dst(%dma_wait3A_147 : memref<10128x128xf32, #tpu.memory_space<vmem_shared>>)
      %add3A_148 = arith.constant 4 : i32
      %add3A_149 = arith.addi %mul3A_23, %add3A_148 : i32
      %dma_start3A_150 = arith.constant 0 : i32
      %dma_start3A_151 = tpu.memref_slice %arg8[%add3A_149, %dma_start3A_150] : memref<40x128xi32, #tpu.memory_space<vmem>> -> memref<1x128xi32, #tpu.memory_space<vmem>>
      %dma_start3A_152 = tpu.memref_squeeze %dma_start3A_151 : memref<1x128xi32, #tpu.memory_space<vmem>> -> memref<128xi32, #tpu.memory_space<vmem>>
      %dma_start3A_153 = arith.constant 0 : i32
      %dma_start3A_154 = arith.constant 0 : i32
      %dma_start3A_155 = tpu.memref_slice %arg13[%dma_start3A_153, %dma_start3A_154] : memref<10128x128xf32, #tpu.memory_space<vmem_shared>> -> memref<10128x128xf32, #tpu.memory_space<vmem_shared>>
      tpu.enqueue_indirect_dma source(%arg9 : memref<128x128xf32, #tpu.memory_space<vmem>>) target(%dma_start3A_155 : memref<10128x128xf32, #tpu.memory_space<vmem_shared>>) offsets(%dma_start3A_152 : memref<128xi32, #tpu.memory_space<vmem>>) semaphore(%arg12 : memref<!tpu.dma_semaphore, #tpu.memory_space<semaphore_mem>>) {add = true}
      %add3A_156 = arith.constant 5 : i32
      %add3A_157 = arith.addi %mul3A_23, %add3A_156 : i32
      %dma_start3A_158 = arith.constant 0 : i32
      %dma_start3A_159 = tpu.memref_slice %arg7[%add3A_157, %dma_start3A_158] : memref<40x128xi32, #tpu.memory_space<vmem>> -> memref<1x128xi32, #tpu.memory_space<vmem>>
      %dma_start3A_160 = tpu.memref_squeeze %dma_start3A_159 : memref<1x128xi32, #tpu.memory_space<vmem>> -> memref<128xi32, #tpu.memory_space<vmem>>
      %dma_start3A_161 = arith.constant 0 : i32
      %dma_start3A_162 = arith.constant 0 : i32
      %dma_start3A_163 = tpu.memref_slice %arg2[%dma_start3A_161, %dma_start3A_162] : memref<10128x128xf32, #tpu.memory_space<hbm>> -> memref<10128x128xf32, #tpu.memory_space<hbm>>
      tpu.enqueue_indirect_dma source(%dma_start3A_163 : memref<10128x128xf32, #tpu.memory_space<hbm>>) target(%arg10 : memref<128x128xf32, #tpu.memory_space<vmem>>) offsets(%dma_start3A_160 : memref<128xi32, #tpu.memory_space<vmem>>) semaphore(%arg11 : memref<!tpu.dma_semaphore, #tpu.memory_space<semaphore_mem>>)
      %dma_wait3A_164 = arith.constant 0 : i32
      %dma_wait3A_165 = tpu.memref_slice %arg7[%add3A_157, %dma_wait3A_164] : memref<40x128xi32, #tpu.memory_space<vmem>> -> memref<1x128xi32, #tpu.memory_space<vmem>>
      %dma_wait3A_166 = tpu.memref_squeeze %dma_wait3A_165 : memref<1x128xi32, #tpu.memory_space<vmem>> -> memref<128xi32, #tpu.memory_space<vmem>>
      %dma_wait3A_167 = arith.constant 0 : i32
      %dma_wait3A_168 = arith.constant 0 : i32
      %dma_wait3A_169 = tpu.memref_slice %arg2[%dma_wait3A_167, %dma_wait3A_168] : memref<10128x128xf32, #tpu.memory_space<hbm>> -> memref<10128x128xf32, #tpu.memory_space<hbm>>
      tpu.wait_indirect_dma semaphore(%arg11 : memref<!tpu.dma_semaphore, #tpu.memory_space<semaphore_mem>>) src(%dma_wait3A_169 : memref<10128x128xf32, #tpu.memory_space<hbm>>) dst(%arg10 : memref<128x128xf32, #tpu.memory_space<vmem>>)
      %dma_wait3A_170 = arith.constant 0 : i32
      %dma_wait3A_171 = tpu.memref_slice %arg8[%add3A_149, %dma_wait3A_170] : memref<40x128xi32, #tpu.memory_space<vmem>> -> memref<1x128xi32, #tpu.memory_space<vmem>>
      %dma_wait3A_172 = tpu.memref_squeeze %dma_wait3A_171 : memref<1x128xi32, #tpu.memory_space<vmem>> -> memref<128xi32, #tpu.memory_space<vmem>>
      %dma_wait3A_173 = arith.constant 0 : i32
      %dma_wait3A_174 = arith.constant 0 : i32
      %dma_wait3A_175 = tpu.memref_slice %arg13[%dma_wait3A_173, %dma_wait3A_174] : memref<10128x128xf32, #tpu.memory_space<vmem_shared>> -> memref<10128x128xf32, #tpu.memory_space<vmem_shared>>
      tpu.wait_indirect_dma semaphore(%arg12 : memref<!tpu.dma_semaphore, #tpu.memory_space<semaphore_mem>>) src(%arg9 : memref<128x128xf32, #tpu.memory_space<vmem>>) dst(%dma_wait3A_175 : memref<10128x128xf32, #tpu.memory_space<vmem_shared>>)
      %add3A_176 = arith.constant 5 : i32
      %add3A_177 = arith.addi %mul3A_23, %add3A_176 : i32
      %dma_start3A_178 = arith.constant 0 : i32
      %dma_start3A_179 = tpu.memref_slice %arg8[%add3A_177, %dma_start3A_178] : memref<40x128xi32, #tpu.memory_space<vmem>> -> memref<1x128xi32, #tpu.memory_space<vmem>>
      %dma_start3A_180 = tpu.memref_squeeze %dma_start3A_179 : memref<1x128xi32, #tpu.memory_space<vmem>> -> memref<128xi32, #tpu.memory_space<vmem>>
      %dma_start3A_181 = arith.constant 0 : i32
      %dma_start3A_182 = arith.constant 0 : i32
      %dma_start3A_183 = tpu.memref_slice %arg13[%dma_start3A_181, %dma_start3A_182] : memref<10128x128xf32, #tpu.memory_space<vmem_shared>> -> memref<10128x128xf32, #tpu.memory_space<vmem_shared>>
      tpu.enqueue_indirect_dma source(%arg10 : memref<128x128xf32, #tpu.memory_space<vmem>>) target(%dma_start3A_183 : memref<10128x128xf32, #tpu.memory_space<vmem_shared>>) offsets(%dma_start3A_180 : memref<128xi32, #tpu.memory_space<vmem>>) semaphore(%arg12 : memref<!tpu.dma_semaphore, #tpu.memory_space<semaphore_mem>>) {add = true}
      %add3A_184 = arith.constant 6 : i32
      %add3A_185 = arith.addi %mul3A_23, %add3A_184 : i32
      %dma_start3A_186 = arith.constant 0 : i32
      %dma_start3A_187 = tpu.memref_slice %arg7[%add3A_185, %dma_start3A_186] : memref<40x128xi32, #tpu.memory_space<vmem>> -> memref<1x128xi32, #tpu.memory_space<vmem>>
      %dma_start3A_188 = tpu.memref_squeeze %dma_start3A_187 : memref<1x128xi32, #tpu.memory_space<vmem>> -> memref<128xi32, #tpu.memory_space<vmem>>
      %dma_start3A_189 = arith.constant 0 : i32
      %dma_start3A_190 = arith.constant 0 : i32
      %dma_start3A_191 = tpu.memref_slice %arg2[%dma_start3A_189, %dma_start3A_190] : memref<10128x128xf32, #tpu.memory_space<hbm>> -> memref<10128x128xf32, #tpu.memory_space<hbm>>
      tpu.enqueue_indirect_dma source(%dma_start3A_191 : memref<10128x128xf32, #tpu.memory_space<hbm>>) target(%arg9 : memref<128x128xf32, #tpu.memory_space<vmem>>) offsets(%dma_start3A_188 : memref<128xi32, #tpu.memory_space<vmem>>) semaphore(%arg11 : memref<!tpu.dma_semaphore, #tpu.memory_space<semaphore_mem>>)
      %dma_wait3A_192 = arith.constant 0 : i32
      %dma_wait3A_193 = tpu.memref_slice %arg7[%add3A_185, %dma_wait3A_192] : memref<40x128xi32, #tpu.memory_space<vmem>> -> memref<1x128xi32, #tpu.memory_space<vmem>>
      %dma_wait3A_194 = tpu.memref_squeeze %dma_wait3A_193 : memref<1x128xi32, #tpu.memory_space<vmem>> -> memref<128xi32, #tpu.memory_space<vmem>>
      %dma_wait3A_195 = arith.constant 0 : i32
      %dma_wait3A_196 = arith.constant 0 : i32
      %dma_wait3A_197 = tpu.memref_slice %arg2[%dma_wait3A_195, %dma_wait3A_196] : memref<10128x128xf32, #tpu.memory_space<hbm>> -> memref<10128x128xf32, #tpu.memory_space<hbm>>
      tpu.wait_indirect_dma semaphore(%arg11 : memref<!tpu.dma_semaphore, #tpu.memory_space<semaphore_mem>>) src(%dma_wait3A_197 : memref<10128x128xf32, #tpu.memory_space<hbm>>) dst(%arg9 : memref<128x128xf32, #tpu.memory_space<vmem>>)
      %dma_wait3A_198 = arith.constant 0 : i32
      %dma_wait3A_199 = tpu.memref_slice %arg8[%add3A_177, %dma_wait3A_198] : memref<40x128xi32, #tpu.memory_space<vmem>> -> memref<1x128xi32, #tpu.memory_space<vmem>>
      %dma_wait3A_200 = tpu.memref_squeeze %dma_wait3A_199 : memref<1x128xi32, #tpu.memory_space<vmem>> -> memref<128xi32, #tpu.memory_space<vmem>>
      %dma_wait3A_201 = arith.constant 0 : i32
      %dma_wait3A_202 = arith.constant 0 : i32
      %dma_wait3A_203 = tpu.memref_slice %arg13[%dma_wait3A_201, %dma_wait3A_202] : memref<10128x128xf32, #tpu.memory_space<vmem_shared>> -> memref<10128x128xf32, #tpu.memory_space<vmem_shared>>
      tpu.wait_indirect_dma semaphore(%arg12 : memref<!tpu.dma_semaphore, #tpu.memory_space<semaphore_mem>>) src(%arg10 : memref<128x128xf32, #tpu.memory_space<vmem>>) dst(%dma_wait3A_203 : memref<10128x128xf32, #tpu.memory_space<vmem_shared>>)
      %add3A_204 = arith.constant 6 : i32
      %add3A_205 = arith.addi %mul3A_23, %add3A_204 : i32
      %dma_start3A_206 = arith.constant 0 : i32
      %dma_start3A_207 = tpu.memref_slice %arg8[%add3A_205, %dma_start3A_206] : memref<40x128xi32, #tpu.memory_space<vmem>> -> memref<1x128xi32, #tpu.memory_space<vmem>>
      %dma_start3A_208 = tpu.memref_squeeze %dma_start3A_207 : memref<1x128xi32, #tpu.memory_space<vmem>> -> memref<128xi32, #tpu.memory_space<vmem>>
      %dma_start3A_209 = arith.constant 0 : i32
      %dma_start3A_210 = arith.constant 0 : i32
      %dma_start3A_211 = tpu.memref_slice %arg13[%dma_start3A_209, %dma_start3A_210] : memref<10128x128xf32, #tpu.memory_space<vmem_shared>> -> memref<10128x128xf32, #tpu.memory_space<vmem_shared>>
      tpu.enqueue_indirect_dma source(%arg9 : memref<128x128xf32, #tpu.memory_space<vmem>>) target(%dma_start3A_211 : memref<10128x128xf32, #tpu.memory_space<vmem_shared>>) offsets(%dma_start3A_208 : memref<128xi32, #tpu.memory_space<vmem>>) semaphore(%arg12 : memref<!tpu.dma_semaphore, #tpu.memory_space<semaphore_mem>>) {add = true}
      %add3A_212 = arith.constant 7 : i32
      %add3A_213 = arith.addi %mul3A_23, %add3A_212 : i32
      %dma_start3A_214 = arith.constant 0 : i32
      %dma_start3A_215 = tpu.memref_slice %arg7[%add3A_213, %dma_start3A_214] : memref<40x128xi32, #tpu.memory_space<vmem>> -> memref<1x128xi32, #tpu.memory_space<vmem>>
      %dma_start3A_216 = tpu.memref_squeeze %dma_start3A_215 : memref<1x128xi32, #tpu.memory_space<vmem>> -> memref<128xi32, #tpu.memory_space<vmem>>
      %dma_start3A_217 = arith.constant 0 : i32
      %dma_start3A_218 = arith.constant 0 : i32
      %dma_start3A_219 = tpu.memref_slice %arg2[%dma_start3A_217, %dma_start3A_218] : memref<10128x128xf32, #tpu.memory_space<hbm>> -> memref<10128x128xf32, #tpu.memory_space<hbm>>
      tpu.enqueue_indirect_dma source(%dma_start3A_219 : memref<10128x128xf32, #tpu.memory_space<hbm>>) target(%arg10 : memref<128x128xf32, #tpu.memory_space<vmem>>) offsets(%dma_start3A_216 : memref<128xi32, #tpu.memory_space<vmem>>) semaphore(%arg11 : memref<!tpu.dma_semaphore, #tpu.memory_space<semaphore_mem>>)
      %dma_wait3A_220 = arith.constant 0 : i32
      %dma_wait3A_221 = tpu.memref_slice %arg7[%add3A_213, %dma_wait3A_220] : memref<40x128xi32, #tpu.memory_space<vmem>> -> memref<1x128xi32, #tpu.memory_space<vmem>>
      %dma_wait3A_222 = tpu.memref_squeeze %dma_wait3A_221 : memref<1x128xi32, #tpu.memory_space<vmem>> -> memref<128xi32, #tpu.memory_space<vmem>>
      %dma_wait3A_223 = arith.constant 0 : i32
      %dma_wait3A_224 = arith.constant 0 : i32
      %dma_wait3A_225 = tpu.memref_slice %arg2[%dma_wait3A_223, %dma_wait3A_224] : memref<10128x128xf32, #tpu.memory_space<hbm>> -> memref<10128x128xf32, #tpu.memory_space<hbm>>
      tpu.wait_indirect_dma semaphore(%arg11 : memref<!tpu.dma_semaphore, #tpu.memory_space<semaphore_mem>>) src(%dma_wait3A_225 : memref<10128x128xf32, #tpu.memory_space<hbm>>) dst(%arg10 : memref<128x128xf32, #tpu.memory_space<vmem>>)
      %dma_wait3A_226 = arith.constant 0 : i32
      %dma_wait3A_227 = tpu.memref_slice %arg8[%add3A_205, %dma_wait3A_226] : memref<40x128xi32, #tpu.memory_space<vmem>> -> memref<1x128xi32, #tpu.memory_space<vmem>>
      %dma_wait3A_228 = tpu.memref_squeeze %dma_wait3A_227 : memref<1x128xi32, #tpu.memory_space<vmem>> -> memref<128xi32, #tpu.memory_space<vmem>>
      %dma_wait3A_229 = arith.constant 0 : i32
      %dma_wait3A_230 = arith.constant 0 : i32
      %dma_wait3A_231 = tpu.memref_slice %arg13[%dma_wait3A_229, %dma_wait3A_230] : memref<10128x128xf32, #tpu.memory_space<vmem_shared>> -> memref<10128x128xf32, #tpu.memory_space<vmem_shared>>
      tpu.wait_indirect_dma semaphore(%arg12 : memref<!tpu.dma_semaphore, #tpu.memory_space<semaphore_mem>>) src(%arg9 : memref<128x128xf32, #tpu.memory_space<vmem>>) dst(%dma_wait3A_231 : memref<10128x128xf32, #tpu.memory_space<vmem_shared>>)
      %add3A_232 = arith.constant 7 : i32
      %add3A_233 = arith.addi %mul3A_23, %add3A_232 : i32
      %dma_start3A_234 = arith.constant 0 : i32
      %dma_start3A_235 = tpu.memref_slice %arg8[%add3A_233, %dma_start3A_234] : memref<40x128xi32, #tpu.memory_space<vmem>> -> memref<1x128xi32, #tpu.memory_space<vmem>>
      %dma_start3A_236 = tpu.memref_squeeze %dma_start3A_235 : memref<1x128xi32, #tpu.memory_space<vmem>> -> memref<128xi32, #tpu.memory_space<vmem>>
      %dma_start3A_237 = arith.constant 0 : i32
      %dma_start3A_238 = arith.constant 0 : i32
      %dma_start3A_239 = tpu.memref_slice %arg13[%dma_start3A_237, %dma_start3A_238] : memref<10128x128xf32, #tpu.memory_space<vmem_shared>> -> memref<10128x128xf32, #tpu.memory_space<vmem_shared>>
      tpu.enqueue_indirect_dma source(%arg10 : memref<128x128xf32, #tpu.memory_space<vmem>>) target(%dma_start3A_239 : memref<10128x128xf32, #tpu.memory_space<vmem_shared>>) offsets(%dma_start3A_236 : memref<128xi32, #tpu.memory_space<vmem>>) semaphore(%arg12 : memref<!tpu.dma_semaphore, #tpu.memory_space<semaphore_mem>>) {add = true}
      %add3A_240 = arith.constant 8 : i32
      %add3A_241 = arith.addi %mul3A_23, %add3A_240 : i32
      %dma_start3A_242 = arith.constant 0 : i32
      %dma_start3A_243 = tpu.memref_slice %arg7[%add3A_241, %dma_start3A_242] : memref<40x128xi32, #tpu.memory_space<vmem>> -> memref<1x128xi32, #tpu.memory_space<vmem>>
      %dma_start3A_244 = tpu.memref_squeeze %dma_start3A_243 : memref<1x128xi32, #tpu.memory_space<vmem>> -> memref<128xi32, #tpu.memory_space<vmem>>
      %dma_start3A_245 = arith.constant 0 : i32
      %dma_start3A_246 = arith.constant 0 : i32
      %dma_start3A_247 = tpu.memref_slice %arg2[%dma_start3A_245, %dma_start3A_246] : memref<10128x128xf32, #tpu.memory_space<hbm>> -> memref<10128x128xf32, #tpu.memory_space<hbm>>
      tpu.enqueue_indirect_dma source(%dma_start3A_247 : memref<10128x128xf32, #tpu.memory_space<hbm>>) target(%arg9 : memref<128x128xf32, #tpu.memory_space<vmem>>) offsets(%dma_start3A_244 : memref<128xi32, #tpu.memory_space<vmem>>) semaphore(%arg11 : memref<!tpu.dma_semaphore, #tpu.memory_space<semaphore_mem>>)
      %dma_wait3A_248 = arith.constant 0 : i32
      %dma_wait3A_249 = tpu.memref_slice %arg7[%add3A_241, %dma_wait3A_248] : memref<40x128xi32, #tpu.memory_space<vmem>> -> memref<1x128xi32, #tpu.memory_space<vmem>>
      %dma_wait3A_250 = tpu.memref_squeeze %dma_wait3A_249 : memref<1x128xi32, #tpu.memory_space<vmem>> -> memref<128xi32, #tpu.memory_space<vmem>>
      %dma_wait3A_251 = arith.constant 0 : i32
      %dma_wait3A_252 = arith.constant 0 : i32
      %dma_wait3A_253 = tpu.memref_slice %arg2[%dma_wait3A_251, %dma_wait3A_252] : memref<10128x128xf32, #tpu.memory_space<hbm>> -> memref<10128x128xf32, #tpu.memory_space<hbm>>
      tpu.wait_indirect_dma semaphore(%arg11 : memref<!tpu.dma_semaphore, #tpu.memory_space<semaphore_mem>>) src(%dma_wait3A_253 : memref<10128x128xf32, #tpu.memory_space<hbm>>) dst(%arg9 : memref<128x128xf32, #tpu.memory_space<vmem>>)
      %dma_wait3A_254 = arith.constant 0 : i32
      %dma_wait3A_255 = tpu.memref_slice %arg8[%add3A_233, %dma_wait3A_254] : memref<40x128xi32, #tpu.memory_space<vmem>> -> memref<1x128xi32, #tpu.memory_space<vmem>>
      %dma_wait3A_256 = tpu.memref_squeeze %dma_wait3A_255 : memref<1x128xi32, #tpu.memory_space<vmem>> -> memref<128xi32, #tpu.memory_space<vmem>>
      %dma_wait3A_257 = arith.constant 0 : i32
      %dma_wait3A_258 = arith.constant 0 : i32
      %dma_wait3A_259 = tpu.memref_slice %arg13[%dma_wait3A_257, %dma_wait3A_258] : memref<10128x128xf32, #tpu.memory_space<vmem_shared>> -> memref<10128x128xf32, #tpu.memory_space<vmem_shared>>
      tpu.wait_indirect_dma semaphore(%arg12 : memref<!tpu.dma_semaphore, #tpu.memory_space<semaphore_mem>>) src(%arg10 : memref<128x128xf32, #tpu.memory_space<vmem>>) dst(%dma_wait3A_259 : memref<10128x128xf32, #tpu.memory_space<vmem_shared>>)
      %add3A_260 = arith.constant 8 : i32
      %add3A_261 = arith.addi %mul3A_23, %add3A_260 : i32
      %dma_start3A_262 = arith.constant 0 : i32
      %dma_start3A_263 = tpu.memref_slice %arg8[%add3A_261, %dma_start3A_262] : memref<40x128xi32, #tpu.memory_space<vmem>> -> memref<1x128xi32, #tpu.memory_space<vmem>>
      %dma_start3A_264 = tpu.memref_squeeze %dma_start3A_263 : memref<1x128xi32, #tpu.memory_space<vmem>> -> memref<128xi32, #tpu.memory_space<vmem>>
      %dma_start3A_265 = arith.constant 0 : i32
      %dma_start3A_266 = arith.constant 0 : i32
      %dma_start3A_267 = tpu.memref_slice %arg13[%dma_start3A_265, %dma_start3A_266] : memref<10128x128xf32, #tpu.memory_space<vmem_shared>> -> memref<10128x128xf32, #tpu.memory_space<vmem_shared>>
      tpu.enqueue_indirect_dma source(%arg9 : memref<128x128xf32, #tpu.memory_space<vmem>>) target(%dma_start3A_267 : memref<10128x128xf32, #tpu.memory_space<vmem_shared>>) offsets(%dma_start3A_264 : memref<128xi32, #tpu.memory_space<vmem>>) semaphore(%arg12 : memref<!tpu.dma_semaphore, #tpu.memory_space<semaphore_mem>>) {add = true}
      %add3A_268 = arith.constant 9 : i32
      %add3A_269 = arith.addi %mul3A_23, %add3A_268 : i32
      %dma_start3A_270 = arith.constant 0 : i32
      %dma_start3A_271 = tpu.memref_slice %arg7[%add3A_269, %dma_start3A_270] : memref<40x128xi32, #tpu.memory_space<vmem>> -> memref<1x128xi32, #tpu.memory_space<vmem>>
      %dma_start3A_272 = tpu.memref_squeeze %dma_start3A_271 : memref<1x128xi32, #tpu.memory_space<vmem>> -> memref<128xi32, #tpu.memory_space<vmem>>
      %dma_start3A_273 = arith.constant 0 : i32
      %dma_start3A_274 = arith.constant 0 : i32
      %dma_start3A_275 = tpu.memref_slice %arg2[%dma_start3A_273, %dma_start3A_274] : memref<10128x128xf32, #tpu.memory_space<hbm>> -> memref<10128x128xf32, #tpu.memory_space<hbm>>
      tpu.enqueue_indirect_dma source(%dma_start3A_275 : memref<10128x128xf32, #tpu.memory_space<hbm>>) target(%arg10 : memref<128x128xf32, #tpu.memory_space<vmem>>) offsets(%dma_start3A_272 : memref<128xi32, #tpu.memory_space<vmem>>) semaphore(%arg11 : memref<!tpu.dma_semaphore, #tpu.memory_space<semaphore_mem>>)
      %dma_wait3A_276 = arith.constant 0 : i32
      %dma_wait3A_277 = tpu.memref_slice %arg7[%add3A_269, %dma_wait3A_276] : memref<40x128xi32, #tpu.memory_space<vmem>> -> memref<1x128xi32, #tpu.memory_space<vmem>>
      %dma_wait3A_278 = tpu.memref_squeeze %dma_wait3A_277 : memref<1x128xi32, #tpu.memory_space<vmem>> -> memref<128xi32, #tpu.memory_space<vmem>>
      %dma_wait3A_279 = arith.constant 0 : i32
      %dma_wait3A_280 = arith.constant 0 : i32
      %dma_wait3A_281 = tpu.memref_slice %arg2[%dma_wait3A_279, %dma_wait3A_280] : memref<10128x128xf32, #tpu.memory_space<hbm>> -> memref<10128x128xf32, #tpu.memory_space<hbm>>
      tpu.wait_indirect_dma semaphore(%arg11 : memref<!tpu.dma_semaphore, #tpu.memory_space<semaphore_mem>>) src(%dma_wait3A_281 : memref<10128x128xf32, #tpu.memory_space<hbm>>) dst(%arg10 : memref<128x128xf32, #tpu.memory_space<vmem>>)
      %dma_wait3A_282 = arith.constant 0 : i32
      %dma_wait3A_283 = tpu.memref_slice %arg8[%add3A_261, %dma_wait3A_282] : memref<40x128xi32, #tpu.memory_space<vmem>> -> memref<1x128xi32, #tpu.memory_space<vmem>>
      %dma_wait3A_284 = tpu.memref_squeeze %dma_wait3A_283 : memref<1x128xi32, #tpu.memory_space<vmem>> -> memref<128xi32, #tpu.memory_space<vmem>>
      %dma_wait3A_285 = arith.constant 0 : i32
      %dma_wait3A_286 = arith.constant 0 : i32
      %dma_wait3A_287 = tpu.memref_slice %arg13[%dma_wait3A_285, %dma_wait3A_286] : memref<10128x128xf32, #tpu.memory_space<vmem_shared>> -> memref<10128x128xf32, #tpu.memory_space<vmem_shared>>
      tpu.wait_indirect_dma semaphore(%arg12 : memref<!tpu.dma_semaphore, #tpu.memory_space<semaphore_mem>>) src(%arg9 : memref<128x128xf32, #tpu.memory_space<vmem>>) dst(%dma_wait3A_287 : memref<10128x128xf32, #tpu.memory_space<vmem_shared>>)
      %add3A_288 = arith.constant 9 : i32
      %add3A_289 = arith.addi %mul3A_23, %add3A_288 : i32
      %dma_start3A_290 = arith.constant 0 : i32
      %dma_start3A_291 = tpu.memref_slice %arg8[%add3A_289, %dma_start3A_290] : memref<40x128xi32, #tpu.memory_space<vmem>> -> memref<1x128xi32, #tpu.memory_space<vmem>>
      %dma_start3A_292 = tpu.memref_squeeze %dma_start3A_291 : memref<1x128xi32, #tpu.memory_space<vmem>> -> memref<128xi32, #tpu.memory_space<vmem>>
      %dma_start3A_293 = arith.constant 0 : i32
      %dma_start3A_294 = arith.constant 0 : i32
      %dma_start3A_295 = tpu.memref_slice %arg13[%dma_start3A_293, %dma_start3A_294] : memref<10128x128xf32, #tpu.memory_space<vmem_shared>> -> memref<10128x128xf32, #tpu.memory_space<vmem_shared>>
      tpu.enqueue_indirect_dma source(%arg10 : memref<128x128xf32, #tpu.memory_space<vmem>>) target(%dma_start3A_295 : memref<10128x128xf32, #tpu.memory_space<vmem_shared>>) offsets(%dma_start3A_292 : memref<128xi32, #tpu.memory_space<vmem>>) semaphore(%arg12 : memref<!tpu.dma_semaphore, #tpu.memory_space<semaphore_mem>>) {add = true}
      %add3A_296 = arith.constant 10 : i32
      %add3A_297 = arith.addi %mul3A_23, %add3A_296 : i32
      %dma_start3A_298 = arith.constant 0 : i32
      %dma_start3A_299 = tpu.memref_slice %arg7[%add3A_297, %dma_start3A_298] : memref<40x128xi32, #tpu.memory_space<vmem>> -> memref<1x128xi32, #tpu.memory_space<vmem>>
      %dma_start3A_300 = tpu.memref_squeeze %dma_start3A_299 : memref<1x128xi32, #tpu.memory_space<vmem>> -> memref<128xi32, #tpu.memory_space<vmem>>
      %dma_start3A_301 = arith.constant 0 : i32
      %dma_start3A_302 = arith.constant 0 : i32
      %dma_start3A_303 = tpu.memref_slice %arg2[%dma_start3A_301, %dma_start3A_302] : memref<10128x128xf32, #tpu.memory_space<hbm>> -> memref<10128x128xf32, #tpu.memory_space<hbm>>
      tpu.enqueue_indirect_dma source(%dma_start3A_303 : memref<10128x128xf32, #tpu.memory_space<hbm>>) target(%arg9 : memref<128x128xf32, #tpu.memory_space<vmem>>) offsets(%dma_start3A_300 : memref<128xi32, #tpu.memory_space<vmem>>) semaphore(%arg11 : memref<!tpu.dma_semaphore, #tpu.memory_space<semaphore_mem>>)
      %dma_wait3A_304 = arith.constant 0 : i32
      %dma_wait3A_305 = tpu.memref_slice %arg7[%add3A_297, %dma_wait3A_304] : memref<40x128xi32, #tpu.memory_space<vmem>> -> memref<1x128xi32, #tpu.memory_space<vmem>>
      %dma_wait3A_306 = tpu.memref_squeeze %dma_wait3A_305 : memref<1x128xi32, #tpu.memory_space<vmem>> -> memref<128xi32, #tpu.memory_space<vmem>>
      %dma_wait3A_307 = arith.constant 0 : i32
      %dma_wait3A_308 = arith.constant 0 : i32
      %dma_wait3A_309 = tpu.memref_slice %arg2[%dma_wait3A_307, %dma_wait3A_308] : memref<10128x128xf32, #tpu.memory_space<hbm>> -> memref<10128x128xf32, #tpu.memory_space<hbm>>
      tpu.wait_indirect_dma semaphore(%arg11 : memref<!tpu.dma_semaphore, #tpu.memory_space<semaphore_mem>>) src(%dma_wait3A_309 : memref<10128x128xf32, #tpu.memory_space<hbm>>) dst(%arg9 : memref<128x128xf32, #tpu.memory_space<vmem>>)
      %dma_wait3A_310 = arith.constant 0 : i32
      %dma_wait3A_311 = tpu.memref_slice %arg8[%add3A_289, %dma_wait3A_310] : memref<40x128xi32, #tpu.memory_space<vmem>> -> memref<1x128xi32, #tpu.memory_space<vmem>>
      %dma_wait3A_312 = tpu.memref_squeeze %dma_wait3A_311 : memref<1x128xi32, #tpu.memory_space<vmem>> -> memref<128xi32, #tpu.memory_space<vmem>>
      %dma_wait3A_313 = arith.constant 0 : i32
      %dma_wait3A_314 = arith.constant 0 : i32
      %dma_wait3A_315 = tpu.memref_slice %arg13[%dma_wait3A_313, %dma_wait3A_314] : memref<10128x128xf32, #tpu.memory_space<vmem_shared>> -> memref<10128x128xf32, #tpu.memory_space<vmem_shared>>
      tpu.wait_indirect_dma semaphore(%arg12 : memref<!tpu.dma_semaphore, #tpu.memory_space<semaphore_mem>>) src(%arg10 : memref<128x128xf32, #tpu.memory_space<vmem>>) dst(%dma_wait3A_315 : memref<10128x128xf32, #tpu.memory_space<vmem_shared>>)
      %add3A_316 = arith.constant 10 : i32
      %add3A_317 = arith.addi %mul3A_23, %add3A_316 : i32
      %dma_start3A_318 = arith.constant 0 : i32
      %dma_start3A_319 = tpu.memref_slice %arg8[%add3A_317, %dma_start3A_318] : memref<40x128xi32, #tpu.memory_space<vmem>> -> memref<1x128xi32, #tpu.memory_space<vmem>>
      %dma_start3A_320 = tpu.memref_squeeze %dma_start3A_319 : memref<1x128xi32, #tpu.memory_space<vmem>> -> memref<128xi32, #tpu.memory_space<vmem>>
      %dma_start3A_321 = arith.constant 0 : i32
      %dma_start3A_322 = arith.constant 0 : i32
      %dma_start3A_323 = tpu.memref_slice %arg13[%dma_start3A_321, %dma_start3A_322] : memref<10128x128xf32, #tpu.memory_space<vmem_shared>> -> memref<10128x128xf32, #tpu.memory_space<vmem_shared>>
      tpu.enqueue_indirect_dma source(%arg9 : memref<128x128xf32, #tpu.memory_space<vmem>>) target(%dma_start3A_323 : memref<10128x128xf32, #tpu.memory_space<vmem_shared>>) offsets(%dma_start3A_320 : memref<128xi32, #tpu.memory_space<vmem>>) semaphore(%arg12 : memref<!tpu.dma_semaphore, #tpu.memory_space<semaphore_mem>>) {add = true}
      %add3A_324 = arith.constant 11 : i32
      %add3A_325 = arith.addi %mul3A_23, %add3A_324 : i32
      %dma_start3A_326 = arith.constant 0 : i32
      %dma_start3A_327 = tpu.memref_slice %arg7[%add3A_325, %dma_start3A_326] : memref<40x128xi32, #tpu.memory_space<vmem>> -> memref<1x128xi32, #tpu.memory_space<vmem>>
      %dma_start3A_328 = tpu.memref_squeeze %dma_start3A_327 : memref<1x128xi32, #tpu.memory_space<vmem>> -> memref<128xi32, #tpu.memory_space<vmem>>
      %dma_start3A_329 = arith.constant 0 : i32
      %dma_start3A_330 = arith.constant 0 : i32
      %dma_start3A_331 = tpu.memref_slice %arg2[%dma_start3A_329, %dma_start3A_330] : memref<10128x128xf32, #tpu.memory_space<hbm>> -> memref<10128x128xf32, #tpu.memory_space<hbm>>
      tpu.enqueue_indirect_dma source(%dma_start3A_331 : memref<10128x128xf32, #tpu.memory_space<hbm>>) target(%arg10 : memref<128x128xf32, #tpu.memory_space<vmem>>) offsets(%dma_start3A_328 : memref<128xi32, #tpu.memory_space<vmem>>) semaphore(%arg11 : memref<!tpu.dma_semaphore, #tpu.memory_space<semaphore_mem>>)
      %dma_wait3A_332 = arith.constant 0 : i32
      %dma_wait3A_333 = tpu.memref_slice %arg7[%add3A_325, %dma_wait3A_332] : memref<40x128xi32, #tpu.memory_space<vmem>> -> memref<1x128xi32, #tpu.memory_space<vmem>>
      %dma_wait3A_334 = tpu.memref_squeeze %dma_wait3A_333 : memref<1x128xi32, #tpu.memory_space<vmem>> -> memref<128xi32, #tpu.memory_space<vmem>>
      %dma_wait3A_335 = arith.constant 0 : i32
      %dma_wait3A_336 = arith.constant 0 : i32
      %dma_wait3A_337 = tpu.memref_slice %arg2[%dma_wait3A_335, %dma_wait3A_336] : memref<10128x128xf32, #tpu.memory_space<hbm>> -> memref<10128x128xf32, #tpu.memory_space<hbm>>
      tpu.wait_indirect_dma semaphore(%arg11 : memref<!tpu.dma_semaphore, #tpu.memory_space<semaphore_mem>>) src(%dma_wait3A_337 : memref<10128x128xf32, #tpu.memory_space<hbm>>) dst(%arg10 : memref<128x128xf32, #tpu.memory_space<vmem>>)
      %dma_wait3A_338 = arith.constant 0 : i32
      %dma_wait3A_339 = tpu.memref_slice %arg8[%add3A_317, %dma_wait3A_338] : memref<40x128xi32, #tpu.memory_space<vmem>> -> memref<1x128xi32, #tpu.memory_space<vmem>>
      %dma_wait3A_340 = tpu.memref_squeeze %dma_wait3A_339 : memref<1x128xi32, #tpu.memory_space<vmem>> -> memref<128xi32, #tpu.memory_space<vmem>>
      %dma_wait3A_341 = arith.constant 0 : i32
      %dma_wait3A_342 = arith.constant 0 : i32
      %dma_wait3A_343 = tpu.memref_slice %arg13[%dma_wait3A_341, %dma_wait3A_342] : memref<10128x128xf32, #tpu.memory_space<vmem_shared>> -> memref<10128x128xf32, #tpu.memory_space<vmem_shared>>
      tpu.wait_indirect_dma semaphore(%arg12 : memref<!tpu.dma_semaphore, #tpu.memory_space<semaphore_mem>>) src(%arg9 : memref<128x128xf32, #tpu.memory_space<vmem>>) dst(%dma_wait3A_343 : memref<10128x128xf32, #tpu.memory_space<vmem_shared>>)
      %add3A_344 = arith.constant 11 : i32
      %add3A_345 = arith.addi %mul3A_23, %add3A_344 : i32
      %dma_start3A_346 = arith.constant 0 : i32
      %dma_start3A_347 = tpu.memref_slice %arg8[%add3A_345, %dma_start3A_346] : memref<40x128xi32, #tpu.memory_space<vmem>> -> memref<1x128xi32, #tpu.memory_space<vmem>>
      %dma_start3A_348 = tpu.memref_squeeze %dma_start3A_347 : memref<1x128xi32, #tpu.memory_space<vmem>> -> memref<128xi32, #tpu.memory_space<vmem>>
      %dma_start3A_349 = arith.constant 0 : i32
      %dma_start3A_350 = arith.constant 0 : i32
      %dma_start3A_351 = tpu.memref_slice %arg13[%dma_start3A_349, %dma_start3A_350] : memref<10128x128xf32, #tpu.memory_space<vmem_shared>> -> memref<10128x128xf32, #tpu.memory_space<vmem_shared>>
      tpu.enqueue_indirect_dma source(%arg10 : memref<128x128xf32, #tpu.memory_space<vmem>>) target(%dma_start3A_351 : memref<10128x128xf32, #tpu.memory_space<vmem_shared>>) offsets(%dma_start3A_348 : memref<128xi32, #tpu.memory_space<vmem>>) semaphore(%arg12 : memref<!tpu.dma_semaphore, #tpu.memory_space<semaphore_mem>>) {add = true}
      %add3A_352 = arith.constant 12 : i32
      %add3A_353 = arith.addi %mul3A_23, %add3A_352 : i32
      %dma_start3A_354 = arith.constant 0 : i32
      %dma_start3A_355 = tpu.memref_slice %arg7[%add3A_353, %dma_start3A_354] : memref<40x128xi32, #tpu.memory_space<vmem>> -> memref<1x128xi32, #tpu.memory_space<vmem>>
      %dma_start3A_356 = tpu.memref_squeeze %dma_start3A_355 : memref<1x128xi32, #tpu.memory_space<vmem>> -> memref<128xi32, #tpu.memory_space<vmem>>
      %dma_start3A_357 = arith.constant 0 : i32
      %dma_start3A_358 = arith.constant 0 : i32
      %dma_start3A_359 = tpu.memref_slice %arg2[%dma_start3A_357, %dma_start3A_358] : memref<10128x128xf32, #tpu.memory_space<hbm>> -> memref<10128x128xf32, #tpu.memory_space<hbm>>
      tpu.enqueue_indirect_dma source(%dma_start3A_359 : memref<10128x128xf32, #tpu.memory_space<hbm>>) target(%arg9 : memref<128x128xf32, #tpu.memory_space<vmem>>) offsets(%dma_start3A_356 : memref<128xi32, #tpu.memory_space<vmem>>) semaphore(%arg11 : memref<!tpu.dma_semaphore, #tpu.memory_space<semaphore_mem>>)
      %dma_wait3A_360 = arith.constant 0 : i32
      %dma_wait3A_361 = tpu.memref_slice %arg7[%add3A_353, %dma_wait3A_360] : memref<40x128xi32, #tpu.memory_space<vmem>> -> memref<1x128xi32, #tpu.memory_space<vmem>>
      %dma_wait3A_362 = tpu.memref_squeeze %dma_wait3A_361 : memref<1x128xi32, #tpu.memory_space<vmem>> -> memref<128xi32, #tpu.memory_space<vmem>>
      %dma_wait3A_363 = arith.constant 0 : i32
      %dma_wait3A_364 = arith.constant 0 : i32
      %dma_wait3A_365 = tpu.memref_slice %arg2[%dma_wait3A_363, %dma_wait3A_364] : memref<10128x128xf32, #tpu.memory_space<hbm>> -> memref<10128x128xf32, #tpu.memory_space<hbm>>
      tpu.wait_indirect_dma semaphore(%arg11 : memref<!tpu.dma_semaphore, #tpu.memory_space<semaphore_mem>>) src(%dma_wait3A_365 : memref<10128x128xf32, #tpu.memory_space<hbm>>) dst(%arg9 : memref<128x128xf32, #tpu.memory_space<vmem>>)
      %dma_wait3A_366 = arith.constant 0 : i32
      %dma_wait3A_367 = tpu.memref_slice %arg8[%add3A_345, %dma_wait3A_366] : memref<40x128xi32, #tpu.memory_space<vmem>> -> memref<1x128xi32, #tpu.memory_space<vmem>>
      %dma_wait3A_368 = tpu.memref_squeeze %dma_wait3A_367 : memref<1x128xi32, #tpu.memory_space<vmem>> -> memref<128xi32, #tpu.memory_space<vmem>>
      %dma_wait3A_369 = arith.constant 0 : i32
      %dma_wait3A_370 = arith.constant 0 : i32
      %dma_wait3A_371 = tpu.memref_slice %arg13[%dma_wait3A_369, %dma_wait3A_370] : memref<10128x128xf32, #tpu.memory_space<vmem_shared>> -> memref<10128x128xf32, #tpu.memory_space<vmem_shared>>
      tpu.wait_indirect_dma semaphore(%arg12 : memref<!tpu.dma_semaphore, #tpu.memory_space<semaphore_mem>>) src(%arg10 : memref<128x128xf32, #tpu.memory_space<vmem>>) dst(%dma_wait3A_371 : memref<10128x128xf32, #tpu.memory_space<vmem_shared>>)
      %add3A_372 = arith.constant 12 : i32
      %add3A_373 = arith.addi %mul3A_23, %add3A_372 : i32
      %dma_start3A_374 = arith.constant 0 : i32
      %dma_start3A_375 = tpu.memref_slice %arg8[%add3A_373, %dma_start3A_374] : memref<40x128xi32, #tpu.memory_space<vmem>> -> memref<1x128xi32, #tpu.memory_space<vmem>>
      %dma_start3A_376 = tpu.memref_squeeze %dma_start3A_375 : memref<1x128xi32, #tpu.memory_space<vmem>> -> memref<128xi32, #tpu.memory_space<vmem>>
      %dma_start3A_377 = arith.constant 0 : i32
      %dma_start3A_378 = arith.constant 0 : i32
      %dma_start3A_379 = tpu.memref_slice %arg13[%dma_start3A_377, %dma_start3A_378] : memref<10128x128xf32, #tpu.memory_space<vmem_shared>> -> memref<10128x128xf32, #tpu.memory_space<vmem_shared>>
      tpu.enqueue_indirect_dma source(%arg9 : memref<128x128xf32, #tpu.memory_space<vmem>>) target(%dma_start3A_379 : memref<10128x128xf32, #tpu.memory_space<vmem_shared>>) offsets(%dma_start3A_376 : memref<128xi32, #tpu.memory_space<vmem>>) semaphore(%arg12 : memref<!tpu.dma_semaphore, #tpu.memory_space<semaphore_mem>>) {add = true}
      %add3A_380 = arith.constant 13 : i32
      %add3A_381 = arith.addi %mul3A_23, %add3A_380 : i32
      %dma_start3A_382 = arith.constant 0 : i32
      %dma_start3A_383 = tpu.memref_slice %arg7[%add3A_381, %dma_start3A_382] : memref<40x128xi32, #tpu.memory_space<vmem>> -> memref<1x128xi32, #tpu.memory_space<vmem>>
      %dma_start3A_384 = tpu.memref_squeeze %dma_start3A_383 : memref<1x128xi32, #tpu.memory_space<vmem>> -> memref<128xi32, #tpu.memory_space<vmem>>
      %dma_start3A_385 = arith.constant 0 : i32
      %dma_start3A_386 = arith.constant 0 : i32
      %dma_start3A_387 = tpu.memref_slice %arg2[%dma_start3A_385, %dma_start3A_386] : memref<10128x128xf32, #tpu.memory_space<hbm>> -> memref<10128x128xf32, #tpu.memory_space<hbm>>
      tpu.enqueue_indirect_dma source(%dma_start3A_387 : memref<10128x128xf32, #tpu.memory_space<hbm>>) target(%arg10 : memref<128x128xf32, #tpu.memory_space<vmem>>) offsets(%dma_start3A_384 : memref<128xi32, #tpu.memory_space<vmem>>) semaphore(%arg11 : memref<!tpu.dma_semaphore, #tpu.memory_space<semaphore_mem>>)
      %dma_wait3A_388 = arith.constant 0 : i32
      %dma_wait3A_389 = tpu.memref_slice %arg7[%add3A_381, %dma_wait3A_388] : memref<40x128xi32, #tpu.memory_space<vmem>> -> memref<1x128xi32, #tpu.memory_space<vmem>>
      %dma_wait3A_390 = tpu.memref_squeeze %dma_wait3A_389 : memref<1x128xi32, #tpu.memory_space<vmem>> -> memref<128xi32, #tpu.memory_space<vmem>>
      %dma_wait3A_391 = arith.constant 0 : i32
      %dma_wait3A_392 = arith.constant 0 : i32
      %dma_wait3A_393 = tpu.memref_slice %arg2[%dma_wait3A_391, %dma_wait3A_392] : memref<10128x128xf32, #tpu.memory_space<hbm>> -> memref<10128x128xf32, #tpu.memory_space<hbm>>
      tpu.wait_indirect_dma semaphore(%arg11 : memref<!tpu.dma_semaphore, #tpu.memory_space<semaphore_mem>>) src(%dma_wait3A_393 : memref<10128x128xf32, #tpu.memory_space<hbm>>) dst(%arg10 : memref<128x128xf32, #tpu.memory_space<vmem>>)
      %dma_wait3A_394 = arith.constant 0 : i32
      %dma_wait3A_395 = tpu.memref_slice %arg8[%add3A_373, %dma_wait3A_394] : memref<40x128xi32, #tpu.memory_space<vmem>> -> memref<1x128xi32, #tpu.memory_space<vmem>>
      %dma_wait3A_396 = tpu.memref_squeeze %dma_wait3A_395 : memref<1x128xi32, #tpu.memory_space<vmem>> -> memref<128xi32, #tpu.memory_space<vmem>>
      %dma_wait3A_397 = arith.constant 0 : i32
      %dma_wait3A_398 = arith.constant 0 : i32
      %dma_wait3A_399 = tpu.memref_slice %arg13[%dma_wait3A_397, %dma_wait3A_398] : memref<10128x128xf32, #tpu.memory_space<vmem_shared>> -> memref<10128x128xf32, #tpu.memory_space<vmem_shared>>
      tpu.wait_indirect_dma semaphore(%arg12 : memref<!tpu.dma_semaphore, #tpu.memory_space<semaphore_mem>>) src(%arg9 : memref<128x128xf32, #tpu.memory_space<vmem>>) dst(%dma_wait3A_399 : memref<10128x128xf32, #tpu.memory_space<vmem_shared>>)
      %add3A_400 = arith.constant 13 : i32
      %add3A_401 = arith.addi %mul3A_23, %add3A_400 : i32
      %dma_start3A_402 = arith.constant 0 : i32
      %dma_start3A_403 = tpu.memref_slice %arg8[%add3A_401, %dma_start3A_402] : memref<40x128xi32, #tpu.memory_space<vmem>> -> memref<1x128xi32, #tpu.memory_space<vmem>>
      %dma_start3A_404 = tpu.memref_squeeze %dma_start3A_403 : memref<1x128xi32, #tpu.memory_space<vmem>> -> memref<128xi32, #tpu.memory_space<vmem>>
      %dma_start3A_405 = arith.constant 0 : i32
      %dma_start3A_406 = arith.constant 0 : i32
      %dma_start3A_407 = tpu.memref_slice %arg13[%dma_start3A_405, %dma_start3A_406] : memref<10128x128xf32, #tpu.memory_space<vmem_shared>> -> memref<10128x128xf32, #tpu.memory_space<vmem_shared>>
      tpu.enqueue_indirect_dma source(%arg10 : memref<128x128xf32, #tpu.memory_space<vmem>>) target(%dma_start3A_407 : memref<10128x128xf32, #tpu.memory_space<vmem_shared>>) offsets(%dma_start3A_404 : memref<128xi32, #tpu.memory_space<vmem>>) semaphore(%arg12 : memref<!tpu.dma_semaphore, #tpu.memory_space<semaphore_mem>>) {add = true}
      %add3A_408 = arith.constant 14 : i32
      %add3A_409 = arith.addi %mul3A_23, %add3A_408 : i32
      %dma_start3A_410 = arith.constant 0 : i32
      %dma_start3A_411 = tpu.memref_slice %arg7[%add3A_409, %dma_start3A_410] : memref<40x128xi32, #tpu.memory_space<vmem>> -> memref<1x128xi32, #tpu.memory_space<vmem>>
      %dma_start3A_412 = tpu.memref_squeeze %dma_start3A_411 : memref<1x128xi32, #tpu.memory_space<vmem>> -> memref<128xi32, #tpu.memory_space<vmem>>
      %dma_start3A_413 = arith.constant 0 : i32
      %dma_start3A_414 = arith.constant 0 : i32
      %dma_start3A_415 = tpu.memref_slice %arg2[%dma_start3A_413, %dma_start3A_414] : memref<10128x128xf32, #tpu.memory_space<hbm>> -> memref<10128x128xf32, #tpu.memory_space<hbm>>
      tpu.enqueue_indirect_dma source(%dma_start3A_415 : memref<10128x128xf32, #tpu.memory_space<hbm>>) target(%arg9 : memref<128x128xf32, #tpu.memory_space<vmem>>) offsets(%dma_start3A_412 : memref<128xi32, #tpu.memory_space<vmem>>) semaphore(%arg11 : memref<!tpu.dma_semaphore, #tpu.memory_space<semaphore_mem>>)
      %dma_wait3A_416 = arith.constant 0 : i32
      %dma_wait3A_417 = tpu.memref_slice %arg7[%add3A_409, %dma_wait3A_416] : memref<40x128xi32, #tpu.memory_space<vmem>> -> memref<1x128xi32, #tpu.memory_space<vmem>>
      %dma_wait3A_418 = tpu.memref_squeeze %dma_wait3A_417 : memref<1x128xi32, #tpu.memory_space<vmem>> -> memref<128xi32, #tpu.memory_space<vmem>>
      %dma_wait3A_419 = arith.constant 0 : i32
      %dma_wait3A_420 = arith.constant 0 : i32
      %dma_wait3A_421 = tpu.memref_slice %arg2[%dma_wait3A_419, %dma_wait3A_420] : memref<10128x128xf32, #tpu.memory_space<hbm>> -> memref<10128x128xf32, #tpu.memory_space<hbm>>
      tpu.wait_indirect_dma semaphore(%arg11 : memref<!tpu.dma_semaphore, #tpu.memory_space<semaphore_mem>>) src(%dma_wait3A_421 : memref<10128x128xf32, #tpu.memory_space<hbm>>) dst(%arg9 : memref<128x128xf32, #tpu.memory_space<vmem>>)
      %dma_wait3A_422 = arith.constant 0 : i32
      %dma_wait3A_423 = tpu.memref_slice %arg8[%add3A_401, %dma_wait3A_422] : memref<40x128xi32, #tpu.memory_space<vmem>> -> memref<1x128xi32, #tpu.memory_space<vmem>>
      %dma_wait3A_424 = tpu.memref_squeeze %dma_wait3A_423 : memref<1x128xi32, #tpu.memory_space<vmem>> -> memref<128xi32, #tpu.memory_space<vmem>>
      %dma_wait3A_425 = arith.constant 0 : i32
      %dma_wait3A_426 = arith.constant 0 : i32
      %dma_wait3A_427 = tpu.memref_slice %arg13[%dma_wait3A_425, %dma_wait3A_426] : memref<10128x128xf32, #tpu.memory_space<vmem_shared>> -> memref<10128x128xf32, #tpu.memory_space<vmem_shared>>
      tpu.wait_indirect_dma semaphore(%arg12 : memref<!tpu.dma_semaphore, #tpu.memory_space<semaphore_mem>>) src(%arg10 : memref<128x128xf32, #tpu.memory_space<vmem>>) dst(%dma_wait3A_427 : memref<10128x128xf32, #tpu.memory_space<vmem_shared>>)
      %add3A_428 = arith.constant 14 : i32
      %add3A_429 = arith.addi %mul3A_23, %add3A_428 : i32
      %dma_start3A_430 = arith.constant 0 : i32
      %dma_start3A_431 = tpu.memref_slice %arg8[%add3A_429, %dma_start3A_430] : memref<40x128xi32, #tpu.memory_space<vmem>> -> memref<1x128xi32, #tpu.memory_space<vmem>>
      %dma_start3A_432 = tpu.memref_squeeze %dma_start3A_431 : memref<1x128xi32, #tpu.memory_space<vmem>> -> memref<128xi32, #tpu.memory_space<vmem>>
      %dma_start3A_433 = arith.constant 0 : i32
      %dma_start3A_434 = arith.constant 0 : i32
      %dma_start3A_435 = tpu.memref_slice %arg13[%dma_start3A_433, %dma_start3A_434] : memref<10128x128xf32, #tpu.memory_space<vmem_shared>> -> memref<10128x128xf32, #tpu.memory_space<vmem_shared>>
      tpu.enqueue_indirect_dma source(%arg9 : memref<128x128xf32, #tpu.memory_space<vmem>>) target(%dma_start3A_435 : memref<10128x128xf32, #tpu.memory_space<vmem_shared>>) offsets(%dma_start3A_432 : memref<128xi32, #tpu.memory_space<vmem>>) semaphore(%arg12 : memref<!tpu.dma_semaphore, #tpu.memory_space<semaphore_mem>>) {add = true}
      %add3A_436 = arith.constant 15 : i32
      %add3A_437 = arith.addi %mul3A_23, %add3A_436 : i32
      %dma_start3A_438 = arith.constant 0 : i32
      %dma_start3A_439 = tpu.memref_slice %arg7[%add3A_437, %dma_start3A_438] : memref<40x128xi32, #tpu.memory_space<vmem>> -> memref<1x128xi32, #tpu.memory_space<vmem>>
      %dma_start3A_440 = tpu.memref_squeeze %dma_start3A_439 : memref<1x128xi32, #tpu.memory_space<vmem>> -> memref<128xi32, #tpu.memory_space<vmem>>
      %dma_start3A_441 = arith.constant 0 : i32
      %dma_start3A_442 = arith.constant 0 : i32
      %dma_start3A_443 = tpu.memref_slice %arg2[%dma_start3A_441, %dma_start3A_442] : memref<10128x128xf32, #tpu.memory_space<hbm>> -> memref<10128x128xf32, #tpu.memory_space<hbm>>
      tpu.enqueue_indirect_dma source(%dma_start3A_443 : memref<10128x128xf32, #tpu.memory_space<hbm>>) target(%arg10 : memref<128x128xf32, #tpu.memory_space<vmem>>) offsets(%dma_start3A_440 : memref<128xi32, #tpu.memory_space<vmem>>) semaphore(%arg11 : memref<!tpu.dma_semaphore, #tpu.memory_space<semaphore_mem>>)
      %dma_wait3A_444 = arith.constant 0 : i32
      %dma_wait3A_445 = tpu.memref_slice %arg7[%add3A_437, %dma_wait3A_444] : memref<40x128xi32, #tpu.memory_space<vmem>> -> memref<1x128xi32, #tpu.memory_space<vmem>>
      %dma_wait3A_446 = tpu.memref_squeeze %dma_wait3A_445 : memref<1x128xi32, #tpu.memory_space<vmem>> -> memref<128xi32, #tpu.memory_space<vmem>>
      %dma_wait3A_447 = arith.constant 0 : i32
      %dma_wait3A_448 = arith.constant 0 : i32
      %dma_wait3A_449 = tpu.memref_slice %arg2[%dma_wait3A_447, %dma_wait3A_448] : memref<10128x128xf32, #tpu.memory_space<hbm>> -> memref<10128x128xf32, #tpu.memory_space<hbm>>
      tpu.wait_indirect_dma semaphore(%arg11 : memref<!tpu.dma_semaphore, #tpu.memory_space<semaphore_mem>>) src(%dma_wait3A_449 : memref<10128x128xf32, #tpu.memory_space<hbm>>) dst(%arg10 : memref<128x128xf32, #tpu.memory_space<vmem>>)
      %dma_wait3A_450 = arith.constant 0 : i32
      %dma_wait3A_451 = tpu.memref_slice %arg8[%add3A_429, %dma_wait3A_450] : memref<40x128xi32, #tpu.memory_space<vmem>> -> memref<1x128xi32, #tpu.memory_space<vmem>>
      %dma_wait3A_452 = tpu.memref_squeeze %dma_wait3A_451 : memref<1x128xi32, #tpu.memory_space<vmem>> -> memref<128xi32, #tpu.memory_space<vmem>>
      %dma_wait3A_453 = arith.constant 0 : i32
      %dma_wait3A_454 = arith.constant 0 : i32
      %dma_wait3A_455 = tpu.memref_slice %arg13[%dma_wait3A_453, %dma_wait3A_454] : memref<10128x128xf32, #tpu.memory_space<vmem_shared>> -> memref<10128x128xf32, #tpu.memory_space<vmem_shared>>
      tpu.wait_indirect_dma semaphore(%arg12 : memref<!tpu.dma_semaphore, #tpu.memory_space<semaphore_mem>>) src(%arg9 : memref<128x128xf32, #tpu.memory_space<vmem>>) dst(%dma_wait3A_455 : memref<10128x128xf32, #tpu.memory_space<vmem_shared>>)
      %add3A_456 = arith.constant 15 : i32
      %add3A_457 = arith.addi %mul3A_23, %add3A_456 : i32
      %dma_start3A_458 = arith.constant 0 : i32
      %dma_start3A_459 = tpu.memref_slice %arg8[%add3A_457, %dma_start3A_458] : memref<40x128xi32, #tpu.memory_space<vmem>> -> memref<1x128xi32, #tpu.memory_space<vmem>>
      %dma_start3A_460 = tpu.memref_squeeze %dma_start3A_459 : memref<1x128xi32, #tpu.memory_space<vmem>> -> memref<128xi32, #tpu.memory_space<vmem>>
      %dma_start3A_461 = arith.constant 0 : i32
      %dma_start3A_462 = arith.constant 0 : i32
      %dma_start3A_463 = tpu.memref_slice %arg13[%dma_start3A_461, %dma_start3A_462] : memref<10128x128xf32, #tpu.memory_space<vmem_shared>> -> memref<10128x128xf32, #tpu.memory_space<vmem_shared>>
      tpu.enqueue_indirect_dma source(%arg10 : memref<128x128xf32, #tpu.memory_space<vmem>>) target(%dma_start3A_463 : memref<10128x128xf32, #tpu.memory_space<vmem_shared>>) offsets(%dma_start3A_460 : memref<128xi32, #tpu.memory_space<vmem>>) semaphore(%arg12 : memref<!tpu.dma_semaphore, #tpu.memory_space<semaphore_mem>>) {add = true}
      %add3A_464 = arith.constant 16 : i32
      %add3A_465 = arith.addi %mul3A_23, %add3A_464 : i32
      %dma_start3A_466 = arith.constant 0 : i32
      %dma_start3A_467 = tpu.memref_slice %arg7[%add3A_465, %dma_start3A_466] : memref<40x128xi32, #tpu.memory_space<vmem>> -> memref<1x128xi32, #tpu.memory_space<vmem>>
      %dma_start3A_468 = tpu.memref_squeeze %dma_start3A_467 : memref<1x128xi32, #tpu.memory_space<vmem>> -> memref<128xi32, #tpu.memory_space<vmem>>
      %dma_start3A_469 = arith.constant 0 : i32
      %dma_start3A_470 = arith.constant 0 : i32
      %dma_start3A_471 = tpu.memref_slice %arg2[%dma_start3A_469, %dma_start3A_470] : memref<10128x128xf32, #tpu.memory_space<hbm>> -> memref<10128x128xf32, #tpu.memory_space<hbm>>
      tpu.enqueue_indirect_dma source(%dma_start3A_471 : memref<10128x128xf32, #tpu.memory_space<hbm>>) target(%arg9 : memref<128x128xf32, #tpu.memory_space<vmem>>) offsets(%dma_start3A_468 : memref<128xi32, #tpu.memory_space<vmem>>) semaphore(%arg11 : memref<!tpu.dma_semaphore, #tpu.memory_space<semaphore_mem>>)
      %dma_wait3A_472 = arith.constant 0 : i32
      %dma_wait3A_473 = tpu.memref_slice %arg7[%add3A_465, %dma_wait3A_472] : memref<40x128xi32, #tpu.memory_space<vmem>> -> memref<1x128xi32, #tpu.memory_space<vmem>>
      %dma_wait3A_474 = tpu.memref_squeeze %dma_wait3A_473 : memref<1x128xi32, #tpu.memory_space<vmem>> -> memref<128xi32, #tpu.memory_space<vmem>>
      %dma_wait3A_475 = arith.constant 0 : i32
      %dma_wait3A_476 = arith.constant 0 : i32
      %dma_wait3A_477 = tpu.memref_slice %arg2[%dma_wait3A_475, %dma_wait3A_476] : memref<10128x128xf32, #tpu.memory_space<hbm>> -> memref<10128x128xf32, #tpu.memory_space<hbm>>
      tpu.wait_indirect_dma semaphore(%arg11 : memref<!tpu.dma_semaphore, #tpu.memory_space<semaphore_mem>>) src(%dma_wait3A_477 : memref<10128x128xf32, #tpu.memory_space<hbm>>) dst(%arg9 : memref<128x128xf32, #tpu.memory_space<vmem>>)
      %dma_wait3A_478 = arith.constant 0 : i32
      %dma_wait3A_479 = tpu.memref_slice %arg8[%add3A_457, %dma_wait3A_478] : memref<40x128xi32, #tpu.memory_space<vmem>> -> memref<1x128xi32, #tpu.memory_space<vmem>>
      %dma_wait3A_480 = tpu.memref_squeeze %dma_wait3A_479 : memref<1x128xi32, #tpu.memory_space<vmem>> -> memref<128xi32, #tpu.memory_space<vmem>>
      %dma_wait3A_481 = arith.constant 0 : i32
      %dma_wait3A_482 = arith.constant 0 : i32
      %dma_wait3A_483 = tpu.memref_slice %arg13[%dma_wait3A_481, %dma_wait3A_482] : memref<10128x128xf32, #tpu.memory_space<vmem_shared>> -> memref<10128x128xf32, #tpu.memory_space<vmem_shared>>
      tpu.wait_indirect_dma semaphore(%arg12 : memref<!tpu.dma_semaphore, #tpu.memory_space<semaphore_mem>>) src(%arg10 : memref<128x128xf32, #tpu.memory_space<vmem>>) dst(%dma_wait3A_483 : memref<10128x128xf32, #tpu.memory_space<vmem_shared>>)
      %add3A_484 = arith.constant 16 : i32
      %add3A_485 = arith.addi %mul3A_23, %add3A_484 : i32
      %dma_start3A_486 = arith.constant 0 : i32
      %dma_start3A_487 = tpu.memref_slice %arg8[%add3A_485, %dma_start3A_486] : memref<40x128xi32, #tpu.memory_space<vmem>> -> memref<1x128xi32, #tpu.memory_space<vmem>>
      %dma_start3A_488 = tpu.memref_squeeze %dma_start3A_487 : memref<1x128xi32, #tpu.memory_space<vmem>> -> memref<128xi32, #tpu.memory_space<vmem>>
      %dma_start3A_489 = arith.constant 0 : i32
      %dma_start3A_490 = arith.constant 0 : i32
      %dma_start3A_491 = tpu.memref_slice %arg13[%dma_start3A_489, %dma_start3A_490] : memref<10128x128xf32, #tpu.memory_space<vmem_shared>> -> memref<10128x128xf32, #tpu.memory_space<vmem_shared>>
      tpu.enqueue_indirect_dma source(%arg9 : memref<128x128xf32, #tpu.memory_space<vmem>>) target(%dma_start3A_491 : memref<10128x128xf32, #tpu.memory_space<vmem_shared>>) offsets(%dma_start3A_488 : memref<128xi32, #tpu.memory_space<vmem>>) semaphore(%arg12 : memref<!tpu.dma_semaphore, #tpu.memory_space<semaphore_mem>>) {add = true}
      %add3A_492 = arith.constant 17 : i32
      %add3A_493 = arith.addi %mul3A_23, %add3A_492 : i32
      %dma_start3A_494 = arith.constant 0 : i32
      %dma_start3A_495 = tpu.memref_slice %arg7[%add3A_493, %dma_start3A_494] : memref<40x128xi32, #tpu.memory_space<vmem>> -> memref<1x128xi32, #tpu.memory_space<vmem>>
      %dma_start3A_496 = tpu.memref_squeeze %dma_start3A_495 : memref<1x128xi32, #tpu.memory_space<vmem>> -> memref<128xi32, #tpu.memory_space<vmem>>
      %dma_start3A_497 = arith.constant 0 : i32
      %dma_start3A_498 = arith.constant 0 : i32
      %dma_start3A_499 = tpu.memref_slice %arg2[%dma_start3A_497, %dma_start3A_498] : memref<10128x128xf32, #tpu.memory_space<hbm>> -> memref<10128x128xf32, #tpu.memory_space<hbm>>
      tpu.enqueue_indirect_dma source(%dma_start3A_499 : memref<10128x128xf32, #tpu.memory_space<hbm>>) target(%arg10 : memref<128x128xf32, #tpu.memory_space<vmem>>) offsets(%dma_start3A_496 : memref<128xi32, #tpu.memory_space<vmem>>) semaphore(%arg11 : memref<!tpu.dma_semaphore, #tpu.memory_space<semaphore_mem>>)
      %dma_wait3A_500 = arith.constant 0 : i32
      %dma_wait3A_501 = tpu.memref_slice %arg7[%add3A_493, %dma_wait3A_500] : memref<40x128xi32, #tpu.memory_space<vmem>> -> memref<1x128xi32, #tpu.memory_space<vmem>>
      %dma_wait3A_502 = tpu.memref_squeeze %dma_wait3A_501 : memref<1x128xi32, #tpu.memory_space<vmem>> -> memref<128xi32, #tpu.memory_space<vmem>>
      %dma_wait3A_503 = arith.constant 0 : i32
      %dma_wait3A_504 = arith.constant 0 : i32
      %dma_wait3A_505 = tpu.memref_slice %arg2[%dma_wait3A_503, %dma_wait3A_504] : memref<10128x128xf32, #tpu.memory_space<hbm>> -> memref<10128x128xf32, #tpu.memory_space<hbm>>
      tpu.wait_indirect_dma semaphore(%arg11 : memref<!tpu.dma_semaphore, #tpu.memory_space<semaphore_mem>>) src(%dma_wait3A_505 : memref<10128x128xf32, #tpu.memory_space<hbm>>) dst(%arg10 : memref<128x128xf32, #tpu.memory_space<vmem>>)
      %dma_wait3A_506 = arith.constant 0 : i32
      %dma_wait3A_507 = tpu.memref_slice %arg8[%add3A_485, %dma_wait3A_506] : memref<40x128xi32, #tpu.memory_space<vmem>> -> memref<1x128xi32, #tpu.memory_space<vmem>>
      %dma_wait3A_508 = tpu.memref_squeeze %dma_wait3A_507 : memref<1x128xi32, #tpu.memory_space<vmem>> -> memref<128xi32, #tpu.memory_space<vmem>>
      %dma_wait3A_509 = arith.constant 0 : i32
      %dma_wait3A_510 = arith.constant 0 : i32
      %dma_wait3A_511 = tpu.memref_slice %arg13[%dma_wait3A_509, %dma_wait3A_510] : memref<10128x128xf32, #tpu.memory_space<vmem_shared>> -> memref<10128x128xf32, #tpu.memory_space<vmem_shared>>
      tpu.wait_indirect_dma semaphore(%arg12 : memref<!tpu.dma_semaphore, #tpu.memory_space<semaphore_mem>>) src(%arg9 : memref<128x128xf32, #tpu.memory_space<vmem>>) dst(%dma_wait3A_511 : memref<10128x128xf32, #tpu.memory_space<vmem_shared>>)
      %add3A_512 = arith.constant 17 : i32
      %add3A_513 = arith.addi %mul3A_23, %add3A_512 : i32
      %dma_start3A_514 = arith.constant 0 : i32
      %dma_start3A_515 = tpu.memref_slice %arg8[%add3A_513, %dma_start3A_514] : memref<40x128xi32, #tpu.memory_space<vmem>> -> memref<1x128xi32, #tpu.memory_space<vmem>>
      %dma_start3A_516 = tpu.memref_squeeze %dma_start3A_515 : memref<1x128xi32, #tpu.memory_space<vmem>> -> memref<128xi32, #tpu.memory_space<vmem>>
      %dma_start3A_517 = arith.constant 0 : i32
      %dma_start3A_518 = arith.constant 0 : i32
      %dma_start3A_519 = tpu.memref_slice %arg13[%dma_start3A_517, %dma_start3A_518] : memref<10128x128xf32, #tpu.memory_space<vmem_shared>> -> memref<10128x128xf32, #tpu.memory_space<vmem_shared>>
      tpu.enqueue_indirect_dma source(%arg10 : memref<128x128xf32, #tpu.memory_space<vmem>>) target(%dma_start3A_519 : memref<10128x128xf32, #tpu.memory_space<vmem_shared>>) offsets(%dma_start3A_516 : memref<128xi32, #tpu.memory_space<vmem>>) semaphore(%arg12 : memref<!tpu.dma_semaphore, #tpu.memory_space<semaphore_mem>>) {add = true}
      %add3A_520 = arith.constant 18 : i32
      %add3A_521 = arith.addi %mul3A_23, %add3A_520 : i32
      %dma_start3A_522 = arith.constant 0 : i32
      %dma_start3A_523 = tpu.memref_slice %arg7[%add3A_521, %dma_start3A_522] : memref<40x128xi32, #tpu.memory_space<vmem>> -> memref<1x128xi32, #tpu.memory_space<vmem>>
      %dma_start3A_524 = tpu.memref_squeeze %dma_start3A_523 : memref<1x128xi32, #tpu.memory_space<vmem>> -> memref<128xi32, #tpu.memory_space<vmem>>
      %dma_start3A_525 = arith.constant 0 : i32
      %dma_start3A_526 = arith.constant 0 : i32
      %dma_start3A_527 = tpu.memref_slice %arg2[%dma_start3A_525, %dma_start3A_526] : memref<10128x128xf32, #tpu.memory_space<hbm>> -> memref<10128x128xf32, #tpu.memory_space<hbm>>
      tpu.enqueue_indirect_dma source(%dma_start3A_527 : memref<10128x128xf32, #tpu.memory_space<hbm>>) target(%arg9 : memref<128x128xf32, #tpu.memory_space<vmem>>) offsets(%dma_start3A_524 : memref<128xi32, #tpu.memory_space<vmem>>) semaphore(%arg11 : memref<!tpu.dma_semaphore, #tpu.memory_space<semaphore_mem>>)
      %dma_wait3A_528 = arith.constant 0 : i32
      %dma_wait3A_529 = tpu.memref_slice %arg7[%add3A_521, %dma_wait3A_528] : memref<40x128xi32, #tpu.memory_space<vmem>> -> memref<1x128xi32, #tpu.memory_space<vmem>>
      %dma_wait3A_530 = tpu.memref_squeeze %dma_wait3A_529 : memref<1x128xi32, #tpu.memory_space<vmem>> -> memref<128xi32, #tpu.memory_space<vmem>>
      %dma_wait3A_531 = arith.constant 0 : i32
      %dma_wait3A_532 = arith.constant 0 : i32
      %dma_wait3A_533 = tpu.memref_slice %arg2[%dma_wait3A_531, %dma_wait3A_532] : memref<10128x128xf32, #tpu.memory_space<hbm>> -> memref<10128x128xf32, #tpu.memory_space<hbm>>
      tpu.wait_indirect_dma semaphore(%arg11 : memref<!tpu.dma_semaphore, #tpu.memory_space<semaphore_mem>>) src(%dma_wait3A_533 : memref<10128x128xf32, #tpu.memory_space<hbm>>) dst(%arg9 : memref<128x128xf32, #tpu.memory_space<vmem>>)
      %dma_wait3A_534 = arith.constant 0 : i32
      %dma_wait3A_535 = tpu.memref_slice %arg8[%add3A_513, %dma_wait3A_534] : memref<40x128xi32, #tpu.memory_space<vmem>> -> memref<1x128xi32, #tpu.memory_space<vmem>>
      %dma_wait3A_536 = tpu.memref_squeeze %dma_wait3A_535 : memref<1x128xi32, #tpu.memory_space<vmem>> -> memref<128xi32, #tpu.memory_space<vmem>>
      %dma_wait3A_537 = arith.constant 0 : i32
      %dma_wait3A_538 = arith.constant 0 : i32
      %dma_wait3A_539 = tpu.memref_slice %arg13[%dma_wait3A_537, %dma_wait3A_538] : memref<10128x128xf32, #tpu.memory_space<vmem_shared>> -> memref<10128x128xf32, #tpu.memory_space<vmem_shared>>
      tpu.wait_indirect_dma semaphore(%arg12 : memref<!tpu.dma_semaphore, #tpu.memory_space<semaphore_mem>>) src(%arg10 : memref<128x128xf32, #tpu.memory_space<vmem>>) dst(%dma_wait3A_539 : memref<10128x128xf32, #tpu.memory_space<vmem_shared>>)
      %add3A_540 = arith.constant 18 : i32
      %add3A_541 = arith.addi %mul3A_23, %add3A_540 : i32
      %dma_start3A_542 = arith.constant 0 : i32
      %dma_start3A_543 = tpu.memref_slice %arg8[%add3A_541, %dma_start3A_542] : memref<40x128xi32, #tpu.memory_space<vmem>> -> memref<1x128xi32, #tpu.memory_space<vmem>>
      %dma_start3A_544 = tpu.memref_squeeze %dma_start3A_543 : memref<1x128xi32, #tpu.memory_space<vmem>> -> memref<128xi32, #tpu.memory_space<vmem>>
      %dma_start3A_545 = arith.constant 0 : i32
      %dma_start3A_546 = arith.constant 0 : i32
      %dma_start3A_547 = tpu.memref_slice %arg13[%dma_start3A_545, %dma_start3A_546] : memref<10128x128xf32, #tpu.memory_space<vmem_shared>> -> memref<10128x128xf32, #tpu.memory_space<vmem_shared>>
      tpu.enqueue_indirect_dma source(%arg9 : memref<128x128xf32, #tpu.memory_space<vmem>>) target(%dma_start3A_547 : memref<10128x128xf32, #tpu.memory_space<vmem_shared>>) offsets(%dma_start3A_544 : memref<128xi32, #tpu.memory_space<vmem>>) semaphore(%arg12 : memref<!tpu.dma_semaphore, #tpu.memory_space<semaphore_mem>>) {add = true}
      %add3A_548 = arith.constant 19 : i32
      %add3A_549 = arith.addi %mul3A_23, %add3A_548 : i32
      %dma_start3A_550 = arith.constant 0 : i32
      %dma_start3A_551 = tpu.memref_slice %arg7[%add3A_549, %dma_start3A_550] : memref<40x128xi32, #tpu.memory_space<vmem>> -> memref<1x128xi32, #tpu.memory_space<vmem>>
      %dma_start3A_552 = tpu.memref_squeeze %dma_start3A_551 : memref<1x128xi32, #tpu.memory_space<vmem>> -> memref<128xi32, #tpu.memory_space<vmem>>
      %dma_start3A_553 = arith.constant 0 : i32
      %dma_start3A_554 = arith.constant 0 : i32
      %dma_start3A_555 = tpu.memref_slice %arg2[%dma_start3A_553, %dma_start3A_554] : memref<10128x128xf32, #tpu.memory_space<hbm>> -> memref<10128x128xf32, #tpu.memory_space<hbm>>
      tpu.enqueue_indirect_dma source(%dma_start3A_555 : memref<10128x128xf32, #tpu.memory_space<hbm>>) target(%arg10 : memref<128x128xf32, #tpu.memory_space<vmem>>) offsets(%dma_start3A_552 : memref<128xi32, #tpu.memory_space<vmem>>) semaphore(%arg11 : memref<!tpu.dma_semaphore, #tpu.memory_space<semaphore_mem>>)
      %dma_wait3A_556 = arith.constant 0 : i32
      %dma_wait3A_557 = tpu.memref_slice %arg7[%add3A_549, %dma_wait3A_556] : memref<40x128xi32, #tpu.memory_space<vmem>> -> memref<1x128xi32, #tpu.memory_space<vmem>>
      %dma_wait3A_558 = tpu.memref_squeeze %dma_wait3A_557 : memref<1x128xi32, #tpu.memory_space<vmem>> -> memref<128xi32, #tpu.memory_space<vmem>>
      %dma_wait3A_559 = arith.constant 0 : i32
      %dma_wait3A_560 = arith.constant 0 : i32
      %dma_wait3A_561 = tpu.memref_slice %arg2[%dma_wait3A_559, %dma_wait3A_560] : memref<10128x128xf32, #tpu.memory_space<hbm>> -> memref<10128x128xf32, #tpu.memory_space<hbm>>
      tpu.wait_indirect_dma semaphore(%arg11 : memref<!tpu.dma_semaphore, #tpu.memory_space<semaphore_mem>>) src(%dma_wait3A_561 : memref<10128x128xf32, #tpu.memory_space<hbm>>) dst(%arg10 : memref<128x128xf32, #tpu.memory_space<vmem>>)
      %dma_wait3A_562 = arith.constant 0 : i32
      %dma_wait3A_563 = tpu.memref_slice %arg8[%add3A_541, %dma_wait3A_562] : memref<40x128xi32, #tpu.memory_space<vmem>> -> memref<1x128xi32, #tpu.memory_space<vmem>>
      %dma_wait3A_564 = tpu.memref_squeeze %dma_wait3A_563 : memref<1x128xi32, #tpu.memory_space<vmem>> -> memref<128xi32, #tpu.memory_space<vmem>>
      %dma_wait3A_565 = arith.constant 0 : i32
      %dma_wait3A_566 = arith.constant 0 : i32
      %dma_wait3A_567 = tpu.memref_slice %arg13[%dma_wait3A_565, %dma_wait3A_566] : memref<10128x128xf32, #tpu.memory_space<vmem_shared>> -> memref<10128x128xf32, #tpu.memory_space<vmem_shared>>
      tpu.wait_indirect_dma semaphore(%arg12 : memref<!tpu.dma_semaphore, #tpu.memory_space<semaphore_mem>>) src(%arg9 : memref<128x128xf32, #tpu.memory_space<vmem>>) dst(%dma_wait3A_567 : memref<10128x128xf32, #tpu.memory_space<vmem_shared>>)
      %add3A_568 = arith.constant 19 : i32
      %add3A_569 = arith.addi %mul3A_23, %add3A_568 : i32
      %dma_start3A_570 = arith.constant 0 : i32
      %dma_start3A_571 = tpu.memref_slice %arg8[%add3A_569, %dma_start3A_570] : memref<40x128xi32, #tpu.memory_space<vmem>> -> memref<1x128xi32, #tpu.memory_space<vmem>>
      %dma_start3A_572 = tpu.memref_squeeze %dma_start3A_571 : memref<1x128xi32, #tpu.memory_space<vmem>> -> memref<128xi32, #tpu.memory_space<vmem>>
      %dma_start3A_573 = arith.constant 0 : i32
      %dma_start3A_574 = arith.constant 0 : i32
      %dma_start3A_575 = tpu.memref_slice %arg13[%dma_start3A_573, %dma_start3A_574] : memref<10128x128xf32, #tpu.memory_space<vmem_shared>> -> memref<10128x128xf32, #tpu.memory_space<vmem_shared>>
      tpu.enqueue_indirect_dma source(%arg10 : memref<128x128xf32, #tpu.memory_space<vmem>>) target(%dma_start3A_575 : memref<10128x128xf32, #tpu.memory_space<vmem_shared>>) offsets(%dma_start3A_572 : memref<128xi32, #tpu.memory_space<vmem>>) semaphore(%arg12 : memref<!tpu.dma_semaphore, #tpu.memory_space<semaphore_mem>>) {add = true}
      %dma_wait3A_576 = arith.constant 0 : i32
      %dma_wait3A_577 = tpu.memref_slice %arg8[%add3A_569, %dma_wait3A_576] : memref<40x128xi32, #tpu.memory_space<vmem>> -> memref<1x128xi32, #tpu.memory_space<vmem>>
      %dma_wait3A_578 = tpu.memref_squeeze %dma_wait3A_577 : memref<1x128xi32, #tpu.memory_space<vmem>> -> memref<128xi32, #tpu.memory_space<vmem>>
      %dma_wait3A_579 = arith.constant 0 : i32
      %dma_wait3A_580 = arith.constant 0 : i32
      %dma_wait3A_581 = tpu.memref_slice %arg13[%dma_wait3A_579, %dma_wait3A_580] : memref<10128x128xf32, #tpu.memory_space<vmem_shared>> -> memref<10128x128xf32, #tpu.memory_space<vmem_shared>>
      tpu.wait_indirect_dma semaphore(%arg12 : memref<!tpu.dma_semaphore, #tpu.memory_space<semaphore_mem>>) src(%arg10 : memref<128x128xf32, #tpu.memory_space<vmem>>) dst(%dma_wait3A_581 : memref<10128x128xf32, #tpu.memory_space<vmem_shared>>)
    }
    %scan3A_13 = arith.constant 2 : i32
    "tpu.region"() ({
      %run_scoped3A = tpu.sem_alloc : memref<!tpu.dma_semaphore, #tpu.memory_space<semaphore_mem>>
      %dma_start3A = arith.constant 40 : i32
      %dma_start3A_21 = arith.constant 0 : i32
      %dma_start3A_22 = tpu.memref_slice %arg3[%add3A, %dma_start3A, %dma_start3A_21] : memref<32x80x128xi32, #tpu.memory_space<hbm>> -> memref<1x40x128xi32, #tpu.memory_space<hbm>>
      %dma_start3A_23 = tpu.memref_squeeze %dma_start3A_22 : memref<1x40x128xi32, #tpu.memory_space<hbm>> -> memref<40x128xi32, #tpu.memory_space<hbm>>
      %dma_start3A_24 = arith.constant 40 : i32
      %dma_start3A_25 = arith.constant 0 : i32
      %dma_start3A_26 = tpu.memref_slice %arg3[%add3A, %dma_start3A_24, %dma_start3A_25] : memref<32x80x128xi32, #tpu.memory_space<hbm>> -> memref<1x40x128xi32, #tpu.memory_space<hbm>>
      %dma_start3A_27 = tpu.memref_squeeze %dma_start3A_26 : memref<1x40x128xi32, #tpu.memory_space<hbm>> -> memref<40x128xi32, #tpu.memory_space<hbm>>
      tpu.enqueue_dma source(%dma_start3A_27 : memref<40x128xi32, #tpu.memory_space<hbm>>) target(%arg7 : memref<40x128xi32, #tpu.memory_space<vmem>>) target_semaphore(%run_scoped3A : memref<!tpu.dma_semaphore, #tpu.memory_space<semaphore_mem>>)
      %dma_wait3A = arith.constant 40 : i32
      %dma_wait3A_28 = arith.constant 0 : i32
      %dma_wait3A_29 = tpu.memref_slice %arg3[%add3A, %dma_wait3A, %dma_wait3A_28] : memref<32x80x128xi32, #tpu.memory_space<hbm>> -> memref<1x40x128xi32, #tpu.memory_space<hbm>>
      %dma_wait3A_30 = tpu.memref_squeeze %dma_wait3A_29 : memref<1x40x128xi32, #tpu.memory_space<hbm>> -> memref<40x128xi32, #tpu.memory_space<hbm>>
      %dma_wait3A_31 = arith.constant 40 : i32
      %dma_wait3A_32 = arith.constant 0 : i32
      %dma_wait3A_33 = tpu.memref_slice %arg3[%add3A, %dma_wait3A_31, %dma_wait3A_32] : memref<32x80x128xi32, #tpu.memory_space<hbm>> -> memref<1x40x128xi32, #tpu.memory_space<hbm>>
      %dma_wait3A_34 = tpu.memref_squeeze %dma_wait3A_33 : memref<1x40x128xi32, #tpu.memory_space<hbm>> -> memref<40x128xi32, #tpu.memory_space<hbm>>
      tpu.wait_dma2 semaphore(%run_scoped3A : memref<!tpu.dma_semaphore, #tpu.memory_space<semaphore_mem>>) src(%dma_wait3A_34 : memref<40x128xi32, #tpu.memory_space<hbm>>) dst(%arg7 : memref<40x128xi32, #tpu.memory_space<vmem>>)
      tpu.yield
    }) : () -> ()
    "tpu.region"() ({
      %run_scoped3A = tpu.sem_alloc : memref<!tpu.dma_semaphore, #tpu.memory_space<semaphore_mem>>
      %dma_start3A = arith.constant 40 : i32
      %dma_start3A_21 = arith.constant 0 : i32
      %dma_start3A_22 = tpu.memref_slice %arg4[%add3A, %dma_start3A, %dma_start3A_21] : memref<32x80x128xi32, #tpu.memory_space<hbm>> -> memref<1x40x128xi32, #tpu.memory_space<hbm>>
      %dma_start3A_23 = tpu.memref_squeeze %dma_start3A_22 : memref<1x40x128xi32, #tpu.memory_space<hbm>> -> memref<40x128xi32, #tpu.memory_space<hbm>>
      %dma_start3A_24 = arith.constant 40 : i32
      %dma_start3A_25 = arith.constant 0 : i32
      %dma_start3A_26 = tpu.memref_slice %arg4[%add3A, %dma_start3A_24, %dma_start3A_25] : memref<32x80x128xi32, #tpu.memory_space<hbm>> -> memref<1x40x128xi32, #tpu.memory_space<hbm>>
      %dma_start3A_27 = tpu.memref_squeeze %dma_start3A_26 : memref<1x40x128xi32, #tpu.memory_space<hbm>> -> memref<40x128xi32, #tpu.memory_space<hbm>>
      tpu.enqueue_dma source(%dma_start3A_27 : memref<40x128xi32, #tpu.memory_space<hbm>>) target(%arg8 : memref<40x128xi32, #tpu.memory_space<vmem>>) target_semaphore(%run_scoped3A : memref<!tpu.dma_semaphore, #tpu.memory_space<semaphore_mem>>)
      %dma_wait3A = arith.constant 40 : i32
      %dma_wait3A_28 = arith.constant 0 : i32
      %dma_wait3A_29 = tpu.memref_slice %arg4[%add3A, %dma_wait3A, %dma_wait3A_28] : memref<32x80x128xi32, #tpu.memory_space<hbm>> -> memref<1x40x128xi32, #tpu.memory_space<hbm>>
      %dma_wait3A_30 = tpu.memref_squeeze %dma_wait3A_29 : memref<1x40x128xi32, #tpu.memory_space<hbm>> -> memref<40x128xi32, #tpu.memory_space<hbm>>
      %dma_wait3A_31 = arith.constant 40 : i32
      %dma_wait3A_32 = arith.constant 0 : i32
      %dma_wait3A_33 = tpu.memref_slice %arg4[%add3A, %dma_wait3A_31, %dma_wait3A_32] : memref<32x80x128xi32, #tpu.memory_space<hbm>> -> memref<1x40x128xi32, #tpu.memory_space<hbm>>
      %dma_wait3A_34 = tpu.memref_squeeze %dma_wait3A_33 : memref<1x40x128xi32, #tpu.memory_space<hbm>> -> memref<40x128xi32, #tpu.memory_space<hbm>>
      tpu.wait_dma2 semaphore(%run_scoped3A : memref<!tpu.dma_semaphore, #tpu.memory_space<semaphore_mem>>) src(%dma_wait3A_34 : memref<40x128xi32, #tpu.memory_space<hbm>>) dst(%arg8 : memref<40x128xi32, #tpu.memory_space<vmem>>)
      tpu.yield
    }) : () -> ()
    %scan3A_14 = arith.constant 0 : i32
    %scan3A_15 = arith.constant 0 : i32
    %scan3A_16 = arith.constant 2 : i32
    %scan3A_17 = arith.addi %scan3A_15, %scan3A_16 : i32
    %scan3A_18 = arith.constant 1 : i32
    scf.for %scan3A_21 = %scan3A_15 to %scan3A_17 step %scan3A_18  : i32 {
      %mul3A_22 = arith.constant 20 : i32
      %mul3A_23 = arith.muli %scan3A_21, %mul3A_22 : i32
      %add3A_24 = arith.constant 0 : i32
      %add3A_25 = arith.addi %mul3A_23, %add3A_24 : i32
      %dma_start3A = arith.constant 0 : i32
      %dma_start3A_26 = tpu.memref_slice %arg7[%add3A_25, %dma_start3A] : memref<40x128xi32, #tpu.memory_space<vmem>> -> memref<1x128xi32, #tpu.memory_space<vmem>>
      %dma_start3A_27 = tpu.memref_squeeze %dma_start3A_26 : memref<1x128xi32, #tpu.memory_space<vmem>> -> memref<128xi32, #tpu.memory_space<vmem>>
      %dma_start3A_28 = arith.constant 0 : i32
      %dma_start3A_29 = arith.constant 0 : i32
      %dma_start3A_30 = tpu.memref_slice %arg2[%dma_start3A_28, %dma_start3A_29] : memref<10128x128xf32, #tpu.memory_space<hbm>> -> memref<10128x128xf32, #tpu.memory_space<hbm>>
      tpu.enqueue_indirect_dma source(%dma_start3A_30 : memref<10128x128xf32, #tpu.memory_space<hbm>>) target(%arg9 : memref<128x128xf32, #tpu.memory_space<vmem>>) offsets(%dma_start3A_27 : memref<128xi32, #tpu.memory_space<vmem>>) semaphore(%arg11 : memref<!tpu.dma_semaphore, #tpu.memory_space<semaphore_mem>>)
      %dma_wait3A = arith.constant 0 : i32
      %dma_wait3A_31 = tpu.memref_slice %arg7[%add3A_25, %dma_wait3A] : memref<40x128xi32, #tpu.memory_space<vmem>> -> memref<1x128xi32, #tpu.memory_space<vmem>>
      %dma_wait3A_32 = tpu.memref_squeeze %dma_wait3A_31 : memref<1x128xi32, #tpu.memory_space<vmem>> -> memref<128xi32, #tpu.memory_space<vmem>>
      %dma_wait3A_33 = arith.constant 0 : i32
      %dma_wait3A_34 = arith.constant 0 : i32
      %dma_wait3A_35 = tpu.memref_slice %arg2[%dma_wait3A_33, %dma_wait3A_34] : memref<10128x128xf32, #tpu.memory_space<hbm>> -> memref<10128x128xf32, #tpu.memory_space<hbm>>
      tpu.wait_indirect_dma semaphore(%arg11 : memref<!tpu.dma_semaphore, #tpu.memory_space<semaphore_mem>>) src(%dma_wait3A_35 : memref<10128x128xf32, #tpu.memory_space<hbm>>) dst(%arg9 : memref<128x128xf32, #tpu.memory_space<vmem>>)
      %add3A_36 = arith.constant 0 : i32
      %add3A_37 = arith.addi %mul3A_23, %add3A_36 : i32
      %dma_start3A_38 = arith.constant 0 : i32
      %dma_start3A_39 = tpu.memref_slice %arg8[%add3A_37, %dma_start3A_38] : memref<40x128xi32, #tpu.memory_space<vmem>> -> memref<1x128xi32, #tpu.memory_space<vmem>>
      %dma_start3A_40 = tpu.memref_squeeze %dma_start3A_39 : memref<1x128xi32, #tpu.memory_space<vmem>> -> memref<128xi32, #tpu.memory_space<vmem>>
      %dma_start3A_41 = arith.constant 0 : i32
      %dma_start3A_42 = arith.constant 0 : i32
      %dma_start3A_43 = tpu.memref_slice %arg13[%dma_start3A_41, %dma_start3A_42] : memref<10128x128xf32, #tpu.memory_space<vmem_shared>> -> memref<10128x128xf32, #tpu.memory_space<vmem_shared>>
      tpu.enqueue_indirect_dma source(%arg9 : memref<128x128xf32, #tpu.memory_space<vmem>>) target(%dma_start3A_43 : memref<10128x128xf32, #tpu.memory_space<vmem_shared>>) offsets(%dma_start3A_40 : memref<128xi32, #tpu.memory_space<vmem>>) semaphore(%arg12 : memref<!tpu.dma_semaphore, #tpu.memory_space<semaphore_mem>>) {add = true}
      %add3A_44 = arith.constant 1 : i32
      %add3A_45 = arith.addi %mul3A_23, %add3A_44 : i32
      %dma_start3A_46 = arith.constant 0 : i32
      %dma_start3A_47 = tpu.memref_slice %arg7[%add3A_45, %dma_start3A_46] : memref<40x128xi32, #tpu.memory_space<vmem>> -> memref<1x128xi32, #tpu.memory_space<vmem>>
      %dma_start3A_48 = tpu.memref_squeeze %dma_start3A_47 : memref<1x128xi32, #tpu.memory_space<vmem>> -> memref<128xi32, #tpu.memory_space<vmem>>
      %dma_start3A_49 = arith.constant 0 : i32
      %dma_start3A_50 = arith.constant 0 : i32
      %dma_start3A_51 = tpu.memref_slice %arg2[%dma_start3A_49, %dma_start3A_50] : memref<10128x128xf32, #tpu.memory_space<hbm>> -> memref<10128x128xf32, #tpu.memory_space<hbm>>
      tpu.enqueue_indirect_dma source(%dma_start3A_51 : memref<10128x128xf32, #tpu.memory_space<hbm>>) target(%arg10 : memref<128x128xf32, #tpu.memory_space<vmem>>) offsets(%dma_start3A_48 : memref<128xi32, #tpu.memory_space<vmem>>) semaphore(%arg11 : memref<!tpu.dma_semaphore, #tpu.memory_space<semaphore_mem>>)
      %dma_wait3A_52 = arith.constant 0 : i32
      %dma_wait3A_53 = tpu.memref_slice %arg7[%add3A_45, %dma_wait3A_52] : memref<40x128xi32, #tpu.memory_space<vmem>> -> memref<1x128xi32, #tpu.memory_space<vmem>>
      %dma_wait3A_54 = tpu.memref_squeeze %dma_wait3A_53 : memref<1x128xi32, #tpu.memory_space<vmem>> -> memref<128xi32, #tpu.memory_space<vmem>>
      %dma_wait3A_55 = arith.constant 0 : i32
      %dma_wait3A_56 = arith.constant 0 : i32
      %dma_wait3A_57 = tpu.memref_slice %arg2[%dma_wait3A_55, %dma_wait3A_56] : memref<10128x128xf32, #tpu.memory_space<hbm>> -> memref<10128x128xf32, #tpu.memory_space<hbm>>
      tpu.wait_indirect_dma semaphore(%arg11 : memref<!tpu.dma_semaphore, #tpu.memory_space<semaphore_mem>>) src(%dma_wait3A_57 : memref<10128x128xf32, #tpu.memory_space<hbm>>) dst(%arg10 : memref<128x128xf32, #tpu.memory_space<vmem>>)
      %dma_wait3A_58 = arith.constant 0 : i32
      %dma_wait3A_59 = tpu.memref_slice %arg8[%add3A_37, %dma_wait3A_58] : memref<40x128xi32, #tpu.memory_space<vmem>> -> memref<1x128xi32, #tpu.memory_space<vmem>>
      %dma_wait3A_60 = tpu.memref_squeeze %dma_wait3A_59 : memref<1x128xi32, #tpu.memory_space<vmem>> -> memref<128xi32, #tpu.memory_space<vmem>>
      %dma_wait3A_61 = arith.constant 0 : i32
      %dma_wait3A_62 = arith.constant 0 : i32
      %dma_wait3A_63 = tpu.memref_slice %arg13[%dma_wait3A_61, %dma_wait3A_62] : memref<10128x128xf32, #tpu.memory_space<vmem_shared>> -> memref<10128x128xf32, #tpu.memory_space<vmem_shared>>
      tpu.wait_indirect_dma semaphore(%arg12 : memref<!tpu.dma_semaphore, #tpu.memory_space<semaphore_mem>>) src(%arg9 : memref<128x128xf32, #tpu.memory_space<vmem>>) dst(%dma_wait3A_63 : memref<10128x128xf32, #tpu.memory_space<vmem_shared>>)
      %add3A_64 = arith.constant 1 : i32
      %add3A_65 = arith.addi %mul3A_23, %add3A_64 : i32
      %dma_start3A_66 = arith.constant 0 : i32
      %dma_start3A_67 = tpu.memref_slice %arg8[%add3A_65, %dma_start3A_66] : memref<40x128xi32, #tpu.memory_space<vmem>> -> memref<1x128xi32, #tpu.memory_space<vmem>>
      %dma_start3A_68 = tpu.memref_squeeze %dma_start3A_67 : memref<1x128xi32, #tpu.memory_space<vmem>> -> memref<128xi32, #tpu.memory_space<vmem>>
      %dma_start3A_69 = arith.constant 0 : i32
      %dma_start3A_70 = arith.constant 0 : i32
      %dma_start3A_71 = tpu.memref_slice %arg13[%dma_start3A_69, %dma_start3A_70] : memref<10128x128xf32, #tpu.memory_space<vmem_shared>> -> memref<10128x128xf32, #tpu.memory_space<vmem_shared>>
      tpu.enqueue_indirect_dma source(%arg10 : memref<128x128xf32, #tpu.memory_space<vmem>>) target(%dma_start3A_71 : memref<10128x128xf32, #tpu.memory_space<vmem_shared>>) offsets(%dma_start3A_68 : memref<128xi32, #tpu.memory_space<vmem>>) semaphore(%arg12 : memref<!tpu.dma_semaphore, #tpu.memory_space<semaphore_mem>>) {add = true}
      %add3A_72 = arith.constant 2 : i32
      %add3A_73 = arith.addi %mul3A_23, %add3A_72 : i32
      %dma_start3A_74 = arith.constant 0 : i32
      %dma_start3A_75 = tpu.memref_slice %arg7[%add3A_73, %dma_start3A_74] : memref<40x128xi32, #tpu.memory_space<vmem>> -> memref<1x128xi32, #tpu.memory_space<vmem>>
      %dma_start3A_76 = tpu.memref_squeeze %dma_start3A_75 : memref<1x128xi32, #tpu.memory_space<vmem>> -> memref<128xi32, #tpu.memory_space<vmem>>
      %dma_start3A_77 = arith.constant 0 : i32
      %dma_start3A_78 = arith.constant 0 : i32
      %dma_start3A_79 = tpu.memref_slice %arg2[%dma_start3A_77, %dma_start3A_78] : memref<10128x128xf32, #tpu.memory_space<hbm>> -> memref<10128x128xf32, #tpu.memory_space<hbm>>
      tpu.enqueue_indirect_dma source(%dma_start3A_79 : memref<10128x128xf32, #tpu.memory_space<hbm>>) target(%arg9 : memref<128x128xf32, #tpu.memory_space<vmem>>) offsets(%dma_start3A_76 : memref<128xi32, #tpu.memory_space<vmem>>) semaphore(%arg11 : memref<!tpu.dma_semaphore, #tpu.memory_space<semaphore_mem>>)
      %dma_wait3A_80 = arith.constant 0 : i32
      %dma_wait3A_81 = tpu.memref_slice %arg7[%add3A_73, %dma_wait3A_80] : memref<40x128xi32, #tpu.memory_space<vmem>> -> memref<1x128xi32, #tpu.memory_space<vmem>>
      %dma_wait3A_82 = tpu.memref_squeeze %dma_wait3A_81 : memref<1x128xi32, #tpu.memory_space<vmem>> -> memref<128xi32, #tpu.memory_space<vmem>>
      %dma_wait3A_83 = arith.constant 0 : i32
      %dma_wait3A_84 = arith.constant 0 : i32
      %dma_wait3A_85 = tpu.memref_slice %arg2[%dma_wait3A_83, %dma_wait3A_84] : memref<10128x128xf32, #tpu.memory_space<hbm>> -> memref<10128x128xf32, #tpu.memory_space<hbm>>
      tpu.wait_indirect_dma semaphore(%arg11 : memref<!tpu.dma_semaphore, #tpu.memory_space<semaphore_mem>>) src(%dma_wait3A_85 : memref<10128x128xf32, #tpu.memory_space<hbm>>) dst(%arg9 : memref<128x128xf32, #tpu.memory_space<vmem>>)
      %dma_wait3A_86 = arith.constant 0 : i32
      %dma_wait3A_87 = tpu.memref_slice %arg8[%add3A_65, %dma_wait3A_86] : memref<40x128xi32, #tpu.memory_space<vmem>> -> memref<1x128xi32, #tpu.memory_space<vmem>>
      %dma_wait3A_88 = tpu.memref_squeeze %dma_wait3A_87 : memref<1x128xi32, #tpu.memory_space<vmem>> -> memref<128xi32, #tpu.memory_space<vmem>>
      %dma_wait3A_89 = arith.constant 0 : i32
      %dma_wait3A_90 = arith.constant 0 : i32
      %dma_wait3A_91 = tpu.memref_slice %arg13[%dma_wait3A_89, %dma_wait3A_90] : memref<10128x128xf32, #tpu.memory_space<vmem_shared>> -> memref<10128x128xf32, #tpu.memory_space<vmem_shared>>
      tpu.wait_indirect_dma semaphore(%arg12 : memref<!tpu.dma_semaphore, #tpu.memory_space<semaphore_mem>>) src(%arg10 : memref<128x128xf32, #tpu.memory_space<vmem>>) dst(%dma_wait3A_91 : memref<10128x128xf32, #tpu.memory_space<vmem_shared>>)
      %add3A_92 = arith.constant 2 : i32
      %add3A_93 = arith.addi %mul3A_23, %add3A_92 : i32
      %dma_start3A_94 = arith.constant 0 : i32
      %dma_start3A_95 = tpu.memref_slice %arg8[%add3A_93, %dma_start3A_94] : memref<40x128xi32, #tpu.memory_space<vmem>> -> memref<1x128xi32, #tpu.memory_space<vmem>>
      %dma_start3A_96 = tpu.memref_squeeze %dma_start3A_95 : memref<1x128xi32, #tpu.memory_space<vmem>> -> memref<128xi32, #tpu.memory_space<vmem>>
      %dma_start3A_97 = arith.constant 0 : i32
      %dma_start3A_98 = arith.constant 0 : i32
      %dma_start3A_99 = tpu.memref_slice %arg13[%dma_start3A_97, %dma_start3A_98] : memref<10128x128xf32, #tpu.memory_space<vmem_shared>> -> memref<10128x128xf32, #tpu.memory_space<vmem_shared>>
      tpu.enqueue_indirect_dma source(%arg9 : memref<128x128xf32, #tpu.memory_space<vmem>>) target(%dma_start3A_99 : memref<10128x128xf32, #tpu.memory_space<vmem_shared>>) offsets(%dma_start3A_96 : memref<128xi32, #tpu.memory_space<vmem>>) semaphore(%arg12 : memref<!tpu.dma_semaphore, #tpu.memory_space<semaphore_mem>>) {add = true}
      %add3A_100 = arith.constant 3 : i32
      %add3A_101 = arith.addi %mul3A_23, %add3A_100 : i32
      %dma_start3A_102 = arith.constant 0 : i32
      %dma_start3A_103 = tpu.memref_slice %arg7[%add3A_101, %dma_start3A_102] : memref<40x128xi32, #tpu.memory_space<vmem>> -> memref<1x128xi32, #tpu.memory_space<vmem>>
      %dma_start3A_104 = tpu.memref_squeeze %dma_start3A_103 : memref<1x128xi32, #tpu.memory_space<vmem>> -> memref<128xi32, #tpu.memory_space<vmem>>
      %dma_start3A_105 = arith.constant 0 : i32
      %dma_start3A_106 = arith.constant 0 : i32
      %dma_start3A_107 = tpu.memref_slice %arg2[%dma_start3A_105, %dma_start3A_106] : memref<10128x128xf32, #tpu.memory_space<hbm>> -> memref<10128x128xf32, #tpu.memory_space<hbm>>
      tpu.enqueue_indirect_dma source(%dma_start3A_107 : memref<10128x128xf32, #tpu.memory_space<hbm>>) target(%arg10 : memref<128x128xf32, #tpu.memory_space<vmem>>) offsets(%dma_start3A_104 : memref<128xi32, #tpu.memory_space<vmem>>) semaphore(%arg11 : memref<!tpu.dma_semaphore, #tpu.memory_space<semaphore_mem>>)
      %dma_wait3A_108 = arith.constant 0 : i32
      %dma_wait3A_109 = tpu.memref_slice %arg7[%add3A_101, %dma_wait3A_108] : memref<40x128xi32, #tpu.memory_space<vmem>> -> memref<1x128xi32, #tpu.memory_space<vmem>>
      %dma_wait3A_110 = tpu.memref_squeeze %dma_wait3A_109 : memref<1x128xi32, #tpu.memory_space<vmem>> -> memref<128xi32, #tpu.memory_space<vmem>>
      %dma_wait3A_111 = arith.constant 0 : i32
      %dma_wait3A_112 = arith.constant 0 : i32
      %dma_wait3A_113 = tpu.memref_slice %arg2[%dma_wait3A_111, %dma_wait3A_112] : memref<10128x128xf32, #tpu.memory_space<hbm>> -> memref<10128x128xf32, #tpu.memory_space<hbm>>
      tpu.wait_indirect_dma semaphore(%arg11 : memref<!tpu.dma_semaphore, #tpu.memory_space<semaphore_mem>>) src(%dma_wait3A_113 : memref<10128x128xf32, #tpu.memory_space<hbm>>) dst(%arg10 : memref<128x128xf32, #tpu.memory_space<vmem>>)
      %dma_wait3A_114 = arith.constant 0 : i32
      %dma_wait3A_115 = tpu.memref_slice %arg8[%add3A_93, %dma_wait3A_114] : memref<40x128xi32, #tpu.memory_space<vmem>> -> memref<1x128xi32, #tpu.memory_space<vmem>>
      %dma_wait3A_116 = tpu.memref_squeeze %dma_wait3A_115 : memref<1x128xi32, #tpu.memory_space<vmem>> -> memref<128xi32, #tpu.memory_space<vmem>>
      %dma_wait3A_117 = arith.constant 0 : i32
      %dma_wait3A_118 = arith.constant 0 : i32
      %dma_wait3A_119 = tpu.memref_slice %arg13[%dma_wait3A_117, %dma_wait3A_118] : memref<10128x128xf32, #tpu.memory_space<vmem_shared>> -> memref<10128x128xf32, #tpu.memory_space<vmem_shared>>
      tpu.wait_indirect_dma semaphore(%arg12 : memref<!tpu.dma_semaphore, #tpu.memory_space<semaphore_mem>>) src(%arg9 : memref<128x128xf32, #tpu.memory_space<vmem>>) dst(%dma_wait3A_119 : memref<10128x128xf32, #tpu.memory_space<vmem_shared>>)
      %add3A_120 = arith.constant 3 : i32
      %add3A_121 = arith.addi %mul3A_23, %add3A_120 : i32
      %dma_start3A_122 = arith.constant 0 : i32
      %dma_start3A_123 = tpu.memref_slice %arg8[%add3A_121, %dma_start3A_122] : memref<40x128xi32, #tpu.memory_space<vmem>> -> memref<1x128xi32, #tpu.memory_space<vmem>>
      %dma_start3A_124 = tpu.memref_squeeze %dma_start3A_123 : memref<1x128xi32, #tpu.memory_space<vmem>> -> memref<128xi32, #tpu.memory_space<vmem>>
      %dma_start3A_125 = arith.constant 0 : i32
      %dma_start3A_126 = arith.constant 0 : i32
      %dma_start3A_127 = tpu.memref_slice %arg13[%dma_start3A_125, %dma_start3A_126] : memref<10128x128xf32, #tpu.memory_space<vmem_shared>> -> memref<10128x128xf32, #tpu.memory_space<vmem_shared>>
      tpu.enqueue_indirect_dma source(%arg10 : memref<128x128xf32, #tpu.memory_space<vmem>>) target(%dma_start3A_127 : memref<10128x128xf32, #tpu.memory_space<vmem_shared>>) offsets(%dma_start3A_124 : memref<128xi32, #tpu.memory_space<vmem>>) semaphore(%arg12 : memref<!tpu.dma_semaphore, #tpu.memory_space<semaphore_mem>>) {add = true}
      %add3A_128 = arith.constant 4 : i32
      %add3A_129 = arith.addi %mul3A_23, %add3A_128 : i32
      %dma_start3A_130 = arith.constant 0 : i32
      %dma_start3A_131 = tpu.memref_slice %arg7[%add3A_129, %dma_start3A_130] : memref<40x128xi32, #tpu.memory_space<vmem>> -> memref<1x128xi32, #tpu.memory_space<vmem>>
      %dma_start3A_132 = tpu.memref_squeeze %dma_start3A_131 : memref<1x128xi32, #tpu.memory_space<vmem>> -> memref<128xi32, #tpu.memory_space<vmem>>
      %dma_start3A_133 = arith.constant 0 : i32
      %dma_start3A_134 = arith.constant 0 : i32
      %dma_start3A_135 = tpu.memref_slice %arg2[%dma_start3A_133, %dma_start3A_134] : memref<10128x128xf32, #tpu.memory_space<hbm>> -> memref<10128x128xf32, #tpu.memory_space<hbm>>
      tpu.enqueue_indirect_dma source(%dma_start3A_135 : memref<10128x128xf32, #tpu.memory_space<hbm>>) target(%arg9 : memref<128x128xf32, #tpu.memory_space<vmem>>) offsets(%dma_start3A_132 : memref<128xi32, #tpu.memory_space<vmem>>) semaphore(%arg11 : memref<!tpu.dma_semaphore, #tpu.memory_space<semaphore_mem>>)
      %dma_wait3A_136 = arith.constant 0 : i32
      %dma_wait3A_137 = tpu.memref_slice %arg7[%add3A_129, %dma_wait3A_136] : memref<40x128xi32, #tpu.memory_space<vmem>> -> memref<1x128xi32, #tpu.memory_space<vmem>>
      %dma_wait3A_138 = tpu.memref_squeeze %dma_wait3A_137 : memref<1x128xi32, #tpu.memory_space<vmem>> -> memref<128xi32, #tpu.memory_space<vmem>>
      %dma_wait3A_139 = arith.constant 0 : i32
      %dma_wait3A_140 = arith.constant 0 : i32
      %dma_wait3A_141 = tpu.memref_slice %arg2[%dma_wait3A_139, %dma_wait3A_140] : memref<10128x128xf32, #tpu.memory_space<hbm>> -> memref<10128x128xf32, #tpu.memory_space<hbm>>
      tpu.wait_indirect_dma semaphore(%arg11 : memref<!tpu.dma_semaphore, #tpu.memory_space<semaphore_mem>>) src(%dma_wait3A_141 : memref<10128x128xf32, #tpu.memory_space<hbm>>) dst(%arg9 : memref<128x128xf32, #tpu.memory_space<vmem>>)
      %dma_wait3A_142 = arith.constant 0 : i32
      %dma_wait3A_143 = tpu.memref_slice %arg8[%add3A_121, %dma_wait3A_142] : memref<40x128xi32, #tpu.memory_space<vmem>> -> memref<1x128xi32, #tpu.memory_space<vmem>>
      %dma_wait3A_144 = tpu.memref_squeeze %dma_wait3A_143 : memref<1x128xi32, #tpu.memory_space<vmem>> -> memref<128xi32, #tpu.memory_space<vmem>>
      %dma_wait3A_145 = arith.constant 0 : i32
      %dma_wait3A_146 = arith.constant 0 : i32
      %dma_wait3A_147 = tpu.memref_slice %arg13[%dma_wait3A_145, %dma_wait3A_146] : memref<10128x128xf32, #tpu.memory_space<vmem_shared>> -> memref<10128x128xf32, #tpu.memory_space<vmem_shared>>
      tpu.wait_indirect_dma semaphore(%arg12 : memref<!tpu.dma_semaphore, #tpu.memory_space<semaphore_mem>>) src(%arg10 : memref<128x128xf32, #tpu.memory_space<vmem>>) dst(%dma_wait3A_147 : memref<10128x128xf32, #tpu.memory_space<vmem_shared>>)
      %add3A_148 = arith.constant 4 : i32
      %add3A_149 = arith.addi %mul3A_23, %add3A_148 : i32
      %dma_start3A_150 = arith.constant 0 : i32
      %dma_start3A_151 = tpu.memref_slice %arg8[%add3A_149, %dma_start3A_150] : memref<40x128xi32, #tpu.memory_space<vmem>> -> memref<1x128xi32, #tpu.memory_space<vmem>>
      %dma_start3A_152 = tpu.memref_squeeze %dma_start3A_151 : memref<1x128xi32, #tpu.memory_space<vmem>> -> memref<128xi32, #tpu.memory_space<vmem>>
      %dma_start3A_153 = arith.constant 0 : i32
      %dma_start3A_154 = arith.constant 0 : i32
      %dma_start3A_155 = tpu.memref_slice %arg13[%dma_start3A_153, %dma_start3A_154] : memref<10128x128xf32, #tpu.memory_space<vmem_shared>> -> memref<10128x128xf32, #tpu.memory_space<vmem_shared>>
      tpu.enqueue_indirect_dma source(%arg9 : memref<128x128xf32, #tpu.memory_space<vmem>>) target(%dma_start3A_155 : memref<10128x128xf32, #tpu.memory_space<vmem_shared>>) offsets(%dma_start3A_152 : memref<128xi32, #tpu.memory_space<vmem>>) semaphore(%arg12 : memref<!tpu.dma_semaphore, #tpu.memory_space<semaphore_mem>>) {add = true}
      %add3A_156 = arith.constant 5 : i32
      %add3A_157 = arith.addi %mul3A_23, %add3A_156 : i32
      %dma_start3A_158 = arith.constant 0 : i32
      %dma_start3A_159 = tpu.memref_slice %arg7[%add3A_157, %dma_start3A_158] : memref<40x128xi32, #tpu.memory_space<vmem>> -> memref<1x128xi32, #tpu.memory_space<vmem>>
      %dma_start3A_160 = tpu.memref_squeeze %dma_start3A_159 : memref<1x128xi32, #tpu.memory_space<vmem>> -> memref<128xi32, #tpu.memory_space<vmem>>
      %dma_start3A_161 = arith.constant 0 : i32
      %dma_start3A_162 = arith.constant 0 : i32
      %dma_start3A_163 = tpu.memref_slice %arg2[%dma_start3A_161, %dma_start3A_162] : memref<10128x128xf32, #tpu.memory_space<hbm>> -> memref<10128x128xf32, #tpu.memory_space<hbm>>
      tpu.enqueue_indirect_dma source(%dma_start3A_163 : memref<10128x128xf32, #tpu.memory_space<hbm>>) target(%arg10 : memref<128x128xf32, #tpu.memory_space<vmem>>) offsets(%dma_start3A_160 : memref<128xi32, #tpu.memory_space<vmem>>) semaphore(%arg11 : memref<!tpu.dma_semaphore, #tpu.memory_space<semaphore_mem>>)
      %dma_wait3A_164 = arith.constant 0 : i32
      %dma_wait3A_165 = tpu.memref_slice %arg7[%add3A_157, %dma_wait3A_164] : memref<40x128xi32, #tpu.memory_space<vmem>> -> memref<1x128xi32, #tpu.memory_space<vmem>>
      %dma_wait3A_166 = tpu.memref_squeeze %dma_wait3A_165 : memref<1x128xi32, #tpu.memory_space<vmem>> -> memref<128xi32, #tpu.memory_space<vmem>>
      %dma_wait3A_167 = arith.constant 0 : i32
      %dma_wait3A_168 = arith.constant 0 : i32
      %dma_wait3A_169 = tpu.memref_slice %arg2[%dma_wait3A_167, %dma_wait3A_168] : memref<10128x128xf32, #tpu.memory_space<hbm>> -> memref<10128x128xf32, #tpu.memory_space<hbm>>
      tpu.wait_indirect_dma semaphore(%arg11 : memref<!tpu.dma_semaphore, #tpu.memory_space<semaphore_mem>>) src(%dma_wait3A_169 : memref<10128x128xf32, #tpu.memory_space<hbm>>) dst(%arg10 : memref<128x128xf32, #tpu.memory_space<vmem>>)
      %dma_wait3A_170 = arith.constant 0 : i32
      %dma_wait3A_171 = tpu.memref_slice %arg8[%add3A_149, %dma_wait3A_170] : memref<40x128xi32, #tpu.memory_space<vmem>> -> memref<1x128xi32, #tpu.memory_space<vmem>>
      %dma_wait3A_172 = tpu.memref_squeeze %dma_wait3A_171 : memref<1x128xi32, #tpu.memory_space<vmem>> -> memref<128xi32, #tpu.memory_space<vmem>>
      %dma_wait3A_173 = arith.constant 0 : i32
      %dma_wait3A_174 = arith.constant 0 : i32
      %dma_wait3A_175 = tpu.memref_slice %arg13[%dma_wait3A_173, %dma_wait3A_174] : memref<10128x128xf32, #tpu.memory_space<vmem_shared>> -> memref<10128x128xf32, #tpu.memory_space<vmem_shared>>
      tpu.wait_indirect_dma semaphore(%arg12 : memref<!tpu.dma_semaphore, #tpu.memory_space<semaphore_mem>>) src(%arg9 : memref<128x128xf32, #tpu.memory_space<vmem>>) dst(%dma_wait3A_175 : memref<10128x128xf32, #tpu.memory_space<vmem_shared>>)
      %add3A_176 = arith.constant 5 : i32
      %add3A_177 = arith.addi %mul3A_23, %add3A_176 : i32
      %dma_start3A_178 = arith.constant 0 : i32
      %dma_start3A_179 = tpu.memref_slice %arg8[%add3A_177, %dma_start3A_178] : memref<40x128xi32, #tpu.memory_space<vmem>> -> memref<1x128xi32, #tpu.memory_space<vmem>>
      %dma_start3A_180 = tpu.memref_squeeze %dma_start3A_179 : memref<1x128xi32, #tpu.memory_space<vmem>> -> memref<128xi32, #tpu.memory_space<vmem>>
      %dma_start3A_181 = arith.constant 0 : i32
      %dma_start3A_182 = arith.constant 0 : i32
      %dma_start3A_183 = tpu.memref_slice %arg13[%dma_start3A_181, %dma_start3A_182] : memref<10128x128xf32, #tpu.memory_space<vmem_shared>> -> memref<10128x128xf32, #tpu.memory_space<vmem_shared>>
      tpu.enqueue_indirect_dma source(%arg10 : memref<128x128xf32, #tpu.memory_space<vmem>>) target(%dma_start3A_183 : memref<10128x128xf32, #tpu.memory_space<vmem_shared>>) offsets(%dma_start3A_180 : memref<128xi32, #tpu.memory_space<vmem>>) semaphore(%arg12 : memref<!tpu.dma_semaphore, #tpu.memory_space<semaphore_mem>>) {add = true}
      %add3A_184 = arith.constant 6 : i32
      %add3A_185 = arith.addi %mul3A_23, %add3A_184 : i32
      %dma_start3A_186 = arith.constant 0 : i32
      %dma_start3A_187 = tpu.memref_slice %arg7[%add3A_185, %dma_start3A_186] : memref<40x128xi32, #tpu.memory_space<vmem>> -> memref<1x128xi32, #tpu.memory_space<vmem>>
      %dma_start3A_188 = tpu.memref_squeeze %dma_start3A_187 : memref<1x128xi32, #tpu.memory_space<vmem>> -> memref<128xi32, #tpu.memory_space<vmem>>
      %dma_start3A_189 = arith.constant 0 : i32
      %dma_start3A_190 = arith.constant 0 : i32
      %dma_start3A_191 = tpu.memref_slice %arg2[%dma_start3A_189, %dma_start3A_190] : memref<10128x128xf32, #tpu.memory_space<hbm>> -> memref<10128x128xf32, #tpu.memory_space<hbm>>
      tpu.enqueue_indirect_dma source(%dma_start3A_191 : memref<10128x128xf32, #tpu.memory_space<hbm>>) target(%arg9 : memref<128x128xf32, #tpu.memory_space<vmem>>) offsets(%dma_start3A_188 : memref<128xi32, #tpu.memory_space<vmem>>) semaphore(%arg11 : memref<!tpu.dma_semaphore, #tpu.memory_space<semaphore_mem>>)
      %dma_wait3A_192 = arith.constant 0 : i32
      %dma_wait3A_193 = tpu.memref_slice %arg7[%add3A_185, %dma_wait3A_192] : memref<40x128xi32, #tpu.memory_space<vmem>> -> memref<1x128xi32, #tpu.memory_space<vmem>>
      %dma_wait3A_194 = tpu.memref_squeeze %dma_wait3A_193 : memref<1x128xi32, #tpu.memory_space<vmem>> -> memref<128xi32, #tpu.memory_space<vmem>>
      %dma_wait3A_195 = arith.constant 0 : i32
      %dma_wait3A_196 = arith.constant 0 : i32
      %dma_wait3A_197 = tpu.memref_slice %arg2[%dma_wait3A_195, %dma_wait3A_196] : memref<10128x128xf32, #tpu.memory_space<hbm>> -> memref<10128x128xf32, #tpu.memory_space<hbm>>
      tpu.wait_indirect_dma semaphore(%arg11 : memref<!tpu.dma_semaphore, #tpu.memory_space<semaphore_mem>>) src(%dma_wait3A_197 : memref<10128x128xf32, #tpu.memory_space<hbm>>) dst(%arg9 : memref<128x128xf32, #tpu.memory_space<vmem>>)
      %dma_wait3A_198 = arith.constant 0 : i32
      %dma_wait3A_199 = tpu.memref_slice %arg8[%add3A_177, %dma_wait3A_198] : memref<40x128xi32, #tpu.memory_space<vmem>> -> memref<1x128xi32, #tpu.memory_space<vmem>>
      %dma_wait3A_200 = tpu.memref_squeeze %dma_wait3A_199 : memref<1x128xi32, #tpu.memory_space<vmem>> -> memref<128xi32, #tpu.memory_space<vmem>>
      %dma_wait3A_201 = arith.constant 0 : i32
      %dma_wait3A_202 = arith.constant 0 : i32
      %dma_wait3A_203 = tpu.memref_slice %arg13[%dma_wait3A_201, %dma_wait3A_202] : memref<10128x128xf32, #tpu.memory_space<vmem_shared>> -> memref<10128x128xf32, #tpu.memory_space<vmem_shared>>
      tpu.wait_indirect_dma semaphore(%arg12 : memref<!tpu.dma_semaphore, #tpu.memory_space<semaphore_mem>>) src(%arg10 : memref<128x128xf32, #tpu.memory_space<vmem>>) dst(%dma_wait3A_203 : memref<10128x128xf32, #tpu.memory_space<vmem_shared>>)
      %add3A_204 = arith.constant 6 : i32
      %add3A_205 = arith.addi %mul3A_23, %add3A_204 : i32
      %dma_start3A_206 = arith.constant 0 : i32
      %dma_start3A_207 = tpu.memref_slice %arg8[%add3A_205, %dma_start3A_206] : memref<40x128xi32, #tpu.memory_space<vmem>> -> memref<1x128xi32, #tpu.memory_space<vmem>>
      %dma_start3A_208 = tpu.memref_squeeze %dma_start3A_207 : memref<1x128xi32, #tpu.memory_space<vmem>> -> memref<128xi32, #tpu.memory_space<vmem>>
      %dma_start3A_209 = arith.constant 0 : i32
      %dma_start3A_210 = arith.constant 0 : i32
      %dma_start3A_211 = tpu.memref_slice %arg13[%dma_start3A_209, %dma_start3A_210] : memref<10128x128xf32, #tpu.memory_space<vmem_shared>> -> memref<10128x128xf32, #tpu.memory_space<vmem_shared>>
      tpu.enqueue_indirect_dma source(%arg9 : memref<128x128xf32, #tpu.memory_space<vmem>>) target(%dma_start3A_211 : memref<10128x128xf32, #tpu.memory_space<vmem_shared>>) offsets(%dma_start3A_208 : memref<128xi32, #tpu.memory_space<vmem>>) semaphore(%arg12 : memref<!tpu.dma_semaphore, #tpu.memory_space<semaphore_mem>>) {add = true}
      %add3A_212 = arith.constant 7 : i32
      %add3A_213 = arith.addi %mul3A_23, %add3A_212 : i32
      %dma_start3A_214 = arith.constant 0 : i32
      %dma_start3A_215 = tpu.memref_slice %arg7[%add3A_213, %dma_start3A_214] : memref<40x128xi32, #tpu.memory_space<vmem>> -> memref<1x128xi32, #tpu.memory_space<vmem>>
      %dma_start3A_216 = tpu.memref_squeeze %dma_start3A_215 : memref<1x128xi32, #tpu.memory_space<vmem>> -> memref<128xi32, #tpu.memory_space<vmem>>
      %dma_start3A_217 = arith.constant 0 : i32
      %dma_start3A_218 = arith.constant 0 : i32
      %dma_start3A_219 = tpu.memref_slice %arg2[%dma_start3A_217, %dma_start3A_218] : memref<10128x128xf32, #tpu.memory_space<hbm>> -> memref<10128x128xf32, #tpu.memory_space<hbm>>
      tpu.enqueue_indirect_dma source(%dma_start3A_219 : memref<10128x128xf32, #tpu.memory_space<hbm>>) target(%arg10 : memref<128x128xf32, #tpu.memory_space<vmem>>) offsets(%dma_start3A_216 : memref<128xi32, #tpu.memory_space<vmem>>) semaphore(%arg11 : memref<!tpu.dma_semaphore, #tpu.memory_space<semaphore_mem>>)
      %dma_wait3A_220 = arith.constant 0 : i32
      %dma_wait3A_221 = tpu.memref_slice %arg7[%add3A_213, %dma_wait3A_220] : memref<40x128xi32, #tpu.memory_space<vmem>> -> memref<1x128xi32, #tpu.memory_space<vmem>>
      %dma_wait3A_222 = tpu.memref_squeeze %dma_wait3A_221 : memref<1x128xi32, #tpu.memory_space<vmem>> -> memref<128xi32, #tpu.memory_space<vmem>>
      %dma_wait3A_223 = arith.constant 0 : i32
      %dma_wait3A_224 = arith.constant 0 : i32
      %dma_wait3A_225 = tpu.memref_slice %arg2[%dma_wait3A_223, %dma_wait3A_224] : memref<10128x128xf32, #tpu.memory_space<hbm>> -> memref<10128x128xf32, #tpu.memory_space<hbm>>
      tpu.wait_indirect_dma semaphore(%arg11 : memref<!tpu.dma_semaphore, #tpu.memory_space<semaphore_mem>>) src(%dma_wait3A_225 : memref<10128x128xf32, #tpu.memory_space<hbm>>) dst(%arg10 : memref<128x128xf32, #tpu.memory_space<vmem>>)
      %dma_wait3A_226 = arith.constant 0 : i32
      %dma_wait3A_227 = tpu.memref_slice %arg8[%add3A_205, %dma_wait3A_226] : memref<40x128xi32, #tpu.memory_space<vmem>> -> memref<1x128xi32, #tpu.memory_space<vmem>>
      %dma_wait3A_228 = tpu.memref_squeeze %dma_wait3A_227 : memref<1x128xi32, #tpu.memory_space<vmem>> -> memref<128xi32, #tpu.memory_space<vmem>>
      %dma_wait3A_229 = arith.constant 0 : i32
      %dma_wait3A_230 = arith.constant 0 : i32
      %dma_wait3A_231 = tpu.memref_slice %arg13[%dma_wait3A_229, %dma_wait3A_230] : memref<10128x128xf32, #tpu.memory_space<vmem_shared>> -> memref<10128x128xf32, #tpu.memory_space<vmem_shared>>
      tpu.wait_indirect_dma semaphore(%arg12 : memref<!tpu.dma_semaphore, #tpu.memory_space<semaphore_mem>>) src(%arg9 : memref<128x128xf32, #tpu.memory_space<vmem>>) dst(%dma_wait3A_231 : memref<10128x128xf32, #tpu.memory_space<vmem_shared>>)
      %add3A_232 = arith.constant 7 : i32
      %add3A_233 = arith.addi %mul3A_23, %add3A_232 : i32
      %dma_start3A_234 = arith.constant 0 : i32
      %dma_start3A_235 = tpu.memref_slice %arg8[%add3A_233, %dma_start3A_234] : memref<40x128xi32, #tpu.memory_space<vmem>> -> memref<1x128xi32, #tpu.memory_space<vmem>>
      %dma_start3A_236 = tpu.memref_squeeze %dma_start3A_235 : memref<1x128xi32, #tpu.memory_space<vmem>> -> memref<128xi32, #tpu.memory_space<vmem>>
      %dma_start3A_237 = arith.constant 0 : i32
      %dma_start3A_238 = arith.constant 0 : i32
      %dma_start3A_239 = tpu.memref_slice %arg13[%dma_start3A_237, %dma_start3A_238] : memref<10128x128xf32, #tpu.memory_space<vmem_shared>> -> memref<10128x128xf32, #tpu.memory_space<vmem_shared>>
      tpu.enqueue_indirect_dma source(%arg10 : memref<128x128xf32, #tpu.memory_space<vmem>>) target(%dma_start3A_239 : memref<10128x128xf32, #tpu.memory_space<vmem_shared>>) offsets(%dma_start3A_236 : memref<128xi32, #tpu.memory_space<vmem>>) semaphore(%arg12 : memref<!tpu.dma_semaphore, #tpu.memory_space<semaphore_mem>>) {add = true}
      %add3A_240 = arith.constant 8 : i32
      %add3A_241 = arith.addi %mul3A_23, %add3A_240 : i32
      %dma_start3A_242 = arith.constant 0 : i32
      %dma_start3A_243 = tpu.memref_slice %arg7[%add3A_241, %dma_start3A_242] : memref<40x128xi32, #tpu.memory_space<vmem>> -> memref<1x128xi32, #tpu.memory_space<vmem>>
      %dma_start3A_244 = tpu.memref_squeeze %dma_start3A_243 : memref<1x128xi32, #tpu.memory_space<vmem>> -> memref<128xi32, #tpu.memory_space<vmem>>
      %dma_start3A_245 = arith.constant 0 : i32
      %dma_start3A_246 = arith.constant 0 : i32
      %dma_start3A_247 = tpu.memref_slice %arg2[%dma_start3A_245, %dma_start3A_246] : memref<10128x128xf32, #tpu.memory_space<hbm>> -> memref<10128x128xf32, #tpu.memory_space<hbm>>
      tpu.enqueue_indirect_dma source(%dma_start3A_247 : memref<10128x128xf32, #tpu.memory_space<hbm>>) target(%arg9 : memref<128x128xf32, #tpu.memory_space<vmem>>) offsets(%dma_start3A_244 : memref<128xi32, #tpu.memory_space<vmem>>) semaphore(%arg11 : memref<!tpu.dma_semaphore, #tpu.memory_space<semaphore_mem>>)
      %dma_wait3A_248 = arith.constant 0 : i32
      %dma_wait3A_249 = tpu.memref_slice %arg7[%add3A_241, %dma_wait3A_248] : memref<40x128xi32, #tpu.memory_space<vmem>> -> memref<1x128xi32, #tpu.memory_space<vmem>>
      %dma_wait3A_250 = tpu.memref_squeeze %dma_wait3A_249 : memref<1x128xi32, #tpu.memory_space<vmem>> -> memref<128xi32, #tpu.memory_space<vmem>>
      %dma_wait3A_251 = arith.constant 0 : i32
      %dma_wait3A_252 = arith.constant 0 : i32
      %dma_wait3A_253 = tpu.memref_slice %arg2[%dma_wait3A_251, %dma_wait3A_252] : memref<10128x128xf32, #tpu.memory_space<hbm>> -> memref<10128x128xf32, #tpu.memory_space<hbm>>
      tpu.wait_indirect_dma semaphore(%arg11 : memref<!tpu.dma_semaphore, #tpu.memory_space<semaphore_mem>>) src(%dma_wait3A_253 : memref<10128x128xf32, #tpu.memory_space<hbm>>) dst(%arg9 : memref<128x128xf32, #tpu.memory_space<vmem>>)
      %dma_wait3A_254 = arith.constant 0 : i32
      %dma_wait3A_255 = tpu.memref_slice %arg8[%add3A_233, %dma_wait3A_254] : memref<40x128xi32, #tpu.memory_space<vmem>> -> memref<1x128xi32, #tpu.memory_space<vmem>>
      %dma_wait3A_256 = tpu.memref_squeeze %dma_wait3A_255 : memref<1x128xi32, #tpu.memory_space<vmem>> -> memref<128xi32, #tpu.memory_space<vmem>>
      %dma_wait3A_257 = arith.constant 0 : i32
      %dma_wait3A_258 = arith.constant 0 : i32
      %dma_wait3A_259 = tpu.memref_slice %arg13[%dma_wait3A_257, %dma_wait3A_258] : memref<10128x128xf32, #tpu.memory_space<vmem_shared>> -> memref<10128x128xf32, #tpu.memory_space<vmem_shared>>
      tpu.wait_indirect_dma semaphore(%arg12 : memref<!tpu.dma_semaphore, #tpu.memory_space<semaphore_mem>>) src(%arg10 : memref<128x128xf32, #tpu.memory_space<vmem>>) dst(%dma_wait3A_259 : memref<10128x128xf32, #tpu.memory_space<vmem_shared>>)
      %add3A_260 = arith.constant 8 : i32
      %add3A_261 = arith.addi %mul3A_23, %add3A_260 : i32
      %dma_start3A_262 = arith.constant 0 : i32
      %dma_start3A_263 = tpu.memref_slice %arg8[%add3A_261, %dma_start3A_262] : memref<40x128xi32, #tpu.memory_space<vmem>> -> memref<1x128xi32, #tpu.memory_space<vmem>>
      %dma_start3A_264 = tpu.memref_squeeze %dma_start3A_263 : memref<1x128xi32, #tpu.memory_space<vmem>> -> memref<128xi32, #tpu.memory_space<vmem>>
      %dma_start3A_265 = arith.constant 0 : i32
      %dma_start3A_266 = arith.constant 0 : i32
      %dma_start3A_267 = tpu.memref_slice %arg13[%dma_start3A_265, %dma_start3A_266] : memref<10128x128xf32, #tpu.memory_space<vmem_shared>> -> memref<10128x128xf32, #tpu.memory_space<vmem_shared>>
      tpu.enqueue_indirect_dma source(%arg9 : memref<128x128xf32, #tpu.memory_space<vmem>>) target(%dma_start3A_267 : memref<10128x128xf32, #tpu.memory_space<vmem_shared>>) offsets(%dma_start3A_264 : memref<128xi32, #tpu.memory_space<vmem>>) semaphore(%arg12 : memref<!tpu.dma_semaphore, #tpu.memory_space<semaphore_mem>>) {add = true}
      %add3A_268 = arith.constant 9 : i32
      %add3A_269 = arith.addi %mul3A_23, %add3A_268 : i32
      %dma_start3A_270 = arith.constant 0 : i32
      %dma_start3A_271 = tpu.memref_slice %arg7[%add3A_269, %dma_start3A_270] : memref<40x128xi32, #tpu.memory_space<vmem>> -> memref<1x128xi32, #tpu.memory_space<vmem>>
      %dma_start3A_272 = tpu.memref_squeeze %dma_start3A_271 : memref<1x128xi32, #tpu.memory_space<vmem>> -> memref<128xi32, #tpu.memory_space<vmem>>
      %dma_start3A_273 = arith.constant 0 : i32
      %dma_start3A_274 = arith.constant 0 : i32
      %dma_start3A_275 = tpu.memref_slice %arg2[%dma_start3A_273, %dma_start3A_274] : memref<10128x128xf32, #tpu.memory_space<hbm>> -> memref<10128x128xf32, #tpu.memory_space<hbm>>
      tpu.enqueue_indirect_dma source(%dma_start3A_275 : memref<10128x128xf32, #tpu.memory_space<hbm>>) target(%arg10 : memref<128x128xf32, #tpu.memory_space<vmem>>) offsets(%dma_start3A_272 : memref<128xi32, #tpu.memory_space<vmem>>) semaphore(%arg11 : memref<!tpu.dma_semaphore, #tpu.memory_space<semaphore_mem>>)
      %dma_wait3A_276 = arith.constant 0 : i32
      %dma_wait3A_277 = tpu.memref_slice %arg7[%add3A_269, %dma_wait3A_276] : memref<40x128xi32, #tpu.memory_space<vmem>> -> memref<1x128xi32, #tpu.memory_space<vmem>>
      %dma_wait3A_278 = tpu.memref_squeeze %dma_wait3A_277 : memref<1x128xi32, #tpu.memory_space<vmem>> -> memref<128xi32, #tpu.memory_space<vmem>>
      %dma_wait3A_279 = arith.constant 0 : i32
      %dma_wait3A_280 = arith.constant 0 : i32
      %dma_wait3A_281 = tpu.memref_slice %arg2[%dma_wait3A_279, %dma_wait3A_280] : memref<10128x128xf32, #tpu.memory_space<hbm>> -> memref<10128x128xf32, #tpu.memory_space<hbm>>
      tpu.wait_indirect_dma semaphore(%arg11 : memref<!tpu.dma_semaphore, #tpu.memory_space<semaphore_mem>>) src(%dma_wait3A_281 : memref<10128x128xf32, #tpu.memory_space<hbm>>) dst(%arg10 : memref<128x128xf32, #tpu.memory_space<vmem>>)
      %dma_wait3A_282 = arith.constant 0 : i32
      %dma_wait3A_283 = tpu.memref_slice %arg8[%add3A_261, %dma_wait3A_282] : memref<40x128xi32, #tpu.memory_space<vmem>> -> memref<1x128xi32, #tpu.memory_space<vmem>>
      %dma_wait3A_284 = tpu.memref_squeeze %dma_wait3A_283 : memref<1x128xi32, #tpu.memory_space<vmem>> -> memref<128xi32, #tpu.memory_space<vmem>>
      %dma_wait3A_285 = arith.constant 0 : i32
      %dma_wait3A_286 = arith.constant 0 : i32
      %dma_wait3A_287 = tpu.memref_slice %arg13[%dma_wait3A_285, %dma_wait3A_286] : memref<10128x128xf32, #tpu.memory_space<vmem_shared>> -> memref<10128x128xf32, #tpu.memory_space<vmem_shared>>
      tpu.wait_indirect_dma semaphore(%arg12 : memref<!tpu.dma_semaphore, #tpu.memory_space<semaphore_mem>>) src(%arg9 : memref<128x128xf32, #tpu.memory_space<vmem>>) dst(%dma_wait3A_287 : memref<10128x128xf32, #tpu.memory_space<vmem_shared>>)
      %add3A_288 = arith.constant 9 : i32
      %add3A_289 = arith.addi %mul3A_23, %add3A_288 : i32
      %dma_start3A_290 = arith.constant 0 : i32
      %dma_start3A_291 = tpu.memref_slice %arg8[%add3A_289, %dma_start3A_290] : memref<40x128xi32, #tpu.memory_space<vmem>> -> memref<1x128xi32, #tpu.memory_space<vmem>>
      %dma_start3A_292 = tpu.memref_squeeze %dma_start3A_291 : memref<1x128xi32, #tpu.memory_space<vmem>> -> memref<128xi32, #tpu.memory_space<vmem>>
      %dma_start3A_293 = arith.constant 0 : i32
      %dma_start3A_294 = arith.constant 0 : i32
      %dma_start3A_295 = tpu.memref_slice %arg13[%dma_start3A_293, %dma_start3A_294] : memref<10128x128xf32, #tpu.memory_space<vmem_shared>> -> memref<10128x128xf32, #tpu.memory_space<vmem_shared>>
      tpu.enqueue_indirect_dma source(%arg10 : memref<128x128xf32, #tpu.memory_space<vmem>>) target(%dma_start3A_295 : memref<10128x128xf32, #tpu.memory_space<vmem_shared>>) offsets(%dma_start3A_292 : memref<128xi32, #tpu.memory_space<vmem>>) semaphore(%arg12 : memref<!tpu.dma_semaphore, #tpu.memory_space<semaphore_mem>>) {add = true}
      %add3A_296 = arith.constant 10 : i32
      %add3A_297 = arith.addi %mul3A_23, %add3A_296 : i32
      %dma_start3A_298 = arith.constant 0 : i32
      %dma_start3A_299 = tpu.memref_slice %arg7[%add3A_297, %dma_start3A_298] : memref<40x128xi32, #tpu.memory_space<vmem>> -> memref<1x128xi32, #tpu.memory_space<vmem>>
      %dma_start3A_300 = tpu.memref_squeeze %dma_start3A_299 : memref<1x128xi32, #tpu.memory_space<vmem>> -> memref<128xi32, #tpu.memory_space<vmem>>
      %dma_start3A_301 = arith.constant 0 : i32
      %dma_start3A_302 = arith.constant 0 : i32
      %dma_start3A_303 = tpu.memref_slice %arg2[%dma_start3A_301, %dma_start3A_302] : memref<10128x128xf32, #tpu.memory_space<hbm>> -> memref<10128x128xf32, #tpu.memory_space<hbm>>
      tpu.enqueue_indirect_dma source(%dma_start3A_303 : memref<10128x128xf32, #tpu.memory_space<hbm>>) target(%arg9 : memref<128x128xf32, #tpu.memory_space<vmem>>) offsets(%dma_start3A_300 : memref<128xi32, #tpu.memory_space<vmem>>) semaphore(%arg11 : memref<!tpu.dma_semaphore, #tpu.memory_space<semaphore_mem>>)
      %dma_wait3A_304 = arith.constant 0 : i32
      %dma_wait3A_305 = tpu.memref_slice %arg7[%add3A_297, %dma_wait3A_304] : memref<40x128xi32, #tpu.memory_space<vmem>> -> memref<1x128xi32, #tpu.memory_space<vmem>>
      %dma_wait3A_306 = tpu.memref_squeeze %dma_wait3A_305 : memref<1x128xi32, #tpu.memory_space<vmem>> -> memref<128xi32, #tpu.memory_space<vmem>>
      %dma_wait3A_307 = arith.constant 0 : i32
      %dma_wait3A_308 = arith.constant 0 : i32
      %dma_wait3A_309 = tpu.memref_slice %arg2[%dma_wait3A_307, %dma_wait3A_308] : memref<10128x128xf32, #tpu.memory_space<hbm>> -> memref<10128x128xf32, #tpu.memory_space<hbm>>
      tpu.wait_indirect_dma semaphore(%arg11 : memref<!tpu.dma_semaphore, #tpu.memory_space<semaphore_mem>>) src(%dma_wait3A_309 : memref<10128x128xf32, #tpu.memory_space<hbm>>) dst(%arg9 : memref<128x128xf32, #tpu.memory_space<vmem>>)
      %dma_wait3A_310 = arith.constant 0 : i32
      %dma_wait3A_311 = tpu.memref_slice %arg8[%add3A_289, %dma_wait3A_310] : memref<40x128xi32, #tpu.memory_space<vmem>> -> memref<1x128xi32, #tpu.memory_space<vmem>>
      %dma_wait3A_312 = tpu.memref_squeeze %dma_wait3A_311 : memref<1x128xi32, #tpu.memory_space<vmem>> -> memref<128xi32, #tpu.memory_space<vmem>>
      %dma_wait3A_313 = arith.constant 0 : i32
      %dma_wait3A_314 = arith.constant 0 : i32
      %dma_wait3A_315 = tpu.memref_slice %arg13[%dma_wait3A_313, %dma_wait3A_314] : memref<10128x128xf32, #tpu.memory_space<vmem_shared>> -> memref<10128x128xf32, #tpu.memory_space<vmem_shared>>
      tpu.wait_indirect_dma semaphore(%arg12 : memref<!tpu.dma_semaphore, #tpu.memory_space<semaphore_mem>>) src(%arg10 : memref<128x128xf32, #tpu.memory_space<vmem>>) dst(%dma_wait3A_315 : memref<10128x128xf32, #tpu.memory_space<vmem_shared>>)
      %add3A_316 = arith.constant 10 : i32
      %add3A_317 = arith.addi %mul3A_23, %add3A_316 : i32
      %dma_start3A_318 = arith.constant 0 : i32
      %dma_start3A_319 = tpu.memref_slice %arg8[%add3A_317, %dma_start3A_318] : memref<40x128xi32, #tpu.memory_space<vmem>> -> memref<1x128xi32, #tpu.memory_space<vmem>>
      %dma_start3A_320 = tpu.memref_squeeze %dma_start3A_319 : memref<1x128xi32, #tpu.memory_space<vmem>> -> memref<128xi32, #tpu.memory_space<vmem>>
      %dma_start3A_321 = arith.constant 0 : i32
      %dma_start3A_322 = arith.constant 0 : i32
      %dma_start3A_323 = tpu.memref_slice %arg13[%dma_start3A_321, %dma_start3A_322] : memref<10128x128xf32, #tpu.memory_space<vmem_shared>> -> memref<10128x128xf32, #tpu.memory_space<vmem_shared>>
      tpu.enqueue_indirect_dma source(%arg9 : memref<128x128xf32, #tpu.memory_space<vmem>>) target(%dma_start3A_323 : memref<10128x128xf32, #tpu.memory_space<vmem_shared>>) offsets(%dma_start3A_320 : memref<128xi32, #tpu.memory_space<vmem>>) semaphore(%arg12 : memref<!tpu.dma_semaphore, #tpu.memory_space<semaphore_mem>>) {add = true}
      %add3A_324 = arith.constant 11 : i32
      %add3A_325 = arith.addi %mul3A_23, %add3A_324 : i32
      %dma_start3A_326 = arith.constant 0 : i32
      %dma_start3A_327 = tpu.memref_slice %arg7[%add3A_325, %dma_start3A_326] : memref<40x128xi32, #tpu.memory_space<vmem>> -> memref<1x128xi32, #tpu.memory_space<vmem>>
      %dma_start3A_328 = tpu.memref_squeeze %dma_start3A_327 : memref<1x128xi32, #tpu.memory_space<vmem>> -> memref<128xi32, #tpu.memory_space<vmem>>
      %dma_start3A_329 = arith.constant 0 : i32
      %dma_start3A_330 = arith.constant 0 : i32
      %dma_start3A_331 = tpu.memref_slice %arg2[%dma_start3A_329, %dma_start3A_330] : memref<10128x128xf32, #tpu.memory_space<hbm>> -> memref<10128x128xf32, #tpu.memory_space<hbm>>
      tpu.enqueue_indirect_dma source(%dma_start3A_331 : memref<10128x128xf32, #tpu.memory_space<hbm>>) target(%arg10 : memref<128x128xf32, #tpu.memory_space<vmem>>) offsets(%dma_start3A_328 : memref<128xi32, #tpu.memory_space<vmem>>) semaphore(%arg11 : memref<!tpu.dma_semaphore, #tpu.memory_space<semaphore_mem>>)
      %dma_wait3A_332 = arith.constant 0 : i32
      %dma_wait3A_333 = tpu.memref_slice %arg7[%add3A_325, %dma_wait3A_332] : memref<40x128xi32, #tpu.memory_space<vmem>> -> memref<1x128xi32, #tpu.memory_space<vmem>>
      %dma_wait3A_334 = tpu.memref_squeeze %dma_wait3A_333 : memref<1x128xi32, #tpu.memory_space<vmem>> -> memref<128xi32, #tpu.memory_space<vmem>>
      %dma_wait3A_335 = arith.constant 0 : i32
      %dma_wait3A_336 = arith.constant 0 : i32
      %dma_wait3A_337 = tpu.memref_slice %arg2[%dma_wait3A_335, %dma_wait3A_336] : memref<10128x128xf32, #tpu.memory_space<hbm>> -> memref<10128x128xf32, #tpu.memory_space<hbm>>
      tpu.wait_indirect_dma semaphore(%arg11 : memref<!tpu.dma_semaphore, #tpu.memory_space<semaphore_mem>>) src(%dma_wait3A_337 : memref<10128x128xf32, #tpu.memory_space<hbm>>) dst(%arg10 : memref<128x128xf32, #tpu.memory_space<vmem>>)
      %dma_wait3A_338 = arith.constant 0 : i32
      %dma_wait3A_339 = tpu.memref_slice %arg8[%add3A_317, %dma_wait3A_338] : memref<40x128xi32, #tpu.memory_space<vmem>> -> memref<1x128xi32, #tpu.memory_space<vmem>>
      %dma_wait3A_340 = tpu.memref_squeeze %dma_wait3A_339 : memref<1x128xi32, #tpu.memory_space<vmem>> -> memref<128xi32, #tpu.memory_space<vmem>>
      %dma_wait3A_341 = arith.constant 0 : i32
      %dma_wait3A_342 = arith.constant 0 : i32
      %dma_wait3A_343 = tpu.memref_slice %arg13[%dma_wait3A_341, %dma_wait3A_342] : memref<10128x128xf32, #tpu.memory_space<vmem_shared>> -> memref<10128x128xf32, #tpu.memory_space<vmem_shared>>
      tpu.wait_indirect_dma semaphore(%arg12 : memref<!tpu.dma_semaphore, #tpu.memory_space<semaphore_mem>>) src(%arg9 : memref<128x128xf32, #tpu.memory_space<vmem>>) dst(%dma_wait3A_343 : memref<10128x128xf32, #tpu.memory_space<vmem_shared>>)
      %add3A_344 = arith.constant 11 : i32
      %add3A_345 = arith.addi %mul3A_23, %add3A_344 : i32
      %dma_start3A_346 = arith.constant 0 : i32
      %dma_start3A_347 = tpu.memref_slice %arg8[%add3A_345, %dma_start3A_346] : memref<40x128xi32, #tpu.memory_space<vmem>> -> memref<1x128xi32, #tpu.memory_space<vmem>>
      %dma_start3A_348 = tpu.memref_squeeze %dma_start3A_347 : memref<1x128xi32, #tpu.memory_space<vmem>> -> memref<128xi32, #tpu.memory_space<vmem>>
      %dma_start3A_349 = arith.constant 0 : i32
      %dma_start3A_350 = arith.constant 0 : i32
      %dma_start3A_351 = tpu.memref_slice %arg13[%dma_start3A_349, %dma_start3A_350] : memref<10128x128xf32, #tpu.memory_space<vmem_shared>> -> memref<10128x128xf32, #tpu.memory_space<vmem_shared>>
      tpu.enqueue_indirect_dma source(%arg10 : memref<128x128xf32, #tpu.memory_space<vmem>>) target(%dma_start3A_351 : memref<10128x128xf32, #tpu.memory_space<vmem_shared>>) offsets(%dma_start3A_348 : memref<128xi32, #tpu.memory_space<vmem>>) semaphore(%arg12 : memref<!tpu.dma_semaphore, #tpu.memory_space<semaphore_mem>>) {add = true}
      %add3A_352 = arith.constant 12 : i32
      %add3A_353 = arith.addi %mul3A_23, %add3A_352 : i32
      %dma_start3A_354 = arith.constant 0 : i32
      %dma_start3A_355 = tpu.memref_slice %arg7[%add3A_353, %dma_start3A_354] : memref<40x128xi32, #tpu.memory_space<vmem>> -> memref<1x128xi32, #tpu.memory_space<vmem>>
      %dma_start3A_356 = tpu.memref_squeeze %dma_start3A_355 : memref<1x128xi32, #tpu.memory_space<vmem>> -> memref<128xi32, #tpu.memory_space<vmem>>
      %dma_start3A_357 = arith.constant 0 : i32
      %dma_start3A_358 = arith.constant 0 : i32
      %dma_start3A_359 = tpu.memref_slice %arg2[%dma_start3A_357, %dma_start3A_358] : memref<10128x128xf32, #tpu.memory_space<hbm>> -> memref<10128x128xf32, #tpu.memory_space<hbm>>
      tpu.enqueue_indirect_dma source(%dma_start3A_359 : memref<10128x128xf32, #tpu.memory_space<hbm>>) target(%arg9 : memref<128x128xf32, #tpu.memory_space<vmem>>) offsets(%dma_start3A_356 : memref<128xi32, #tpu.memory_space<vmem>>) semaphore(%arg11 : memref<!tpu.dma_semaphore, #tpu.memory_space<semaphore_mem>>)
      %dma_wait3A_360 = arith.constant 0 : i32
      %dma_wait3A_361 = tpu.memref_slice %arg7[%add3A_353, %dma_wait3A_360] : memref<40x128xi32, #tpu.memory_space<vmem>> -> memref<1x128xi32, #tpu.memory_space<vmem>>
      %dma_wait3A_362 = tpu.memref_squeeze %dma_wait3A_361 : memref<1x128xi32, #tpu.memory_space<vmem>> -> memref<128xi32, #tpu.memory_space<vmem>>
      %dma_wait3A_363 = arith.constant 0 : i32
      %dma_wait3A_364 = arith.constant 0 : i32
      %dma_wait3A_365 = tpu.memref_slice %arg2[%dma_wait3A_363, %dma_wait3A_364] : memref<10128x128xf32, #tpu.memory_space<hbm>> -> memref<10128x128xf32, #tpu.memory_space<hbm>>
      tpu.wait_indirect_dma semaphore(%arg11 : memref<!tpu.dma_semaphore, #tpu.memory_space<semaphore_mem>>) src(%dma_wait3A_365 : memref<10128x128xf32, #tpu.memory_space<hbm>>) dst(%arg9 : memref<128x128xf32, #tpu.memory_space<vmem>>)
      %dma_wait3A_366 = arith.constant 0 : i32
      %dma_wait3A_367 = tpu.memref_slice %arg8[%add3A_345, %dma_wait3A_366] : memref<40x128xi32, #tpu.memory_space<vmem>> -> memref<1x128xi32, #tpu.memory_space<vmem>>
      %dma_wait3A_368 = tpu.memref_squeeze %dma_wait3A_367 : memref<1x128xi32, #tpu.memory_space<vmem>> -> memref<128xi32, #tpu.memory_space<vmem>>
      %dma_wait3A_369 = arith.constant 0 : i32
      %dma_wait3A_370 = arith.constant 0 : i32
      %dma_wait3A_371 = tpu.memref_slice %arg13[%dma_wait3A_369, %dma_wait3A_370] : memref<10128x128xf32, #tpu.memory_space<vmem_shared>> -> memref<10128x128xf32, #tpu.memory_space<vmem_shared>>
      tpu.wait_indirect_dma semaphore(%arg12 : memref<!tpu.dma_semaphore, #tpu.memory_space<semaphore_mem>>) src(%arg10 : memref<128x128xf32, #tpu.memory_space<vmem>>) dst(%dma_wait3A_371 : memref<10128x128xf32, #tpu.memory_space<vmem_shared>>)
      %add3A_372 = arith.constant 12 : i32
      %add3A_373 = arith.addi %mul3A_23, %add3A_372 : i32
      %dma_start3A_374 = arith.constant 0 : i32
      %dma_start3A_375 = tpu.memref_slice %arg8[%add3A_373, %dma_start3A_374] : memref<40x128xi32, #tpu.memory_space<vmem>> -> memref<1x128xi32, #tpu.memory_space<vmem>>
      %dma_start3A_376 = tpu.memref_squeeze %dma_start3A_375 : memref<1x128xi32, #tpu.memory_space<vmem>> -> memref<128xi32, #tpu.memory_space<vmem>>
      %dma_start3A_377 = arith.constant 0 : i32
      %dma_start3A_378 = arith.constant 0 : i32
      %dma_start3A_379 = tpu.memref_slice %arg13[%dma_start3A_377, %dma_start3A_378] : memref<10128x128xf32, #tpu.memory_space<vmem_shared>> -> memref<10128x128xf32, #tpu.memory_space<vmem_shared>>
      tpu.enqueue_indirect_dma source(%arg9 : memref<128x128xf32, #tpu.memory_space<vmem>>) target(%dma_start3A_379 : memref<10128x128xf32, #tpu.memory_space<vmem_shared>>) offsets(%dma_start3A_376 : memref<128xi32, #tpu.memory_space<vmem>>) semaphore(%arg12 : memref<!tpu.dma_semaphore, #tpu.memory_space<semaphore_mem>>) {add = true}
      %add3A_380 = arith.constant 13 : i32
      %add3A_381 = arith.addi %mul3A_23, %add3A_380 : i32
      %dma_start3A_382 = arith.constant 0 : i32
      %dma_start3A_383 = tpu.memref_slice %arg7[%add3A_381, %dma_start3A_382] : memref<40x128xi32, #tpu.memory_space<vmem>> -> memref<1x128xi32, #tpu.memory_space<vmem>>
      %dma_start3A_384 = tpu.memref_squeeze %dma_start3A_383 : memref<1x128xi32, #tpu.memory_space<vmem>> -> memref<128xi32, #tpu.memory_space<vmem>>
      %dma_start3A_385 = arith.constant 0 : i32
      %dma_start3A_386 = arith.constant 0 : i32
      %dma_start3A_387 = tpu.memref_slice %arg2[%dma_start3A_385, %dma_start3A_386] : memref<10128x128xf32, #tpu.memory_space<hbm>> -> memref<10128x128xf32, #tpu.memory_space<hbm>>
      tpu.enqueue_indirect_dma source(%dma_start3A_387 : memref<10128x128xf32, #tpu.memory_space<hbm>>) target(%arg10 : memref<128x128xf32, #tpu.memory_space<vmem>>) offsets(%dma_start3A_384 : memref<128xi32, #tpu.memory_space<vmem>>) semaphore(%arg11 : memref<!tpu.dma_semaphore, #tpu.memory_space<semaphore_mem>>)
      %dma_wait3A_388 = arith.constant 0 : i32
      %dma_wait3A_389 = tpu.memref_slice %arg7[%add3A_381, %dma_wait3A_388] : memref<40x128xi32, #tpu.memory_space<vmem>> -> memref<1x128xi32, #tpu.memory_space<vmem>>
      %dma_wait3A_390 = tpu.memref_squeeze %dma_wait3A_389 : memref<1x128xi32, #tpu.memory_space<vmem>> -> memref<128xi32, #tpu.memory_space<vmem>>
      %dma_wait3A_391 = arith.constant 0 : i32
      %dma_wait3A_392 = arith.constant 0 : i32
      %dma_wait3A_393 = tpu.memref_slice %arg2[%dma_wait3A_391, %dma_wait3A_392] : memref<10128x128xf32, #tpu.memory_space<hbm>> -> memref<10128x128xf32, #tpu.memory_space<hbm>>
      tpu.wait_indirect_dma semaphore(%arg11 : memref<!tpu.dma_semaphore, #tpu.memory_space<semaphore_mem>>) src(%dma_wait3A_393 : memref<10128x128xf32, #tpu.memory_space<hbm>>) dst(%arg10 : memref<128x128xf32, #tpu.memory_space<vmem>>)
      %dma_wait3A_394 = arith.constant 0 : i32
      %dma_wait3A_395 = tpu.memref_slice %arg8[%add3A_373, %dma_wait3A_394] : memref<40x128xi32, #tpu.memory_space<vmem>> -> memref<1x128xi32, #tpu.memory_space<vmem>>
      %dma_wait3A_396 = tpu.memref_squeeze %dma_wait3A_395 : memref<1x128xi32, #tpu.memory_space<vmem>> -> memref<128xi32, #tpu.memory_space<vmem>>
      %dma_wait3A_397 = arith.constant 0 : i32
      %dma_wait3A_398 = arith.constant 0 : i32
      %dma_wait3A_399 = tpu.memref_slice %arg13[%dma_wait3A_397, %dma_wait3A_398] : memref<10128x128xf32, #tpu.memory_space<vmem_shared>> -> memref<10128x128xf32, #tpu.memory_space<vmem_shared>>
      tpu.wait_indirect_dma semaphore(%arg12 : memref<!tpu.dma_semaphore, #tpu.memory_space<semaphore_mem>>) src(%arg9 : memref<128x128xf32, #tpu.memory_space<vmem>>) dst(%dma_wait3A_399 : memref<10128x128xf32, #tpu.memory_space<vmem_shared>>)
      %add3A_400 = arith.constant 13 : i32
      %add3A_401 = arith.addi %mul3A_23, %add3A_400 : i32
      %dma_start3A_402 = arith.constant 0 : i32
      %dma_start3A_403 = tpu.memref_slice %arg8[%add3A_401, %dma_start3A_402] : memref<40x128xi32, #tpu.memory_space<vmem>> -> memref<1x128xi32, #tpu.memory_space<vmem>>
      %dma_start3A_404 = tpu.memref_squeeze %dma_start3A_403 : memref<1x128xi32, #tpu.memory_space<vmem>> -> memref<128xi32, #tpu.memory_space<vmem>>
      %dma_start3A_405 = arith.constant 0 : i32
      %dma_start3A_406 = arith.constant 0 : i32
      %dma_start3A_407 = tpu.memref_slice %arg13[%dma_start3A_405, %dma_start3A_406] : memref<10128x128xf32, #tpu.memory_space<vmem_shared>> -> memref<10128x128xf32, #tpu.memory_space<vmem_shared>>
      tpu.enqueue_indirect_dma source(%arg10 : memref<128x128xf32, #tpu.memory_space<vmem>>) target(%dma_start3A_407 : memref<10128x128xf32, #tpu.memory_space<vmem_shared>>) offsets(%dma_start3A_404 : memref<128xi32, #tpu.memory_space<vmem>>) semaphore(%arg12 : memref<!tpu.dma_semaphore, #tpu.memory_space<semaphore_mem>>) {add = true}
      %add3A_408 = arith.constant 14 : i32
      %add3A_409 = arith.addi %mul3A_23, %add3A_408 : i32
      %dma_start3A_410 = arith.constant 0 : i32
      %dma_start3A_411 = tpu.memref_slice %arg7[%add3A_409, %dma_start3A_410] : memref<40x128xi32, #tpu.memory_space<vmem>> -> memref<1x128xi32, #tpu.memory_space<vmem>>
      %dma_start3A_412 = tpu.memref_squeeze %dma_start3A_411 : memref<1x128xi32, #tpu.memory_space<vmem>> -> memref<128xi32, #tpu.memory_space<vmem>>
      %dma_start3A_413 = arith.constant 0 : i32
      %dma_start3A_414 = arith.constant 0 : i32
      %dma_start3A_415 = tpu.memref_slice %arg2[%dma_start3A_413, %dma_start3A_414] : memref<10128x128xf32, #tpu.memory_space<hbm>> -> memref<10128x128xf32, #tpu.memory_space<hbm>>
      tpu.enqueue_indirect_dma source(%dma_start3A_415 : memref<10128x128xf32, #tpu.memory_space<hbm>>) target(%arg9 : memref<128x128xf32, #tpu.memory_space<vmem>>) offsets(%dma_start3A_412 : memref<128xi32, #tpu.memory_space<vmem>>) semaphore(%arg11 : memref<!tpu.dma_semaphore, #tpu.memory_space<semaphore_mem>>)
      %dma_wait3A_416 = arith.constant 0 : i32
      %dma_wait3A_417 = tpu.memref_slice %arg7[%add3A_409, %dma_wait3A_416] : memref<40x128xi32, #tpu.memory_space<vmem>> -> memref<1x128xi32, #tpu.memory_space<vmem>>
      %dma_wait3A_418 = tpu.memref_squeeze %dma_wait3A_417 : memref<1x128xi32, #tpu.memory_space<vmem>> -> memref<128xi32, #tpu.memory_space<vmem>>
      %dma_wait3A_419 = arith.constant 0 : i32
      %dma_wait3A_420 = arith.constant 0 : i32
      %dma_wait3A_421 = tpu.memref_slice %arg2[%dma_wait3A_419, %dma_wait3A_420] : memref<10128x128xf32, #tpu.memory_space<hbm>> -> memref<10128x128xf32, #tpu.memory_space<hbm>>
      tpu.wait_indirect_dma semaphore(%arg11 : memref<!tpu.dma_semaphore, #tpu.memory_space<semaphore_mem>>) src(%dma_wait3A_421 : memref<10128x128xf32, #tpu.memory_space<hbm>>) dst(%arg9 : memref<128x128xf32, #tpu.memory_space<vmem>>)
      %dma_wait3A_422 = arith.constant 0 : i32
      %dma_wait3A_423 = tpu.memref_slice %arg8[%add3A_401, %dma_wait3A_422] : memref<40x128xi32, #tpu.memory_space<vmem>> -> memref<1x128xi32, #tpu.memory_space<vmem>>
      %dma_wait3A_424 = tpu.memref_squeeze %dma_wait3A_423 : memref<1x128xi32, #tpu.memory_space<vmem>> -> memref<128xi32, #tpu.memory_space<vmem>>
      %dma_wait3A_425 = arith.constant 0 : i32
      %dma_wait3A_426 = arith.constant 0 : i32
      %dma_wait3A_427 = tpu.memref_slice %arg13[%dma_wait3A_425, %dma_wait3A_426] : memref<10128x128xf32, #tpu.memory_space<vmem_shared>> -> memref<10128x128xf32, #tpu.memory_space<vmem_shared>>
      tpu.wait_indirect_dma semaphore(%arg12 : memref<!tpu.dma_semaphore, #tpu.memory_space<semaphore_mem>>) src(%arg10 : memref<128x128xf32, #tpu.memory_space<vmem>>) dst(%dma_wait3A_427 : memref<10128x128xf32, #tpu.memory_space<vmem_shared>>)
      %add3A_428 = arith.constant 14 : i32
      %add3A_429 = arith.addi %mul3A_23, %add3A_428 : i32
      %dma_start3A_430 = arith.constant 0 : i32
      %dma_start3A_431 = tpu.memref_slice %arg8[%add3A_429, %dma_start3A_430] : memref<40x128xi32, #tpu.memory_space<vmem>> -> memref<1x128xi32, #tpu.memory_space<vmem>>
      %dma_start3A_432 = tpu.memref_squeeze %dma_start3A_431 : memref<1x128xi32, #tpu.memory_space<vmem>> -> memref<128xi32, #tpu.memory_space<vmem>>
      %dma_start3A_433 = arith.constant 0 : i32
      %dma_start3A_434 = arith.constant 0 : i32
      %dma_start3A_435 = tpu.memref_slice %arg13[%dma_start3A_433, %dma_start3A_434] : memref<10128x128xf32, #tpu.memory_space<vmem_shared>> -> memref<10128x128xf32, #tpu.memory_space<vmem_shared>>
      tpu.enqueue_indirect_dma source(%arg9 : memref<128x128xf32, #tpu.memory_space<vmem>>) target(%dma_start3A_435 : memref<10128x128xf32, #tpu.memory_space<vmem_shared>>) offsets(%dma_start3A_432 : memref<128xi32, #tpu.memory_space<vmem>>) semaphore(%arg12 : memref<!tpu.dma_semaphore, #tpu.memory_space<semaphore_mem>>) {add = true}
      %add3A_436 = arith.constant 15 : i32
      %add3A_437 = arith.addi %mul3A_23, %add3A_436 : i32
      %dma_start3A_438 = arith.constant 0 : i32
      %dma_start3A_439 = tpu.memref_slice %arg7[%add3A_437, %dma_start3A_438] : memref<40x128xi32, #tpu.memory_space<vmem>> -> memref<1x128xi32, #tpu.memory_space<vmem>>
      %dma_start3A_440 = tpu.memref_squeeze %dma_start3A_439 : memref<1x128xi32, #tpu.memory_space<vmem>> -> memref<128xi32, #tpu.memory_space<vmem>>
      %dma_start3A_441 = arith.constant 0 : i32
      %dma_start3A_442 = arith.constant 0 : i32
      %dma_start3A_443 = tpu.memref_slice %arg2[%dma_start3A_441, %dma_start3A_442] : memref<10128x128xf32, #tpu.memory_space<hbm>> -> memref<10128x128xf32, #tpu.memory_space<hbm>>
      tpu.enqueue_indirect_dma source(%dma_start3A_443 : memref<10128x128xf32, #tpu.memory_space<hbm>>) target(%arg10 : memref<128x128xf32, #tpu.memory_space<vmem>>) offsets(%dma_start3A_440 : memref<128xi32, #tpu.memory_space<vmem>>) semaphore(%arg11 : memref<!tpu.dma_semaphore, #tpu.memory_space<semaphore_mem>>)
      %dma_wait3A_444 = arith.constant 0 : i32
      %dma_wait3A_445 = tpu.memref_slice %arg7[%add3A_437, %dma_wait3A_444] : memref<40x128xi32, #tpu.memory_space<vmem>> -> memref<1x128xi32, #tpu.memory_space<vmem>>
      %dma_wait3A_446 = tpu.memref_squeeze %dma_wait3A_445 : memref<1x128xi32, #tpu.memory_space<vmem>> -> memref<128xi32, #tpu.memory_space<vmem>>
      %dma_wait3A_447 = arith.constant 0 : i32
      %dma_wait3A_448 = arith.constant 0 : i32
      %dma_wait3A_449 = tpu.memref_slice %arg2[%dma_wait3A_447, %dma_wait3A_448] : memref<10128x128xf32, #tpu.memory_space<hbm>> -> memref<10128x128xf32, #tpu.memory_space<hbm>>
      tpu.wait_indirect_dma semaphore(%arg11 : memref<!tpu.dma_semaphore, #tpu.memory_space<semaphore_mem>>) src(%dma_wait3A_449 : memref<10128x128xf32, #tpu.memory_space<hbm>>) dst(%arg10 : memref<128x128xf32, #tpu.memory_space<vmem>>)
      %dma_wait3A_450 = arith.constant 0 : i32
      %dma_wait3A_451 = tpu.memref_slice %arg8[%add3A_429, %dma_wait3A_450] : memref<40x128xi32, #tpu.memory_space<vmem>> -> memref<1x128xi32, #tpu.memory_space<vmem>>
      %dma_wait3A_452 = tpu.memref_squeeze %dma_wait3A_451 : memref<1x128xi32, #tpu.memory_space<vmem>> -> memref<128xi32, #tpu.memory_space<vmem>>
      %dma_wait3A_453 = arith.constant 0 : i32
      %dma_wait3A_454 = arith.constant 0 : i32
      %dma_wait3A_455 = tpu.memref_slice %arg13[%dma_wait3A_453, %dma_wait3A_454] : memref<10128x128xf32, #tpu.memory_space<vmem_shared>> -> memref<10128x128xf32, #tpu.memory_space<vmem_shared>>
      tpu.wait_indirect_dma semaphore(%arg12 : memref<!tpu.dma_semaphore, #tpu.memory_space<semaphore_mem>>) src(%arg9 : memref<128x128xf32, #tpu.memory_space<vmem>>) dst(%dma_wait3A_455 : memref<10128x128xf32, #tpu.memory_space<vmem_shared>>)
      %add3A_456 = arith.constant 15 : i32
      %add3A_457 = arith.addi %mul3A_23, %add3A_456 : i32
      %dma_start3A_458 = arith.constant 0 : i32
      %dma_start3A_459 = tpu.memref_slice %arg8[%add3A_457, %dma_start3A_458] : memref<40x128xi32, #tpu.memory_space<vmem>> -> memref<1x128xi32, #tpu.memory_space<vmem>>
      %dma_start3A_460 = tpu.memref_squeeze %dma_start3A_459 : memref<1x128xi32, #tpu.memory_space<vmem>> -> memref<128xi32, #tpu.memory_space<vmem>>
      %dma_start3A_461 = arith.constant 0 : i32
      %dma_start3A_462 = arith.constant 0 : i32
      %dma_start3A_463 = tpu.memref_slice %arg13[%dma_start3A_461, %dma_start3A_462] : memref<10128x128xf32, #tpu.memory_space<vmem_shared>> -> memref<10128x128xf32, #tpu.memory_space<vmem_shared>>
      tpu.enqueue_indirect_dma source(%arg10 : memref<128x128xf32, #tpu.memory_space<vmem>>) target(%dma_start3A_463 : memref<10128x128xf32, #tpu.memory_space<vmem_shared>>) offsets(%dma_start3A_460 : memref<128xi32, #tpu.memory_space<vmem>>) semaphore(%arg12 : memref<!tpu.dma_semaphore, #tpu.memory_space<semaphore_mem>>) {add = true}
      %add3A_464 = arith.constant 16 : i32
      %add3A_465 = arith.addi %mul3A_23, %add3A_464 : i32
      %dma_start3A_466 = arith.constant 0 : i32
      %dma_start3A_467 = tpu.memref_slice %arg7[%add3A_465, %dma_start3A_466] : memref<40x128xi32, #tpu.memory_space<vmem>> -> memref<1x128xi32, #tpu.memory_space<vmem>>
      %dma_start3A_468 = tpu.memref_squeeze %dma_start3A_467 : memref<1x128xi32, #tpu.memory_space<vmem>> -> memref<128xi32, #tpu.memory_space<vmem>>
      %dma_start3A_469 = arith.constant 0 : i32
      %dma_start3A_470 = arith.constant 0 : i32
      %dma_start3A_471 = tpu.memref_slice %arg2[%dma_start3A_469, %dma_start3A_470] : memref<10128x128xf32, #tpu.memory_space<hbm>> -> memref<10128x128xf32, #tpu.memory_space<hbm>>
      tpu.enqueue_indirect_dma source(%dma_start3A_471 : memref<10128x128xf32, #tpu.memory_space<hbm>>) target(%arg9 : memref<128x128xf32, #tpu.memory_space<vmem>>) offsets(%dma_start3A_468 : memref<128xi32, #tpu.memory_space<vmem>>) semaphore(%arg11 : memref<!tpu.dma_semaphore, #tpu.memory_space<semaphore_mem>>)
      %dma_wait3A_472 = arith.constant 0 : i32
      %dma_wait3A_473 = tpu.memref_slice %arg7[%add3A_465, %dma_wait3A_472] : memref<40x128xi32, #tpu.memory_space<vmem>> -> memref<1x128xi32, #tpu.memory_space<vmem>>
      %dma_wait3A_474 = tpu.memref_squeeze %dma_wait3A_473 : memref<1x128xi32, #tpu.memory_space<vmem>> -> memref<128xi32, #tpu.memory_space<vmem>>
      %dma_wait3A_475 = arith.constant 0 : i32
      %dma_wait3A_476 = arith.constant 0 : i32
      %dma_wait3A_477 = tpu.memref_slice %arg2[%dma_wait3A_475, %dma_wait3A_476] : memref<10128x128xf32, #tpu.memory_space<hbm>> -> memref<10128x128xf32, #tpu.memory_space<hbm>>
      tpu.wait_indirect_dma semaphore(%arg11 : memref<!tpu.dma_semaphore, #tpu.memory_space<semaphore_mem>>) src(%dma_wait3A_477 : memref<10128x128xf32, #tpu.memory_space<hbm>>) dst(%arg9 : memref<128x128xf32, #tpu.memory_space<vmem>>)
      %dma_wait3A_478 = arith.constant 0 : i32
      %dma_wait3A_479 = tpu.memref_slice %arg8[%add3A_457, %dma_wait3A_478] : memref<40x128xi32, #tpu.memory_space<vmem>> -> memref<1x128xi32, #tpu.memory_space<vmem>>
      %dma_wait3A_480 = tpu.memref_squeeze %dma_wait3A_479 : memref<1x128xi32, #tpu.memory_space<vmem>> -> memref<128xi32, #tpu.memory_space<vmem>>
      %dma_wait3A_481 = arith.constant 0 : i32
      %dma_wait3A_482 = arith.constant 0 : i32
      %dma_wait3A_483 = tpu.memref_slice %arg13[%dma_wait3A_481, %dma_wait3A_482] : memref<10128x128xf32, #tpu.memory_space<vmem_shared>> -> memref<10128x128xf32, #tpu.memory_space<vmem_shared>>
      tpu.wait_indirect_dma semaphore(%arg12 : memref<!tpu.dma_semaphore, #tpu.memory_space<semaphore_mem>>) src(%arg10 : memref<128x128xf32, #tpu.memory_space<vmem>>) dst(%dma_wait3A_483 : memref<10128x128xf32, #tpu.memory_space<vmem_shared>>)
      %add3A_484 = arith.constant 16 : i32
      %add3A_485 = arith.addi %mul3A_23, %add3A_484 : i32
      %dma_start3A_486 = arith.constant 0 : i32
      %dma_start3A_487 = tpu.memref_slice %arg8[%add3A_485, %dma_start3A_486] : memref<40x128xi32, #tpu.memory_space<vmem>> -> memref<1x128xi32, #tpu.memory_space<vmem>>
      %dma_start3A_488 = tpu.memref_squeeze %dma_start3A_487 : memref<1x128xi32, #tpu.memory_space<vmem>> -> memref<128xi32, #tpu.memory_space<vmem>>
      %dma_start3A_489 = arith.constant 0 : i32
      %dma_start3A_490 = arith.constant 0 : i32
      %dma_start3A_491 = tpu.memref_slice %arg13[%dma_start3A_489, %dma_start3A_490] : memref<10128x128xf32, #tpu.memory_space<vmem_shared>> -> memref<10128x128xf32, #tpu.memory_space<vmem_shared>>
      tpu.enqueue_indirect_dma source(%arg9 : memref<128x128xf32, #tpu.memory_space<vmem>>) target(%dma_start3A_491 : memref<10128x128xf32, #tpu.memory_space<vmem_shared>>) offsets(%dma_start3A_488 : memref<128xi32, #tpu.memory_space<vmem>>) semaphore(%arg12 : memref<!tpu.dma_semaphore, #tpu.memory_space<semaphore_mem>>) {add = true}
      %add3A_492 = arith.constant 17 : i32
      %add3A_493 = arith.addi %mul3A_23, %add3A_492 : i32
      %dma_start3A_494 = arith.constant 0 : i32
      %dma_start3A_495 = tpu.memref_slice %arg7[%add3A_493, %dma_start3A_494] : memref<40x128xi32, #tpu.memory_space<vmem>> -> memref<1x128xi32, #tpu.memory_space<vmem>>
      %dma_start3A_496 = tpu.memref_squeeze %dma_start3A_495 : memref<1x128xi32, #tpu.memory_space<vmem>> -> memref<128xi32, #tpu.memory_space<vmem>>
      %dma_start3A_497 = arith.constant 0 : i32
      %dma_start3A_498 = arith.constant 0 : i32
      %dma_start3A_499 = tpu.memref_slice %arg2[%dma_start3A_497, %dma_start3A_498] : memref<10128x128xf32, #tpu.memory_space<hbm>> -> memref<10128x128xf32, #tpu.memory_space<hbm>>
      tpu.enqueue_indirect_dma source(%dma_start3A_499 : memref<10128x128xf32, #tpu.memory_space<hbm>>) target(%arg10 : memref<128x128xf32, #tpu.memory_space<vmem>>) offsets(%dma_start3A_496 : memref<128xi32, #tpu.memory_space<vmem>>) semaphore(%arg11 : memref<!tpu.dma_semaphore, #tpu.memory_space<semaphore_mem>>)
      %dma_wait3A_500 = arith.constant 0 : i32
      %dma_wait3A_501 = tpu.memref_slice %arg7[%add3A_493, %dma_wait3A_500] : memref<40x128xi32, #tpu.memory_space<vmem>> -> memref<1x128xi32, #tpu.memory_space<vmem>>
      %dma_wait3A_502 = tpu.memref_squeeze %dma_wait3A_501 : memref<1x128xi32, #tpu.memory_space<vmem>> -> memref<128xi32, #tpu.memory_space<vmem>>
      %dma_wait3A_503 = arith.constant 0 : i32
      %dma_wait3A_504 = arith.constant 0 : i32
      %dma_wait3A_505 = tpu.memref_slice %arg2[%dma_wait3A_503, %dma_wait3A_504] : memref<10128x128xf32, #tpu.memory_space<hbm>> -> memref<10128x128xf32, #tpu.memory_space<hbm>>
      tpu.wait_indirect_dma semaphore(%arg11 : memref<!tpu.dma_semaphore, #tpu.memory_space<semaphore_mem>>) src(%dma_wait3A_505 : memref<10128x128xf32, #tpu.memory_space<hbm>>) dst(%arg10 : memref<128x128xf32, #tpu.memory_space<vmem>>)
      %dma_wait3A_506 = arith.constant 0 : i32
      %dma_wait3A_507 = tpu.memref_slice %arg8[%add3A_485, %dma_wait3A_506] : memref<40x128xi32, #tpu.memory_space<vmem>> -> memref<1x128xi32, #tpu.memory_space<vmem>>
      %dma_wait3A_508 = tpu.memref_squeeze %dma_wait3A_507 : memref<1x128xi32, #tpu.memory_space<vmem>> -> memref<128xi32, #tpu.memory_space<vmem>>
      %dma_wait3A_509 = arith.constant 0 : i32
      %dma_wait3A_510 = arith.constant 0 : i32
      %dma_wait3A_511 = tpu.memref_slice %arg13[%dma_wait3A_509, %dma_wait3A_510] : memref<10128x128xf32, #tpu.memory_space<vmem_shared>> -> memref<10128x128xf32, #tpu.memory_space<vmem_shared>>
      tpu.wait_indirect_dma semaphore(%arg12 : memref<!tpu.dma_semaphore, #tpu.memory_space<semaphore_mem>>) src(%arg9 : memref<128x128xf32, #tpu.memory_space<vmem>>) dst(%dma_wait3A_511 : memref<10128x128xf32, #tpu.memory_space<vmem_shared>>)
      %add3A_512 = arith.constant 17 : i32
      %add3A_513 = arith.addi %mul3A_23, %add3A_512 : i32
      %dma_start3A_514 = arith.constant 0 : i32
      %dma_start3A_515 = tpu.memref_slice %arg8[%add3A_513, %dma_start3A_514] : memref<40x128xi32, #tpu.memory_space<vmem>> -> memref<1x128xi32, #tpu.memory_space<vmem>>
      %dma_start3A_516 = tpu.memref_squeeze %dma_start3A_515 : memref<1x128xi32, #tpu.memory_space<vmem>> -> memref<128xi32, #tpu.memory_space<vmem>>
      %dma_start3A_517 = arith.constant 0 : i32
      %dma_start3A_518 = arith.constant 0 : i32
      %dma_start3A_519 = tpu.memref_slice %arg13[%dma_start3A_517, %dma_start3A_518] : memref<10128x128xf32, #tpu.memory_space<vmem_shared>> -> memref<10128x128xf32, #tpu.memory_space<vmem_shared>>
      tpu.enqueue_indirect_dma source(%arg10 : memref<128x128xf32, #tpu.memory_space<vmem>>) target(%dma_start3A_519 : memref<10128x128xf32, #tpu.memory_space<vmem_shared>>) offsets(%dma_start3A_516 : memref<128xi32, #tpu.memory_space<vmem>>) semaphore(%arg12 : memref<!tpu.dma_semaphore, #tpu.memory_space<semaphore_mem>>) {add = true}
      %add3A_520 = arith.constant 18 : i32
      %add3A_521 = arith.addi %mul3A_23, %add3A_520 : i32
      %dma_start3A_522 = arith.constant 0 : i32
      %dma_start3A_523 = tpu.memref_slice %arg7[%add3A_521, %dma_start3A_522] : memref<40x128xi32, #tpu.memory_space<vmem>> -> memref<1x128xi32, #tpu.memory_space<vmem>>
      %dma_start3A_524 = tpu.memref_squeeze %dma_start3A_523 : memref<1x128xi32, #tpu.memory_space<vmem>> -> memref<128xi32, #tpu.memory_space<vmem>>
      %dma_start3A_525 = arith.constant 0 : i32
      %dma_start3A_526 = arith.constant 0 : i32
      %dma_start3A_527 = tpu.memref_slice %arg2[%dma_start3A_525, %dma_start3A_526] : memref<10128x128xf32, #tpu.memory_space<hbm>> -> memref<10128x128xf32, #tpu.memory_space<hbm>>
      tpu.enqueue_indirect_dma source(%dma_start3A_527 : memref<10128x128xf32, #tpu.memory_space<hbm>>) target(%arg9 : memref<128x128xf32, #tpu.memory_space<vmem>>) offsets(%dma_start3A_524 : memref<128xi32, #tpu.memory_space<vmem>>) semaphore(%arg11 : memref<!tpu.dma_semaphore, #tpu.memory_space<semaphore_mem>>)
      %dma_wait3A_528 = arith.constant 0 : i32
      %dma_wait3A_529 = tpu.memref_slice %arg7[%add3A_521, %dma_wait3A_528] : memref<40x128xi32, #tpu.memory_space<vmem>> -> memref<1x128xi32, #tpu.memory_space<vmem>>
      %dma_wait3A_530 = tpu.memref_squeeze %dma_wait3A_529 : memref<1x128xi32, #tpu.memory_space<vmem>> -> memref<128xi32, #tpu.memory_space<vmem>>
      %dma_wait3A_531 = arith.constant 0 : i32
      %dma_wait3A_532 = arith.constant 0 : i32
      %dma_wait3A_533 = tpu.memref_slice %arg2[%dma_wait3A_531, %dma_wait3A_532] : memref<10128x128xf32, #tpu.memory_space<hbm>> -> memref<10128x128xf32, #tpu.memory_space<hbm>>
      tpu.wait_indirect_dma semaphore(%arg11 : memref<!tpu.dma_semaphore, #tpu.memory_space<semaphore_mem>>) src(%dma_wait3A_533 : memref<10128x128xf32, #tpu.memory_space<hbm>>) dst(%arg9 : memref<128x128xf32, #tpu.memory_space<vmem>>)
      %dma_wait3A_534 = arith.constant 0 : i32
      %dma_wait3A_535 = tpu.memref_slice %arg8[%add3A_513, %dma_wait3A_534] : memref<40x128xi32, #tpu.memory_space<vmem>> -> memref<1x128xi32, #tpu.memory_space<vmem>>
      %dma_wait3A_536 = tpu.memref_squeeze %dma_wait3A_535 : memref<1x128xi32, #tpu.memory_space<vmem>> -> memref<128xi32, #tpu.memory_space<vmem>>
      %dma_wait3A_537 = arith.constant 0 : i32
      %dma_wait3A_538 = arith.constant 0 : i32
      %dma_wait3A_539 = tpu.memref_slice %arg13[%dma_wait3A_537, %dma_wait3A_538] : memref<10128x128xf32, #tpu.memory_space<vmem_shared>> -> memref<10128x128xf32, #tpu.memory_space<vmem_shared>>
      tpu.wait_indirect_dma semaphore(%arg12 : memref<!tpu.dma_semaphore, #tpu.memory_space<semaphore_mem>>) src(%arg10 : memref<128x128xf32, #tpu.memory_space<vmem>>) dst(%dma_wait3A_539 : memref<10128x128xf32, #tpu.memory_space<vmem_shared>>)
      %add3A_540 = arith.constant 18 : i32
      %add3A_541 = arith.addi %mul3A_23, %add3A_540 : i32
      %dma_start3A_542 = arith.constant 0 : i32
      %dma_start3A_543 = tpu.memref_slice %arg8[%add3A_541, %dma_start3A_542] : memref<40x128xi32, #tpu.memory_space<vmem>> -> memref<1x128xi32, #tpu.memory_space<vmem>>
      %dma_start3A_544 = tpu.memref_squeeze %dma_start3A_543 : memref<1x128xi32, #tpu.memory_space<vmem>> -> memref<128xi32, #tpu.memory_space<vmem>>
      %dma_start3A_545 = arith.constant 0 : i32
      %dma_start3A_546 = arith.constant 0 : i32
      %dma_start3A_547 = tpu.memref_slice %arg13[%dma_start3A_545, %dma_start3A_546] : memref<10128x128xf32, #tpu.memory_space<vmem_shared>> -> memref<10128x128xf32, #tpu.memory_space<vmem_shared>>
      tpu.enqueue_indirect_dma source(%arg9 : memref<128x128xf32, #tpu.memory_space<vmem>>) target(%dma_start3A_547 : memref<10128x128xf32, #tpu.memory_space<vmem_shared>>) offsets(%dma_start3A_544 : memref<128xi32, #tpu.memory_space<vmem>>) semaphore(%arg12 : memref<!tpu.dma_semaphore, #tpu.memory_space<semaphore_mem>>) {add = true}
      %add3A_548 = arith.constant 19 : i32
      %add3A_549 = arith.addi %mul3A_23, %add3A_548 : i32
      %dma_start3A_550 = arith.constant 0 : i32
      %dma_start3A_551 = tpu.memref_slice %arg7[%add3A_549, %dma_start3A_550] : memref<40x128xi32, #tpu.memory_space<vmem>> -> memref<1x128xi32, #tpu.memory_space<vmem>>
      %dma_start3A_552 = tpu.memref_squeeze %dma_start3A_551 : memref<1x128xi32, #tpu.memory_space<vmem>> -> memref<128xi32, #tpu.memory_space<vmem>>
      %dma_start3A_553 = arith.constant 0 : i32
      %dma_start3A_554 = arith.constant 0 : i32
      %dma_start3A_555 = tpu.memref_slice %arg2[%dma_start3A_553, %dma_start3A_554] : memref<10128x128xf32, #tpu.memory_space<hbm>> -> memref<10128x128xf32, #tpu.memory_space<hbm>>
      tpu.enqueue_indirect_dma source(%dma_start3A_555 : memref<10128x128xf32, #tpu.memory_space<hbm>>) target(%arg10 : memref<128x128xf32, #tpu.memory_space<vmem>>) offsets(%dma_start3A_552 : memref<128xi32, #tpu.memory_space<vmem>>) semaphore(%arg11 : memref<!tpu.dma_semaphore, #tpu.memory_space<semaphore_mem>>)
      %dma_wait3A_556 = arith.constant 0 : i32
      %dma_wait3A_557 = tpu.memref_slice %arg7[%add3A_549, %dma_wait3A_556] : memref<40x128xi32, #tpu.memory_space<vmem>> -> memref<1x128xi32, #tpu.memory_space<vmem>>
      %dma_wait3A_558 = tpu.memref_squeeze %dma_wait3A_557 : memref<1x128xi32, #tpu.memory_space<vmem>> -> memref<128xi32, #tpu.memory_space<vmem>>
      %dma_wait3A_559 = arith.constant 0 : i32
      %dma_wait3A_560 = arith.constant 0 : i32
      %dma_wait3A_561 = tpu.memref_slice %arg2[%dma_wait3A_559, %dma_wait3A_560] : memref<10128x128xf32, #tpu.memory_space<hbm>> -> memref<10128x128xf32, #tpu.memory_space<hbm>>
      tpu.wait_indirect_dma semaphore(%arg11 : memref<!tpu.dma_semaphore, #tpu.memory_space<semaphore_mem>>) src(%dma_wait3A_561 : memref<10128x128xf32, #tpu.memory_space<hbm>>) dst(%arg10 : memref<128x128xf32, #tpu.memory_space<vmem>>)
      %dma_wait3A_562 = arith.constant 0 : i32
      %dma_wait3A_563 = tpu.memref_slice %arg8[%add3A_541, %dma_wait3A_562] : memref<40x128xi32, #tpu.memory_space<vmem>> -> memref<1x128xi32, #tpu.memory_space<vmem>>
      %dma_wait3A_564 = tpu.memref_squeeze %dma_wait3A_563 : memref<1x128xi32, #tpu.memory_space<vmem>> -> memref<128xi32, #tpu.memory_space<vmem>>
      %dma_wait3A_565 = arith.constant 0 : i32
      %dma_wait3A_566 = arith.constant 0 : i32
      %dma_wait3A_567 = tpu.memref_slice %arg13[%dma_wait3A_565, %dma_wait3A_566] : memref<10128x128xf32, #tpu.memory_space<vmem_shared>> -> memref<10128x128xf32, #tpu.memory_space<vmem_shared>>
      tpu.wait_indirect_dma semaphore(%arg12 : memref<!tpu.dma_semaphore, #tpu.memory_space<semaphore_mem>>) src(%arg9 : memref<128x128xf32, #tpu.memory_space<vmem>>) dst(%dma_wait3A_567 : memref<10128x128xf32, #tpu.memory_space<vmem_shared>>)
      %add3A_568 = arith.constant 19 : i32
      %add3A_569 = arith.addi %mul3A_23, %add3A_568 : i32
      %dma_start3A_570 = arith.constant 0 : i32
      %dma_start3A_571 = tpu.memref_slice %arg8[%add3A_569, %dma_start3A_570] : memref<40x128xi32, #tpu.memory_space<vmem>> -> memref<1x128xi32, #tpu.memory_space<vmem>>
      %dma_start3A_572 = tpu.memref_squeeze %dma_start3A_571 : memref<1x128xi32, #tpu.memory_space<vmem>> -> memref<128xi32, #tpu.memory_space<vmem>>
      %dma_start3A_573 = arith.constant 0 : i32
      %dma_start3A_574 = arith.constant 0 : i32
      %dma_start3A_575 = tpu.memref_slice %arg13[%dma_start3A_573, %dma_start3A_574] : memref<10128x128xf32, #tpu.memory_space<vmem_shared>> -> memref<10128x128xf32, #tpu.memory_space<vmem_shared>>
      tpu.enqueue_indirect_dma source(%arg10 : memref<128x128xf32, #tpu.memory_space<vmem>>) target(%dma_start3A_575 : memref<10128x128xf32, #tpu.memory_space<vmem_shared>>) offsets(%dma_start3A_572 : memref<128xi32, #tpu.memory_space<vmem>>) semaphore(%arg12 : memref<!tpu.dma_semaphore, #tpu.memory_space<semaphore_mem>>) {add = true}
      %dma_wait3A_576 = arith.constant 0 : i32
      %dma_wait3A_577 = tpu.memref_slice %arg8[%add3A_569, %dma_wait3A_576] : memref<40x128xi32, #tpu.memory_space<vmem>> -> memref<1x128xi32, #tpu.memory_space<vmem>>
      %dma_wait3A_578 = tpu.memref_squeeze %dma_wait3A_577 : memref<1x128xi32, #tpu.memory_space<vmem>> -> memref<128xi32, #tpu.memory_space<vmem>>
      %dma_wait3A_579 = arith.constant 0 : i32
      %dma_wait3A_580 = arith.constant 0 : i32
      %dma_wait3A_581 = tpu.memref_slice %arg13[%dma_wait3A_579, %dma_wait3A_580] : memref<10128x128xf32, #tpu.memory_space<vmem_shared>> -> memref<10128x128xf32, #tpu.memory_space<vmem_shared>>
      tpu.wait_indirect_dma semaphore(%arg12 : memref<!tpu.dma_semaphore, #tpu.memory_space<semaphore_mem>>) src(%arg10 : memref<128x128xf32, #tpu.memory_space<vmem>>) dst(%dma_wait3A_581 : memref<10128x128xf32, #tpu.memory_space<vmem_shared>>)
    }
    %scan3A_19 = arith.constant 2 : i32
    %barrier3A_20 = arith.constant 0 : index
    tpu.barrier barrier_id(%barrier3A_20)
    "tpu.region"() ({
      %run_scoped3A = tpu.sem_alloc : memref<!tpu.dma_semaphore, #tpu.memory_space<semaphore_mem>>
      %dma_start3A = arith.constant 0 : i32
      %dma_start3A_21 = tpu.memref_slice %arg6[%arg0, %mul3A_2, %dma_start3A] : memref<2x10000x128xf32, #tpu.memory_space<hbm>> -> memref<1x625x128xf32, #tpu.memory_space<hbm>>
      %dma_start3A_22 = tpu.memref_squeeze %dma_start3A_21 : memref<1x625x128xf32, #tpu.memory_space<hbm>> -> memref<625x128xf32, #tpu.memory_space<hbm>>
      %dma_start3A_23 = arith.constant 0 : i32
      %dma_start3A_24 = tpu.memref_slice %arg13[%mul3A_2, %dma_start3A_23] : memref<10128x128xf32, #tpu.memory_space<vmem_shared>> -> memref<625x128xf32, #tpu.memory_space<vmem_shared>>
      tpu.enqueue_dma source(%dma_start3A_24 : memref<625x128xf32, #tpu.memory_space<vmem_shared>>) target(%dma_start3A_22 : memref<625x128xf32, #tpu.memory_space<hbm>>) target_semaphore(%run_scoped3A : memref<!tpu.dma_semaphore, #tpu.memory_space<semaphore_mem>>)
      %dma_wait3A = arith.constant 0 : i32
      %dma_wait3A_25 = tpu.memref_slice %arg6[%arg0, %mul3A_2, %dma_wait3A] : memref<2x10000x128xf32, #tpu.memory_space<hbm>> -> memref<1x625x128xf32, #tpu.memory_space<hbm>>
      %dma_wait3A_26 = tpu.memref_squeeze %dma_wait3A_25 : memref<1x625x128xf32, #tpu.memory_space<hbm>> -> memref<625x128xf32, #tpu.memory_space<hbm>>
      %dma_wait3A_27 = arith.constant 0 : i32
      %dma_wait3A_28 = tpu.memref_slice %arg13[%mul3A_2, %dma_wait3A_27] : memref<10128x128xf32, #tpu.memory_space<vmem_shared>> -> memref<625x128xf32, #tpu.memory_space<vmem_shared>>
      tpu.wait_dma2 semaphore(%run_scoped3A : memref<!tpu.dma_semaphore, #tpu.memory_space<semaphore_mem>>) src(%dma_wait3A_28 : memref<625x128xf32, #tpu.memory_space<vmem_shared>>) dst(%dma_wait3A_26 : memref<625x128xf32, #tpu.memory_space<hbm>>)
      tpu.yield
    }) : () -> ()
    return
  }
}

module attributes {stable_mosaic.version = 14 : i64} {
  func.func @body(%arg0: memref<10000x32xf32, #tpu.memory_space<vmem>>, %arg1: memref<10000x128xf32, #tpu.memory_space<vmem>>, %arg2: memref<128x64xf32, #tpu.memory_space<vmem>>, %arg3: memref<10128x64xf32, #tpu.memory_space<vmem>>, %arg4: memref<10000x1xf32, #tpu.memory_space<vmem>>) attributes {dimension_semantics = [], scalar_prefetch = 0 : i64, scratch_operands = 0 : i64, tpu.core_type = #tpu.core_type<tc>} {
    %get3A = arith.constant 0 : index
    %get3A_0 = arith.constant 0 : index
    %get3A_1 = vector.load %arg0[%get3A, %get3A_0] : memref<10000x32xf32, #tpu.memory_space<vmem>>, vector<10000x32xf32>
    %reduce_sum3A = arith.constant dense<0.000000e+00> : vector<10000xf32>
    %reduce_sum3A_2 = vector.multi_reduction <add>, %get3A_1, %reduce_sum3A [1] : vector<10000x32xf32> to vector<10000xf32>
    %broadcast_in_dim3A = vector.shape_cast %reduce_sum3A_2 : vector<10000xf32> to vector<10000x1xf32>
    %add3A = arith.constant 1.000000e+00 : f32
    %add3A_3 = vector.broadcast %add3A : f32 to vector<10000x1xf32>
    %add3A_4 = arith.addf %add3A_3, %broadcast_in_dim3A : vector<10000x1xf32>
    %rsqrt3A = math.rsqrt %add3A_4 : vector<10000x1xf32>
    %get3A_5 = arith.constant 0 : index
    %get3A_6 = arith.constant 0 : index
    %get3A_7 = vector.load %arg1[%get3A_5, %get3A_6] : memref<10000x128xf32, #tpu.memory_space<vmem>>, vector<10000x128xf32>
    %get3A_8 = arith.constant 0 : index
    %get3A_9 = arith.constant 0 : index
    %get3A_10 = vector.load %arg2[%get3A_8, %get3A_9] : memref<128x64xf32, #tpu.memory_space<vmem>>, vector<128x64xf32>
    %dot_general3A = arith.constant dense<0.000000e+00> : vector<10000x64xf32>
    %dot_general3A_11 = tpu.matmul %get3A_7, %get3A_10, %dot_general3A {dimension_numbers = #tpu.dot_dimension_numbers<[1], [0], [0], [1], [0, 0, 1, 1], [], []>, transpose_lhs_hint = false} : vector<10000x128xf32>, vector<128x64xf32>, vector<10000x64xf32> -> vector<10000x64xf32>
    %mul3A = vector.broadcast %rsqrt3A : vector<10000x1xf32> to vector<10000x64xf32>
    %mul3A_12 = arith.mulf %dot_general3A_11, %mul3A : vector<10000x64xf32>
    %swap3A = arith.constant 0 : index
    %swap3A_13 = arith.constant 0 : index
    %swap3A_14 = vector.load %arg3[%swap3A, %swap3A_13] : memref<10128x64xf32, #tpu.memory_space<vmem>>, vector<10000x64xf32>
    tpu.vector_store %arg3[%swap3A, %swap3A_13], %mul3A_12 {strides = array<i32>} : memref<10128x64xf32, #tpu.memory_space<vmem>>, vector<10000x64xf32>,
    %broadcast_in_dim3A_15 = arith.constant 0.000000e+00 : f32
    %broadcast_in_dim3A_16 = vector.broadcast %broadcast_in_dim3A_15 : f32 to vector<128x64xf32>
    %swap3A_17 = arith.constant 10000 : index
    %swap3A_18 = arith.constant 0 : index
    %swap3A_19 = vector.load %arg3[%swap3A_17, %swap3A_18] : memref<10128x64xf32, #tpu.memory_space<vmem>>, vector<128x64xf32>
    tpu.vector_store %arg3[%swap3A_17, %swap3A_18], %broadcast_in_dim3A_16 {strides = array<i32>} : memref<10128x64xf32, #tpu.memory_space<vmem>>, vector<128x64xf32>,
    %swap3A_20 = arith.constant 0 : index
    %swap3A_21 = arith.constant 0 : index
    %swap3A_22 = vector.load %arg4[%swap3A_20, %swap3A_21] : memref<10000x1xf32, #tpu.memory_space<vmem>>, vector<10000x1xf32>
    tpu.vector_store %arg4[%swap3A_20, %swap3A_21], %rsqrt3A {strides = array<i32>} : memref<10000x1xf32, #tpu.memory_space<vmem>>, vector<10000x1xf32>,
    return
  }
}

module attributes {stable_mosaic.version = 14 : i64} {
  func.func @body(%arg0: memref<2x10000x64xf32, #tpu.memory_space<vmem>>, %arg1: memref<10000x1xf32, #tpu.memory_space<vmem>>, %arg2: memref<1x64xf32, #tpu.memory_space<vmem>>, %arg3: memref<64x128xf32, #tpu.memory_space<vmem>>, %arg4: memref<10128x128xf32, #tpu.memory_space<vmem>>) attributes {dimension_semantics = [], scalar_prefetch = 0 : i64, scratch_operands = 0 : i64, tpu.core_type = #tpu.core_type<tc>} {
    %get3A = arith.constant 0 : index
    %get3A_0 = arith.constant 0 : index
    %get3A_1 = vector.load %arg1[%get3A, %get3A_0] : memref<10000x1xf32, #tpu.memory_space<vmem>>, vector<10000x1xf32>
    %get3A_2 = arith.constant 0 : index
    %get3A_3 = arith.constant 0 : index
    %get3A_4 = arith.constant 0 : index
    %get3A_5 = vector.load %arg0[%get3A_2, %get3A_3, %get3A_4] : memref<2x10000x64xf32, #tpu.memory_space<vmem>>, vector<1x10000x64xf32>
    %get3A_6 = vector.shape_cast %get3A_5 : vector<1x10000x64xf32> to vector<10000x64xf32>
    %get3A_7 = arith.constant 1 : index
    %get3A_8 = arith.constant 0 : index
    %get3A_9 = arith.constant 0 : index
    %get3A_10 = vector.load %arg0[%get3A_7, %get3A_8, %get3A_9] : memref<2x10000x64xf32, #tpu.memory_space<vmem>>, vector<1x10000x64xf32>
    %get3A_11 = vector.shape_cast %get3A_10 : vector<1x10000x64xf32> to vector<10000x64xf32>
    %add3A = arith.addf %get3A_6, %get3A_11 : vector<10000x64xf32>
    %mul3A = vector.broadcast %get3A_1 : vector<10000x1xf32> to vector<10000x64xf32>
    %mul3A_12 = arith.mulf %add3A, %mul3A : vector<10000x64xf32>
    %get3A_13 = arith.constant 0 : index
    %get3A_14 = arith.constant 0 : index
    %get3A_15 = vector.load %arg2[%get3A_13, %get3A_14] : memref<1x64xf32, #tpu.memory_space<vmem>>, vector<1x64xf32>
    %add3A_16 = vector.broadcast %get3A_15 : vector<1x64xf32> to vector<10000x64xf32>
    %add3A_17 = arith.addf %mul3A_12, %add3A_16 : vector<10000x64xf32>
    %max3A = arith.constant 0.000000e+00 : f32
    %max3A_18 = vector.broadcast %max3A : f32 to vector<10000x64xf32>
    %max3A_19 = arith.maximumf %add3A_17, %max3A_18 : vector<10000x64xf32>
    %get3A_20 = arith.constant 0 : index
    %get3A_21 = arith.constant 0 : index
    %get3A_22 = vector.load %arg3[%get3A_20, %get3A_21] : memref<64x128xf32, #tpu.memory_space<vmem>>, vector<64x128xf32>
    %dot_general3A = arith.constant dense<0.000000e+00> : vector<10000x128xf32>
    %dot_general3A_23 = tpu.matmul %max3A_19, %get3A_22, %dot_general3A {dimension_numbers = #tpu.dot_dimension_numbers<[1], [0], [0], [1], [0, 0, 1, 1], [], []>, transpose_lhs_hint = false} : vector<10000x64xf32>, vector<64x128xf32>, vector<10000x128xf32> -> vector<10000x128xf32>
    %mul3A_24 = vector.broadcast %get3A_1 : vector<10000x1xf32> to vector<10000x128xf32>
    %mul3A_25 = arith.mulf %dot_general3A_23, %mul3A_24 : vector<10000x128xf32>
    %swap3A = arith.constant 0 : index
    %swap3A_26 = arith.constant 0 : index
    %swap3A_27 = vector.load %arg4[%swap3A, %swap3A_26] : memref<10128x128xf32, #tpu.memory_space<vmem>>, vector<10000x128xf32>
    tpu.vector_store %arg4[%swap3A, %swap3A_26], %mul3A_25 {strides = array<i32>} : memref<10128x128xf32, #tpu.memory_space<vmem>>, vector<10000x128xf32>,
    %broadcast_in_dim3A = arith.constant 0.000000e+00 : f32
    %broadcast_in_dim3A_28 = vector.broadcast %broadcast_in_dim3A : f32 to vector<128x128xf32>
    %swap3A_29 = arith.constant 10000 : index
    %swap3A_30 = arith.constant 0 : index
    %swap3A_31 = vector.load %arg4[%swap3A_29, %swap3A_30] : memref<10128x128xf32, #tpu.memory_space<vmem>>, vector<128x128xf32>
    tpu.vector_store %arg4[%swap3A_29, %swap3A_30], %broadcast_in_dim3A_28 {strides = array<i32>} : memref<10128x128xf32, #tpu.memory_space<vmem>>, vector<128x128xf32>,
    return
  }
}

module attributes {stable_mosaic.version = 14 : i64} {
  func.func @body(%arg0: memref<2x10000x128xf32, #tpu.memory_space<vmem>>, %arg1: memref<10000x1xf32, #tpu.memory_space<vmem>>, %arg2: memref<1x128xf32, #tpu.memory_space<vmem>>, %arg3: memref<10000x128xf32, #tpu.memory_space<vmem>>) attributes {dimension_semantics = [], scalar_prefetch = 0 : i64, scratch_operands = 0 : i64, tpu.core_type = #tpu.core_type<tc>} {
    %get3A = arith.constant 0 : index
    %get3A_0 = arith.constant 0 : index
    %get3A_1 = arith.constant 0 : index
    %get3A_2 = vector.load %arg0[%get3A, %get3A_0, %get3A_1] : memref<2x10000x128xf32, #tpu.memory_space<vmem>>, vector<1x10000x128xf32>
    %get3A_3 = vector.shape_cast %get3A_2 : vector<1x10000x128xf32> to vector<10000x128xf32>
    %get3A_4 = arith.constant 1 : index
    %get3A_5 = arith.constant 0 : index
    %get3A_6 = arith.constant 0 : index
    %get3A_7 = vector.load %arg0[%get3A_4, %get3A_5, %get3A_6] : memref<2x10000x128xf32, #tpu.memory_space<vmem>>, vector<1x10000x128xf32>
    %get3A_8 = vector.shape_cast %get3A_7 : vector<1x10000x128xf32> to vector<10000x128xf32>
    %add3A = arith.addf %get3A_3, %get3A_8 : vector<10000x128xf32>
    %get3A_9 = arith.constant 0 : index
    %get3A_10 = arith.constant 0 : index
    %get3A_11 = vector.load %arg1[%get3A_9, %get3A_10] : memref<10000x1xf32, #tpu.memory_space<vmem>>, vector<10000x1xf32>
    %mul3A = vector.broadcast %get3A_11 : vector<10000x1xf32> to vector<10000x128xf32>
    %mul3A_12 = arith.mulf %add3A, %mul3A : vector<10000x128xf32>
    %get3A_13 = arith.constant 0 : index
    %get3A_14 = arith.constant 0 : index
    %get3A_15 = vector.load %arg2[%get3A_13, %get3A_14] : memref<1x128xf32, #tpu.memory_space<vmem>>, vector<1x128xf32>
    %add3A_16 = vector.broadcast %get3A_15 : vector<1x128xf32> to vector<10000x128xf32>
    %add3A_17 = arith.addf %mul3A_12, %add3A_16 : vector<10000x128xf32>
    %max3A = arith.constant 0.000000e+00 : f32
    %max3A_18 = vector.broadcast %max3A : f32 to vector<10000x128xf32>
    %max3A_19 = arith.maximumf %add3A_17, %max3A_18 : vector<10000x128xf32>
    %swap3A = arith.constant 0 : index
    %swap3A_20 = arith.constant 0 : index
    %swap3A_21 = vector.load %arg3[%swap3A, %swap3A_20] : memref<10000x128xf32, #tpu.memory_space<vmem>>, vector<10000x128xf32>
    tpu.vector_store %arg3[%swap3A, %swap3A_20], %max3A_19 {strides = array<i32>} : memref<10000x128xf32, #tpu.memory_space<vmem>>, vector<10000x128xf32>,
    return
  }
}

</mosaic_0001>

<sc_bundles>
// kernel: kernel.11.cloned.1.call-start
scs
__scs_entry_jumppad:
0x0: {  	(pc) =	sbr.rel $0x88, $3  }
0x1: {  	(tag) =	ssettag $0x0;
	lr =	simm.s32 $0x1  }
0x2: {  	[smem:$0x3F9B] =	sst lr;
	_ =	strace $0xD0000000  }
0x3: {  	_ = 	snop  }
0x4: {  	_ = 	snop  }
0x5: {  	_ = 	snop  }
0x6: {  	_ = 	snop  }
0x7: {  	_ = 	snop  }
__scs_overlays_trampoline_lowered:
0x8: {  	[smem:$0x3FAA] =	sst s0  }
0x9: {  	[smem:$0x3FAB] =	sst s1  }
0xa: {  	[smem:$0x3FAC] =	sst s2  }
0xb: {  	[smem:$0x3FAD] =	sst s3  }
0xc: {  	[smem:$0x3FAE] =	sst s4  }
0xd: {  	[smem:$0x3FAF] =	sst s5  }
0xe: {  	[smem:$0x3FB0] =	sst s6  }
0xf: {  	[smem:$0x3FB1] =	sst s7  }
0x10: {  	[smem:$0x3FB2] =	sst s8  }
0x11: {  	[smem:$0x3FB3] =	sst s9;
	s0 =	simm.s32 @!p0 $0x0  }
0x12: {  	s1 =	sld [smem:$0x3F99];
	s0 =	simm.s32 @p0 $0x1  }
0x13: {  	[smem:$0x3FB4] =	sst s0;
	s0 =	simm.s32 @!p1 $0x0  }
0x14: {  	s2 =	sld [smem:$0x3F98];
	s0 =	simm.s32 @p1 $0x1  }
0x15: {  	[smem:$0x3FB5] =	sst s0;
	s0 =	simm.s32 @!p2 $0x0  }
0x16: {  	s3 =	sld [smem:$0x3FDB];
	s0 =	simm.s32 @p2 $0x1  }
0x17: {  	s4 =	simm.s32 $0x1BF5;
	[smem:$0x3FB7] =	sst s0  }
0x18: {  	s0 =	sld [smem:$0x3F9A];
	_ =	swait.ge [sflag:s4], $0x0  }
0x19: {  	s7 =	sld [smem:$0x3F9B]  }
0x1a: {  	s8 =	sadd.s32 $0xFFFFE003, lr  }
0x1b: {  	s9 =	sadd.s32 $0xFFFFFEF7, lr;
	s5 =	simm.s32 $0xFFFFFFFF;
	p2 =	slt.u32 s8, $0xFFFFF086  }
0x1c: {  	p1 =	slt.u32 s9, $0xF7A;
	s5 =	simm.s32 @!p2 $0x0  }
0x1d: {  	s5 =	simm.s32 @p1 $0x1;
	p0 =	seq.s32 s7, s2  }
0x1e: {  	s7 =	smul.u32 @!p0 $0xF7A, s2;
	p2 =	seq.s32 @!p0 s5, $0x0  }
0x1f: {  	s9 =	smul.u32 $0xF7A, s1;
	s8 =	simm.s32 @!p0 $0x1BF5;
	p2 =	por !p2, p0  }
0x20: {  	[sflag:s8] =	ssyncset.s32 @!p0 $0xFFFFF086;
	s6 =	sadd.s32 @!p0 s3, s7;
	s7 =	simm.s32 @!p0 $0x108  }
0x21: {  	s3 =	sadd.s32 s3, s9;
	s6 =	sadd.s32 @!p0 $0x88, s6;
	s7 =	simm.s32 @p2 $0x1082  }
0x22: {  	[simem:s7], [sflag:s8] =	dma.local @!p0 [hbm:s6], $0xF7A  }
0x23: {  	s9 =	sor.u32 $0xD0000000, s2;
	s6 =	simm.s32 $0x108;
	_ =	swait.ge @!p0 [sflag:s8], $0x0  }
0x24: {  	s3 =	sadd.s32 $0x88, s3;
	s6 =	simm.s32 @!p1 $0x1082;
	[sflag:s4] =	ssyncset.s32 $0xFFFFF086  }
0x25: {  	[simem:s6], [sflag:s4] =	dma.local [hbm:s3], $0xF7A  }
0x26: {  	[smem:$0x3F9B] =	sst s1;
	(tag) =	ssettag s2;
	_ =	strace s9  }
0x27: {  	s1 =	sld [smem:$0x3FAB]  }
0x28: {  	s2 =	sld [smem:$0x3FAC]  }
0x29: {  	s4 =	sld [smem:$0x3FAE]  }
0x2a: {  	p0 =	seq.s32 s5, $0x0;
	s5 =	sld [smem:$0x3FAF]  }
0x2b: {  	s6 =	sld [smem:$0x3FB0]  }
0x2c: {  	s7 =	sld [smem:$0x3FB1]  }
0x2d: {  	s3 =	simm.s32 $0x108;
	s8 =	sld [smem:$0x3FB2]  }
0x2e: {  	s3 =	simm.s32 @!p0 $0x1082;
	s9 =	sld [smem:$0x3FB3]  }
0x2f: {  	lr =	sadd.s32 s0, s3;
	s0 =	sld [smem:$0x3FAA]  }
0x30: {  	s3 =	sld [smem:$0x3FAD]  }
0x31: {  	[smem:$0x3FB6] =	sst s10  }
0x32: {  	s10 =	sld [smem:$0x3FB4];
	_ =	sdelay $0x3  }
0x33: {  	p0 =	seq.s32 s10, $0x1;
	s10 =	sld [smem:$0x3FB6];
	_ =	sdelay $0x3  }
0x34: {  	[smem:$0x3FB6] =	sst s10  }
0x35: {  	s10 =	sld [smem:$0x3FB5];
	_ =	sdelay $0x3  }
0x36: {  	p1 =	seq.s32 s10, $0x1;
	s10 =	sld [smem:$0x3FB6];
	_ =	sdelay $0x3  }
0x37: {  	[smem:$0x3FB6] =	sst s10  }
0x38: {  	s10 =	sld [smem:$0x3FB7]  }
0x39: {  	_ = 	snop;
	(pc) =	sbr.ind lr, $3  }
0x3a: {  	_ = 	snop  }
0x3b: {  	_ = 	snop  }
0x3c: {  	p2 =	seq.s32 s10, $0x1;
	s10 =	sld [smem:$0x3FB6]  }
0x3d: {  	_ =	shalt  }
0x3e: {  	_ =	shalt  }
0x3f: {  	_ =	shalt  }
0x40: {  	_ =	shalt  }
0x41: {  	_ =	shalt  }
0x42: {  	_ =	shalt  }
0x43: {  	_ =	shalt  }
0x44: {  	_ =	shalt  }
0x45: {  	_ =	shalt  }
0x46: {  	_ =	shalt  }
0x47: {  	_ =	shalt  }
0x48: {  	_ =	shalt  }
0x49: {  	_ =	shalt  }
0x4a: {  	_ =	shalt  }
0x4b: {  	_ =	shalt  }
0x4c: {  	_ =	shalt  }
0x4d: {  	_ =	shalt  }
0x4e: {  	_ =	shalt  }
0x4f: {  	_ =	shalt  }
0x50: {  	_ =	shalt  }
0x51: {  	_ =	shalt  }
0x52: {  	_ =	shalt  }
0x53: {  	_ =	shalt  }
0x54: {  	_ =	shalt  }
0x55: {  	_ =	shalt  }
0x56: {  	_ =	shalt  }
0x57: {  	_ =	shalt  }
0x58: {  	_ =	shalt  }
0x59: {  	_ =	shalt  }
0x5a: {  	_ =	shalt  }
0x5b: {  	_ =	shalt  }
0x5c: {  	_ =	shalt  }
0x5d: {  	_ =	shalt  }
0x5e: {  	_ =	shalt  }
0x5f: {  	_ =	shalt  }
0x60: {  	_ =	shalt  }
0x61: {  	_ =	shalt  }
0x62: {  	_ =	shalt  }
0x63: {  	_ =	shalt  }
0x64: {  	_ =	shalt  }
0x65: {  	_ =	shalt  }
0x66: {  	_ =	shalt  }
0x67: {  	_ =	shalt  }
0x68: {  	_ =	shalt  }
0x69: {  	_ =	shalt  }
0x6a: {  	_ =	shalt  }
0x6b: {  	_ =	shalt  }
0x6c: {  	_ =	shalt  }
0x6d: {  	_ =	shalt  }
0x6e: {  	_ =	shalt  }
0x6f: {  	_ =	shalt  }
0x70: {  	_ =	shalt  }
0x71: {  	_ =	shalt  }
0x72: {  	_ =	shalt  }
0x73: {  	_ =	shalt  }
0x74: {  	_ =	shalt  }
0x75: {  	_ =	shalt  }
0x76: {  	_ =	shalt  }
0x77: {  	_ =	shalt  }
0x78: {  	_ =	shalt  }
0x79: {  	_ =	shalt  }
0x7a: {  	_ =	shalt  }
0x7b: {  	_ =	shalt  }
0x7c: {  	_ =	shalt  }
0x7d: {  	_ =	shalt  }
0x7e: {  	_ =	shalt  }
0x7f: {  	_ =	shalt  }
0x80: {  	_ =	shalt  }
0x81: {  	_ =	shalt  }
0x82: {  	_ =	shalt  }
0x83: {  	_ =	shalt  }
0x84: {  	_ =	shalt  }
0x85: {  	_ =	shalt  }
0x86: {  	_ =	shalt  }
0x87: {  	_ =	shalt  }
.Lfunc_end0:
.L_simem_size_0:
called_computation.1_lowered:
.L_overlay_start_0:
0x88: {  	s2 =	sld [smem:$0x3FD9]  }
0x89: {  	s3 =	sld [smem:$0x3FFE];
	_ =	sdelay $0x1  }
0x8a: {  	s1 =	srdreg.scid  }
0x8b: {  	s0 =	sand.u32 $0x1, s1  }
0x8c: {  	s17 =	sshll.u32 s0, $0xA;
	s2 =	sadd.s32 s3, s2  }
0x8d: {  	s2 =	sadd.s32 s2, s17  }
0x8e: {  	[smem:$0x3FC2] =	sst s2  }
0x8f: {  	_ = 	snop  }
0x90: {  	s2 =	sld [smem:$0x3FD0];
	(tm) =	ssettm $0x1  }
0x91: {  	s18 =	sld [smem:$0x3FFB];
	_ =	sdelay $0x3  }
0x92: {  	_ =	strace s18  }
0x93: {  	s3 =	sld [smem:$0x3FFC];
	_ =	sdelay $0x3  }
0x94: {  	_ =	strace s3  }
0x95: {  	s3 =	sld [smem:$0x3FFD];
	_ =	sdelay $0x3  }
0x96: {  	_ =	strace s3  }
0x97: {  	_ =	strace $0x8FFFFFFF  }
0x98: {  	s19 =	sld [smem:$0x3FDB];
	_ =	sdelay $0x1  }
0x99: {  	s4 =	simm.s32 $_scs_section_size  }
0x9a: {  	s5 =	simm.s32 $_size__tile_overlayer_lowered;
	s6 =	simm.s32 $_tile_overlayer_lowered  }
0x9b: {  	s22 =	simm.s32 $0x1BFF;
	s21 =	sshll.u32 s6, $0x1;
	s3 =	sadd.s32 s4, s19  }
0x9c: {  	s7 =	simm.s32 $0x0;
	s20 =	sshll.u32 s5, $0x1;
	s5 =	sadd.s32 s21, s3  }
0x9d: {  	[timem:s7], [sflag:s22] =	dma.local [hbm:s5], s20  }
0x9e: {  	_ =	swait.ge [sflag:s22], s20  }
0x9f: {  	s4 =	ssub.s32 $0x0, s20;
	[sflag:s22] =	ssyncset.done $0x0  }
0xa0: {  	[sflag:s22] =	ssyncadd.s32 s4;
	_ =	sdelay $0x1  }
0xa1: {  	s23 =	simm.s32 $0x1B8B  }
0xa2: {  	_ =	swait.ge [sflag:s23], $0x1  }
0xa3: {  	[sflag:s23] =	ssyncset.done $0x0  }
0xa4: {  	s25 =	simm.s32 $0x1B8E;
	s24 =	sld [smem:$0x3FFE];
	[sflag:s23] =	ssyncadd.s32 $0xFFFFFFFF  }
0xa5: {  	s26 =	simm.s32 $execute0_lowered;
	[smem:$0x3FD2] =	sst s25  }
0xa6: {  	s5 =	sshll.u32 s26, $0x1;
	_ =	strace $0x80000049;
	[dreg:$0x1] =	wrdreg $0xFFFFFFFF  }
0xa7: {  	s28 =	simm.s32 $_size_execute0_lowered;
	s3 =	sadd.s32 s3, s5;
	[dreg:$0x0] =	wrdreg $0x0  }
0xa8: {  	s5 =	sshll.u32 s28, $0x1;
	[dreg:$0x2] =	wrdreg s3  }
0xa9: {  	[dreg:$0x3] =	wrdreg s5  }
0xaa: {  	[dreg:$0x4] =	wrdreg $0xC0  }
0xab: {  	_ =	task [dreg:s7], $0x5FFFF  }
0xac: {  	[dreg:$0x1] =	wrdreg $0xFFFFFFFF  }
0xad: {  	[dreg:$0x0] =	wrdreg $0x60  }
0xae: {  	[dreg:$0x2] =	wrdreg s24  }
0xaf: {  	[dreg:$0x3] =	wrdreg s2  }
0xb0: {  	[dreg:$0x4] =	wrdreg $0x68000  }
0xb1: {  	[dreg:$0x5] =	wrdreg $0x9  }
0xb2: {  	_ =	task.clear_ibuf [dreg:s7], $0x6FFFF;
	_ =	strace $0x90000049  }
0xb3: {  	s29 =	simm.s32 $0x9;
	_ =	strace $0x8000004B  }
0xb4: {  	_ =	swait.ge [sflag:s29], $0x1  }
0xb5: {  	[sflag:s29] =	ssyncadd.s32 $0xFFFFFFFF  }
0xb6: {  	_ =	strace $0x9000004B  }
0xb7: {  	_ =	sfence  }
0xb8: {  	s30 =	sld [smem:$0x0];
	_ =	sdelay $0x2  }
0xb9: {  	s31 =	sshll.u32 s1, $0xD;
	s1 =	sshrl.u32 s1, $0x2  }
0xba: {  	s3 =	sand.u32 $0x4000, s31;
	s1 =	sadd.s32 s1, s30  }
0xbb: {  	s0 =	sor.u32 s3, s0;
	s1 =	sshll.u32 s1, $0x11  }
0xbc: {  	s0 =	sor.u32 s1, s0  }
0xbd: {  	s0 =	sadd.s32 $0x8F2B, s0  }
0xbe: {  	[sflag:s0] =	ssyncadd.remote.s32 $0x1  }
0xbf: {  	_ =	sfence.sel $0xFFFF  }
0xc0: {  	[dreg:$0x0] =	wrdreg $0xFFFFFFFF;
	(pc) =	sbr.abs _section_cstart, $3  }
0xc1: {  	[dreg:$0x1] =	wrdreg $0xFFFFFFFF  }
0xc2: {  	_ =	task.clear_ibuf [dreg:s7], $0x2FFFF;
	_ =	strace $0x9FFFFFFF  }
0xc3: {  	(tm) =	ssettm $0x7FFFFFFF  }
tec
execute0_lowered:
.L_overlay_start_1:
0x0: {  	(tag) =	ssettag $0x1  }
0x1: {  	s4 =	rddreg [dreg:$0x0]  }
0x2: {  	s12 =	rddreg [dreg:$0x1]  }
0x3: {  	s1 =	rddreg [dreg:$0x2]  }
0x4: {  	s0 =	rddreg [dreg:$0x3];
	s2 =	simm.s32 $0x0  }
0x5: {  	s6 =	srdreg.scid;
	s19 =	simm.s32 $0x1400;
	s20 =	simm.s32 $0x80  }
0x6: {  	s21 =	simm.s32 $0x2800;
	s22 =	simm.s32 $0x1;
	s23 =	simm.s32 $0x4800  }
0x7: {  	s24 =	simm.s32 $0x2;
	s3 =	sadd.s32 $0x1FA00, s4;
	s10 =	sadd.s32 $0x15A00, s4  }
0x8: {  	s11 =	sadd.s32 $0xBA00, s4;
	s5 =	sadd.s32 $0x1C00, s4;
	s4 =	stileid.u32  }
0x9: {  	s25 =	simm.s32 $0x0;
	[smem:$0x7FF] =	sst s2;
	s8 =	smul.u32 $0x27100, s4  }
0xa: {  	s13 =	sand.u32 $0x1, s6;
	_ =	strace $0x8000004A;
	s14 =	smul.u32 $0x9C40, s4  }
0xb: {  	s6 =	ssub.s32 $0x2, s13;
	s7 =	sshll.u32 s4, $0x1;
	s31 =	smul.u32 $0x9C400, s13  }
0xc: {  	p0 =	sne.s32 s13, $0x0;
	s9 =	sshrl.u32 s6, $0x1;
	s7 =	sor.u32 s13, s7  }
0xd: {  	s15 =	ssub.s32 s6, s9;
	s28 =	sshrl.u32 s8, $0x2;
	s29 =	smul.u32 $0x2800, s7  }
0xe: {  	s30 =	sshrl.u32 s14, $0x3;
	s6 =	sadd.s32 s14, s1;
	s14 =	sadd.s32 s14, s31  }
0xf: {  	s16 =	sadd.s32 s28, s1;
	s7 =	sadd.s32 s3, s30;
	s14 =	sshrl.u32 s14, $0x3  }
0x10: {  	s13 =	smax.u32 s15, $0x1;
	s17 =	sshrl.u32 s29, $0x3;
	s12 =	sadd.s32 s12, s14  }
0x11: {  	s14 =	sshll.u32 @p0 s4, $0x6;
	s15 =	sshrl.u32 @p0 s16, $0x3;
	s8 =	sadd.s32 s10, s17  }
0x12: {  	s18 =	sadd.s32 $0x280, s17;
	s9 =	sadd.s32 s11, s17;
	s17 =	sshll.u32 @!p0 s4, $0x6  }
0x13: {  	s14 =	sor.u32 @p0 $0x1C03, s14;
	s10 =	sadd.s32 s10, s18;
	s11 =	sadd.s32 s11, s18  }
0x14: {  	s16 =	sor.u32 @!p0 $0x1C03, s17;
	s17 =	sshrl.u32 @!p0 s6, $0x3;
	s18 =	simm.s32 $0x3  }
.LBB2_1:
0x15: {  	[spmem:s15], [sflag:s14] =	dma.local @p0 [hbm:s5], $0x1388  }
0x16: {  	[spmem:s17], [sflag:s16] =	dma.local @!p0 [hbm:s7], $0x1388  }
0x17: {  	_ =	swait.ge [sflag:s18], $0x1388  }
0x18: {  	[sflag:s18] =	ssyncset.done $0x0  }
0x19: {  	[sflag:s18] =	ssyncadd.s32 $0xFFFFEC78  }
0x1a: {  	[bflag:$0x0] =	sbarrier.arrive $0xFFFF  }
0x1b: {  	[tilespmem:s2], [sflag:$0x3] =	stream.linear.gather [hbm4b:s8+s2], $0x1400, $0x38;
	[tilespmem:$0x10640] =	vst v63  }
0x1c: {  	_ =	swait.ge [sflag:s18], $0x1400  }
0x1d: {  	[sflag:s18] =	ssyncset.done $0x0  }
0x1e: {  	[sflag:s18] =	ssyncadd.s32 $0xFFFFEC00  }
0x1f: {  	[tilespmem:s19], [sflag:$0x3] =	stream.linear.gather [hbm4b:s9+s2], $0x1400, $0x38;
	[tilespmem:$0x10640] =	vst v63  }
0x20: {  	_ =	swait.ge [sflag:s18], $0x1400  }
0x21: {  	[sflag:s18] =	ssyncset.done $0x0  }
0x22: {  	p1 =	por $0x1, $0x1;
	s26 =	simm.s32 $0x0;
	[sflag:s18] =	ssyncadd.s32 $0xFFFFEC00  }
.LBB2_2:
0x23: {  	[tilespmem:s21], [sflag:$0x1] =	stream.indirect.gather [hbm4b:s3+s20], $0x40, s26, s20, $0xb8;
	[tilespmem:$0x10640] =	vst v63  }
0x24: {  	_ =	swait.ge [sflag:s22], $0x2000  }
0x25: {  	[sflag:s22] =	ssyncset.done $0x0  }
0x26: {  	s28 =	sadd.s32 $0x1400, s26;
	[sflag:s22] =	ssyncadd.s32 $0xFFFFE000  }
0x27: {  	[spmem:s1] =	stream.indirect.scatter.add.f32 [tilespmem:s21], [sflag:$0x2], $0x40, s28, s20, $0xb8;
	[tilespmem:$0x10640] =	vst v63  }
0x28: {  	s30 =	sor.u32 $0x80, s26  }
0x29: {  	[tilespmem:s23], [sflag:$0x1] =	stream.indirect.gather [hbm4b:s3+s20], $0x40, s30, s20, $0xb8;
	[tilespmem:$0x10640] =	vst v63  }
0x2a: {  	_ =	swait.ge [sflag:s22], $0x2000  }
0x2b: {  	[sflag:s22] =	ssyncset.done $0x0  }
0x2c: {  	[sflag:s22] =	ssyncadd.s32 $0xFFFFE000  }
0x2d: {  	_ =	swait.ge [sflag:s24], $0x2000  }
0x2e: {  	[sflag:s24] =	ssyncset.done $0x0  }
0x2f: {  	s31 =	sadd.s32 $0x1480, s26;
	[sflag:s24] =	ssyncadd.s32 $0xFFFFE000  }
0x30: {  	[spmem:s1] =	stream.indirect.scatter.add.f32 [tilespmem:s23], [sflag:$0x2], $0x40, s31, s20, $0xb8;
	[tilespmem:$0x10640] =	vst v63  }
0x31: {  	s29 =	sor.u32 $0x100, s26  }
0x32: {  	[tilespmem:s21], [sflag:$0x1] =	stream.indirect.gather [hbm4b:s3+s20], $0x40, s29, s20, $0xb8;
	[tilespmem:$0x10640] =	vst v63  }
0x33: {  	_ =	swait.ge [sflag:s22], $0x2000  }
0x34: {  	[sflag:s22] =	ssyncset.done $0x0  }
0x35: {  	[sflag:s22] =	ssyncadd.s32 $0xFFFFE000  }
0x36: {  	_ =	swait.ge [sflag:s24], $0x2000  }
0x37: {  	[sflag:s24] =	ssyncset.done $0x0  }
0x38: {  	s30 =	sadd.s32 $0x1500, s26;
	[sflag:s24] =	ssyncadd.s32 $0xFFFFE000  }
0x39: {  	[spmem:s1] =	stream.indirect.scatter.add.f32 [tilespmem:s21], [sflag:$0x2], $0x40, s30, s20, $0xb8;
	[tilespmem:$0x10640] =	vst v63  }
0x3a: {  	s31 =	sor.u32 $0x180, s26  }
0x3b: {  	[tilespmem:s23], [sflag:$0x1] =	stream.indirect.gather [hbm4b:s3+s20], $0x40, s31, s20, $0xb8;
	[tilespmem:$0x10640] =	vst v63  }
0x3c: {  	_ =	swait.ge [sflag:s22], $0x2000  }
0x3d: {  	[sflag:s22] =	ssyncset.done $0x0  }
0x3e: {  	[sflag:s22] =	ssyncadd.s32 $0xFFFFE000  }
0x3f: {  	_ =	swait.ge [sflag:s24], $0x2000  }
0x40: {  	[sflag:s24] =	ssyncset.done $0x0  }
0x41: {  	s29 =	sadd.s32 $0x1580, s26;
	[sflag:s24] =	ssyncadd.s32 $0xFFFFE000  }
0x42: {  	[spmem:s1] =	stream.indirect.scatter.add.f32 [tilespmem:s23], [sflag:$0x2], $0x40, s29, s20, $0xb8;
	[tilespmem:$0x10640] =	vst v63  }
0x43: {  	s30 =	sadd.s32 $0x200, s26  }
0x44: {  	[tilespmem:s21], [sflag:$0x1] =	stream.indirect.gather [hbm4b:s3+s20], $0x40, s30, s20, $0xb8;
	[tilespmem:$0x10640] =	vst v63  }
0x45: {  	_ =	swait.ge [sflag:s22], $0x2000  }
0x46: {  	[sflag:s22] =	ssyncset.done $0x0  }
0x47: {  	[sflag:s22] =	ssyncadd.s32 $0xFFFFE000  }
0x48: {  	_ =	swait.ge [sflag:s24], $0x2000  }
0x49: {  	[sflag:s24] =	ssyncset.done $0x0  }
0x4a: {  	s31 =	sadd.s32 $0x1600, s26;
	[sflag:s24] =	ssyncadd.s32 $0xFFFFE000  }
0x4b: {  	[spmem:s1] =	stream.indirect.scatter.add.f32 [tilespmem:s21], [sflag:$0x2], $0x40, s31, s20, $0xb8;
	[tilespmem:$0x10640] =	vst v63  }
0x4c: {  	s29 =	sadd.s32 $0x280, s26  }
0x4d: {  	[tilespmem:s23], [sflag:$0x1] =	stream.indirect.gather [hbm4b:s3+s20], $0x40, s29, s20, $0xb8;
	[tilespmem:$0x10640] =	vst v63  }
0x4e: {  	_ =	swait.ge [sflag:s22], $0x2000  }
0x4f: {  	[sflag:s22] =	ssyncset.done $0x0  }
0x50: {  	[sflag:s22] =	ssyncadd.s32 $0xFFFFE000  }
0x51: {  	_ =	swait.ge [sflag:s24], $0x2000  }
0x52: {  	[sflag:s24] =	ssyncset.done $0x0  }
0x53: {  	s30 =	sadd.s32 $0x1680, s26;
	[sflag:s24] =	ssyncadd.s32 $0xFFFFE000  }
0x54: {  	[spmem:s1] =	stream.indirect.scatter.add.f32 [tilespmem:s23], [sflag:$0x2], $0x40, s30, s20, $0xb8;
	[tilespmem:$0x10640] =	vst v63  }
0x55: {  	s31 =	sadd.s32 $0x300, s26  }
0x56: {  	[tilespmem:s21], [sflag:$0x1] =	stream.indirect.gather [hbm4b:s3+s20], $0x40, s31, s20, $0xb8;
	[tilespmem:$0x10640] =	vst v63  }
0x57: {  	_ =	swait.ge [sflag:s22], $0x2000  }
0x58: {  	[sflag:s22] =	ssyncset.done $0x0  }
0x59: {  	[sflag:s22] =	ssyncadd.s32 $0xFFFFE000  }
0x5a: {  	_ =	swait.ge [sflag:s24], $0x2000  }
0x5b: {  	[sflag:s24] =	ssyncset.done $0x0  }
0x5c: {  	s29 =	sadd.s32 $0x1700, s26;
	[sflag:s24] =	ssyncadd.s32 $0xFFFFE000  }
0x5d: {  	[spmem:s1] =	stream.indirect.scatter.add.f32 [tilespmem:s21], [sflag:$0x2], $0x40, s29, s20, $0xb8;
	[tilespmem:$0x10640] =	vst v63  }
0x5e: {  	s30 =	sadd.s32 $0x380, s26  }
0x5f: {  	[tilespmem:s23], [sflag:$0x1] =	stream.indirect.gather [hbm4b:s3+s20], $0x40, s30, s20, $0xb8;
	[tilespmem:$0x10640] =	vst v63  }
0x60: {  	_ =	swait.ge [sflag:s22], $0x2000  }
0x61: {  	[sflag:s22] =	ssyncset.done $0x0  }
0x62: {  	[sflag:s22] =	ssyncadd.s32 $0xFFFFE000  }
0x63: {  	_ =	swait.ge [sflag:s24], $0x2000  }
0x64: {  	[sflag:s24] =	ssyncset.done $0x0  }
0x65: {  	s31 =	sadd.s32 $0x1780, s26;
	[sflag:s24] =	ssyncadd.s32 $0xFFFFE000  }
0x66: {  	[spmem:s1] =	stream.indirect.scatter.add.f32 [tilespmem:s23], [sflag:$0x2], $0x40, s31, s20, $0xb8;
	[tilespmem:$0x10640] =	vst v63  }
0x67: {  	s29 =	sor.u32 $0x400, s26  }
0x68: {  	[tilespmem:s21], [sflag:$0x1] =	stream.indirect.gather [hbm4b:s3+s20], $0x40, s29, s20, $0xb8;
	[tilespmem:$0x10640] =	vst v63  }
0x69: {  	_ =	swait.ge [sflag:s22], $0x2000  }
0x6a: {  	[sflag:s22] =	ssyncset.done $0x0  }
0x6b: {  	[sflag:s22] =	ssyncadd.s32 $0xFFFFE000  }
0x6c: {  	_ =	swait.ge [sflag:s24], $0x2000  }
0x6d: {  	[sflag:s24] =	ssyncset.done $0x0  }
0x6e: {  	s30 =	sadd.s32 $0x1800, s26;
	[sflag:s24] =	ssyncadd.s32 $0xFFFFE000  }
0x6f: {  	[spmem:s1] =	stream.indirect.scatter.add.f32 [tilespmem:s21], [sflag:$0x2], $0x40, s30, s20, $0xb8;
	[tilespmem:$0x10640] =	vst v63  }
0x70: {  	s31 =	sor.u32 $0x480, s26  }
0x71: {  	[tilespmem:s23], [sflag:$0x1] =	stream.indirect.gather [hbm4b:s3+s20], $0x40, s31, s20, $0xb8;
	[tilespmem:$0x10640] =	vst v63  }
0x72: {  	_ =	swait.ge [sflag:s22], $0x2000  }
0x73: {  	[sflag:s22] =	ssyncset.done $0x0  }
0x74: {  	[sflag:s22] =	ssyncadd.s32 $0xFFFFE000  }
0x75: {  	_ =	swait.ge [sflag:s24], $0x2000  }
0x76: {  	[sflag:s24] =	ssyncset.done $0x0  }
0x77: {  	s29 =	sadd.s32 $0x1880, s26;
	[sflag:s24] =	ssyncadd.s32 $0xFFFFE000  }
0x78: {  	[spmem:s1] =	stream.indirect.scatter.add.f32 [tilespmem:s23], [sflag:$0x2], $0x40, s29, s20, $0xb8;
	[tilespmem:$0x10640] =	vst v63  }
0x79: {  	s30 =	sor.u32 $0x500, s26  }
0x7a: {  	[tilespmem:s21], [sflag:$0x1] =	stream.indirect.gather [hbm4b:s3+s20], $0x40, s30, s20, $0xb8;
	[tilespmem:$0x10640] =	vst v63  }
0x7b: {  	_ =	swait.ge [sflag:s22], $0x2000  }
0x7c: {  	[sflag:s22] =	ssyncset.done $0x0  }
0x7d: {  	[sflag:s22] =	ssyncadd.s32 $0xFFFFE000  }
0x7e: {  	_ =	swait.ge [sflag:s24], $0x2000  }
0x7f: {  	[sflag:s24] =	ssyncset.done $0x0  }
0x80: {  	s31 =	sadd.s32 $0x1900, s26;
	[sflag:s24] =	ssyncadd.s32 $0xFFFFE000  }
0x81: {  	[spmem:s1] =	stream.indirect.scatter.add.f32 [tilespmem:s21], [sflag:$0x2], $0x40, s31, s20, $0xb8;
	[tilespmem:$0x10640] =	vst v63  }
0x82: {  	s29 =	sor.u32 $0x580, s26  }
0x83: {  	[tilespmem:s23], [sflag:$0x1] =	stream.indirect.gather [hbm4b:s3+s20], $0x40, s29, s20, $0xb8;
	[tilespmem:$0x10640] =	vst v63  }
0x84: {  	_ =	swait.ge [sflag:s22], $0x2000  }
0x85: {  	[sflag:s22] =	ssyncset.done $0x0  }
0x86: {  	[sflag:s22] =	ssyncadd.s32 $0xFFFFE000  }
0x87: {  	_ =	swait.ge [sflag:s24], $0x2000  }
0x88: {  	[sflag:s24] =	ssyncset.done $0x0  }
0x89: {  	s30 =	sadd.s32 $0x1980, s26;
	[sflag:s24] =	ssyncadd.s32 $0xFFFFE000  }
0x8a: {  	[spmem:s1] =	stream.indirect.scatter.add.f32 [tilespmem:s23], [sflag:$0x2], $0x40, s30, s20, $0xb8;
	[tilespmem:$0x10640] =	vst v63  }
0x8b: {  	s31 =	sadd.s32 $0x600, s26  }
0x8c: {  	[tilespmem:s21], [sflag:$0x1] =	stream.indirect.gather [hbm4b:s3+s20], $0x40, s31, s20, $0xb8;
	[tilespmem:$0x10640] =	vst v63  }
0x8d: {  	_ =	swait.ge [sflag:s22], $0x2000  }
0x8e: {  	[sflag:s22] =	ssyncset.done $0x0  }
0x8f: {  	[sflag:s22] =	ssyncadd.s32 $0xFFFFE000  }
0x90: {  	_ =	swait.ge [sflag:s24], $0x2000  }
0x91: {  	[sflag:s24] =	ssyncset.done $0x0  }
0x92: {  	s29 =	sadd.s32 $0x1A00, s26;
	[sflag:s24] =	ssyncadd.s32 $0xFFFFE000  }
0x93: {  	[spmem:s1] =	stream.indirect.scatter.add.f32 [tilespmem:s21], [sflag:$0x2], $0x40, s29, s20, $0xb8;
	[tilespmem:$0x10640] =	vst v63  }
0x94: {  	s30 =	sadd.s32 $0x680, s26  }
0x95: {  	[tilespmem:s23], [sflag:$0x1] =	stream.indirect.gather [hbm4b:s3+s20], $0x40, s30, s20, $0xb8;
	[tilespmem:$0x10640] =	vst v63  }
0x96: {  	_ =	swait.ge [sflag:s22], $0x2000  }
0x97: {  	[sflag:s22] =	ssyncset.done $0x0  }
0x98: {  	[sflag:s22] =	ssyncadd.s32 $0xFFFFE000  }
0x99: {  	_ =	swait.ge [sflag:s24], $0x2000  }
0x9a: {  	[sflag:s24] =	ssyncset.done $0x0  }
0x9b: {  	s31 =	sadd.s32 $0x1A80, s26;
	[sflag:s24] =	ssyncadd.s32 $0xFFFFE000  }
0x9c: {  	[spmem:s1] =	stream.indirect.scatter.add.f32 [tilespmem:s23], [sflag:$0x2], $0x40, s31, s20, $0xb8;
	[tilespmem:$0x10640] =	vst v63  }
0x9d: {  	s29 =	sadd.s32 $0x700, s26  }
0x9e: {  	[tilespmem:s21], [sflag:$0x1] =	stream.indirect.gather [hbm4b:s3+s20], $0x40, s29, s20, $0xb8;
	[tilespmem:$0x10640] =	vst v63  }
0x9f: {  	_ =	swait.ge [sflag:s22], $0x2000  }
0xa0: {  	[sflag:s22] =	ssyncset.done $0x0  }
0xa1: {  	[sflag:s22] =	ssyncadd.s32 $0xFFFFE000  }
0xa2: {  	_ =	swait.ge [sflag:s24], $0x2000  }
0xa3: {  	[sflag:s24] =	ssyncset.done $0x0  }
0xa4: {  	s30 =	sadd.s32 $0x1B00, s26;
	[sflag:s24] =	ssyncadd.s32 $0xFFFFE000  }
0xa5: {  	[spmem:s1] =	stream.indirect.scatter.add.f32 [tilespmem:s21], [sflag:$0x2], $0x40, s30, s20, $0xb8;
	[tilespmem:$0x10640] =	vst v63  }
0xa6: {  	s31 =	sadd.s32 $0x780, s26  }
0xa7: {  	[tilespmem:s23], [sflag:$0x1] =	stream.indirect.gather [hbm4b:s3+s20], $0x40, s31, s20, $0xb8;
	[tilespmem:$0x10640] =	vst v63  }
0xa8: {  	_ =	swait.ge [sflag:s22], $0x2000  }
0xa9: {  	[sflag:s22] =	ssyncset.done $0x0  }
0xaa: {  	[sflag:s22] =	ssyncadd.s32 $0xFFFFE000  }
0xab: {  	_ =	swait.ge [sflag:s24], $0x2000  }
0xac: {  	[sflag:s24] =	ssyncset.done $0x0  }
0xad: {  	s29 =	sadd.s32 $0x1B80, s26;
	[sflag:s24] =	ssyncadd.s32 $0xFFFFE000  }
0xae: {  	[spmem:s1] =	stream.indirect.scatter.add.f32 [tilespmem:s23], [sflag:$0x2], $0x40, s29, s20, $0xb8;
	[tilespmem:$0x10640] =	vst v63  }
0xaf: {  	s30 =	sadd.s32 $0x800, s26  }
0xb0: {  	[tilespmem:s21], [sflag:$0x1] =	stream.indirect.gather [hbm4b:s3+s20], $0x40, s30, s20, $0xb8;
	[tilespmem:$0x10640] =	vst v63  }
0xb1: {  	_ =	swait.ge [sflag:s22], $0x2000  }
0xb2: {  	[sflag:s22] =	ssyncset.done $0x0  }
0xb3: {  	[sflag:s22] =	ssyncadd.s32 $0xFFFFE000  }
0xb4: {  	_ =	swait.ge [sflag:s24], $0x2000  }
0xb5: {  	[sflag:s24] =	ssyncset.done $0x0  }
0xb6: {  	s31 =	sadd.s32 $0x1C00, s26;
	[sflag:s24] =	ssyncadd.s32 $0xFFFFE000  }
0xb7: {  	[spmem:s1] =	stream.indirect.scatter.add.f32 [tilespmem:s21], [sflag:$0x2], $0x40, s31, s20, $0xb8;
	[tilespmem:$0x10640] =	vst v63  }
0xb8: {  	s29 =	sadd.s32 $0x880, s26  }
0xb9: {  	[tilespmem:s23], [sflag:$0x1] =	stream.indirect.gather [hbm4b:s3+s20], $0x40, s29, s20, $0xb8;
	[tilespmem:$0x10640] =	vst v63  }
0xba: {  	_ =	swait.ge [sflag:s22], $0x2000  }
0xbb: {  	[sflag:s22] =	ssyncset.done $0x0  }
0xbc: {  	[sflag:s22] =	ssyncadd.s32 $0xFFFFE000  }
0xbd: {  	_ =	swait.ge [sflag:s24], $0x2000  }
0xbe: {  	[sflag:s24] =	ssyncset.done $0x0  }
0xbf: {  	s30 =	sadd.s32 $0x1C80, s26;
	[sflag:s24] =	ssyncadd.s32 $0xFFFFE000  }
0xc0: {  	[spmem:s1] =	stream.indirect.scatter.add.f32 [tilespmem:s23], [sflag:$0x2], $0x40, s30, s20, $0xb8;
	[tilespmem:$0x10640] =	vst v63  }
0xc1: {  	s31 =	sadd.s32 $0x900, s26  }
0xc2: {  	[tilespmem:s21], [sflag:$0x1] =	stream.indirect.gather [hbm4b:s3+s20], $0x40, s31, s20, $0xb8;
	[tilespmem:$0x10640] =	vst v63  }
0xc3: {  	_ =	swait.ge [sflag:s22], $0x2000  }
0xc4: {  	[sflag:s22] =	ssyncset.done $0x0  }
0xc5: {  	[sflag:s22] =	ssyncadd.s32 $0xFFFFE000  }
0xc6: {  	_ =	swait.ge [sflag:s24], $0x2000  }
0xc7: {  	[sflag:s24] =	ssyncset.done $0x0  }
0xc8: {  	s29 =	sadd.s32 $0x1D00, s26;
	[sflag:s24] =	ssyncadd.s32 $0xFFFFE000  }
0xc9: {  	[spmem:s1] =	stream.indirect.scatter.add.f32 [tilespmem:s21], [sflag:$0x2], $0x40, s29, s20, $0xb8;
	[tilespmem:$0x10640] =	vst v63  }
0xca: {  	s30 =	sadd.s32 $0x980, s26  }
0xcb: {  	[tilespmem:s23], [sflag:$0x1] =	stream.indirect.gather [hbm4b:s3+s20], $0x40, s30, s20, $0xb8;
	[tilespmem:$0x10640] =	vst v63  }
0xcc: {  	_ =	swait.ge [sflag:s22], $0x2000  }
0xcd: {  	[sflag:s22] =	ssyncset.done $0x0  }
0xce: {  	[sflag:s22] =	ssyncadd.s32 $0xFFFFE000  }
0xcf: {  	_ =	swait.ge [sflag:s24], $0x2000  }
0xd0: {  	p2 =	por p1, p1;
	[sflag:s24] =	ssyncset.done $0x0  }
.Ltmp0:
0xd1: {  	s31 =	sadd.s32 $0x1D80, s26;
	[sflag:s24] =	ssyncadd.s32 $0xFFFFE000;
	(pc) =	sbr.rel @p2 .LBB2_2-.Ltmp0, $4  }
0xd2: {  	[spmem:s1] =	stream.indirect.scatter.add.f32 [tilespmem:s23], [sflag:$0x2], $0x40, s31, s20, $0xb8;
	[tilespmem:$0x10640] =	vst v63  }
0xd3: {  	_ =	swait.ge [sflag:s24], $0x2000  }
0xd4: {  	[sflag:s24] =	ssyncset.done $0x0  }
0xd5: {  	p1 =	por $0x0, $0x0;
	s26 =	simm.s32 $0xA00;
	[sflag:s24] =	ssyncadd.s32 $0xFFFFE000  }
0xd6: {  	s26 =	simm.s32 $0x0  }
0xd7: {  	[tilespmem:s26], [sflag:$0x3] =	stream.linear.gather [hbm4b:s10+s26], $0x1400, $0x38;
	[tilespmem:$0x10640] =	vst v63  }
0xd8: {  	_ =	swait.ge [sflag:s18], $0x1400  }
0xd9: {  	[sflag:s18] =	ssyncset.done $0x0  }
0xda: {  	[sflag:s18] =	ssyncadd.s32 $0xFFFFEC00  }
0xdb: {  	[tilespmem:s19], [sflag:$0x3] =	stream.linear.gather [hbm4b:s11+s26], $0x1400, $0x38;
	[tilespmem:$0x10640] =	vst v63  }
0xdc: {  	_ =	swait.ge [sflag:s18], $0x1400  }
0xdd: {  	[sflag:s18] =	ssyncset.done $0x0  }
0xde: {  	p1 =	por $0x1, $0x1;
	[sflag:s18] =	ssyncadd.s32 $0xFFFFEC00  }
.LBB2_4:
0xdf: {  	[tilespmem:s21], [sflag:$0x1] =	stream.indirect.gather [hbm4b:s3+s20], $0x40, s26, s20, $0xb8;
	[tilespmem:$0x10640] =	vst v63  }
0xe0: {  	_ =	swait.ge [sflag:s22], $0x2000  }
0xe1: {  	[sflag:s22] =	ssyncset.done $0x0  }
0xe2: {  	s28 =	sadd.s32 $0x1400, s26;
	[sflag:s22] =	ssyncadd.s32 $0xFFFFE000  }
0xe3: {  	[spmem:s1] =	stream.indirect.scatter.add.f32 [tilespmem:s21], [sflag:$0x2], $0x40, s28, s20, $0xb8;
	[tilespmem:$0x10640] =	vst v63  }
0xe4: {  	s30 =	sor.u32 $0x80, s26  }
0xe5: {  	[tilespmem:s23], [sflag:$0x1] =	stream.indirect.gather [hbm4b:s3+s20], $0x40, s30, s20, $0xb8;
	[tilespmem:$0x10640] =	vst v63  }
0xe6: {  	_ =	swait.ge [sflag:s22], $0x2000  }
0xe7: {  	[sflag:s22] =	ssyncset.done $0x0  }
0xe8: {  	[sflag:s22] =	ssyncadd.s32 $0xFFFFE000  }
0xe9: {  	_ =	swait.ge [sflag:s24], $0x2000  }
0xea: {  	[sflag:s24] =	ssyncset.done $0x0  }
0xeb: {  	s31 =	sadd.s32 $0x1480, s26;
	[sflag:s24] =	ssyncadd.s32 $0xFFFFE000  }
0xec: {  	[spmem:s1] =	stream.indirect.scatter.add.f32 [tilespmem:s23], [sflag:$0x2], $0x40, s31, s20, $0xb8;
	[tilespmem:$0x10640] =	vst v63  }
0xed: {  	s29 =	sor.u32 $0x100, s26  }
0xee: {  	[tilespmem:s21], [sflag:$0x1] =	stream.indirect.gather [hbm4b:s3+s20], $0x40, s29, s20, $0xb8;
	[tilespmem:$0x10640] =	vst v63  }
0xef: {  	_ =	swait.ge [sflag:s22], $0x2000  }
0xf0: {  	[sflag:s22] =	ssyncset.done $0x0  }
0xf1: {  	[sflag:s22] =	ssyncadd.s32 $0xFFFFE000  }
0xf2: {  	_ =	swait.ge [sflag:s24], $0x2000  }
0xf3: {  	[sflag:s24] =	ssyncset.done $0x0  }
0xf4: {  	s30 =	sadd.s32 $0x1500, s26;
	[sflag:s24] =	ssyncadd.s32 $0xFFFFE000  }
0xf5: {  	[spmem:s1] =	stream.indirect.scatter.add.f32 [tilespmem:s21], [sflag:$0x2], $0x40, s30, s20, $0xb8;
	[tilespmem:$0x10640] =	vst v63  }
0xf6: {  	s31 =	sor.u32 $0x180, s26  }
0xf7: {  	[tilespmem:s23], [sflag:$0x1] =	stream.indirect.gather [hbm4b:s3+s20], $0x40, s31, s20, $0xb8;
	[tilespmem:$0x10640] =	vst v63  }
0xf8: {  	_ =	swait.ge [sflag:s22], $0x2000  }
0xf9: {  	[sflag:s22] =	ssyncset.done $0x0  }
0xfa: {  	[sflag:s22] =	ssyncadd.s32 $0xFFFFE000  }
0xfb: {  	_ =	swait.ge [sflag:s24], $0x2000  }
0xfc: {  	[sflag:s24] =	ssyncset.done $0x0  }
0xfd: {  	s29 =	sadd.s32 $0x1580, s26;
	[sflag:s24] =	ssyncadd.s32 $0xFFFFE000  }
0xfe: {  	[spmem:s1] =	stream.indirect.scatter.add.f32 [tilespmem:s23], [sflag:$0x2], $0x40, s29, s20, $0xb8;
	[tilespmem:$0x10640] =	vst v63  }
0xff: {  	s30 =	sadd.s32 $0x200, s26  }
0x100: {  	[tilespmem:s21], [sflag:$0x1] =	stream.indirect.gather [hbm4b:s3+s20], $0x40, s30, s20, $0xb8;
	[tilespmem:$0x10640] =	vst v63  }
0x101: {  	_ =	swait.ge [sflag:s22], $0x2000  }
0x102: {  	[sflag:s22] =	ssyncset.done $0x0  }
0x103: {  	[sflag:s22] =	ssyncadd.s32 $0xFFFFE000  }
0x104: {  	_ =	swait.ge [sflag:s24], $0x2000  }
0x105: {  	[sflag:s24] =	ssyncset.done $0x0  }
0x106: {  	s31 =	sadd.s32 $0x1600, s26;
	[sflag:s24] =	ssyncadd.s32 $0xFFFFE000  }
0x107: {  	[spmem:s1] =	stream.indirect.scatter.add.f32 [tilespmem:s21], [sflag:$0x2], $0x40, s31, s20, $0xb8;
	[tilespmem:$0x10640] =	vst v63  }
0x108: {  	s29 =	sadd.s32 $0x280, s26  }
0x109: {  	[tilespmem:s23], [sflag:$0x1] =	stream.indirect.gather [hbm4b:s3+s20], $0x40, s29, s20, $0xb8;
	[tilespmem:$0x10640] =	vst v63  }
0x10a: {  	_ =	swait.ge [sflag:s22], $0x2000  }
0x10b: {  	[sflag:s22] =	ssyncset.done $0x0  }
0x10c: {  	[sflag:s22] =	ssyncadd.s32 $0xFFFFE000  }
0x10d: {  	_ =	swait.ge [sflag:s24], $0x2000  }
0x10e: {  	[sflag:s24] =	ssyncset.done $0x0  }
0x10f: {  	s30 =	sadd.s32 $0x1680, s26;
	[sflag:s24] =	ssyncadd.s32 $0xFFFFE000  }
0x110: {  	[spmem:s1] =	stream.indirect.scatter.add.f32 [tilespmem:s23], [sflag:$0x2], $0x40, s30, s20, $0xb8;
	[tilespmem:$0x10640] =	vst v63  }
0x111: {  	s31 =	sadd.s32 $0x300, s26  }
0x112: {  	[tilespmem:s21], [sflag:$0x1] =	stream.indirect.gather [hbm4b:s3+s20], $0x40, s31, s20, $0xb8;
	[tilespmem:$0x10640] =	vst v63  }
0x113: {  	_ =	swait.ge [sflag:s22], $0x2000  }
0x114: {  	[sflag:s22] =	ssyncset.done $0x0  }
0x115: {  	[sflag:s22] =	ssyncadd.s32 $0xFFFFE000  }
0x116: {  	_ =	swait.ge [sflag:s24], $0x2000  }
0x117: {  	[sflag:s24] =	ssyncset.done $0x0  }
0x118: {  	s29 =	sadd.s32 $0x1700, s26;
	[sflag:s24] =	ssyncadd.s32 $0xFFFFE000  }
0x119: {  	[spmem:s1] =	stream.indirect.scatter.add.f32 [tilespmem:s21], [sflag:$0x2], $0x40, s29, s20, $0xb8;
	[tilespmem:$0x10640] =	vst v63  }
0x11a: {  	s30 =	sadd.s32 $0x380, s26  }
0x11b: {  	[tilespmem:s23], [sflag:$0x1] =	stream.indirect.gather [hbm4b:s3+s20], $0x40, s30, s20, $0xb8;
	[tilespmem:$0x10640] =	vst v63  }
0x11c: {  	_ =	swait.ge [sflag:s22], $0x2000  }
0x11d: {  	[sflag:s22] =	ssyncset.done $0x0  }
0x11e: {  	[sflag:s22] =	ssyncadd.s32 $0xFFFFE000  }
0x11f: {  	_ =	swait.ge [sflag:s24], $0x2000  }
0x120: {  	[sflag:s24] =	ssyncset.done $0x0  }
0x121: {  	s31 =	sadd.s32 $0x1780, s26;
	[sflag:s24] =	ssyncadd.s32 $0xFFFFE000  }
0x122: {  	[spmem:s1] =	stream.indirect.scatter.add.f32 [tilespmem:s23], [sflag:$0x2], $0x40, s31, s20, $0xb8;
	[tilespmem:$0x10640] =	vst v63  }
0x123: {  	s29 =	sor.u32 $0x400, s26  }
0x124: {  	[tilespmem:s21], [sflag:$0x1] =	stream.indirect.gather [hbm4b:s3+s20], $0x40, s29, s20, $0xb8;
	[tilespmem:$0x10640] =	vst v63  }
0x125: {  	_ =	swait.ge [sflag:s22], $0x2000  }
0x126: {  	[sflag:s22] =	ssyncset.done $0x0  }
0x127: {  	[sflag:s22] =	ssyncadd.s32 $0xFFFFE000  }
0x128: {  	_ =	swait.ge [sflag:s24], $0x2000  }
0x129: {  	[sflag:s24] =	ssyncset.done $0x0  }
0x12a: {  	s30 =	sadd.s32 $0x1800, s26;
	[sflag:s24] =	ssyncadd.s32 $0xFFFFE000  }
0x12b: {  	[spmem:s1] =	stream.indirect.scatter.add.f32 [tilespmem:s21], [sflag:$0x2], $0x40, s30, s20, $0xb8;
	[tilespmem:$0x10640] =	vst v63  }
0x12c: {  	s31 =	sor.u32 $0x480, s26  }
0x12d: {  	[tilespmem:s23], [sflag:$0x1] =	stream.indirect.gather [hbm4b:s3+s20], $0x40, s31, s20, $0xb8;
	[tilespmem:$0x10640] =	vst v63  }
0x12e: {  	_ =	swait.ge [sflag:s22], $0x2000  }
0x12f: {  	[sflag:s22] =	ssyncset.done $0x0  }
0x130: {  	[sflag:s22] =	ssyncadd.s32 $0xFFFFE000  }
0x131: {  	_ =	swait.ge [sflag:s24], $0x2000  }
0x132: {  	[sflag:s24] =	ssyncset.done $0x0  }
0x133: {  	s29 =	sadd.s32 $0x1880, s26;
	[sflag:s24] =	ssyncadd.s32 $0xFFFFE000  }
0x134: {  	[spmem:s1] =	stream.indirect.scatter.add.f32 [tilespmem:s23], [sflag:$0x2], $0x40, s29, s20, $0xb8;
	[tilespmem:$0x10640] =	vst v63  }
0x135: {  	s30 =	sor.u32 $0x500, s26  }
0x136: {  	[tilespmem:s21], [sflag:$0x1] =	stream.indirect.gather [hbm4b:s3+s20], $0x40, s30, s20, $0xb8;
	[tilespmem:$0x10640] =	vst v63  }
0x137: {  	_ =	swait.ge [sflag:s22], $0x2000  }
0x138: {  	[sflag:s22] =	ssyncset.done $0x0  }
0x139: {  	[sflag:s22] =	ssyncadd.s32 $0xFFFFE000  }
0x13a: {  	_ =	swait.ge [sflag:s24], $0x2000  }
0x13b: {  	[sflag:s24] =	ssyncset.done $0x0  }
0x13c: {  	s31 =	sadd.s32 $0x1900, s26;
	[sflag:s24] =	ssyncadd.s32 $0xFFFFE000  }
0x13d: {  	[spmem:s1] =	stream.indirect.scatter.add.f32 [tilespmem:s21], [sflag:$0x2], $0x40, s31, s20, $0xb8;
	[tilespmem:$0x10640] =	vst v63  }
0x13e: {  	s29 =	sor.u32 $0x580, s26  }
0x13f: {  	[tilespmem:s23], [sflag:$0x1] =	stream.indirect.gather [hbm4b:s3+s20], $0x40, s29, s20, $0xb8;
	[tilespmem:$0x10640] =	vst v63  }
0x140: {  	_ =	swait.ge [sflag:s22], $0x2000  }
0x141: {  	[sflag:s22] =	ssyncset.done $0x0  }
0x142: {  	[sflag:s22] =	ssyncadd.s32 $0xFFFFE000  }
0x143: {  	_ =	swait.ge [sflag:s24], $0x2000  }
0x144: {  	[sflag:s24] =	ssyncset.done $0x0  }
0x145: {  	s30 =	sadd.s32 $0x1980, s26;
	[sflag:s24] =	ssyncadd.s32 $0xFFFFE000  }
0x146: {  	[spmem:s1] =	stream.indirect.scatter.add.f32 [tilespmem:s23], [sflag:$0x2], $0x40, s30, s20, $0xb8;
	[tilespmem:$0x10640] =	vst v63  }
0x147: {  	s31 =	sadd.s32 $0x600, s26  }
0x148: {  	[tilespmem:s21], [sflag:$0x1] =	stream.indirect.gather [hbm4b:s3+s20], $0x40, s31, s20, $0xb8;
	[tilespmem:$0x10640] =	vst v63  }
0x149: {  	_ =	swait.ge [sflag:s22], $0x2000  }
0x14a: {  	[sflag:s22] =	ssyncset.done $0x0  }
0x14b: {  	[sflag:s22] =	ssyncadd.s32 $0xFFFFE000  }
0x14c: {  	_ =	swait.ge [sflag:s24], $0x2000  }
0x14d: {  	[sflag:s24] =	ssyncset.done $0x0  }
0x14e: {  	s29 =	sadd.s32 $0x1A00, s26;
	[sflag:s24] =	ssyncadd.s32 $0xFFFFE000  }
0x14f: {  	[spmem:s1] =	stream.indirect.scatter.add.f32 [tilespmem:s21], [sflag:$0x2], $0x40, s29, s20, $0xb8;
	[tilespmem:$0x10640] =	vst v63  }
0x150: {  	s30 =	sadd.s32 $0x680, s26  }
0x151: {  	[tilespmem:s23], [sflag:$0x1] =	stream.indirect.gather [hbm4b:s3+s20], $0x40, s30, s20, $0xb8;
	[tilespmem:$0x10640] =	vst v63  }
0x152: {  	_ =	swait.ge [sflag:s22], $0x2000  }
0x153: {  	[sflag:s22] =	ssyncset.done $0x0  }
0x154: {  	[sflag:s22] =	ssyncadd.s32 $0xFFFFE000  }
0x155: {  	_ =	swait.ge [sflag:s24], $0x2000  }
0x156: {  	[sflag:s24] =	ssyncset.done $0x0  }
0x157: {  	s31 =	sadd.s32 $0x1A80, s26;
	[sflag:s24] =	ssyncadd.s32 $0xFFFFE000  }
0x158: {  	[spmem:s1] =	stream.indirect.scatter.add.f32 [tilespmem:s23], [sflag:$0x2], $0x40, s31, s20, $0xb8;
	[tilespmem:$0x10640] =	vst v63  }
0x159: {  	s29 =	sadd.s32 $0x700, s26  }
0x15a: {  	[tilespmem:s21], [sflag:$0x1] =	stream.indirect.gather [hbm4b:s3+s20], $0x40, s29, s20, $0xb8;
	[tilespmem:$0x10640] =	vst v63  }
0x15b: {  	_ =	swait.ge [sflag:s22], $0x2000  }
0x15c: {  	[sflag:s22] =	ssyncset.done $0x0  }
0x15d: {  	[sflag:s22] =	ssyncadd.s32 $0xFFFFE000  }
0x15e: {  	_ =	swait.ge [sflag:s24], $0x2000  }
0x15f: {  	[sflag:s24] =	ssyncset.done $0x0  }
0x160: {  	s30 =	sadd.s32 $0x1B00, s26;
	[sflag:s24] =	ssyncadd.s32 $0xFFFFE000  }
0x161: {  	[spmem:s1] =	stream.indirect.scatter.add.f32 [tilespmem:s21], [sflag:$0x2], $0x40, s30, s20, $0xb8;
	[tilespmem:$0x10640] =	vst v63  }
0x162: {  	s31 =	sadd.s32 $0x780, s26  }
0x163: {  	[tilespmem:s23], [sflag:$0x1] =	stream.indirect.gather [hbm4b:s3+s20], $0x40, s31, s20, $0xb8;
	[tilespmem:$0x10640] =	vst v63  }
0x164: {  	_ =	swait.ge [sflag:s22], $0x2000  }
0x165: {  	[sflag:s22] =	ssyncset.done $0x0  }
0x166: {  	[sflag:s22] =	ssyncadd.s32 $0xFFFFE000  }
0x167: {  	_ =	swait.ge [sflag:s24], $0x2000  }
0x168: {  	[sflag:s24] =	ssyncset.done $0x0  }
0x169: {  	s29 =	sadd.s32 $0x1B80, s26;
	[sflag:s24] =	ssyncadd.s32 $0xFFFFE000  }
0x16a: {  	[spmem:s1] =	stream.indirect.scatter.add.f32 [tilespmem:s23], [sflag:$0x2], $0x40, s29, s20, $0xb8;
	[tilespmem:$0x10640] =	vst v63  }
0x16b: {  	s30 =	sadd.s32 $0x800, s26  }
0x16c: {  	[tilespmem:s21], [sflag:$0x1] =	stream.indirect.gather [hbm4b:s3+s20], $0x40, s30, s20, $0xb8;
	[tilespmem:$0x10640] =	vst v63  }
0x16d: {  	_ =	swait.ge [sflag:s22], $0x2000  }
0x16e: {  	[sflag:s22] =	ssyncset.done $0x0  }
0x16f: {  	[sflag:s22] =	ssyncadd.s32 $0xFFFFE000  }
0x170: {  	_ =	swait.ge [sflag:s24], $0x2000  }
0x171: {  	[sflag:s24] =	ssyncset.done $0x0  }
0x172: {  	s31 =	sadd.s32 $0x1C00, s26;
	[sflag:s24] =	ssyncadd.s32 $0xFFFFE000  }
0x173: {  	[spmem:s1] =	stream.indirect.scatter.add.f32 [tilespmem:s21], [sflag:$0x2], $0x40, s31, s20, $0xb8;
	[tilespmem:$0x10640] =	vst v63  }
0x174: {  	s29 =	sadd.s32 $0x880, s26  }
0x175: {  	[tilespmem:s23], [sflag:$0x1] =	stream.indirect.gather [hbm4b:s3+s20], $0x40, s29, s20, $0xb8;
	[tilespmem:$0x10640] =	vst v63  }
0x176: {  	_ =	swait.ge [sflag:s22], $0x2000  }
0x177: {  	[sflag:s22] =	ssyncset.done $0x0  }
0x178: {  	[sflag:s22] =	ssyncadd.s32 $0xFFFFE000  }
0x179: {  	_ =	swait.ge [sflag:s24], $0x2000  }
0x17a: {  	[sflag:s24] =	ssyncset.done $0x0  }
0x17b: {  	s30 =	sadd.s32 $0x1C80, s26;
	[sflag:s24] =	ssyncadd.s32 $0xFFFFE000  }
0x17c: {  	[spmem:s1] =	stream.indirect.scatter.add.f32 [tilespmem:s23], [sflag:$0x2], $0x40, s30, s20, $0xb8;
	[tilespmem:$0x10640] =	vst v63  }
0x17d: {  	s31 =	sadd.s32 $0x900, s26  }
0x17e: {  	[tilespmem:s21], [sflag:$0x1] =	stream.indirect.gather [hbm4b:s3+s20], $0x40, s31, s20, $0xb8;
	[tilespmem:$0x10640] =	vst v63  }
0x17f: {  	_ =	swait.ge [sflag:s22], $0x2000  }
0x180: {  	[sflag:s22] =	ssyncset.done $0x0  }
0x181: {  	[sflag:s22] =	ssyncadd.s32 $0xFFFFE000  }
0x182: {  	_ =	swait.ge [sflag:s24], $0x2000  }
0x183: {  	[sflag:s24] =	ssyncset.done $0x0  }
0x184: {  	s29 =	sadd.s32 $0x1D00, s26;
	[sflag:s24] =	ssyncadd.s32 $0xFFFFE000  }
0x185: {  	[spmem:s1] =	stream.indirect.scatter.add.f32 [tilespmem:s21], [sflag:$0x2], $0x40, s29, s20, $0xb8;
	[tilespmem:$0x10640] =	vst v63  }
0x186: {  	s30 =	sadd.s32 $0x980, s26  }
0x187: {  	[tilespmem:s23], [sflag:$0x1] =	stream.indirect.gather [hbm4b:s3+s20], $0x40, s30, s20, $0xb8;
	[tilespmem:$0x10640] =	vst v63  }
0x188: {  	_ =	swait.ge [sflag:s22], $0x2000  }
0x189: {  	[sflag:s22] =	ssyncset.done $0x0  }
0x18a: {  	[sflag:s22] =	ssyncadd.s32 $0xFFFFE000  }
0x18b: {  	_ =	swait.ge [sflag:s24], $0x2000  }
0x18c: {  	p2 =	por p1, p1;
	[sflag:s24] =	ssyncset.done $0x0  }
.Ltmp1:
0x18d: {  	s31 =	sadd.s32 $0x1D80, s26;
	[sflag:s24] =	ssyncadd.s32 $0xFFFFE000;
	(pc) =	sbr.rel @p2 .LBB2_4-.Ltmp1, $4  }
0x18e: {  	[spmem:s1] =	stream.indirect.scatter.add.f32 [tilespmem:s23], [sflag:$0x2], $0x40, s31, s20, $0xb8;
	[tilespmem:$0x10640] =	vst v63  }
0x18f: {  	_ =	swait.ge [sflag:s24], $0x2000  }
0x190: {  	[sflag:s24] =	ssyncset.done $0x0  }
0x191: {  	p1 =	por $0x0, $0x0;
	s26 =	simm.s32 $0xA00;
	[sflag:s24] =	ssyncadd.s32 $0xFFFFE000  }
0x192: {  	s25 =	sadd.s32 $0x1, s25  }
0x193: {  	s26 =	sshll.u32 s4, $0x6;
	[bflag:$0x0] =	sbarrier.arrive $0xFFFF;
	p1 =	sne.s32 s25, s13  }
.Ltmp2:
0x194: {  	s28 =	sshrl.u32 s6, $0x3;
	s26 =	sor.u32 $0x1C03, s26;
	(pc) =	sbr.rel @p1 .LBB2_1-.Ltmp2, $4  }
0x195: {  	[hbm:s12], [sflag:s26] =	dma.local [spmem:s28], $0x1388  }
0x196: {  	_ =	swait.ge [sflag:s18], $0x1388  }
0x197: {  	[sflag:s18] =	ssyncset.done $0x0  }
0x198: {  	[sflag:s18] =	ssyncadd.s32 $0xFFFFEC78  }
0x199: {  	_ =	sfence.sel $0x180000  }
0x19a: {  	[bflag:$0x0] =	sbarrier.arrive $0xFFFF  }
0x19b: {  	p0 =	sne.s32 s4, $0x0;
	_ =	strace $0x9000004A  }
0x19c: {  	s0 =	sadd.s32 @!p0 $0x100000, s0;
	[bflag:$0x2] =	sbarrier.arrive $0xFFFF  }
0x19d: {  	[sflag:s0] =	ssyncadd.tile.s32 @!p0 $0x1;
	_ =	shalt  }
.Lfunc_end2:
_tile_overlayer_lowered:
.L_overlay_start_2:
0x19e: {  	(tag) =	ssettag $0x2  }
0x19f: {  	s0 =	rddreg [dreg:$0x0];
	s2 =	stileid.u32  }
0x1a0: {  	s1 =	rddreg [dreg:$0x1];
	p0 =	sne.s32 s2, $0x0  }
0x1a1: {  	s3 =	rddreg [dreg:$0x2];
	[bflag:$0x3] =	sbarrier.arrive $0xFFFF;
	s2 =	simm.s32 @!p0 $0x1C03  }
0x1a2: {  	[timem:s3], [sflag:s2] =	dma.local @!p0 [hbm:s0], s1  }
0x1a3: {  	s0 =	simm.s32 @!p0 $0x3  }
0x1a4: {  	_ =	swait.ge @!p0 [sflag:s0], s1  }
0x1a5: {  	s1 =	ssub.s32 @!p0 $0x0, s1;
	[sflag:s0] =	ssyncset.done @!p0 $0x0  }
0x1a6: {  	[sflag:s0] =	ssyncadd.s32 @!p0 s1  }
0x1a7: {  	[bflag:$0x3] =	sbarrier.arrive $0xFFFF  }
0x1a8: {  	_ =	shalt  }

// kernel: kernel.14.cloned.1.call-start
scs
__scs_entry_jumppad:
0x0: {  	(pc) =	sbr.rel $0x88, $3  }
0x1: {  	(tag) =	ssettag $0x0;
	lr =	simm.s32 $0x1  }
0x2: {  	[smem:$0x3F9B] =	sst lr;
	_ =	strace $0xD0000000  }
0x3: {  	_ = 	snop  }
0x4: {  	_ = 	snop  }
0x5: {  	_ = 	snop  }
0x6: {  	_ = 	snop  }
0x7: {  	_ = 	snop  }
__scs_overlays_trampoline_lowered:
0x8: {  	[smem:$0x3FAA] =	sst s0  }
0x9: {  	[smem:$0x3FAB] =	sst s1  }
0xa: {  	[smem:$0x3FAC] =	sst s2  }
0xb: {  	[smem:$0x3FAD] =	sst s3  }
0xc: {  	[smem:$0x3FAE] =	sst s4  }
0xd: {  	[smem:$0x3FAF] =	sst s5  }
0xe: {  	[smem:$0x3FB0] =	sst s6  }
0xf: {  	[smem:$0x3FB1] =	sst s7  }
0x10: {  	[smem:$0x3FB2] =	sst s8  }
0x11: {  	[smem:$0x3FB3] =	sst s9;
	s0 =	simm.s32 @!p0 $0x0  }
0x12: {  	s1 =	sld [smem:$0x3F99];
	s0 =	simm.s32 @p0 $0x1  }
0x13: {  	[smem:$0x3FB4] =	sst s0;
	s0 =	simm.s32 @!p1 $0x0  }
0x14: {  	s2 =	sld [smem:$0x3F98];
	s0 =	simm.s32 @p1 $0x1  }
0x15: {  	[smem:$0x3FB5] =	sst s0;
	s0 =	simm.s32 @!p2 $0x0  }
0x16: {  	s3 =	sld [smem:$0x3FDB];
	s0 =	simm.s32 @p2 $0x1  }
0x17: {  	s4 =	simm.s32 $0x1BF5;
	[smem:$0x3FB7] =	sst s0  }
0x18: {  	s0 =	sld [smem:$0x3F9A];
	_ =	swait.ge [sflag:s4], $0x0  }
0x19: {  	s7 =	sld [smem:$0x3F9B]  }
0x1a: {  	s8 =	sadd.s32 $0xFFFFE003, lr  }
0x1b: {  	s9 =	sadd.s32 $0xFFFFFEF7, lr;
	s5 =	simm.s32 $0xFFFFFFFF;
	p2 =	slt.u32 s8, $0xFFFFF086  }
0x1c: {  	p1 =	slt.u32 s9, $0xF7A;
	s5 =	simm.s32 @!p2 $0x0  }
0x1d: {  	s5 =	simm.s32 @p1 $0x1;
	p0 =	seq.s32 s7, s2  }
0x1e: {  	s7 =	smul.u32 @!p0 $0xF7A, s2;
	p2 =	seq.s32 @!p0 s5, $0x0  }
0x1f: {  	s9 =	smul.u32 $0xF7A, s1;
	s8 =	simm.s32 @!p0 $0x1BF5;
	p2 =	por !p2, p0  }
0x20: {  	[sflag:s8] =	ssyncset.s32 @!p0 $0xFFFFF086;
	s6 =	sadd.s32 @!p0 s3, s7;
	s7 =	simm.s32 @!p0 $0x108  }
0x21: {  	s3 =	sadd.s32 s3, s9;
	s6 =	sadd.s32 @!p0 $0x88, s6;
	s7 =	simm.s32 @p2 $0x1082  }
0x22: {  	[simem:s7], [sflag:s8] =	dma.local @!p0 [hbm:s6], $0xF7A  }
0x23: {  	s9 =	sor.u32 $0xD0000000, s2;
	s6 =	simm.s32 $0x108;
	_ =	swait.ge @!p0 [sflag:s8], $0x0  }
0x24: {  	s3 =	sadd.s32 $0x88, s3;
	s6 =	simm.s32 @!p1 $0x1082;
	[sflag:s4] =	ssyncset.s32 $0xFFFFF086  }
0x25: {  	[simem:s6], [sflag:s4] =	dma.local [hbm:s3], $0xF7A  }
0x26: {  	[smem:$0x3F9B] =	sst s1;
	(tag) =	ssettag s2;
	_ =	strace s9  }
0x27: {  	s1 =	sld [smem:$0x3FAB]  }
0x28: {  	s2 =	sld [smem:$0x3FAC]  }
0x29: {  	s4 =	sld [smem:$0x3FAE]  }
0x2a: {  	p0 =	seq.s32 s5, $0x0;
	s5 =	sld [smem:$0x3FAF]  }
0x2b: {  	s6 =	sld [smem:$0x3FB0]  }
0x2c: {  	s7 =	sld [smem:$0x3FB1]  }
0x2d: {  	s3 =	simm.s32 $0x108;
	s8 =	sld [smem:$0x3FB2]  }
0x2e: {  	s3 =	simm.s32 @!p0 $0x1082;
	s9 =	sld [smem:$0x3FB3]  }
0x2f: {  	lr =	sadd.s32 s0, s3;
	s0 =	sld [smem:$0x3FAA]  }
0x30: {  	s3 =	sld [smem:$0x3FAD]  }
0x31: {  	[smem:$0x3FB6] =	sst s10  }
0x32: {  	s10 =	sld [smem:$0x3FB4];
	_ =	sdelay $0x3  }
0x33: {  	p0 =	seq.s32 s10, $0x1;
	s10 =	sld [smem:$0x3FB6];
	_ =	sdelay $0x3  }
0x34: {  	[smem:$0x3FB6] =	sst s10  }
0x35: {  	s10 =	sld [smem:$0x3FB5];
	_ =	sdelay $0x3  }
0x36: {  	p1 =	seq.s32 s10, $0x1;
	s10 =	sld [smem:$0x3FB6];
	_ =	sdelay $0x3  }
0x37: {  	[smem:$0x3FB6] =	sst s10  }
0x38: {  	s10 =	sld [smem:$0x3FB7]  }
0x39: {  	_ = 	snop;
	(pc) =	sbr.ind lr, $3  }
0x3a: {  	_ = 	snop  }
0x3b: {  	_ = 	snop  }
0x3c: {  	p2 =	seq.s32 s10, $0x1;
	s10 =	sld [smem:$0x3FB6]  }
0x3d: {  	_ =	shalt  }
0x3e: {  	_ =	shalt  }
0x3f: {  	_ =	shalt  }
0x40: {  	_ =	shalt  }
0x41: {  	_ =	shalt  }
0x42: {  	_ =	shalt  }
0x43: {  	_ =	shalt  }
0x44: {  	_ =	shalt  }
0x45: {  	_ =	shalt  }
0x46: {  	_ =	shalt  }
0x47: {  	_ =	shalt  }
0x48: {  	_ =	shalt  }
0x49: {  	_ =	shalt  }
0x4a: {  	_ =	shalt  }
0x4b: {  	_ =	shalt  }
0x4c: {  	_ =	shalt  }
0x4d: {  	_ =	shalt  }
0x4e: {  	_ =	shalt  }
0x4f: {  	_ =	shalt  }
0x50: {  	_ =	shalt  }
0x51: {  	_ =	shalt  }
0x52: {  	_ =	shalt  }
0x53: {  	_ =	shalt  }
0x54: {  	_ =	shalt  }
0x55: {  	_ =	shalt  }
0x56: {  	_ =	shalt  }
0x57: {  	_ =	shalt  }
0x58: {  	_ =	shalt  }
0x59: {  	_ =	shalt  }
0x5a: {  	_ =	shalt  }
0x5b: {  	_ =	shalt  }
0x5c: {  	_ =	shalt  }
0x5d: {  	_ =	shalt  }
0x5e: {  	_ =	shalt  }
0x5f: {  	_ =	shalt  }
0x60: {  	_ =	shalt  }
0x61: {  	_ =	shalt  }
0x62: {  	_ =	shalt  }
0x63: {  	_ =	shalt  }
0x64: {  	_ =	shalt  }
0x65: {  	_ =	shalt  }
0x66: {  	_ =	shalt  }
0x67: {  	_ =	shalt  }
0x68: {  	_ =	shalt  }
0x69: {  	_ =	shalt  }
0x6a: {  	_ =	shalt  }
0x6b: {  	_ =	shalt  }
0x6c: {  	_ =	shalt  }
0x6d: {  	_ =	shalt  }
0x6e: {  	_ =	shalt  }
0x6f: {  	_ =	shalt  }
0x70: {  	_ =	shalt  }
0x71: {  	_ =	shalt  }
0x72: {  	_ =	shalt  }
0x73: {  	_ =	shalt  }
0x74: {  	_ =	shalt  }
0x75: {  	_ =	shalt  }
0x76: {  	_ =	shalt  }
0x77: {  	_ =	shalt  }
0x78: {  	_ =	shalt  }
0x79: {  	_ =	shalt  }
0x7a: {  	_ =	shalt  }
0x7b: {  	_ =	shalt  }
0x7c: {  	_ =	shalt  }
0x7d: {  	_ =	shalt  }
0x7e: {  	_ =	shalt  }
0x7f: {  	_ =	shalt  }
0x80: {  	_ =	shalt  }
0x81: {  	_ =	shalt  }
0x82: {  	_ =	shalt  }
0x83: {  	_ =	shalt  }
0x84: {  	_ =	shalt  }
0x85: {  	_ =	shalt  }
0x86: {  	_ =	shalt  }
0x87: {  	_ =	shalt  }
.Lfunc_end0:
.L_simem_size_0:
called_computation.2_lowered:
.L_overlay_start_0:
0x88: {  	s2 =	sld [smem:$0x3FD9]  }
0x89: {  	s3 =	sld [smem:$0x3FFE];
	_ =	sdelay $0x1  }
0x8a: {  	s1 =	srdreg.scid  }
0x8b: {  	s0 =	sand.u32 $0x1, s1  }
0x8c: {  	s17 =	sshll.u32 s0, $0xA;
	s2 =	sadd.s32 s3, s2  }
0x8d: {  	s2 =	sadd.s32 s2, s17  }
0x8e: {  	[smem:$0x3FC2] =	sst s2  }
0x8f: {  	_ = 	snop  }
0x90: {  	s2 =	sld [smem:$0x3FD0];
	(tm) =	ssettm $0x1  }
0x91: {  	s18 =	sld [smem:$0x3FFB];
	_ =	sdelay $0x3  }
0x92: {  	_ =	strace s18  }
0x93: {  	s3 =	sld [smem:$0x3FFC];
	_ =	sdelay $0x3  }
0x94: {  	_ =	strace s3  }
0x95: {  	s3 =	sld [smem:$0x3FFD];
	_ =	sdelay $0x3  }
0x96: {  	_ =	strace s3  }
0x97: {  	_ =	strace $0x8FFFFFFF  }
0x98: {  	s19 =	sld [smem:$0x3FDB];
	_ =	sdelay $0x1  }
0x99: {  	s4 =	simm.s32 $_scs_section_size  }
0x9a: {  	s5 =	simm.s32 $_size__tile_overlayer_lowered;
	s6 =	simm.s32 $_tile_overlayer_lowered  }
0x9b: {  	s22 =	simm.s32 $0x1BFF;
	s21 =	sshll.u32 s6, $0x1;
	s3 =	sadd.s32 s4, s19  }
0x9c: {  	s7 =	simm.s32 $0x0;
	s20 =	sshll.u32 s5, $0x1;
	s5 =	sadd.s32 s21, s3  }
0x9d: {  	[timem:s7], [sflag:s22] =	dma.local [hbm:s5], s20  }
0x9e: {  	_ =	swait.ge [sflag:s22], s20  }
0x9f: {  	s4 =	ssub.s32 $0x0, s20;
	[sflag:s22] =	ssyncset.done $0x0  }
0xa0: {  	[sflag:s22] =	ssyncadd.s32 s4;
	_ =	sdelay $0x1  }
0xa1: {  	s23 =	simm.s32 $0x1B8B  }
0xa2: {  	_ =	swait.ge [sflag:s23], $0x1  }
0xa3: {  	[sflag:s23] =	ssyncset.done $0x0  }
0xa4: {  	s25 =	simm.s32 $0x1B8E;
	s24 =	sld [smem:$0x3FFE];
	[sflag:s23] =	ssyncadd.s32 $0xFFFFFFFF  }
0xa5: {  	s26 =	simm.s32 $execute0_lowered;
	[smem:$0x3FD2] =	sst s25  }
0xa6: {  	s5 =	sshll.u32 s26, $0x1;
	_ =	strace $0x8000004C;
	[dreg:$0x1] =	wrdreg $0xFFFFFFFF  }
0xa7: {  	s28 =	simm.s32 $_size_execute0_lowered;
	s3 =	sadd.s32 s3, s5;
	[dreg:$0x0] =	wrdreg $0x0  }
0xa8: {  	s5 =	sshll.u32 s28, $0x1;
	[dreg:$0x2] =	wrdreg s3  }
0xa9: {  	[dreg:$0x3] =	wrdreg s5  }
0xaa: {  	[dreg:$0x4] =	wrdreg $0xC0  }
0xab: {  	_ =	task [dreg:s7], $0x5FFFF  }
0xac: {  	[dreg:$0x1] =	wrdreg $0xFFFFFFFF  }
0xad: {  	[dreg:$0x0] =	wrdreg $0x60  }
0xae: {  	[dreg:$0x2] =	wrdreg s24  }
0xaf: {  	[dreg:$0x3] =	wrdreg s2  }
0xb0: {  	[dreg:$0x4] =	wrdreg $0xA8000  }
0xb1: {  	[dreg:$0x5] =	wrdreg $0x9  }
0xb2: {  	_ =	task.clear_ibuf [dreg:s7], $0x6FFFF;
	_ =	strace $0x9000004C  }
0xb3: {  	s29 =	simm.s32 $0x9;
	_ =	strace $0x8000004E  }
0xb4: {  	_ =	swait.ge [sflag:s29], $0x1  }
0xb5: {  	[sflag:s29] =	ssyncadd.s32 $0xFFFFFFFF  }
0xb6: {  	_ =	strace $0x9000004E  }
0xb7: {  	_ =	sfence  }
0xb8: {  	s30 =	sld [smem:$0x0];
	_ =	sdelay $0x2  }
0xb9: {  	s31 =	sshll.u32 s1, $0xD;
	s1 =	sshrl.u32 s1, $0x2  }
0xba: {  	s3 =	sand.u32 $0x4000, s31;
	s1 =	sadd.s32 s1, s30  }
0xbb: {  	s0 =	sor.u32 s3, s0;
	s1 =	sshll.u32 s1, $0x11  }
0xbc: {  	s0 =	sor.u32 s1, s0  }
0xbd: {  	s0 =	sadd.s32 $0x8F2B, s0  }
0xbe: {  	[sflag:s0] =	ssyncadd.remote.s32 $0x1  }
0xbf: {  	_ =	sfence.sel $0xFFFF  }
0xc0: {  	[dreg:$0x0] =	wrdreg $0xFFFFFFFF;
	(pc) =	sbr.abs _section_cstart, $3  }
0xc1: {  	[dreg:$0x1] =	wrdreg $0xFFFFFFFF  }
0xc2: {  	_ =	task.clear_ibuf [dreg:s7], $0x2FFFF;
	_ =	strace $0x9FFFFFFF  }
0xc3: {  	(tm) =	ssettm $0x7FFFFFFF  }
tec
execute0_lowered:
.L_overlay_start_1:
0x0: {  	(tag) =	ssettag $0x1  }
0x1: {  	s6 =	rddreg [dreg:$0x0]  }
0x2: {  	s2 =	rddreg [dreg:$0x1]  }
0x3: {  	s3 =	rddreg [dreg:$0x2]  }
0x4: {  	s0 =	rddreg [dreg:$0x3];
	s5 =	srdreg.scid  }
0x5: {  	s1 =	stileid.u32;
	s4 =	simm.s32 $0x0;
	s18 =	simm.s32 $0x3  }
0x6: {  	s19 =	simm.s32 $0x1400;
	s20 =	simm.s32 $0x80;
	s21 =	simm.s32 $0x2800  }
0x7: {  	s22 =	simm.s32 $0x1;
	s23 =	simm.s32 $0x6800;
	s24 =	simm.s32 $0x2  }
0x8: {  	s25 =	simm.s32 $0x0;
	s13 =	sand.u32 $0x1, s5;
	s7 =	smul.u32 $0x13880, s1  }
0x9: {  	[smem:$0x7FF] =	sst s4;
	s5 =	sadd.s32 $0x1FA00, s6;
	s10 =	sadd.s32 $0x15A00, s6  }
0xa: {  	s11 =	sadd.s32 $0xBA00, s6;
	s9 =	sshll.u32 s1, $0x1;
	s14 =	smul.u32 $0x4E200, s1  }
0xb: {  	s8 =	smul.u32 $0x138800, s13;
	_ =	strace $0x8000004D;
	s12 =	ssub.s32 $0x2, s13  }
0xc: {  	s9 =	sor.u32 s13, s9;
	p0 =	sne.s32 s13, $0x0;
	s15 =	sshrl.u32 s12, $0x1  }
0xd: {  	s9 =	smul.u32 $0x2800, s9;
	s29 =	sshrl.u32 s14, $0x2;
	s30 =	sshrl.u32 s7, $0x3  }
0xe: {  	s14 =	sshll.u32 @p0 s1, $0x6;
	s8 =	sadd.s32 s7, s8;
	s15 =	ssub.s32 s12, s15  }
0xf: {  	s17 =	sadd.s32 s29, s3;
	s14 =	sor.u32 @p0 $0x1C03, s14;
	s8 =	sshrl.u32 s8, $0x3  }
0x10: {  	s9 =	sshrl.u32 s9, $0x3;
	s13 =	smax.u32 s15, $0x1;
	s15 =	sshrl.u32 @p0 s17, $0x3  }
0x11: {  	s16 =	sadd.s32 s8, s6;
	s6 =	sadd.s32 s7, s3;
	s7 =	sadd.s32 s5, s30  }
0x12: {  	s31 =	sadd.s32 $0x280, s9;
	s8 =	sadd.s32 s10, s9;
	s9 =	sadd.s32 s11, s9  }
0x13: {  	s10 =	sadd.s32 s10, s31;
	s12 =	sadd.s32 $0x47400, s16;
	s16 =	sshll.u32 @!p0 s1, $0x6  }
0x14: {  	s11 =	sadd.s32 s11, s31;
	s17 =	sshrl.u32 @!p0 s6, $0x3;
	s16 =	sor.u32 @!p0 $0x1C03, s16  }
.LBB2_1:
0x15: {  	[spmem:s15], [sflag:s14] =	dma.local @p0 [hbm:s2], $0x2710  }
0x16: {  	[spmem:s17], [sflag:s16] =	dma.local @!p0 [hbm:s7], $0x2710  }
0x17: {  	_ =	swait.ge [sflag:s18], $0x2710  }
0x18: {  	[sflag:s18] =	ssyncset.done $0x0  }
0x19: {  	[sflag:s18] =	ssyncadd.s32 $0xFFFFD8F0  }
0x1a: {  	[bflag:$0x0] =	sbarrier.arrive $0xFFFF  }
0x1b: {  	[tilespmem:s4], [sflag:$0x3] =	stream.linear.gather [hbm4b:s8+s4], $0x1400, $0x38;
	[tilespmem:$0x1E480] =	vst v63  }
0x1c: {  	_ =	swait.ge [sflag:s18], $0x1400  }
0x1d: {  	[sflag:s18] =	ssyncset.done $0x0  }
0x1e: {  	[sflag:s18] =	ssyncadd.s32 $0xFFFFEC00  }
0x1f: {  	[tilespmem:s19], [sflag:$0x3] =	stream.linear.gather [hbm4b:s9+s4], $0x1400, $0x38;
	[tilespmem:$0x1E480] =	vst v63  }
0x20: {  	_ =	swait.ge [sflag:s18], $0x1400  }
0x21: {  	[sflag:s18] =	ssyncset.done $0x0  }
0x22: {  	p1 =	por $0x1, $0x1;
	s26 =	simm.s32 $0x0;
	[sflag:s18] =	ssyncadd.s32 $0xFFFFEC00  }
.LBB2_2:
0x23: {  	[tilespmem:s21], [sflag:$0x1] =	stream.indirect.gather [hbm4b:s5+s20], $0x80, s26, s20, $0xb8;
	[tilespmem:$0x1E480] =	vst v63  }
0x24: {  	_ =	swait.ge [sflag:s22], $0x4000  }
0x25: {  	[sflag:s22] =	ssyncset.done $0x0  }
0x26: {  	s28 =	sadd.s32 $0x1400, s26;
	[sflag:s22] =	ssyncadd.s32 $0xFFFFC000  }
0x27: {  	[spmem:s3] =	stream.indirect.scatter.add.f32 [tilespmem:s21], [sflag:$0x2], $0x80, s28, s20, $0xb8;
	[tilespmem:$0x1E480] =	vst v63  }
0x28: {  	s30 =	sor.u32 $0x80, s26  }
0x29: {  	[tilespmem:s23], [sflag:$0x1] =	stream.indirect.gather [hbm4b:s5+s20], $0x80, s30, s20, $0xb8;
	[tilespmem:$0x1E480] =	vst v63  }
0x2a: {  	_ =	swait.ge [sflag:s22], $0x4000  }
0x2b: {  	[sflag:s22] =	ssyncset.done $0x0  }
0x2c: {  	[sflag:s22] =	ssyncadd.s32 $0xFFFFC000  }
0x2d: {  	_ =	swait.ge [sflag:s24], $0x4000  }
0x2e: {  	[sflag:s24] =	ssyncset.done $0x0  }
0x2f: {  	s31 =	sadd.s32 $0x1480, s26;
	[sflag:s24] =	ssyncadd.s32 $0xFFFFC000  }
0x30: {  	[spmem:s3] =	stream.indirect.scatter.add.f32 [tilespmem:s23], [sflag:$0x2], $0x80, s31, s20, $0xb8;
	[tilespmem:$0x1E480] =	vst v63  }
0x31: {  	s29 =	sor.u32 $0x100, s26  }
0x32: {  	[tilespmem:s21], [sflag:$0x1] =	stream.indirect.gather [hbm4b:s5+s20], $0x80, s29, s20, $0xb8;
	[tilespmem:$0x1E480] =	vst v63  }
0x33: {  	_ =	swait.ge [sflag:s22], $0x4000  }
0x34: {  	[sflag:s22] =	ssyncset.done $0x0  }
0x35: {  	[sflag:s22] =	ssyncadd.s32 $0xFFFFC000  }
0x36: {  	_ =	swait.ge [sflag:s24], $0x4000  }
0x37: {  	[sflag:s24] =	ssyncset.done $0x0  }
0x38: {  	s30 =	sadd.s32 $0x1500, s26;
	[sflag:s24] =	ssyncadd.s32 $0xFFFFC000  }
0x39: {  	[spmem:s3] =	stream.indirect.scatter.add.f32 [tilespmem:s21], [sflag:$0x2], $0x80, s30, s20, $0xb8;
	[tilespmem:$0x1E480] =	vst v63  }
0x3a: {  	s31 =	sor.u32 $0x180, s26  }
0x3b: {  	[tilespmem:s23], [sflag:$0x1] =	stream.indirect.gather [hbm4b:s5+s20], $0x80, s31, s20, $0xb8;
	[tilespmem:$0x1E480] =	vst v63  }
0x3c: {  	_ =	swait.ge [sflag:s22], $0x4000  }
0x3d: {  	[sflag:s22] =	ssyncset.done $0x0  }
0x3e: {  	[sflag:s22] =	ssyncadd.s32 $0xFFFFC000  }
0x3f: {  	_ =	swait.ge [sflag:s24], $0x4000  }
0x40: {  	[sflag:s24] =	ssyncset.done $0x0  }
0x41: {  	s29 =	sadd.s32 $0x1580, s26;
	[sflag:s24] =	ssyncadd.s32 $0xFFFFC000  }
0x42: {  	[spmem:s3] =	stream.indirect.scatter.add.f32 [tilespmem:s23], [sflag:$0x2], $0x80, s29, s20, $0xb8;
	[tilespmem:$0x1E480] =	vst v63  }
0x43: {  	s30 =	sadd.s32 $0x200, s26  }
0x44: {  	[tilespmem:s21], [sflag:$0x1] =	stream.indirect.gather [hbm4b:s5+s20], $0x80, s30, s20, $0xb8;
	[tilespmem:$0x1E480] =	vst v63  }
0x45: {  	_ =	swait.ge [sflag:s22], $0x4000  }
0x46: {  	[sflag:s22] =	ssyncset.done $0x0  }
0x47: {  	[sflag:s22] =	ssyncadd.s32 $0xFFFFC000  }
0x48: {  	_ =	swait.ge [sflag:s24], $0x4000  }
0x49: {  	[sflag:s24] =	ssyncset.done $0x0  }
0x4a: {  	s31 =	sadd.s32 $0x1600, s26;
	[sflag:s24] =	ssyncadd.s32 $0xFFFFC000  }
0x4b: {  	[spmem:s3] =	stream.indirect.scatter.add.f32 [tilespmem:s21], [sflag:$0x2], $0x80, s31, s20, $0xb8;
	[tilespmem:$0x1E480] =	vst v63  }
0x4c: {  	s29 =	sadd.s32 $0x280, s26  }
0x4d: {  	[tilespmem:s23], [sflag:$0x1] =	stream.indirect.gather [hbm4b:s5+s20], $0x80, s29, s20, $0xb8;
	[tilespmem:$0x1E480] =	vst v63  }
0x4e: {  	_ =	swait.ge [sflag:s22], $0x4000  }
0x4f: {  	[sflag:s22] =	ssyncset.done $0x0  }
0x50: {  	[sflag:s22] =	ssyncadd.s32 $0xFFFFC000  }
0x51: {  	_ =	swait.ge [sflag:s24], $0x4000  }
0x52: {  	[sflag:s24] =	ssyncset.done $0x0  }
0x53: {  	s30 =	sadd.s32 $0x1680, s26;
	[sflag:s24] =	ssyncadd.s32 $0xFFFFC000  }
0x54: {  	[spmem:s3] =	stream.indirect.scatter.add.f32 [tilespmem:s23], [sflag:$0x2], $0x80, s30, s20, $0xb8;
	[tilespmem:$0x1E480] =	vst v63  }
0x55: {  	s31 =	sadd.s32 $0x300, s26  }
0x56: {  	[tilespmem:s21], [sflag:$0x1] =	stream.indirect.gather [hbm4b:s5+s20], $0x80, s31, s20, $0xb8;
	[tilespmem:$0x1E480] =	vst v63  }
0x57: {  	_ =	swait.ge [sflag:s22], $0x4000  }
0x58: {  	[sflag:s22] =	ssyncset.done $0x0  }
0x59: {  	[sflag:s22] =	ssyncadd.s32 $0xFFFFC000  }
0x5a: {  	_ =	swait.ge [sflag:s24], $0x4000  }
0x5b: {  	[sflag:s24] =	ssyncset.done $0x0  }
0x5c: {  	s29 =	sadd.s32 $0x1700, s26;
	[sflag:s24] =	ssyncadd.s32 $0xFFFFC000  }
0x5d: {  	[spmem:s3] =	stream.indirect.scatter.add.f32 [tilespmem:s21], [sflag:$0x2], $0x80, s29, s20, $0xb8;
	[tilespmem:$0x1E480] =	vst v63  }
0x5e: {  	s30 =	sadd.s32 $0x380, s26  }
0x5f: {  	[tilespmem:s23], [sflag:$0x1] =	stream.indirect.gather [hbm4b:s5+s20], $0x80, s30, s20, $0xb8;
	[tilespmem:$0x1E480] =	vst v63  }
0x60: {  	_ =	swait.ge [sflag:s22], $0x4000  }
0x61: {  	[sflag:s22] =	ssyncset.done $0x0  }
0x62: {  	[sflag:s22] =	ssyncadd.s32 $0xFFFFC000  }
0x63: {  	_ =	swait.ge [sflag:s24], $0x4000  }
0x64: {  	[sflag:s24] =	ssyncset.done $0x0  }
0x65: {  	s31 =	sadd.s32 $0x1780, s26;
	[sflag:s24] =	ssyncadd.s32 $0xFFFFC000  }
0x66: {  	[spmem:s3] =	stream.indirect.scatter.add.f32 [tilespmem:s23], [sflag:$0x2], $0x80, s31, s20, $0xb8;
	[tilespmem:$0x1E480] =	vst v63  }
0x67: {  	s29 =	sor.u32 $0x400, s26  }
0x68: {  	[tilespmem:s21], [sflag:$0x1] =	stream.indirect.gather [hbm4b:s5+s20], $0x80, s29, s20, $0xb8;
	[tilespmem:$0x1E480] =	vst v63  }
0x69: {  	_ =	swait.ge [sflag:s22], $0x4000  }
0x6a: {  	[sflag:s22] =	ssyncset.done $0x0  }
0x6b: {  	[sflag:s22] =	ssyncadd.s32 $0xFFFFC000  }
0x6c: {  	_ =	swait.ge [sflag:s24], $0x4000  }
0x6d: {  	[sflag:s24] =	ssyncset.done $0x0  }
0x6e: {  	s30 =	sadd.s32 $0x1800, s26;
	[sflag:s24] =	ssyncadd.s32 $0xFFFFC000  }
0x6f: {  	[spmem:s3] =	stream.indirect.scatter.add.f32 [tilespmem:s21], [sflag:$0x2], $0x80, s30, s20, $0xb8;
	[tilespmem:$0x1E480] =	vst v63  }
0x70: {  	s31 =	sor.u32 $0x480, s26  }
0x71: {  	[tilespmem:s23], [sflag:$0x1] =	stream.indirect.gather [hbm4b:s5+s20], $0x80, s31, s20, $0xb8;
	[tilespmem:$0x1E480] =	vst v63  }
0x72: {  	_ =	swait.ge [sflag:s22], $0x4000  }
0x73: {  	[sflag:s22] =	ssyncset.done $0x0  }
0x74: {  	[sflag:s22] =	ssyncadd.s32 $0xFFFFC000  }
0x75: {  	_ =	swait.ge [sflag:s24], $0x4000  }
0x76: {  	[sflag:s24] =	ssyncset.done $0x0  }
0x77: {  	s29 =	sadd.s32 $0x1880, s26;
	[sflag:s24] =	ssyncadd.s32 $0xFFFFC000  }
0x78: {  	[spmem:s3] =	stream.indirect.scatter.add.f32 [tilespmem:s23], [sflag:$0x2], $0x80, s29, s20, $0xb8;
	[tilespmem:$0x1E480] =	vst v63  }
0x79: {  	s30 =	sor.u32 $0x500, s26  }
0x7a: {  	[tilespmem:s21], [sflag:$0x1] =	stream.indirect.gather [hbm4b:s5+s20], $0x80, s30, s20, $0xb8;
	[tilespmem:$0x1E480] =	vst v63  }
0x7b: {  	_ =	swait.ge [sflag:s22], $0x4000  }
0x7c: {  	[sflag:s22] =	ssyncset.done $0x0  }
0x7d: {  	[sflag:s22] =	ssyncadd.s32 $0xFFFFC000  }
0x7e: {  	_ =	swait.ge [sflag:s24], $0x4000  }
0x7f: {  	[sflag:s24] =	ssyncset.done $0x0  }
0x80: {  	s31 =	sadd.s32 $0x1900, s26;
	[sflag:s24] =	ssyncadd.s32 $0xFFFFC000  }
0x81: {  	[spmem:s3] =	stream.indirect.scatter.add.f32 [tilespmem:s21], [sflag:$0x2], $0x80, s31, s20, $0xb8;
	[tilespmem:$0x1E480] =	vst v63  }
0x82: {  	s29 =	sor.u32 $0x580, s26  }
0x83: {  	[tilespmem:s23], [sflag:$0x1] =	stream.indirect.gather [hbm4b:s5+s20], $0x80, s29, s20, $0xb8;
	[tilespmem:$0x1E480] =	vst v63  }
0x84: {  	_ =	swait.ge [sflag:s22], $0x4000  }
0x85: {  	[sflag:s22] =	ssyncset.done $0x0  }
0x86: {  	[sflag:s22] =	ssyncadd.s32 $0xFFFFC000  }
0x87: {  	_ =	swait.ge [sflag:s24], $0x4000  }
0x88: {  	[sflag:s24] =	ssyncset.done $0x0  }
0x89: {  	s30 =	sadd.s32 $0x1980, s26;
	[sflag:s24] =	ssyncadd.s32 $0xFFFFC000  }
0x8a: {  	[spmem:s3] =	stream.indirect.scatter.add.f32 [tilespmem:s23], [sflag:$0x2], $0x80, s30, s20, $0xb8;
	[tilespmem:$0x1E480] =	vst v63  }
0x8b: {  	s31 =	sadd.s32 $0x600, s26  }
0x8c: {  	[tilespmem:s21], [sflag:$0x1] =	stream.indirect.gather [hbm4b:s5+s20], $0x80, s31, s20, $0xb8;
	[tilespmem:$0x1E480] =	vst v63  }
0x8d: {  	_ =	swait.ge [sflag:s22], $0x4000  }
0x8e: {  	[sflag:s22] =	ssyncset.done $0x0  }
0x8f: {  	[sflag:s22] =	ssyncadd.s32 $0xFFFFC000  }
0x90: {  	_ =	swait.ge [sflag:s24], $0x4000  }
0x91: {  	[sflag:s24] =	ssyncset.done $0x0  }
0x92: {  	s29 =	sadd.s32 $0x1A00, s26;
	[sflag:s24] =	ssyncadd.s32 $0xFFFFC000  }
0x93: {  	[spmem:s3] =	stream.indirect.scatter.add.f32 [tilespmem:s21], [sflag:$0x2], $0x80, s29, s20, $0xb8;
	[tilespmem:$0x1E480] =	vst v63  }
0x94: {  	s30 =	sadd.s32 $0x680, s26  }
0x95: {  	[tilespmem:s23], [sflag:$0x1] =	stream.indirect.gather [hbm4b:s5+s20], $0x80, s30, s20, $0xb8;
	[tilespmem:$0x1E480] =	vst v63  }
0x96: {  	_ =	swait.ge [sflag:s22], $0x4000  }
0x97: {  	[sflag:s22] =	ssyncset.done $0x0  }
0x98: {  	[sflag:s22] =	ssyncadd.s32 $0xFFFFC000  }
0x99: {  	_ =	swait.ge [sflag:s24], $0x4000  }
0x9a: {  	[sflag:s24] =	ssyncset.done $0x0  }
0x9b: {  	s31 =	sadd.s32 $0x1A80, s26;
	[sflag:s24] =	ssyncadd.s32 $0xFFFFC000  }
0x9c: {  	[spmem:s3] =	stream.indirect.scatter.add.f32 [tilespmem:s23], [sflag:$0x2], $0x80, s31, s20, $0xb8;
	[tilespmem:$0x1E480] =	vst v63  }
0x9d: {  	s29 =	sadd.s32 $0x700, s26  }
0x9e: {  	[tilespmem:s21], [sflag:$0x1] =	stream.indirect.gather [hbm4b:s5+s20], $0x80, s29, s20, $0xb8;
	[tilespmem:$0x1E480] =	vst v63  }
0x9f: {  	_ =	swait.ge [sflag:s22], $0x4000  }
0xa0: {  	[sflag:s22] =	ssyncset.done $0x0  }
0xa1: {  	[sflag:s22] =	ssyncadd.s32 $0xFFFFC000  }
0xa2: {  	_ =	swait.ge [sflag:s24], $0x4000  }
0xa3: {  	[sflag:s24] =	ssyncset.done $0x0  }
0xa4: {  	s30 =	sadd.s32 $0x1B00, s26;
	[sflag:s24] =	ssyncadd.s32 $0xFFFFC000  }
0xa5: {  	[spmem:s3] =	stream.indirect.scatter.add.f32 [tilespmem:s21], [sflag:$0x2], $0x80, s30, s20, $0xb8;
	[tilespmem:$0x1E480] =	vst v63  }
0xa6: {  	s31 =	sadd.s32 $0x780, s26  }
0xa7: {  	[tilespmem:s23], [sflag:$0x1] =	stream.indirect.gather [hbm4b:s5+s20], $0x80, s31, s20, $0xb8;
	[tilespmem:$0x1E480] =	vst v63  }
0xa8: {  	_ =	swait.ge [sflag:s22], $0x4000  }
0xa9: {  	[sflag:s22] =	ssyncset.done $0x0  }
0xaa: {  	[sflag:s22] =	ssyncadd.s32 $0xFFFFC000  }
0xab: {  	_ =	swait.ge [sflag:s24], $0x4000  }
0xac: {  	[sflag:s24] =	ssyncset.done $0x0  }
0xad: {  	s29 =	sadd.s32 $0x1B80, s26;
	[sflag:s24] =	ssyncadd.s32 $0xFFFFC000  }
0xae: {  	[spmem:s3] =	stream.indirect.scatter.add.f32 [tilespmem:s23], [sflag:$0x2], $0x80, s29, s20, $0xb8;
	[tilespmem:$0x1E480] =	vst v63  }
0xaf: {  	s30 =	sadd.s32 $0x800, s26  }
0xb0: {  	[tilespmem:s21], [sflag:$0x1] =	stream.indirect.gather [hbm4b:s5+s20], $0x80, s30, s20, $0xb8;
	[tilespmem:$0x1E480] =	vst v63  }
0xb1: {  	_ =	swait.ge [sflag:s22], $0x4000  }
0xb2: {  	[sflag:s22] =	ssyncset.done $0x0  }
0xb3: {  	[sflag:s22] =	ssyncadd.s32 $0xFFFFC000  }
0xb4: {  	_ =	swait.ge [sflag:s24], $0x4000  }
0xb5: {  	[sflag:s24] =	ssyncset.done $0x0  }
0xb6: {  	s31 =	sadd.s32 $0x1C00, s26;
	[sflag:s24] =	ssyncadd.s32 $0xFFFFC000  }
0xb7: {  	[spmem:s3] =	stream.indirect.scatter.add.f32 [tilespmem:s21], [sflag:$0x2], $0x80, s31, s20, $0xb8;
	[tilespmem:$0x1E480] =	vst v63  }
0xb8: {  	s29 =	sadd.s32 $0x880, s26  }
0xb9: {  	[tilespmem:s23], [sflag:$0x1] =	stream.indirect.gather [hbm4b:s5+s20], $0x80, s29, s20, $0xb8;
	[tilespmem:$0x1E480] =	vst v63  }
0xba: {  	_ =	swait.ge [sflag:s22], $0x4000  }
0xbb: {  	[sflag:s22] =	ssyncset.done $0x0  }
0xbc: {  	[sflag:s22] =	ssyncadd.s32 $0xFFFFC000  }
0xbd: {  	_ =	swait.ge [sflag:s24], $0x4000  }
0xbe: {  	[sflag:s24] =	ssyncset.done $0x0  }
0xbf: {  	s30 =	sadd.s32 $0x1C80, s26;
	[sflag:s24] =	ssyncadd.s32 $0xFFFFC000  }
0xc0: {  	[spmem:s3] =	stream.indirect.scatter.add.f32 [tilespmem:s23], [sflag:$0x2], $0x80, s30, s20, $0xb8;
	[tilespmem:$0x1E480] =	vst v63  }
0xc1: {  	s31 =	sadd.s32 $0x900, s26  }
0xc2: {  	[tilespmem:s21], [sflag:$0x1] =	stream.indirect.gather [hbm4b:s5+s20], $0x80, s31, s20, $0xb8;
	[tilespmem:$0x1E480] =	vst v63  }
0xc3: {  	_ =	swait.ge [sflag:s22], $0x4000  }
0xc4: {  	[sflag:s22] =	ssyncset.done $0x0  }
0xc5: {  	[sflag:s22] =	ssyncadd.s32 $0xFFFFC000  }
0xc6: {  	_ =	swait.ge [sflag:s24], $0x4000  }
0xc7: {  	[sflag:s24] =	ssyncset.done $0x0  }
0xc8: {  	s29 =	sadd.s32 $0x1D00, s26;
	[sflag:s24] =	ssyncadd.s32 $0xFFFFC000  }
0xc9: {  	[spmem:s3] =	stream.indirect.scatter.add.f32 [tilespmem:s21], [sflag:$0x2], $0x80, s29, s20, $0xb8;
	[tilespmem:$0x1E480] =	vst v63  }
0xca: {  	s30 =	sadd.s32 $0x980, s26  }
0xcb: {  	[tilespmem:s23], [sflag:$0x1] =	stream.indirect.gather [hbm4b:s5+s20], $0x80, s30, s20, $0xb8;
	[tilespmem:$0x1E480] =	vst v63  }
0xcc: {  	_ =	swait.ge [sflag:s22], $0x4000  }
0xcd: {  	[sflag:s22] =	ssyncset.done $0x0  }
0xce: {  	[sflag:s22] =	ssyncadd.s32 $0xFFFFC000  }
0xcf: {  	_ =	swait.ge [sflag:s24], $0x4000  }
0xd0: {  	p2 =	por p1, p1;
	[sflag:s24] =	ssyncset.done $0x0  }
.Ltmp0:
0xd1: {  	s31 =	sadd.s32 $0x1D80, s26;
	[sflag:s24] =	ssyncadd.s32 $0xFFFFC000;
	(pc) =	sbr.rel @p2 .LBB2_2-.Ltmp0, $4  }
0xd2: {  	[spmem:s3] =	stream.indirect.scatter.add.f32 [tilespmem:s23], [sflag:$0x2], $0x80, s31, s20, $0xb8;
	[tilespmem:$0x1E480] =	vst v63  }
0xd3: {  	_ =	swait.ge [sflag:s24], $0x4000  }
0xd4: {  	[sflag:s24] =	ssyncset.done $0x0  }
0xd5: {  	p1 =	por $0x0, $0x0;
	s26 =	simm.s32 $0xA00;
	[sflag:s24] =	ssyncadd.s32 $0xFFFFC000  }
0xd6: {  	s26 =	simm.s32 $0x0  }
0xd7: {  	[tilespmem:s26], [sflag:$0x3] =	stream.linear.gather [hbm4b:s10+s26], $0x1400, $0x38;
	[tilespmem:$0x1E480] =	vst v63  }
0xd8: {  	_ =	swait.ge [sflag:s18], $0x1400  }
0xd9: {  	[sflag:s18] =	ssyncset.done $0x0  }
0xda: {  	[sflag:s18] =	ssyncadd.s32 $0xFFFFEC00  }
0xdb: {  	[tilespmem:s19], [sflag:$0x3] =	stream.linear.gather [hbm4b:s11+s26], $0x1400, $0x38;
	[tilespmem:$0x1E480] =	vst v63  }
0xdc: {  	_ =	swait.ge [sflag:s18], $0x1400  }
0xdd: {  	[sflag:s18] =	ssyncset.done $0x0  }
0xde: {  	p1 =	por $0x1, $0x1;
	[sflag:s18] =	ssyncadd.s32 $0xFFFFEC00  }
.LBB2_4:
0xdf: {  	[tilespmem:s21], [sflag:$0x1] =	stream.indirect.gather [hbm4b:s5+s20], $0x80, s26, s20, $0xb8;
	[tilespmem:$0x1E480] =	vst v63  }
0xe0: {  	_ =	swait.ge [sflag:s22], $0x4000  }
0xe1: {  	[sflag:s22] =	ssyncset.done $0x0  }
0xe2: {  	s28 =	sadd.s32 $0x1400, s26;
	[sflag:s22] =	ssyncadd.s32 $0xFFFFC000  }
0xe3: {  	[spmem:s3] =	stream.indirect.scatter.add.f32 [tilespmem:s21], [sflag:$0x2], $0x80, s28, s20, $0xb8;
	[tilespmem:$0x1E480] =	vst v63  }
0xe4: {  	s30 =	sor.u32 $0x80, s26  }
0xe5: {  	[tilespmem:s23], [sflag:$0x1] =	stream.indirect.gather [hbm4b:s5+s20], $0x80, s30, s20, $0xb8;
	[tilespmem:$0x1E480] =	vst v63  }
0xe6: {  	_ =	swait.ge [sflag:s22], $0x4000  }
0xe7: {  	[sflag:s22] =	ssyncset.done $0x0  }
0xe8: {  	[sflag:s22] =	ssyncadd.s32 $0xFFFFC000  }
0xe9: {  	_ =	swait.ge [sflag:s24], $0x4000  }
0xea: {  	[sflag:s24] =	ssyncset.done $0x0  }
0xeb: {  	s31 =	sadd.s32 $0x1480, s26;
	[sflag:s24] =	ssyncadd.s32 $0xFFFFC000  }
0xec: {  	[spmem:s3] =	stream.indirect.scatter.add.f32 [tilespmem:s23], [sflag:$0x2], $0x80, s31, s20, $0xb8;
	[tilespmem:$0x1E480] =	vst v63  }
0xed: {  	s29 =	sor.u32 $0x100, s26  }
0xee: {  	[tilespmem:s21], [sflag:$0x1] =	stream.indirect.gather [hbm4b:s5+s20], $0x80, s29, s20, $0xb8;
	[tilespmem:$0x1E480] =	vst v63  }
0xef: {  	_ =	swait.ge [sflag:s22], $0x4000  }
0xf0: {  	[sflag:s22] =	ssyncset.done $0x0  }
0xf1: {  	[sflag:s22] =	ssyncadd.s32 $0xFFFFC000  }
0xf2: {  	_ =	swait.ge [sflag:s24], $0x4000  }
0xf3: {  	[sflag:s24] =	ssyncset.done $0x0  }
0xf4: {  	s30 =	sadd.s32 $0x1500, s26;
	[sflag:s24] =	ssyncadd.s32 $0xFFFFC000  }
0xf5: {  	[spmem:s3] =	stream.indirect.scatter.add.f32 [tilespmem:s21], [sflag:$0x2], $0x80, s30, s20, $0xb8;
	[tilespmem:$0x1E480] =	vst v63  }
0xf6: {  	s31 =	sor.u32 $0x180, s26  }
0xf7: {  	[tilespmem:s23], [sflag:$0x1] =	stream.indirect.gather [hbm4b:s5+s20], $0x80, s31, s20, $0xb8;
	[tilespmem:$0x1E480] =	vst v63  }
0xf8: {  	_ =	swait.ge [sflag:s22], $0x4000  }
0xf9: {  	[sflag:s22] =	ssyncset.done $0x0  }
0xfa: {  	[sflag:s22] =	ssyncadd.s32 $0xFFFFC000  }
0xfb: {  	_ =	swait.ge [sflag:s24], $0x4000  }
0xfc: {  	[sflag:s24] =	ssyncset.done $0x0  }
0xfd: {  	s29 =	sadd.s32 $0x1580, s26;
	[sflag:s24] =	ssyncadd.s32 $0xFFFFC000  }
0xfe: {  	[spmem:s3] =	stream.indirect.scatter.add.f32 [tilespmem:s23], [sflag:$0x2], $0x80, s29, s20, $0xb8;
	[tilespmem:$0x1E480] =	vst v63  }
0xff: {  	s30 =	sadd.s32 $0x200, s26  }
0x100: {  	[tilespmem:s21], [sflag:$0x1] =	stream.indirect.gather [hbm4b:s5+s20], $0x80, s30, s20, $0xb8;
	[tilespmem:$0x1E480] =	vst v63  }
0x101: {  	_ =	swait.ge [sflag:s22], $0x4000  }
0x102: {  	[sflag:s22] =	ssyncset.done $0x0  }
0x103: {  	[sflag:s22] =	ssyncadd.s32 $0xFFFFC000  }
0x104: {  	_ =	swait.ge [sflag:s24], $0x4000  }
0x105: {  	[sflag:s24] =	ssyncset.done $0x0  }
0x106: {  	s31 =	sadd.s32 $0x1600, s26;
	[sflag:s24] =	ssyncadd.s32 $0xFFFFC000  }
0x107: {  	[spmem:s3] =	stream.indirect.scatter.add.f32 [tilespmem:s21], [sflag:$0x2], $0x80, s31, s20, $0xb8;
	[tilespmem:$0x1E480] =	vst v63  }
0x108: {  	s29 =	sadd.s32 $0x280, s26  }
0x109: {  	[tilespmem:s23], [sflag:$0x1] =	stream.indirect.gather [hbm4b:s5+s20], $0x80, s29, s20, $0xb8;
	[tilespmem:$0x1E480] =	vst v63  }
0x10a: {  	_ =	swait.ge [sflag:s22], $0x4000  }
0x10b: {  	[sflag:s22] =	ssyncset.done $0x0  }
0x10c: {  	[sflag:s22] =	ssyncadd.s32 $0xFFFFC000  }
0x10d: {  	_ =	swait.ge [sflag:s24], $0x4000  }
0x10e: {  	[sflag:s24] =	ssyncset.done $0x0  }
0x10f: {  	s30 =	sadd.s32 $0x1680, s26;
	[sflag:s24] =	ssyncadd.s32 $0xFFFFC000  }
0x110: {  	[spmem:s3] =	stream.indirect.scatter.add.f32 [tilespmem:s23], [sflag:$0x2], $0x80, s30, s20, $0xb8;
	[tilespmem:$0x1E480] =	vst v63  }
0x111: {  	s31 =	sadd.s32 $0x300, s26  }
0x112: {  	[tilespmem:s21], [sflag:$0x1] =	stream.indirect.gather [hbm4b:s5+s20], $0x80, s31, s20, $0xb8;
	[tilespmem:$0x1E480] =	vst v63  }
0x113: {  	_ =	swait.ge [sflag:s22], $0x4000  }
0x114: {  	[sflag:s22] =	ssyncset.done $0x0  }
0x115: {  	[sflag:s22] =	ssyncadd.s32 $0xFFFFC000  }
0x116: {  	_ =	swait.ge [sflag:s24], $0x4000  }
0x117: {  	[sflag:s24] =	ssyncset.done $0x0  }
0x118: {  	s29 =	sadd.s32 $0x1700, s26;
	[sflag:s24] =	ssyncadd.s32 $0xFFFFC000  }
0x119: {  	[spmem:s3] =	stream.indirect.scatter.add.f32 [tilespmem:s21], [sflag:$0x2], $0x80, s29, s20, $0xb8;
	[tilespmem:$0x1E480] =	vst v63  }
0x11a: {  	s30 =	sadd.s32 $0x380, s26  }
0x11b: {  	[tilespmem:s23], [sflag:$0x1] =	stream.indirect.gather [hbm4b:s5+s20], $0x80, s30, s20, $0xb8;
	[tilespmem:$0x1E480] =	vst v63  }
0x11c: {  	_ =	swait.ge [sflag:s22], $0x4000  }
0x11d: {  	[sflag:s22] =	ssyncset.done $0x0  }
0x11e: {  	[sflag:s22] =	ssyncadd.s32 $0xFFFFC000  }
0x11f: {  	_ =	swait.ge [sflag:s24], $0x4000  }
0x120: {  	[sflag:s24] =	ssyncset.done $0x0  }
0x121: {  	s31 =	sadd.s32 $0x1780, s26;
	[sflag:s24] =	ssyncadd.s32 $0xFFFFC000  }
0x122: {  	[spmem:s3] =	stream.indirect.scatter.add.f32 [tilespmem:s23], [sflag:$0x2], $0x80, s31, s20, $0xb8;
	[tilespmem:$0x1E480] =	vst v63  }
0x123: {  	s29 =	sor.u32 $0x400, s26  }
0x124: {  	[tilespmem:s21], [sflag:$0x1] =	stream.indirect.gather [hbm4b:s5+s20], $0x80, s29, s20, $0xb8;
	[tilespmem:$0x1E480] =	vst v63  }
0x125: {  	_ =	swait.ge [sflag:s22], $0x4000  }
0x126: {  	[sflag:s22] =	ssyncset.done $0x0  }
0x127: {  	[sflag:s22] =	ssyncadd.s32 $0xFFFFC000  }
0x128: {  	_ =	swait.ge [sflag:s24], $0x4000  }
0x129: {  	[sflag:s24] =	ssyncset.done $0x0  }
0x12a: {  	s30 =	sadd.s32 $0x1800, s26;
	[sflag:s24] =	ssyncadd.s32 $0xFFFFC000  }
0x12b: {  	[spmem:s3] =	stream.indirect.scatter.add.f32 [tilespmem:s21], [sflag:$0x2], $0x80, s30, s20, $0xb8;
	[tilespmem:$0x1E480] =	vst v63  }
0x12c: {  	s31 =	sor.u32 $0x480, s26  }
0x12d: {  	[tilespmem:s23], [sflag:$0x1] =	stream.indirect.gather [hbm4b:s5+s20], $0x80, s31, s20, $0xb8;
	[tilespmem:$0x1E480] =	vst v63  }
0x12e: {  	_ =	swait.ge [sflag:s22], $0x4000  }
0x12f: {  	[sflag:s22] =	ssyncset.done $0x0  }
0x130: {  	[sflag:s22] =	ssyncadd.s32 $0xFFFFC000  }
0x131: {  	_ =	swait.ge [sflag:s24], $0x4000  }
0x132: {  	[sflag:s24] =	ssyncset.done $0x0  }
0x133: {  	s29 =	sadd.s32 $0x1880, s26;
	[sflag:s24] =	ssyncadd.s32 $0xFFFFC000  }
0x134: {  	[spmem:s3] =	stream.indirect.scatter.add.f32 [tilespmem:s23], [sflag:$0x2], $0x80, s29, s20, $0xb8;
	[tilespmem:$0x1E480] =	vst v63  }
0x135: {  	s30 =	sor.u32 $0x500, s26  }
0x136: {  	[tilespmem:s21], [sflag:$0x1] =	stream.indirect.gather [hbm4b:s5+s20], $0x80, s30, s20, $0xb8;
	[tilespmem:$0x1E480] =	vst v63  }
0x137: {  	_ =	swait.ge [sflag:s22], $0x4000  }
0x138: {  	[sflag:s22] =	ssyncset.done $0x0  }
0x139: {  	[sflag:s22] =	ssyncadd.s32 $0xFFFFC000  }
0x13a: {  	_ =	swait.ge [sflag:s24], $0x4000  }
0x13b: {  	[sflag:s24] =	ssyncset.done $0x0  }
0x13c: {  	s31 =	sadd.s32 $0x1900, s26;
	[sflag:s24] =	ssyncadd.s32 $0xFFFFC000  }
0x13d: {  	[spmem:s3] =	stream.indirect.scatter.add.f32 [tilespmem:s21], [sflag:$0x2], $0x80, s31, s20, $0xb8;
	[tilespmem:$0x1E480] =	vst v63  }
0x13e: {  	s29 =	sor.u32 $0x580, s26  }
0x13f: {  	[tilespmem:s23], [sflag:$0x1] =	stream.indirect.gather [hbm4b:s5+s20], $0x80, s29, s20, $0xb8;
	[tilespmem:$0x1E480] =	vst v63  }
0x140: {  	_ =	swait.ge [sflag:s22], $0x4000  }
0x141: {  	[sflag:s22] =	ssyncset.done $0x0  }
0x142: {  	[sflag:s22] =	ssyncadd.s32 $0xFFFFC000  }
0x143: {  	_ =	swait.ge [sflag:s24], $0x4000  }
0x144: {  	[sflag:s24] =	ssyncset.done $0x0  }
0x145: {  	s30 =	sadd.s32 $0x1980, s26;
	[sflag:s24] =	ssyncadd.s32 $0xFFFFC000  }
0x146: {  	[spmem:s3] =	stream.indirect.scatter.add.f32 [tilespmem:s23], [sflag:$0x2], $0x80, s30, s20, $0xb8;
	[tilespmem:$0x1E480] =	vst v63  }
0x147: {  	s31 =	sadd.s32 $0x600, s26  }
0x148: {  	[tilespmem:s21], [sflag:$0x1] =	stream.indirect.gather [hbm4b:s5+s20], $0x80, s31, s20, $0xb8;
	[tilespmem:$0x1E480] =	vst v63  }
0x149: {  	_ =	swait.ge [sflag:s22], $0x4000  }
0x14a: {  	[sflag:s22] =	ssyncset.done $0x0  }
0x14b: {  	[sflag:s22] =	ssyncadd.s32 $0xFFFFC000  }
0x14c: {  	_ =	swait.ge [sflag:s24], $0x4000  }
0x14d: {  	[sflag:s24] =	ssyncset.done $0x0  }
0x14e: {  	s29 =	sadd.s32 $0x1A00, s26;
	[sflag:s24] =	ssyncadd.s32 $0xFFFFC000  }
0x14f: {  	[spmem:s3] =	stream.indirect.scatter.add.f32 [tilespmem:s21], [sflag:$0x2], $0x80, s29, s20, $0xb8;
	[tilespmem:$0x1E480] =	vst v63  }
0x150: {  	s30 =	sadd.s32 $0x680, s26  }
0x151: {  	[tilespmem:s23], [sflag:$0x1] =	stream.indirect.gather [hbm4b:s5+s20], $0x80, s30, s20, $0xb8;
	[tilespmem:$0x1E480] =	vst v63  }
0x152: {  	_ =	swait.ge [sflag:s22], $0x4000  }
0x153: {  	[sflag:s22] =	ssyncset.done $0x0  }
0x154: {  	[sflag:s22] =	ssyncadd.s32 $0xFFFFC000  }
0x155: {  	_ =	swait.ge [sflag:s24], $0x4000  }
0x156: {  	[sflag:s24] =	ssyncset.done $0x0  }
0x157: {  	s31 =	sadd.s32 $0x1A80, s26;
	[sflag:s24] =	ssyncadd.s32 $0xFFFFC000  }
0x158: {  	[spmem:s3] =	stream.indirect.scatter.add.f32 [tilespmem:s23], [sflag:$0x2], $0x80, s31, s20, $0xb8;
	[tilespmem:$0x1E480] =	vst v63  }
0x159: {  	s29 =	sadd.s32 $0x700, s26  }
0x15a: {  	[tilespmem:s21], [sflag:$0x1] =	stream.indirect.gather [hbm4b:s5+s20], $0x80, s29, s20, $0xb8;
	[tilespmem:$0x1E480] =	vst v63  }
0x15b: {  	_ =	swait.ge [sflag:s22], $0x4000  }
0x15c: {  	[sflag:s22] =	ssyncset.done $0x0  }
0x15d: {  	[sflag:s22] =	ssyncadd.s32 $0xFFFFC000  }
0x15e: {  	_ =	swait.ge [sflag:s24], $0x4000  }
0x15f: {  	[sflag:s24] =	ssyncset.done $0x0  }
0x160: {  	s30 =	sadd.s32 $0x1B00, s26;
	[sflag:s24] =	ssyncadd.s32 $0xFFFFC000  }
0x161: {  	[spmem:s3] =	stream.indirect.scatter.add.f32 [tilespmem:s21], [sflag:$0x2], $0x80, s30, s20, $0xb8;
	[tilespmem:$0x1E480] =	vst v63  }
0x162: {  	s31 =	sadd.s32 $0x780, s26  }
0x163: {  	[tilespmem:s23], [sflag:$0x1] =	stream.indirect.gather [hbm4b:s5+s20], $0x80, s31, s20, $0xb8;
	[tilespmem:$0x1E480] =	vst v63  }
0x164: {  	_ =	swait.ge [sflag:s22], $0x4000  }
0x165: {  	[sflag:s22] =	ssyncset.done $0x0  }
0x166: {  	[sflag:s22] =	ssyncadd.s32 $0xFFFFC000  }
0x167: {  	_ =	swait.ge [sflag:s24], $0x4000  }
0x168: {  	[sflag:s24] =	ssyncset.done $0x0  }
0x169: {  	s29 =	sadd.s32 $0x1B80, s26;
	[sflag:s24] =	ssyncadd.s32 $0xFFFFC000  }
0x16a: {  	[spmem:s3] =	stream.indirect.scatter.add.f32 [tilespmem:s23], [sflag:$0x2], $0x80, s29, s20, $0xb8;
	[tilespmem:$0x1E480] =	vst v63  }
0x16b: {  	s30 =	sadd.s32 $0x800, s26  }
0x16c: {  	[tilespmem:s21], [sflag:$0x1] =	stream.indirect.gather [hbm4b:s5+s20], $0x80, s30, s20, $0xb8;
	[tilespmem:$0x1E480] =	vst v63  }
0x16d: {  	_ =	swait.ge [sflag:s22], $0x4000  }
0x16e: {  	[sflag:s22] =	ssyncset.done $0x0  }
0x16f: {  	[sflag:s22] =	ssyncadd.s32 $0xFFFFC000  }
0x170: {  	_ =	swait.ge [sflag:s24], $0x4000  }
0x171: {  	[sflag:s24] =	ssyncset.done $0x0  }
0x172: {  	s31 =	sadd.s32 $0x1C00, s26;
	[sflag:s24] =	ssyncadd.s32 $0xFFFFC000  }
0x173: {  	[spmem:s3] =	stream.indirect.scatter.add.f32 [tilespmem:s21], [sflag:$0x2], $0x80, s31, s20, $0xb8;
	[tilespmem:$0x1E480] =	vst v63  }
0x174: {  	s29 =	sadd.s32 $0x880, s26  }
0x175: {  	[tilespmem:s23], [sflag:$0x1] =	stream.indirect.gather [hbm4b:s5+s20], $0x80, s29, s20, $0xb8;
	[tilespmem:$0x1E480] =	vst v63  }
0x176: {  	_ =	swait.ge [sflag:s22], $0x4000  }
0x177: {  	[sflag:s22] =	ssyncset.done $0x0  }
0x178: {  	[sflag:s22] =	ssyncadd.s32 $0xFFFFC000  }
0x179: {  	_ =	swait.ge [sflag:s24], $0x4000  }
0x17a: {  	[sflag:s24] =	ssyncset.done $0x0  }
0x17b: {  	s30 =	sadd.s32 $0x1C80, s26;
	[sflag:s24] =	ssyncadd.s32 $0xFFFFC000  }
0x17c: {  	[spmem:s3] =	stream.indirect.scatter.add.f32 [tilespmem:s23], [sflag:$0x2], $0x80, s30, s20, $0xb8;
	[tilespmem:$0x1E480] =	vst v63  }
0x17d: {  	s31 =	sadd.s32 $0x900, s26  }
0x17e: {  	[tilespmem:s21], [sflag:$0x1] =	stream.indirect.gather [hbm4b:s5+s20], $0x80, s31, s20, $0xb8;
	[tilespmem:$0x1E480] =	vst v63  }
0x17f: {  	_ =	swait.ge [sflag:s22], $0x4000  }
0x180: {  	[sflag:s22] =	ssyncset.done $0x0  }
0x181: {  	[sflag:s22] =	ssyncadd.s32 $0xFFFFC000  }
0x182: {  	_ =	swait.ge [sflag:s24], $0x4000  }
0x183: {  	[sflag:s24] =	ssyncset.done $0x0  }
0x184: {  	s29 =	sadd.s32 $0x1D00, s26;
	[sflag:s24] =	ssyncadd.s32 $0xFFFFC000  }
0x185: {  	[spmem:s3] =	stream.indirect.scatter.add.f32 [tilespmem:s21], [sflag:$0x2], $0x80, s29, s20, $0xb8;
	[tilespmem:$0x1E480] =	vst v63  }
0x186: {  	s30 =	sadd.s32 $0x980, s26  }
0x187: {  	[tilespmem:s23], [sflag:$0x1] =	stream.indirect.gather [hbm4b:s5+s20], $0x80, s30, s20, $0xb8;
	[tilespmem:$0x1E480] =	vst v63  }
0x188: {  	_ =	swait.ge [sflag:s22], $0x4000  }
0x189: {  	[sflag:s22] =	ssyncset.done $0x0  }
0x18a: {  	[sflag:s22] =	ssyncadd.s32 $0xFFFFC000  }
0x18b: {  	_ =	swait.ge [sflag:s24], $0x4000  }
0x18c: {  	p2 =	por p1, p1;
	[sflag:s24] =	ssyncset.done $0x0  }
.Ltmp1:
0x18d: {  	s31 =	sadd.s32 $0x1D80, s26;
	[sflag:s24] =	ssyncadd.s32 $0xFFFFC000;
	(pc) =	sbr.rel @p2 .LBB2_4-.Ltmp1, $4  }
0x18e: {  	[spmem:s3] =	stream.indirect.scatter.add.f32 [tilespmem:s23], [sflag:$0x2], $0x80, s31, s20, $0xb8;
	[tilespmem:$0x1E480] =	vst v63  }
0x18f: {  	_ =	swait.ge [sflag:s24], $0x4000  }
0x190: {  	[sflag:s24] =	ssyncset.done $0x0  }
0x191: {  	p1 =	por $0x0, $0x0;
	s26 =	simm.s32 $0xA00;
	[sflag:s24] =	ssyncadd.s32 $0xFFFFC000  }
0x192: {  	s25 =	sadd.s32 $0x1, s25  }
0x193: {  	s26 =	sshll.u32 s1, $0x6;
	[bflag:$0x0] =	sbarrier.arrive $0xFFFF;
	p1 =	sne.s32 s25, s13  }
.Ltmp2:
0x194: {  	s28 =	sshrl.u32 s6, $0x3;
	s26 =	sor.u32 $0x1C03, s26;
	(pc) =	sbr.rel @p1 .LBB2_1-.Ltmp2, $4  }
0x195: {  	[hbm:s12], [sflag:s26] =	dma.local [spmem:s28], $0x2710  }
0x196: {  	_ =	swait.ge [sflag:s18], $0x2710  }
0x197: {  	[sflag:s18] =	ssyncset.done $0x0  }
0x198: {  	[sflag:s18] =	ssyncadd.s32 $0xFFFFD8F0  }
0x199: {  	_ =	sfence.sel $0x180000  }
0x19a: {  	[bflag:$0x0] =	sbarrier.arrive $0xFFFF  }
0x19b: {  	p0 =	sne.s32 s1, $0x0;
	_ =	strace $0x9000004D  }
0x19c: {  	s0 =	sadd.s32 @!p0 $0x100000, s0;
	[bflag:$0x2] =	sbarrier.arrive $0xFFFF  }
0x19d: {  	[sflag:s0] =	ssyncadd.tile.s32 @!p0 $0x1;
	_ =	shalt  }
.Lfunc_end2:
_tile_overlayer_lowered:
.L_overlay_start_2:
0x19e: {  	(tag) =	ssettag $0x2  }
0x19f: {  	s0 =	rddreg [dreg:$0x0];
	s2 =	stileid.u32  }
0x1a0: {  	s1 =	rddreg [dreg:$0x1];
	p0 =	sne.s32 s2, $0x0  }
0x1a1: {  	s3 =	rddreg [dreg:$0x2];
	[bflag:$0x3] =	sbarrier.arrive $0xFFFF;
	s2 =	simm.s32 @!p0 $0x1C03  }
0x1a2: {  	[timem:s3], [sflag:s2] =	dma.local @!p0 [hbm:s0], s1  }
0x1a3: {  	s0 =	simm.s32 @!p0 $0x3  }
0x1a4: {  	_ =	swait.ge @!p0 [sflag:s0], s1  }
0x1a5: {  	s1 =	ssub.s32 @!p0 $0x0, s1;
	[sflag:s0] =	ssyncset.done @!p0 $0x0  }
0x1a6: {  	[sflag:s0] =	ssyncadd.s32 @!p0 s1  }
0x1a7: {  	[bflag:$0x3] =	sbarrier.arrive $0xFFFF  }
0x1a8: {  	_ =	shalt  }

// kernel: kernel.8.cloned.1.call-start
scs
__scs_entry_jumppad:
0x0: {  	(pc) =	sbr.rel $0x88, $3  }
0x1: {  	(tag) =	ssettag $0x0;
	lr =	simm.s32 $0x1  }
0x2: {  	[smem:$0x3F9B] =	sst lr;
	_ =	strace $0xD0000000  }
0x3: {  	_ = 	snop  }
0x4: {  	_ = 	snop  }
0x5: {  	_ = 	snop  }
0x6: {  	_ = 	snop  }
0x7: {  	_ = 	snop  }
__scs_overlays_trampoline_lowered:
0x8: {  	[smem:$0x3FAA] =	sst s0  }
0x9: {  	[smem:$0x3FAB] =	sst s1  }
0xa: {  	[smem:$0x3FAC] =	sst s2  }
0xb: {  	[smem:$0x3FAD] =	sst s3  }
0xc: {  	[smem:$0x3FAE] =	sst s4  }
0xd: {  	[smem:$0x3FAF] =	sst s5  }
0xe: {  	[smem:$0x3FB0] =	sst s6  }
0xf: {  	[smem:$0x3FB1] =	sst s7  }
0x10: {  	[smem:$0x3FB2] =	sst s8  }
0x11: {  	[smem:$0x3FB3] =	sst s9;
	s0 =	simm.s32 @!p0 $0x0  }
0x12: {  	s1 =	sld [smem:$0x3F99];
	s0 =	simm.s32 @p0 $0x1  }
0x13: {  	[smem:$0x3FB4] =	sst s0;
	s0 =	simm.s32 @!p1 $0x0  }
0x14: {  	s2 =	sld [smem:$0x3F98];
	s0 =	simm.s32 @p1 $0x1  }
0x15: {  	[smem:$0x3FB5] =	sst s0;
	s0 =	simm.s32 @!p2 $0x0  }
0x16: {  	s3 =	sld [smem:$0x3FDB];
	s0 =	simm.s32 @p2 $0x1  }
0x17: {  	s4 =	simm.s32 $0x1BF5;
	[smem:$0x3FB7] =	sst s0  }
0x18: {  	s0 =	sld [smem:$0x3F9A];
	_ =	swait.ge [sflag:s4], $0x0  }
0x19: {  	s7 =	sld [smem:$0x3F9B]  }
0x1a: {  	s8 =	sadd.s32 $0xFFFFE003, lr  }
0x1b: {  	s9 =	sadd.s32 $0xFFFFFEF7, lr;
	s5 =	simm.s32 $0xFFFFFFFF;
	p2 =	slt.u32 s8, $0xFFFFF086  }
0x1c: {  	p1 =	slt.u32 s9, $0xF7A;
	s5 =	simm.s32 @!p2 $0x0  }
0x1d: {  	s5 =	simm.s32 @p1 $0x1;
	p0 =	seq.s32 s7, s2  }
0x1e: {  	s7 =	smul.u32 @!p0 $0xF7A, s2;
	p2 =	seq.s32 @!p0 s5, $0x0  }
0x1f: {  	s9 =	smul.u32 $0xF7A, s1;
	s8 =	simm.s32 @!p0 $0x1BF5;
	p2 =	por !p2, p0  }
0x20: {  	[sflag:s8] =	ssyncset.s32 @!p0 $0xFFFFF086;
	s6 =	sadd.s32 @!p0 s3, s7;
	s7 =	simm.s32 @!p0 $0x108  }
0x21: {  	s3 =	sadd.s32 s3, s9;
	s6 =	sadd.s32 @!p0 $0x88, s6;
	s7 =	simm.s32 @p2 $0x1082  }
0x22: {  	[simem:s7], [sflag:s8] =	dma.local @!p0 [hbm:s6], $0xF7A  }
0x23: {  	s9 =	sor.u32 $0xD0000000, s2;
	s6 =	simm.s32 $0x108;
	_ =	swait.ge @!p0 [sflag:s8], $0x0  }
0x24: {  	s3 =	sadd.s32 $0x88, s3;
	s6 =	simm.s32 @!p1 $0x1082;
	[sflag:s4] =	ssyncset.s32 $0xFFFFF086  }
0x25: {  	[simem:s6], [sflag:s4] =	dma.local [hbm:s3], $0xF7A  }
0x26: {  	[smem:$0x3F9B] =	sst s1;
	(tag) =	ssettag s2;
	_ =	strace s9  }
0x27: {  	s1 =	sld [smem:$0x3FAB]  }
0x28: {  	s2 =	sld [smem:$0x3FAC]  }
0x29: {  	s4 =	sld [smem:$0x3FAE]  }
0x2a: {  	p0 =	seq.s32 s5, $0x0;
	s5 =	sld [smem:$0x3FAF]  }
0x2b: {  	s6 =	sld [smem:$0x3FB0]  }
0x2c: {  	s7 =	sld [smem:$0x3FB1]  }
0x2d: {  	s3 =	simm.s32 $0x108;
	s8 =	sld [smem:$0x3FB2]  }
0x2e: {  	s3 =	simm.s32 @!p0 $0x1082;
	s9 =	sld [smem:$0x3FB3]  }
0x2f: {  	lr =	sadd.s32 s0, s3;
	s0 =	sld [smem:$0x3FAA]  }
0x30: {  	s3 =	sld [smem:$0x3FAD]  }
0x31: {  	[smem:$0x3FB6] =	sst s10  }
0x32: {  	s10 =	sld [smem:$0x3FB4];
	_ =	sdelay $0x3  }
0x33: {  	p0 =	seq.s32 s10, $0x1;
	s10 =	sld [smem:$0x3FB6];
	_ =	sdelay $0x3  }
0x34: {  	[smem:$0x3FB6] =	sst s10  }
0x35: {  	s10 =	sld [smem:$0x3FB5];
	_ =	sdelay $0x3  }
0x36: {  	p1 =	seq.s32 s10, $0x1;
	s10 =	sld [smem:$0x3FB6];
	_ =	sdelay $0x3  }
0x37: {  	[smem:$0x3FB6] =	sst s10  }
0x38: {  	s10 =	sld [smem:$0x3FB7]  }
0x39: {  	_ = 	snop;
	(pc) =	sbr.ind lr, $3  }
0x3a: {  	_ = 	snop  }
0x3b: {  	_ = 	snop  }
0x3c: {  	p2 =	seq.s32 s10, $0x1;
	s10 =	sld [smem:$0x3FB6]  }
0x3d: {  	_ =	shalt  }
0x3e: {  	_ =	shalt  }
0x3f: {  	_ =	shalt  }
0x40: {  	_ =	shalt  }
0x41: {  	_ =	shalt  }
0x42: {  	_ =	shalt  }
0x43: {  	_ =	shalt  }
0x44: {  	_ =	shalt  }
0x45: {  	_ =	shalt  }
0x46: {  	_ =	shalt  }
0x47: {  	_ =	shalt  }
0x48: {  	_ =	shalt  }
0x49: {  	_ =	shalt  }
0x4a: {  	_ =	shalt  }
0x4b: {  	_ =	shalt  }
0x4c: {  	_ =	shalt  }
0x4d: {  	_ =	shalt  }
0x4e: {  	_ =	shalt  }
0x4f: {  	_ =	shalt  }
0x50: {  	_ =	shalt  }
0x51: {  	_ =	shalt  }
0x52: {  	_ =	shalt  }
0x53: {  	_ =	shalt  }
0x54: {  	_ =	shalt  }
0x55: {  	_ =	shalt  }
0x56: {  	_ =	shalt  }
0x57: {  	_ =	shalt  }
0x58: {  	_ =	shalt  }
0x59: {  	_ =	shalt  }
0x5a: {  	_ =	shalt  }
0x5b: {  	_ =	shalt  }
0x5c: {  	_ =	shalt  }
0x5d: {  	_ =	shalt  }
0x5e: {  	_ =	shalt  }
0x5f: {  	_ =	shalt  }
0x60: {  	_ =	shalt  }
0x61: {  	_ =	shalt  }
0x62: {  	_ =	shalt  }
0x63: {  	_ =	shalt  }
0x64: {  	_ =	shalt  }
0x65: {  	_ =	shalt  }
0x66: {  	_ =	shalt  }
0x67: {  	_ =	shalt  }
0x68: {  	_ =	shalt  }
0x69: {  	_ =	shalt  }
0x6a: {  	_ =	shalt  }
0x6b: {  	_ =	shalt  }
0x6c: {  	_ =	shalt  }
0x6d: {  	_ =	shalt  }
0x6e: {  	_ =	shalt  }
0x6f: {  	_ =	shalt  }
0x70: {  	_ =	shalt  }
0x71: {  	_ =	shalt  }
0x72: {  	_ =	shalt  }
0x73: {  	_ =	shalt  }
0x74: {  	_ =	shalt  }
0x75: {  	_ =	shalt  }
0x76: {  	_ =	shalt  }
0x77: {  	_ =	shalt  }
0x78: {  	_ =	shalt  }
0x79: {  	_ =	shalt  }
0x7a: {  	_ =	shalt  }
0x7b: {  	_ =	shalt  }
0x7c: {  	_ =	shalt  }
0x7d: {  	_ =	shalt  }
0x7e: {  	_ =	shalt  }
0x7f: {  	_ =	shalt  }
0x80: {  	_ =	shalt  }
0x81: {  	_ =	shalt  }
0x82: {  	_ =	shalt  }
0x83: {  	_ =	shalt  }
0x84: {  	_ =	shalt  }
0x85: {  	_ =	shalt  }
0x86: {  	_ =	shalt  }
0x87: {  	_ =	shalt  }
.Lfunc_end0:
.L_simem_size_0:
called_computation_lowered:
.L_overlay_start_0:
0x88: {  	s2 =	sld [smem:$0x3FD9]  }
0x89: {  	s3 =	sld [smem:$0x3FFE];
	_ =	sdelay $0x1  }
0x8a: {  	s1 =	srdreg.scid  }
0x8b: {  	s0 =	sand.u32 $0x1, s1  }
0x8c: {  	s17 =	sshll.u32 s0, $0xA;
	s2 =	sadd.s32 s3, s2  }
0x8d: {  	s2 =	sadd.s32 s2, s17  }
0x8e: {  	[smem:$0x3FC2] =	sst s2  }
0x8f: {  	_ = 	snop  }
0x90: {  	s2 =	sld [smem:$0x3FD0];
	(tm) =	ssettm $0x1  }
0x91: {  	s18 =	sld [smem:$0x3FFB];
	_ =	sdelay $0x3  }
0x92: {  	_ =	strace s18  }
0x93: {  	s3 =	sld [smem:$0x3FFC];
	_ =	sdelay $0x3  }
0x94: {  	_ =	strace s3  }
0x95: {  	s3 =	sld [smem:$0x3FFD];
	_ =	sdelay $0x3  }
0x96: {  	_ =	strace s3  }
0x97: {  	_ =	strace $0x8FFFFFFF  }
0x98: {  	s19 =	sld [smem:$0x3FDB];
	_ =	sdelay $0x1  }
0x99: {  	s4 =	simm.s32 $_scs_section_size  }
0x9a: {  	s5 =	simm.s32 $_size__tile_overlayer_lowered;
	s6 =	simm.s32 $_tile_overlayer_lowered  }
0x9b: {  	s22 =	simm.s32 $0x1BFF;
	s21 =	sshll.u32 s6, $0x1;
	s3 =	sadd.s32 s4, s19  }
0x9c: {  	s7 =	simm.s32 $0x0;
	s20 =	sshll.u32 s5, $0x1;
	s5 =	sadd.s32 s21, s3  }
0x9d: {  	[timem:s7], [sflag:s22] =	dma.local [hbm:s5], s20  }
0x9e: {  	_ =	swait.ge [sflag:s22], s20  }
0x9f: {  	s4 =	ssub.s32 $0x0, s20;
	[sflag:s22] =	ssyncset.done $0x0  }
0xa0: {  	[sflag:s22] =	ssyncadd.s32 s4;
	_ =	sdelay $0x1  }
0xa1: {  	s23 =	simm.s32 $0x1B8B  }
0xa2: {  	_ =	swait.ge [sflag:s23], $0x1  }
0xa3: {  	[sflag:s23] =	ssyncset.done $0x0  }
0xa4: {  	s25 =	simm.s32 $0x1B8E;
	s24 =	sld [smem:$0x3FFE];
	[sflag:s23] =	ssyncadd.s32 $0xFFFFFFFF  }
0xa5: {  	s26 =	simm.s32 $execute0_lowered;
	[smem:$0x3FD2] =	sst s25  }
0xa6: {  	s5 =	sshll.u32 s26, $0x1;
	_ =	strace $0x80000046;
	[dreg:$0x1] =	wrdreg $0xFFFFFFFF  }
0xa7: {  	s28 =	simm.s32 $_size_execute0_lowered;
	s3 =	sadd.s32 s3, s5;
	[dreg:$0x0] =	wrdreg $0x0  }
0xa8: {  	s5 =	sshll.u32 s28, $0x1;
	[dreg:$0x2] =	wrdreg s3  }
0xa9: {  	[dreg:$0x3] =	wrdreg s5  }
0xaa: {  	[dreg:$0x4] =	wrdreg $0xC0  }
0xab: {  	_ =	task [dreg:s7], $0x5FFFF  }
0xac: {  	[dreg:$0x1] =	wrdreg $0xFFFFFFFF  }
0xad: {  	[dreg:$0x0] =	wrdreg $0x60  }
0xae: {  	[dreg:$0x2] =	wrdreg s2  }
0xaf: {  	[dreg:$0x3] =	wrdreg s24  }
0xb0: {  	[dreg:$0x4] =	wrdreg $0x9  }
0xb1: {  	_ =	task.clear_ibuf [dreg:s7], $0x5FFFF;
	_ =	strace $0x90000046  }
0xb2: {  	s29 =	simm.s32 $0x9;
	_ =	strace $0x80000048  }
0xb3: {  	_ =	swait.ge [sflag:s29], $0x1  }
0xb4: {  	[sflag:s29] =	ssyncadd.s32 $0xFFFFFFFF  }
0xb5: {  	_ =	strace $0x90000048  }
0xb6: {  	_ =	sfence  }
0xb7: {  	s30 =	sld [smem:$0x0];
	_ =	sdelay $0x2  }
0xb8: {  	s31 =	sshll.u32 s1, $0xD;
	s1 =	sshrl.u32 s1, $0x2  }
0xb9: {  	s3 =	sand.u32 $0x4000, s31;
	s1 =	sadd.s32 s1, s30  }
0xba: {  	s0 =	sor.u32 s3, s0;
	s1 =	sshll.u32 s1, $0x11  }
0xbb: {  	s0 =	sor.u32 s1, s0  }
0xbc: {  	s0 =	sadd.s32 $0x8F2B, s0  }
0xbd: {  	[sflag:s0] =	ssyncadd.remote.s32 $0x1  }
0xbe: {  	_ =	sfence.sel $0xFFFF  }
0xbf: {  	[dreg:$0x0] =	wrdreg $0xFFFFFFFF;
	(pc) =	sbr.abs _section_cstart, $3  }
0xc0: {  	[dreg:$0x1] =	wrdreg $0xFFFFFFFF  }
0xc1: {  	_ =	task.clear_ibuf [dreg:s7], $0x2FFFF;
	_ =	strace $0x9FFFFFFF  }
0xc2: {  	(tm) =	ssettm $0x7FFFFFFF  }
0xc3: {  	_ =	shalt  }
tec
execute0_lowered:
.L_overlay_start_1:
0x0: {  	(tag) =	ssettag $0x1  }
0x1: {  	s3 =	rddreg [dreg:$0x0];
	s1 =	srdreg.scid  }
0x2: {  	s0 =	stileid.u32;
	s6 =	rddreg [dreg:$0x1];
	s8 =	simm.s32 $0x1  }
0x3: {  	s9 =	simm.s32 $0x2780;
	s10 =	simm.s32 $0x0;
	s4 =	sand.u32 $0x1, s1  }
0x4: {  	s29 =	sshrl.u32 s0, $0x2;
	s2 =	sshll.u32 s0, $0x8;
	s1 =	rddreg [dreg:$0x2]  }
0x5: {  	s5 =	smul.u32 $0x13C00, s29;
	s30 =	sshll.u32 s4, $0x7;
	s2 =	sand.u32 $0x300, s2  }
0x6: {  	s4 =	ssub.s32 $0x2, s4;
	s7 =	sor.u32 s30, s2;
	s2 =	simm.s32 $0x0  }
0x7: {  	s31 =	sshrl.u32 s4, $0x1;
	s5 =	sor.u32 s5, s7;
	[smem:$0x7FF] =	sst s2  }
0x8: {  	s7 =	ssub.s32 s4, s31;
	s5 =	sshrl.u32 s5, $0x3;
	_ =	strace $0x80000047  }
0x9: {  	s6 =	sadd.s32 s5, s6;
	s3 =	sadd.s32 s3, s5;
	s5 =	smax.u32 s7, $0x1  }
0xa: {  	v0 =	vimm.f32 $0.0e+00;
	v1 =	vimm.f32 $1.000000000e+00;
	s7 =	simm.s32 $0x400;
	s4 =	sadd.s32 $0x1C00, s6;
	s6 =	simm.s32 $0x80  }
.LBB2_1:
0xb: {  	[tilespmem:s2], [sflag:$0x1] =	stream.strided.gather [hbm4b:s3+s6], $0x2780, s7, s6, $0x38;
	[tilespmem:$0x4F00] =	vst v63  }
0xc: {  	_ =	swait.ge [sflag:s8], $0x2780  }
0xd: {  	[sflag:s8] =	ssyncset.done $0x0  }
0xe: {  	s11 =	simm.s32 $0x0;
	[sflag:s8] =	ssyncadd.s32 $0xFFFFD880  }
.LBB2_2:
0xf: {  	p0 =	sne.s32 s11, $0x9C00  }
.Ltmp0:
0x10: {  	_ = 	snop;
	(pc) =	sbr.rel @p0 .LBB2_2-.Ltmp0, $3  }
0x11: {  	_ =	sdelay $0x1  }
0x12: {  	s12 =	sshra.s32 s11, $0x2  }
0x13: {  	s11 =	sadd.s32 $0x40, s11;
	[tilespmem:s12+$0x2780] =	vst v0  }
0x14: {  	s12 =	simm.s32 $0x0;
	s11 =	simm.s32 $0x40  }
.LBB2_4:
0x15: {  	p0 =	sne.s32 s11, $0x9C00;
	v2 =	vld [tilespmem:s12+$0x0];
	_ =	sdelay $0x3  }
.Ltmp1:
0x16: {  	(pc) =	sbr.rel @p0 .LBB2_4-.Ltmp1, $2  }
0x17: {  	_ =	sdelay $0x2  }
0x18: {  	s12 =	sshra.s32 s11, $0x2;
	s11 =	sadd.s32 $0x40, s11;
	[tilespmem:v2+s9+$0x0] =	vst.idx.add.f32.msk $0xffff, v1  }
0x19: {  	v2 =	vld [tilespmem:s12+$0x0];
	_ =	sdelay $0x5  }
0x1a: {  	s10 =	sadd.s32 $0x1, s10  }
0x1b: {  	p0 =	sne.s32 s10, s5  }
.Ltmp2:
0x1c: {  	[tilespmem:v2+s9+$0x0] =	vst.idx.add.f32.msk $0xffff, v1;
	(pc) =	sbr.rel @p0 .LBB2_1-.Ltmp2, $4  }
0x1d: {  	[hbm4b:s4+s6] =	stream.strided.scatter [tilespmem:s9], [sflag:$0x1], $0x2780, s7, s6, $0x38;
	[tilespmem:$0x4F00] =	vst v63  }
0x1e: {  	_ =	swait.ge [sflag:s8], $0x2780  }
0x1f: {  	[sflag:s8] =	ssyncset.done $0x0  }
0x20: {  	[sflag:s8] =	ssyncadd.s32 $0xFFFFD880  }
0x21: {  	_ =	sfence.sel $0x180000  }
0x22: {  	[bflag:$0x0] =	sbarrier.arrive $0xFFFF  }
0x23: {  	p0 =	sne.s32 s0, $0x0;
	_ =	strace $0x90000047  }
0x24: {  	s0 =	sadd.s32 @!p0 $0x100000, s1;
	[bflag:$0x2] =	sbarrier.arrive $0xFFFF  }
0x25: {  	[sflag:s0] =	ssyncadd.tile.s32 @!p0 $0x1;
	_ =	shalt  }
.Lfunc_end2:
_tile_overlayer_lowered:
.L_overlay_start_2:
0x26: {  	(tag) =	ssettag $0x2  }
0x27: {  	s0 =	rddreg [dreg:$0x0];
	s2 =	stileid.u32  }
0x28: {  	s1 =	rddreg [dreg:$0x1];
	p0 =	sne.s32 s2, $0x0  }
0x29: {  	s3 =	rddreg [dreg:$0x2];
	[bflag:$0x3] =	sbarrier.arrive $0xFFFF;
	s2 =	simm.s32 @!p0 $0x1C01  }
0x2a: {  	[timem:s3], [sflag:s2] =	dma.local @!p0 [hbm:s0], s1  }
0x2b: {  	s0 =	simm.s32 @!p0 $0x1  }
0x2c: {  	_ =	swait.ge @!p0 [sflag:s0], s1  }
0x2d: {  	s1 =	ssub.s32 @!p0 $0x0, s1;
	[sflag:s0] =	ssyncset.done @!p0 $0x0  }
0x2e: {  	[sflag:s0] =	ssyncadd.s32 @!p0 s1  }
0x2f: {  	[bflag:$0x3] =	sbarrier.arrive $0xFFFF  }
0x30: {  	_ =	shalt  }

</sc_bundles>
